<compile_context>
chip_gen: v7x
topology: tpu7x:2x2x1
jax: 0.10.2.dev20260603
libtpu: 0.0.44.dev20260713+nightly
codegen_flags: <defaults>
</compile_context>

<pallas_src>
import jax
import jax.numpy as jnp
from jax import lax
from jax.experimental import pallas as pl
from jax.experimental.pallas import tpu as pltpu
from jax.experimental.pallas import tpu_sc as plsc

VOCAB = 100000
D = 1024
B = 4 * 4096
NC = 2
NS = 16
NW = NC * NS
PER_W = B // NW
C = 32
NCHUNK = PER_W // C
NB = 3
LANES = 16
SCALE = 32.0
XCOLS = 4096
W_PER_XROW = XCOLS // PER_W


def _sc_body(idx_hbm, table_hbm, out_hbm, idx_v, buf, *sems):
    gsems = sems[:NB]
    osems = sems[NB:]
    wid = lax.axis_index("s") * NC + lax.axis_index("c")
    row0 = wid * PER_W

    pltpu.sync_copy(
        idx_hbm.at[wid // W_PER_XROW,
                   pl.ds((wid % W_PER_XROW) * PER_W, PER_W)], idx_v)

    def start_gather(g, s):
        pltpu.async_copy(table_hbm.at[idx_v.at[pl.ds(g * C, C)]],
                         buf.at[s], gsems[s])

    def wait_gather(g, s):
        pltpu.make_async_copy(table_hbm.at[idx_v.at[pl.ds(g * C, C)]],
                              buf.at[s], gsems[s]).wait()

    def start_out(g, s):
        pltpu.async_copy(buf.at[s], out_hbm.at[pl.ds(row0 + g * C, C)],
                         osems[s])

    def wait_out(g, s):
        pltpu.make_async_copy(buf.at[s],
                              out_hbm.at[pl.ds(row0 + g * C, C)],
                              osems[s]).wait()

    def scale(s):
        @pl.loop(0, C)
        def _(r):
            for c in range(D // LANES):
                sl = pl.ds(c * LANES, LANES)
                buf[s, r, sl] = buf[s, r, sl] * SCALE

    start_gather(0, 0)
    start_gather(1, 1)
    start_gather(2, 2)

    @pl.loop(0, NCHUNK // NB)
    def _(p):
        for s_off in range(NB):
            g = p * NB + s_off
            s = s_off % NB
            wait_gather(g, s)
            scale(s)
            start_out(g, s)
            if s_off == 0:
                @pl.when(p >= 1)
                def _():
                    wait_out(g - 1, (s_off - 1) % NB)
                    start_gather(g + 2, (s_off + 2) % NB)
            elif s_off == 2:
                wait_out(g - 1, (s_off - 1) % NB)
                @pl.when(g + 2 < NCHUNK)
                def _():
                    start_gather(g + 2, (s_off + 2) % NB)
            else:
                wait_out(g - 1, (s_off - 1) % NB)
                start_gather(g + 2, (s_off + 2) % NB)

    g = NCHUNK - 1
    s = g % NB
    wait_gather(g, s)
    scale(s)
    start_out(g, s)

    for g in range(NCHUNK - 2, NCHUNK):
        wait_out(g, g % NB)


def kernel(x, table):
    call = pl.kernel(
        _sc_body,
        out_type=jax.ShapeDtypeStruct((B, D), jnp.float32),
        mesh=plsc.VectorSubcoreMesh(
            core_axis_name="c", subcore_axis_name="s",
            num_cores=NC, num_subcores=NS),
        scratch_types=[
            pltpu.VMEM((PER_W,), jnp.int32),
            pltpu.VMEM((NB, C, D), jnp.float32),
        ] + [pltpu.SemaphoreType.DMA] * (2 * NB),
    )
    out = call(x.astype(jnp.int32), table)
    return out.reshape(x.shape + (D,))

# --- scband reference (transcript-rebuilt; emitter-appended) ---
"""Pipeline reference for scband-input-embedding-55542517072145 (READ-ONLY COPY).

The authoritative reference and input builder live on the scoring server;
editing this copy changes nothing except your own understanding.
"""

import jax, jax.numpy as jnp
import numpy as np
import math

VOCAB = 100000
D_MODEL = 1024

def setup_inputs(seed: int = 0) -> dict:
    key = jax.random.key(seed)
    k_idx, k_tab = jax.random.split(key)
    x = jax.random.randint(k_idx, (4, 4096), 0, VOCAB, dtype=jnp.int64 if jax.config.jax_enable_x64 else jnp.int32)
    table = jax.random.normal(k_tab, (VOCAB, D_MODEL), dtype=jnp.float32)
    return {"x": x, "table": table}

def reference(x, table):
    # InputEmbedding.forward: embed(x) * sqrt(d_model)
    emb = jnp.take(table, x, axis=0)
    return emb * math.sqrt(D_MODEL)

if __name__ == "__main__":
    import jax
    _d = setup_inputs()
    print(jax.jit(kernel)(*tuple(_d.values())))

</pallas_src>

<mosaic_0001>
#map = affine_map<(d0, d1) -> (0, 0)>
module attributes {stable_mosaic.version = 14 : i64} {
  func.func @_sc_body(%arg0: i32, %arg1: i32, %arg2: memref<4x4096xi32, #tpu.memory_space<hbm>>, %arg3: memref<100000x1024xf32, #tpu.memory_space<hbm>>, %arg4: memref<16384x1024xf32, #tpu.memory_space<hbm>>, %arg5: memref<512xi32, #tpu.memory_space<vmem>>, %arg6: memref<3x32x1024xf32, #tpu.memory_space<vmem>>, %arg7: memref<!tpu.dma_semaphore, #tpu.memory_space<semaphore_mem>>, %arg8: memref<!tpu.dma_semaphore, #tpu.memory_space<semaphore_mem>>, %arg9: memref<!tpu.dma_semaphore, #tpu.memory_space<semaphore_mem>>, %arg10: memref<!tpu.dma_semaphore, #tpu.memory_space<semaphore_mem>>, %arg11: memref<!tpu.dma_semaphore, #tpu.memory_space<semaphore_mem>>, %arg12: memref<!tpu.dma_semaphore, #tpu.memory_space<semaphore_mem>>) attributes {dimension_semantics = [#tpu.dimension_semantics<core_parallel>, #tpu.dimension_semantics<subcore_parallel>], iteration_bounds = array<i64: 2, 16>, scalar_prefetch = 0 : i64, scratch_operands = 8 : i64, tpu.core_type = #tpu.core_type<sc_vector_subcore>, window_params = [{transform_indices = #map}, {transform_indices = #map}, {transform_indices = #map}]} {
    %mul3A = arith.constant 2 : i32
    %mul3A_0 = arith.muli %arg1, %mul3A : i32
    %add3A = arith.addi %mul3A_0, %arg0 : i32
    %mul3A_1 = arith.constant 512 : i32
    %mul3A_2 = arith.muli %add3A, %mul3A_1 : i32
    %jit3A = arith.constant 8 : i32
    %div3A = arith.divsi %add3A, %jit3A : i32
    %sign3A = arith.constant 0 : i32
    %sign3A_3 = arith.cmpi sgt, %add3A, %sign3A : i32
    %sign3A_4 = arith.extui %sign3A_3 : i1 to i32
    %sign3A_5 = arith.constant 0 : i32
    %sign3A_6 = arith.cmpi slt, %add3A, %sign3A_5 : i32
    %sign3A_7 = arith.extui %sign3A_6 : i1 to i32
    %sign3A_8 = arith.subi %sign3A_4, %sign3A_7 : i32
    %sign3A_9 = arith.constant 0 : i32
    %sign3A_10 = arith.cmpi sgt, %jit3A, %sign3A_9 : i32
    %sign3A_11 = arith.extui %sign3A_10 : i1 to i32
    %sign3A_12 = arith.constant 0 : i32
    %sign3A_13 = arith.cmpi slt, %jit3A, %sign3A_12 : i32
    %sign3A_14 = arith.extui %sign3A_13 : i1 to i32
    %sign3A_15 = arith.subi %sign3A_11, %sign3A_14 : i32
    %ne3A = arith.cmpi ne, %sign3A_8, %sign3A_15 : i32
    %rem3A = arith.remsi %add3A, %jit3A : i32
    %ne3A_16 = arith.constant 0 : i32
    %ne3A_17 = arith.cmpi ne, %rem3A, %ne3A_16 : i32
    %and3A = arith.andi %ne3A, %ne3A_17 : i1
    %sub3A = arith.constant 1 : i32
    %sub3A_18 = arith.subi %div3A, %sub3A : i32
    %select_n3A = arith.select %and3A, %sub3A_18, %div3A : i32
    %jit3A_19 = arith.constant 8 : i32
    %eq3A = arith.constant 0 : i32
    %eq3A_20 = arith.cmpi eq, %jit3A_19, %eq3A : i32
    %jit3A_21 = arith.constant 1 : i32
    %select_n3A_22 = arith.select %eq3A_20, %jit3A_21, %jit3A_19 : i32
    %rem3A_23 = arith.remsi %add3A, %select_n3A_22 : i32
    %ne3A_24 = arith.constant 0 : i32
    %ne3A_25 = arith.cmpi ne, %rem3A_23, %ne3A_24 : i32
    %lt3A = arith.constant 0 : i32
    %lt3A_26 = arith.cmpi slt, %rem3A_23, %lt3A : i32
    %lt3A_27 = arith.constant 0 : i32
    %lt3A_28 = arith.cmpi slt, %select_n3A_22, %lt3A_27 : i32
    %ne3A_29 = arith.xori %lt3A_26, %lt3A_28 : i1
    %and3A_30 = arith.andi %ne3A_29, %ne3A_25 : i1
    %add3A_31 = arith.addi %rem3A_23, %select_n3A_22 : i32
    %select_n3A_32 = arith.select %and3A_30, %add3A_31, %rem3A_23 : i32
    %mul3A_33 = arith.constant 512 : i32
    %mul3A_34 = arith.muli %select_n3A_32, %mul3A_33 : i32
    "tpu.region"() ({
      %run_scoped3A = tpu.sem_alloc : memref<!tpu.dma_semaphore, #tpu.memory_space<semaphore_mem>>
      %dma_start3A_127 = tpu.memref_slice %arg2[%select_n3A, %mul3A_34] : memref<4x4096xi32, #tpu.memory_space<hbm>> -> memref<1x512xi32, #tpu.memory_space<hbm>>
      %dma_start3A_128 = tpu.memref_squeeze %dma_start3A_127 : memref<1x512xi32, #tpu.memory_space<hbm>> -> memref<512xi32, #tpu.memory_space<hbm>>
      %dma_start3A_129 = tpu.memref_slice %arg2[%select_n3A, %mul3A_34] : memref<4x4096xi32, #tpu.memory_space<hbm>> -> memref<1x512xi32, #tpu.memory_space<hbm>>
      %dma_start3A_130 = tpu.memref_squeeze %dma_start3A_129 : memref<1x512xi32, #tpu.memory_space<hbm>> -> memref<512xi32, #tpu.memory_space<hbm>>
      tpu.enqueue_dma source(%dma_start3A_130 : memref<512xi32, #tpu.memory_space<hbm>>) target(%arg5 : memref<512xi32, #tpu.memory_space<vmem>>) target_semaphore(%run_scoped3A : memref<!tpu.dma_semaphore, #tpu.memory_space<semaphore_mem>>)
      %dma_wait3A_131 = tpu.memref_slice %arg2[%select_n3A, %mul3A_34] : memref<4x4096xi32, #tpu.memory_space<hbm>> -> memref<1x512xi32, #tpu.memory_space<hbm>>
      %dma_wait3A_132 = tpu.memref_squeeze %dma_wait3A_131 : memref<1x512xi32, #tpu.memory_space<hbm>> -> memref<512xi32, #tpu.memory_space<hbm>>
      %dma_wait3A_133 = tpu.memref_slice %arg2[%select_n3A, %mul3A_34] : memref<4x4096xi32, #tpu.memory_space<hbm>> -> memref<1x512xi32, #tpu.memory_space<hbm>>
      %dma_wait3A_134 = tpu.memref_squeeze %dma_wait3A_133 : memref<1x512xi32, #tpu.memory_space<hbm>> -> memref<512xi32, #tpu.memory_space<hbm>>
      tpu.wait_dma2 semaphore(%run_scoped3A : memref<!tpu.dma_semaphore, #tpu.memory_space<semaphore_mem>>) src(%dma_wait3A_134 : memref<512xi32, #tpu.memory_space<hbm>>) dst(%arg5 : memref<512xi32, #tpu.memory_space<vmem>>)
      tpu.yield
    }) : () -> ()
    %dma_start3A = arith.constant 0 : i32
    %dma_start3A_35 = arith.constant 0 : i32
    %dma_start3A_36 = arith.constant 0 : i32
    %dma_start3A_37 = tpu.memref_slice %arg6[%dma_start3A, %dma_start3A_35, %dma_start3A_36] : memref<3x32x1024xf32, #tpu.memory_space<vmem>> -> memref<1x32x1024xf32, #tpu.memory_space<vmem>>
    %dma_start3A_38 = tpu.memref_squeeze %dma_start3A_37 : memref<1x32x1024xf32, #tpu.memory_space<vmem>> -> memref<32x1024xf32, #tpu.memory_space<vmem>>
    %dma_start3A_39 = arith.constant 0 : i32
    %dma_start3A_40 = tpu.memref_slice %arg5[%dma_start3A_39] : memref<512xi32, #tpu.memory_space<vmem>> -> memref<32xi32, #tpu.memory_space<vmem>>
    %dma_start3A_41 = arith.constant 0 : i32
    %dma_start3A_42 = arith.constant 0 : i32
    %dma_start3A_43 = tpu.memref_slice %arg3[%dma_start3A_41, %dma_start3A_42] : memref<100000x1024xf32, #tpu.memory_space<hbm>> -> memref<100000x1024xf32, #tpu.memory_space<hbm>>
    tpu.enqueue_indirect_dma source(%dma_start3A_43 : memref<100000x1024xf32, #tpu.memory_space<hbm>>) target(%dma_start3A_38 : memref<32x1024xf32, #tpu.memory_space<vmem>>) offsets(%dma_start3A_40 : memref<32xi32, #tpu.memory_space<vmem>>) semaphore(%arg7 : memref<!tpu.dma_semaphore, #tpu.memory_space<semaphore_mem>>)
    %dma_start3A_44 = arith.constant 1 : i32
    %dma_start3A_45 = arith.constant 0 : i32
    %dma_start3A_46 = arith.constant 0 : i32
    %dma_start3A_47 = tpu.memref_slice %arg6[%dma_start3A_44, %dma_start3A_45, %dma_start3A_46] : memref<3x32x1024xf32, #tpu.memory_space<vmem>> -> memref<1x32x1024xf32, #tpu.memory_space<vmem>>
    %dma_start3A_48 = tpu.memref_squeeze %dma_start3A_47 : memref<1x32x1024xf32, #tpu.memory_space<vmem>> -> memref<32x1024xf32, #tpu.memory_space<vmem>>
    %dma_start3A_49 = arith.constant 32 : i32
    %dma_start3A_50 = tpu.memref_slice %arg5[%dma_start3A_49] : memref<512xi32, #tpu.memory_space<vmem>> -> memref<32xi32, #tpu.memory_space<vmem>>
    %dma_start3A_51 = arith.constant 0 : i32
    %dma_start3A_52 = arith.constant 0 : i32
    %dma_start3A_53 = tpu.memref_slice %arg3[%dma_start3A_51, %dma_start3A_52] : memref<100000x1024xf32, #tpu.memory_space<hbm>> -> memref<100000x1024xf32, #tpu.memory_space<hbm>>
    tpu.enqueue_indirect_dma source(%dma_start3A_53 : memref<100000x1024xf32, #tpu.memory_space<hbm>>) target(%dma_start3A_48 : memref<32x1024xf32, #tpu.memory_space<vmem>>) offsets(%dma_start3A_50 : memref<32xi32, #tpu.memory_space<vmem>>) semaphore(%arg8 : memref<!tpu.dma_semaphore, #tpu.memory_space<semaphore_mem>>)
    %dma_start3A_54 = arith.constant 2 : i32
    %dma_start3A_55 = arith.constant 0 : i32
    %dma_start3A_56 = arith.constant 0 : i32
    %dma_start3A_57 = tpu.memref_slice %arg6[%dma_start3A_54, %dma_start3A_55, %dma_start3A_56] : memref<3x32x1024xf32, #tpu.memory_space<vmem>> -> memref<1x32x1024xf32, #tpu.memory_space<vmem>>
    %dma_start3A_58 = tpu.memref_squeeze %dma_start3A_57 : memref<1x32x1024xf32, #tpu.memory_space<vmem>> -> memref<32x1024xf32, #tpu.memory_space<vmem>>
    %dma_start3A_59 = arith.constant 64 : i32
    %dma_start3A_60 = tpu.memref_slice %arg5[%dma_start3A_59] : memref<512xi32, #tpu.memory_space<vmem>> -> memref<32xi32, #tpu.memory_space<vmem>>
    %dma_start3A_61 = arith.constant 0 : i32
    %dma_start3A_62 = arith.constant 0 : i32
    %dma_start3A_63 = tpu.memref_slice %arg3[%dma_start3A_61, %dma_start3A_62] : memref<100000x1024xf32, #tpu.memory_space<hbm>> -> memref<100000x1024xf32, #tpu.memory_space<hbm>>
    tpu.enqueue_indirect_dma source(%dma_start3A_63 : memref<100000x1024xf32, #tpu.memory_space<hbm>>) target(%dma_start3A_58 : memref<32x1024xf32, #tpu.memory_space<vmem>>) offsets(%dma_start3A_60 : memref<32xi32, #tpu.memory_space<vmem>>) semaphore(%arg9 : memref<!tpu.dma_semaphore, #tpu.memory_space<semaphore_mem>>)
    %scan3A = arith.constant 0 : i32
    %scan3A_64 = arith.constant 5 : i32
    %scan3A_65 = arith.addi %scan3A, %scan3A_64 : i32
    %scan3A_66 = arith.constant 1 : i32
    scf.for %scan3A_127 = %scan3A to %scan3A_65 step %scan3A_66  : i32 {
      %mul3A_128 = arith.constant 1 : i32
      %mul3A_129 = arith.muli %scan3A_127, %mul3A_128 : i32
      %add3A_130 = arith.constant 0 : i32
      %add3A_131 = arith.addi %add3A_130, %mul3A_129 : i32
      %mul3A_132 = arith.constant 3 : i32
      %mul3A_133 = arith.muli %add3A_131, %mul3A_132 : i32
      %add3A_134 = arith.constant 0 : i32
      %add3A_135 = arith.addi %mul3A_133, %add3A_134 : i32
      %mul3A_136 = arith.constant 32 : i32
      %mul3A_137 = arith.muli %add3A_135, %mul3A_136 : i32
      %dma_wait3A_138 = arith.constant 0 : i32
      %dma_wait3A_139 = arith.constant 0 : i32
      %dma_wait3A_140 = arith.constant 0 : i32
      %dma_wait3A_141 = tpu.memref_slice %arg6[%dma_wait3A_138, %dma_wait3A_139, %dma_wait3A_140] : memref<3x32x1024xf32, #tpu.memory_space<vmem>> -> memref<1x32x1024xf32, #tpu.memory_space<vmem>>
      %dma_wait3A_142 = tpu.memref_squeeze %dma_wait3A_141 : memref<1x32x1024xf32, #tpu.memory_space<vmem>> -> memref<32x1024xf32, #tpu.memory_space<vmem>>
      %dma_wait3A_143 = tpu.memref_slice %arg5[%mul3A_137] : memref<512xi32, #tpu.memory_space<vmem>> -> memref<32xi32, #tpu.memory_space<vmem>>
      %dma_wait3A_144 = arith.constant 0 : i32
      %dma_wait3A_145 = arith.constant 0 : i32
      %dma_wait3A_146 = tpu.memref_slice %arg3[%dma_wait3A_144, %dma_wait3A_145] : memref<100000x1024xf32, #tpu.memory_space<hbm>> -> memref<100000x1024xf32, #tpu.memory_space<hbm>>
      tpu.wait_indirect_dma semaphore(%arg7 : memref<!tpu.dma_semaphore, #tpu.memory_space<semaphore_mem>>) src(%dma_wait3A_146 : memref<100000x1024xf32, #tpu.memory_space<hbm>>) dst(%dma_wait3A_142 : memref<32x1024xf32, #tpu.memory_space<vmem>>)
      %scan3A_147 = arith.constant 0 : i32
      %scan3A_148 = arith.constant 32 : i32
      %scan3A_149 = arith.addi %scan3A_147, %scan3A_148 : i32
      %scan3A_150 = arith.constant 1 : i32
      scf.for %scan3A_298 = %scan3A_147 to %scan3A_149 step %scan3A_150  : i32 {
        %mul3A_299 = arith.constant 1 : i32
        %mul3A_300 = arith.muli %scan3A_298, %mul3A_299 : i32
        %add3A_301 = arith.constant 0 : i32
        %add3A_302 = arith.addi %add3A_301, %mul3A_300 : i32
        %get3A = arith.constant 0 : i32
        %get3A_303 = arith.index_cast %get3A : i32 to index
        %get3A_304 = arith.index_cast %add3A_302 : i32 to index
        %get3A_305 = arith.constant 0 : index
        %get3A_306 = tpu.vector_load %arg6[%get3A_303, %get3A_304, %get3A_305] {strides = array<i32>} : memref<3x32x1024xf32, #tpu.memory_space<vmem>>, vector<1x1x16xf32>,
        %get3A_307 = vector.shape_cast %get3A_306 : vector<1x1x16xf32> to vector<16xf32>
        %mul3A_308 = arith.constant 3.200000e+01 : f32
        %mul3A_309 = vector.broadcast %mul3A_308 : f32 to vector<16xf32>
        %mul3A_310 = arith.mulf %get3A_307, %mul3A_309 : vector<16xf32>
        %swap3A = arith.constant 0 : i32
        %swap3A_311 = arith.index_cast %swap3A : i32 to index
        %swap3A_312 = arith.index_cast %add3A_302 : i32 to index
        %swap3A_313 = arith.constant 0 : index
        %swap3A_314 = tpu.vector_load %arg6[%swap3A_311, %swap3A_312, %swap3A_313] {strides = array<i32>} : memref<3x32x1024xf32, #tpu.memory_space<vmem>>, vector<1x1x16xf32>,
        %swap3A_315 = vector.shape_cast %swap3A_314 : vector<1x1x16xf32> to vector<16xf32>
        %swap3A_316 = vector.shape_cast %mul3A_310 : vector<16xf32> to vector<1x1x16xf32>
        tpu.vector_store %arg6[%swap3A_311, %swap3A_312, %swap3A_313], %swap3A_316 {strides = array<i32>} : memref<3x32x1024xf32, #tpu.memory_space<vmem>>, vector<1x1x16xf32>,
        %get3A_317 = arith.constant 0 : i32
        %get3A_318 = arith.index_cast %get3A_317 : i32 to index
        %get3A_319 = arith.index_cast %add3A_302 : i32 to index
        %get3A_320 = arith.constant 16 : index
        %get3A_321 = tpu.vector_load %arg6[%get3A_318, %get3A_319, %get3A_320] {strides = array<i32>} : memref<3x32x1024xf32, #tpu.memory_space<vmem>>, vector<1x1x16xf32>,
        %get3A_322 = vector.shape_cast %get3A_321 : vector<1x1x16xf32> to vector<16xf32>
        %mul3A_323 = arith.constant 3.200000e+01 : f32
        %mul3A_324 = vector.broadcast %mul3A_323 : f32 to vector<16xf32>
        %mul3A_325 = arith.mulf %get3A_322, %mul3A_324 : vector<16xf32>
        %swap3A_326 = arith.constant 0 : i32
        %swap3A_327 = arith.index_cast %swap3A_326 : i32 to index
        %swap3A_328 = arith.index_cast %add3A_302 : i32 to index
        %swap3A_329 = arith.constant 16 : index
        %swap3A_330 = tpu.vector_load %arg6[%swap3A_327, %swap3A_328, %swap3A_329] {strides = array<i32>} : memref<3x32x1024xf32, #tpu.memory_space<vmem>>, vector<1x1x16xf32>,
        %swap3A_331 = vector.shape_cast %swap3A_330 : vector<1x1x16xf32> to vector<16xf32>
        %swap3A_332 = vector.shape_cast %mul3A_325 : vector<16xf32> to vector<1x1x16xf32>
        tpu.vector_store %arg6[%swap3A_327, %swap3A_328, %swap3A_329], %swap3A_332 {strides = array<i32>} : memref<3x32x1024xf32, #tpu.memory_space<vmem>>, vector<1x1x16xf32>,
        %get3A_333 = arith.constant 0 : i32
        %get3A_334 = arith.index_cast %get3A_333 : i32 to index
        %get3A_335 = arith.index_cast %add3A_302 : i32 to index
        %get3A_336 = arith.constant 32 : index
        %get3A_337 = tpu.vector_load %arg6[%get3A_334, %get3A_335, %get3A_336] {strides = array<i32>} : memref<3x32x1024xf32, #tpu.memory_space<vmem>>, vector<1x1x16xf32>,
        %get3A_338 = vector.shape_cast %get3A_337 : vector<1x1x16xf32> to vector<16xf32>
        %mul3A_339 = arith.constant 3.200000e+01 : f32
        %mul3A_340 = vector.broadcast %mul3A_339 : f32 to vector<16xf32>
        %mul3A_341 = arith.mulf %get3A_338, %mul3A_340 : vector<16xf32>
        %swap3A_342 = arith.constant 0 : i32
        %swap3A_343 = arith.index_cast %swap3A_342 : i32 to index
        %swap3A_344 = arith.index_cast %add3A_302 : i32 to index
        %swap3A_345 = arith.constant 32 : index
        %swap3A_346 = tpu.vector_load %arg6[%swap3A_343, %swap3A_344, %swap3A_345] {strides = array<i32>} : memref<3x32x1024xf32, #tpu.memory_space<vmem>>, vector<1x1x16xf32>,
        %swap3A_347 = vector.shape_cast %swap3A_346 : vector<1x1x16xf32> to vector<16xf32>
        %swap3A_348 = vector.shape_cast %mul3A_341 : vector<16xf32> to vector<1x1x16xf32>
        tpu.vector_store %arg6[%swap3A_343, %swap3A_344, %swap3A_345], %swap3A_348 {strides = array<i32>} : memref<3x32x1024xf32, #tpu.memory_space<vmem>>, vector<1x1x16xf32>,
        %get3A_349 = arith.constant 0 : i32
        %get3A_350 = arith.index_cast %get3A_349 : i32 to index
        %get3A_351 = arith.index_cast %add3A_302 : i32 to index
        %get3A_352 = arith.constant 48 : index
        %get3A_353 = tpu.vector_load %arg6[%get3A_350, %get3A_351, %get3A_352] {strides = array<i32>} : memref<3x32x1024xf32, #tpu.memory_space<vmem>>, vector<1x1x16xf32>,
        %get3A_354 = vector.shape_cast %get3A_353 : vector<1x1x16xf32> to vector<16xf32>
        %mul3A_355 = arith.constant 3.200000e+01 : f32
        %mul3A_356 = vector.broadcast %mul3A_355 : f32 to vector<16xf32>
        %mul3A_357 = arith.mulf %get3A_354, %mul3A_356 : vector<16xf32>
        %swap3A_358 = arith.constant 0 : i32
        %swap3A_359 = arith.index_cast %swap3A_358 : i32 to index
        %swap3A_360 = arith.index_cast %add3A_302 : i32 to index
        %swap3A_361 = arith.constant 48 : index
        %swap3A_362 = tpu.vector_load %arg6[%swap3A_359, %swap3A_360, %swap3A_361] {strides = array<i32>} : memref<3x32x1024xf32, #tpu.memory_space<vmem>>, vector<1x1x16xf32>,
        %swap3A_363 = vector.shape_cast %swap3A_362 : vector<1x1x16xf32> to vector<16xf32>
        %swap3A_364 = vector.shape_cast %mul3A_357 : vector<16xf32> to vector<1x1x16xf32>
        tpu.vector_store %arg6[%swap3A_359, %swap3A_360, %swap3A_361], %swap3A_364 {strides = array<i32>} : memref<3x32x1024xf32, #tpu.memory_space<vmem>>, vector<1x1x16xf32>,
        %get3A_365 = arith.constant 0 : i32
        %get3A_366 = arith.index_cast %get3A_365 : i32 to index
        %get3A_367 = arith.index_cast %add3A_302 : i32 to index
        %get3A_368 = arith.constant 64 : index
        %get3A_369 = tpu.vector_load %arg6[%get3A_366, %get3A_367, %get3A_368] {strides = array<i32>} : memref<3x32x1024xf32, #tpu.memory_space<vmem>>, vector<1x1x16xf32>,
        %get3A_370 = vector.shape_cast %get3A_369 : vector<1x1x16xf32> to vector<16xf32>
        %mul3A_371 = arith.constant 3.200000e+01 : f32
        %mul3A_372 = vector.broadcast %mul3A_371 : f32 to vector<16xf32>
        %mul3A_373 = arith.mulf %get3A_370, %mul3A_372 : vector<16xf32>
        %swap3A_374 = arith.constant 0 : i32
        %swap3A_375 = arith.index_cast %swap3A_374 : i32 to index
        %swap3A_376 = arith.index_cast %add3A_302 : i32 to index
        %swap3A_377 = arith.constant 64 : index
        %swap3A_378 = tpu.vector_load %arg6[%swap3A_375, %swap3A_376, %swap3A_377] {strides = array<i32>} : memref<3x32x1024xf32, #tpu.memory_space<vmem>>, vector<1x1x16xf32>,
        %swap3A_379 = vector.shape_cast %swap3A_378 : vector<1x1x16xf32> to vector<16xf32>
        %swap3A_380 = vector.shape_cast %mul3A_373 : vector<16xf32> to vector<1x1x16xf32>
        tpu.vector_store %arg6[%swap3A_375, %swap3A_376, %swap3A_377], %swap3A_380 {strides = array<i32>} : memref<3x32x1024xf32, #tpu.memory_space<vmem>>, vector<1x1x16xf32>,
        %get3A_381 = arith.constant 0 : i32
        %get3A_382 = arith.index_cast %get3A_381 : i32 to index
        %get3A_383 = arith.index_cast %add3A_302 : i32 to index
        %get3A_384 = arith.constant 80 : index
        %get3A_385 = tpu.vector_load %arg6[%get3A_382, %get3A_383, %get3A_384] {strides = array<i32>} : memref<3x32x1024xf32, #tpu.memory_space<vmem>>, vector<1x1x16xf32>,
        %get3A_386 = vector.shape_cast %get3A_385 : vector<1x1x16xf32> to vector<16xf32>
        %mul3A_387 = arith.constant 3.200000e+01 : f32
        %mul3A_388 = vector.broadcast %mul3A_387 : f32 to vector<16xf32>
        %mul3A_389 = arith.mulf %get3A_386, %mul3A_388 : vector<16xf32>
        %swap3A_390 = arith.constant 0 : i32
        %swap3A_391 = arith.index_cast %swap3A_390 : i32 to index
        %swap3A_392 = arith.index_cast %add3A_302 : i32 to index
        %swap3A_393 = arith.constant 80 : index
        %swap3A_394 = tpu.vector_load %arg6[%swap3A_391, %swap3A_392, %swap3A_393] {strides = array<i32>} : memref<3x32x1024xf32, #tpu.memory_space<vmem>>, vector<1x1x16xf32>,
        %swap3A_395 = vector.shape_cast %swap3A_394 : vector<1x1x16xf32> to vector<16xf32>
        %swap3A_396 = vector.shape_cast %mul3A_389 : vector<16xf32> to vector<1x1x16xf32>
        tpu.vector_store %arg6[%swap3A_391, %swap3A_392, %swap3A_393], %swap3A_396 {strides = array<i32>} : memref<3x32x1024xf32, #tpu.memory_space<vmem>>, vector<1x1x16xf32>,
        %get3A_397 = arith.constant 0 : i32
        %get3A_398 = arith.index_cast %get3A_397 : i32 to index
        %get3A_399 = arith.index_cast %add3A_302 : i32 to index
        %get3A_400 = arith.constant 96 : index
        %get3A_401 = tpu.vector_load %arg6[%get3A_398, %get3A_399, %get3A_400] {strides = array<i32>} : memref<3x32x1024xf32, #tpu.memory_space<vmem>>, vector<1x1x16xf32>,
        %get3A_402 = vector.shape_cast %get3A_401 : vector<1x1x16xf32> to vector<16xf32>
        %mul3A_403 = arith.constant 3.200000e+01 : f32
        %mul3A_404 = vector.broadcast %mul3A_403 : f32 to vector<16xf32>
        %mul3A_405 = arith.mulf %get3A_402, %mul3A_404 : vector<16xf32>
        %swap3A_406 = arith.constant 0 : i32
        %swap3A_407 = arith.index_cast %swap3A_406 : i32 to index
        %swap3A_408 = arith.index_cast %add3A_302 : i32 to index
        %swap3A_409 = arith.constant 96 : index
        %swap3A_410 = tpu.vector_load %arg6[%swap3A_407, %swap3A_408, %swap3A_409] {strides = array<i32>} : memref<3x32x1024xf32, #tpu.memory_space<vmem>>, vector<1x1x16xf32>,
        %swap3A_411 = vector.shape_cast %swap3A_410 : vector<1x1x16xf32> to vector<16xf32>
        %swap3A_412 = vector.shape_cast %mul3A_405 : vector<16xf32> to vector<1x1x16xf32>
        tpu.vector_store %arg6[%swap3A_407, %swap3A_408, %swap3A_409], %swap3A_412 {strides = array<i32>} : memref<3x32x1024xf32, #tpu.memory_space<vmem>>, vector<1x1x16xf32>,
        %get3A_413 = arith.constant 0 : i32
        %get3A_414 = arith.index_cast %get3A_413 : i32 to index
        %get3A_415 = arith.index_cast %add3A_302 : i32 to index
        %get3A_416 = arith.constant 112 : index
        %get3A_417 = tpu.vector_load %arg6[%get3A_414, %get3A_415, %get3A_416] {strides = array<i32>} : memref<3x32x1024xf32, #tpu.memory_space<vmem>>, vector<1x1x16xf32>,
        %get3A_418 = vector.shape_cast %get3A_417 : vector<1x1x16xf32> to vector<16xf32>
        %mul3A_419 = arith.constant 3.200000e+01 : f32
        %mul3A_420 = vector.broadcast %mul3A_419 : f32 to vector<16xf32>
        %mul3A_421 = arith.mulf %get3A_418, %mul3A_420 : vector<16xf32>
        %swap3A_422 = arith.constant 0 : i32
        %swap3A_423 = arith.index_cast %swap3A_422 : i32 to index
        %swap3A_424 = arith.index_cast %add3A_302 : i32 to index
        %swap3A_425 = arith.constant 112 : index
        %swap3A_426 = tpu.vector_load %arg6[%swap3A_423, %swap3A_424, %swap3A_425] {strides = array<i32>} : memref<3x32x1024xf32, #tpu.memory_space<vmem>>, vector<1x1x16xf32>,
        %swap3A_427 = vector.shape_cast %swap3A_426 : vector<1x1x16xf32> to vector<16xf32>
        %swap3A_428 = vector.shape_cast %mul3A_421 : vector<16xf32> to vector<1x1x16xf32>
        tpu.vector_store %arg6[%swap3A_423, %swap3A_424, %swap3A_425], %swap3A_428 {strides = array<i32>} : memref<3x32x1024xf32, #tpu.memory_space<vmem>>, vector<1x1x16xf32>,
        %get3A_429 = arith.constant 0 : i32
        %get3A_430 = arith.index_cast %get3A_429 : i32 to index
        %get3A_431 = arith.index_cast %add3A_302 : i32 to index
        %get3A_432 = arith.constant 128 : index
        %get3A_433 = tpu.vector_load %arg6[%get3A_430, %get3A_431, %get3A_432] {strides = array<i32>} : memref<3x32x1024xf32, #tpu.memory_space<vmem>>, vector<1x1x16xf32>,
        %get3A_434 = vector.shape_cast %get3A_433 : vector<1x1x16xf32> to vector<16xf32>
        %mul3A_435 = arith.constant 3.200000e+01 : f32
        %mul3A_436 = vector.broadcast %mul3A_435 : f32 to vector<16xf32>
        %mul3A_437 = arith.mulf %get3A_434, %mul3A_436 : vector<16xf32>
        %swap3A_438 = arith.constant 0 : i32
        %swap3A_439 = arith.index_cast %swap3A_438 : i32 to index
        %swap3A_440 = arith.index_cast %add3A_302 : i32 to index
        %swap3A_441 = arith.constant 128 : index
        %swap3A_442 = tpu.vector_load %arg6[%swap3A_439, %swap3A_440, %swap3A_441] {strides = array<i32>} : memref<3x32x1024xf32, #tpu.memory_space<vmem>>, vector<1x1x16xf32>,
        %swap3A_443 = vector.shape_cast %swap3A_442 : vector<1x1x16xf32> to vector<16xf32>
        %swap3A_444 = vector.shape_cast %mul3A_437 : vector<16xf32> to vector<1x1x16xf32>
        tpu.vector_store %arg6[%swap3A_439, %swap3A_440, %swap3A_441], %swap3A_444 {strides = array<i32>} : memref<3x32x1024xf32, #tpu.memory_space<vmem>>, vector<1x1x16xf32>,
        %get3A_445 = arith.constant 0 : i32
        %get3A_446 = arith.index_cast %get3A_445 : i32 to index
        %get3A_447 = arith.index_cast %add3A_302 : i32 to index
        %get3A_448 = arith.constant 144 : index
        %get3A_449 = tpu.vector_load %arg6[%get3A_446, %get3A_447, %get3A_448] {strides = array<i32>} : memref<3x32x1024xf32, #tpu.memory_space<vmem>>, vector<1x1x16xf32>,
        %get3A_450 = vector.shape_cast %get3A_449 : vector<1x1x16xf32> to vector<16xf32>
        %mul3A_451 = arith.constant 3.200000e+01 : f32
        %mul3A_452 = vector.broadcast %mul3A_451 : f32 to vector<16xf32>
        %mul3A_453 = arith.mulf %get3A_450, %mul3A_452 : vector<16xf32>
        %swap3A_454 = arith.constant 0 : i32
        %swap3A_455 = arith.index_cast %swap3A_454 : i32 to index
        %swap3A_456 = arith.index_cast %add3A_302 : i32 to index
        %swap3A_457 = arith.constant 144 : index
        %swap3A_458 = tpu.vector_load %arg6[%swap3A_455, %swap3A_456, %swap3A_457] {strides = array<i32>} : memref<3x32x1024xf32, #tpu.memory_space<vmem>>, vector<1x1x16xf32>,
        %swap3A_459 = vector.shape_cast %swap3A_458 : vector<1x1x16xf32> to vector<16xf32>
        %swap3A_460 = vector.shape_cast %mul3A_453 : vector<16xf32> to vector<1x1x16xf32>
        tpu.vector_store %arg6[%swap3A_455, %swap3A_456, %swap3A_457], %swap3A_460 {strides = array<i32>} : memref<3x32x1024xf32, #tpu.memory_space<vmem>>, vector<1x1x16xf32>,
        %get3A_461 = arith.constant 0 : i32
        %get3A_462 = arith.index_cast %get3A_461 : i32 to index
        %get3A_463 = arith.index_cast %add3A_302 : i32 to index
        %get3A_464 = arith.constant 160 : index
        %get3A_465 = tpu.vector_load %arg6[%get3A_462, %get3A_463, %get3A_464] {strides = array<i32>} : memref<3x32x1024xf32, #tpu.memory_space<vmem>>, vector<1x1x16xf32>,
        %get3A_466 = vector.shape_cast %get3A_465 : vector<1x1x16xf32> to vector<16xf32>
        %mul3A_467 = arith.constant 3.200000e+01 : f32
        %mul3A_468 = vector.broadcast %mul3A_467 : f32 to vector<16xf32>
        %mul3A_469 = arith.mulf %get3A_466, %mul3A_468 : vector<16xf32>
        %swap3A_470 = arith.constant 0 : i32
        %swap3A_471 = arith.index_cast %swap3A_470 : i32 to index
        %swap3A_472 = arith.index_cast %add3A_302 : i32 to index
        %swap3A_473 = arith.constant 160 : index
        %swap3A_474 = tpu.vector_load %arg6[%swap3A_471, %swap3A_472, %swap3A_473] {strides = array<i32>} : memref<3x32x1024xf32, #tpu.memory_space<vmem>>, vector<1x1x16xf32>,
        %swap3A_475 = vector.shape_cast %swap3A_474 : vector<1x1x16xf32> to vector<16xf32>
        %swap3A_476 = vector.shape_cast %mul3A_469 : vector<16xf32> to vector<1x1x16xf32>
        tpu.vector_store %arg6[%swap3A_471, %swap3A_472, %swap3A_473], %swap3A_476 {strides = array<i32>} : memref<3x32x1024xf32, #tpu.memory_space<vmem>>, vector<1x1x16xf32>,
        %get3A_477 = arith.constant 0 : i32
        %get3A_478 = arith.index_cast %get3A_477 : i32 to index
        %get3A_479 = arith.index_cast %add3A_302 : i32 to index
        %get3A_480 = arith.constant 176 : index
        %get3A_481 = tpu.vector_load %arg6[%get3A_478, %get3A_479, %get3A_480] {strides = array<i32>} : memref<3x32x1024xf32, #tpu.memory_space<vmem>>, vector<1x1x16xf32>,
        %get3A_482 = vector.shape_cast %get3A_481 : vector<1x1x16xf32> to vector<16xf32>
        %mul3A_483 = arith.constant 3.200000e+01 : f32
        %mul3A_484 = vector.broadcast %mul3A_483 : f32 to vector<16xf32>
        %mul3A_485 = arith.mulf %get3A_482, %mul3A_484 : vector<16xf32>
        %swap3A_486 = arith.constant 0 : i32
        %swap3A_487 = arith.index_cast %swap3A_486 : i32 to index
        %swap3A_488 = arith.index_cast %add3A_302 : i32 to index
        %swap3A_489 = arith.constant 176 : index
        %swap3A_490 = tpu.vector_load %arg6[%swap3A_487, %swap3A_488, %swap3A_489] {strides = array<i32>} : memref<3x32x1024xf32, #tpu.memory_space<vmem>>, vector<1x1x16xf32>,
        %swap3A_491 = vector.shape_cast %swap3A_490 : vector<1x1x16xf32> to vector<16xf32>
        %swap3A_492 = vector.shape_cast %mul3A_485 : vector<16xf32> to vector<1x1x16xf32>
        tpu.vector_store %arg6[%swap3A_487, %swap3A_488, %swap3A_489], %swap3A_492 {strides = array<i32>} : memref<3x32x1024xf32, #tpu.memory_space<vmem>>, vector<1x1x16xf32>,
        %get3A_493 = arith.constant 0 : i32
        %get3A_494 = arith.index_cast %get3A_493 : i32 to index
        %get3A_495 = arith.index_cast %add3A_302 : i32 to index
        %get3A_496 = arith.constant 192 : index
        %get3A_497 = tpu.vector_load %arg6[%get3A_494, %get3A_495, %get3A_496] {strides = array<i32>} : memref<3x32x1024xf32, #tpu.memory_space<vmem>>, vector<1x1x16xf32>,
        %get3A_498 = vector.shape_cast %get3A_497 : vector<1x1x16xf32> to vector<16xf32>
        %mul3A_499 = arith.constant 3.200000e+01 : f32
        %mul3A_500 = vector.broadcast %mul3A_499 : f32 to vector<16xf32>
        %mul3A_501 = arith.mulf %get3A_498, %mul3A_500 : vector<16xf32>
        %swap3A_502 = arith.constant 0 : i32
        %swap3A_503 = arith.index_cast %swap3A_502 : i32 to index
        %swap3A_504 = arith.index_cast %add3A_302 : i32 to index
        %swap3A_505 = arith.constant 192 : index
        %swap3A_506 = tpu.vector_load %arg6[%swap3A_503, %swap3A_504, %swap3A_505] {strides = array<i32>} : memref<3x32x1024xf32, #tpu.memory_space<vmem>>, vector<1x1x16xf32>,
        %swap3A_507 = vector.shape_cast %swap3A_506 : vector<1x1x16xf32> to vector<16xf32>
        %swap3A_508 = vector.shape_cast %mul3A_501 : vector<16xf32> to vector<1x1x16xf32>
        tpu.vector_store %arg6[%swap3A_503, %swap3A_504, %swap3A_505], %swap3A_508 {strides = array<i32>} : memref<3x32x1024xf32, #tpu.memory_space<vmem>>, vector<1x1x16xf32>,
        %get3A_509 = arith.constant 0 : i32
        %get3A_510 = arith.index_cast %get3A_509 : i32 to index
        %get3A_511 = arith.index_cast %add3A_302 : i32 to index
        %get3A_512 = arith.constant 208 : index
        %get3A_513 = tpu.vector_load %arg6[%get3A_510, %get3A_511, %get3A_512] {strides = array<i32>} : memref<3x32x1024xf32, #tpu.memory_space<vmem>>, vector<1x1x16xf32>,
        %get3A_514 = vector.shape_cast %get3A_513 : vector<1x1x16xf32> to vector<16xf32>
        %mul3A_515 = arith.constant 3.200000e+01 : f32
        %mul3A_516 = vector.broadcast %mul3A_515 : f32 to vector<16xf32>
        %mul3A_517 = arith.mulf %get3A_514, %mul3A_516 : vector<16xf32>
        %swap3A_518 = arith.constant 0 : i32
        %swap3A_519 = arith.index_cast %swap3A_518 : i32 to index
        %swap3A_520 = arith.index_cast %add3A_302 : i32 to index
        %swap3A_521 = arith.constant 208 : index
        %swap3A_522 = tpu.vector_load %arg6[%swap3A_519, %swap3A_520, %swap3A_521] {strides = array<i32>} : memref<3x32x1024xf32, #tpu.memory_space<vmem>>, vector<1x1x16xf32>,
        %swap3A_523 = vector.shape_cast %swap3A_522 : vector<1x1x16xf32> to vector<16xf32>
        %swap3A_524 = vector.shape_cast %mul3A_517 : vector<16xf32> to vector<1x1x16xf32>
        tpu.vector_store %arg6[%swap3A_519, %swap3A_520, %swap3A_521], %swap3A_524 {strides = array<i32>} : memref<3x32x1024xf32, #tpu.memory_space<vmem>>, vector<1x1x16xf32>,
        %get3A_525 = arith.constant 0 : i32
        %get3A_526 = arith.index_cast %get3A_525 : i32 to index
        %get3A_527 = arith.index_cast %add3A_302 : i32 to index
        %get3A_528 = arith.constant 224 : index
        %get3A_529 = tpu.vector_load %arg6[%get3A_526, %get3A_527, %get3A_528] {strides = array<i32>} : memref<3x32x1024xf32, #tpu.memory_space<vmem>>, vector<1x1x16xf32>,
        %get3A_530 = vector.shape_cast %get3A_529 : vector<1x1x16xf32> to vector<16xf32>
        %mul3A_531 = arith.constant 3.200000e+01 : f32
        %mul3A_532 = vector.broadcast %mul3A_531 : f32 to vector<16xf32>
        %mul3A_533 = arith.mulf %get3A_530, %mul3A_532 : vector<16xf32>
        %swap3A_534 = arith.constant 0 : i32
        %swap3A_535 = arith.index_cast %swap3A_534 : i32 to index
        %swap3A_536 = arith.index_cast %add3A_302 : i32 to index
        %swap3A_537 = arith.constant 224 : index
        %swap3A_538 = tpu.vector_load %arg6[%swap3A_535, %swap3A_536, %swap3A_537] {strides = array<i32>} : memref<3x32x1024xf32, #tpu.memory_space<vmem>>, vector<1x1x16xf32>,
        %swap3A_539 = vector.shape_cast %swap3A_538 : vector<1x1x16xf32> to vector<16xf32>
        %swap3A_540 = vector.shape_cast %mul3A_533 : vector<16xf32> to vector<1x1x16xf32>
        tpu.vector_store %arg6[%swap3A_535, %swap3A_536, %swap3A_537], %swap3A_540 {strides = array<i32>} : memref<3x32x1024xf32, #tpu.memory_space<vmem>>, vector<1x1x16xf32>,
        %get3A_541 = arith.constant 0 : i32
        %get3A_542 = arith.index_cast %get3A_541 : i32 to index
        %get3A_543 = arith.index_cast %add3A_302 : i32 to index
        %get3A_544 = arith.constant 240 : index
        %get3A_545 = tpu.vector_load %arg6[%get3A_542, %get3A_543, %get3A_544] {strides = array<i32>} : memref<3x32x1024xf32, #tpu.memory_space<vmem>>, vector<1x1x16xf32>,
        %get3A_546 = vector.shape_cast %get3A_545 : vector<1x1x16xf32> to vector<16xf32>
        %mul3A_547 = arith.constant 3.200000e+01 : f32
        %mul3A_548 = vector.broadcast %mul3A_547 : f32 to vector<16xf32>
        %mul3A_549 = arith.mulf %get3A_546, %mul3A_548 : vector<16xf32>
        %swap3A_550 = arith.constant 0 : i32
        %swap3A_551 = arith.index_cast %swap3A_550 : i32 to index
        %swap3A_552 = arith.index_cast %add3A_302 : i32 to index
        %swap3A_553 = arith.constant 240 : index
        %swap3A_554 = tpu.vector_load %arg6[%swap3A_551, %swap3A_552, %swap3A_553] {strides = array<i32>} : memref<3x32x1024xf32, #tpu.memory_space<vmem>>, vector<1x1x16xf32>,
        %swap3A_555 = vector.shape_cast %swap3A_554 : vector<1x1x16xf32> to vector<16xf32>
        %swap3A_556 = vector.shape_cast %mul3A_549 : vector<16xf32> to vector<1x1x16xf32>
        tpu.vector_store %arg6[%swap3A_551, %swap3A_552, %swap3A_553], %swap3A_556 {strides = array<i32>} : memref<3x32x1024xf32, #tpu.memory_space<vmem>>, vector<1x1x16xf32>,
        %get3A_557 = arith.constant 0 : i32
        %get3A_558 = arith.index_cast %get3A_557 : i32 to index
        %get3A_559 = arith.index_cast %add3A_302 : i32 to index
        %get3A_560 = arith.constant 256 : index
        %get3A_561 = tpu.vector_load %arg6[%get3A_558, %get3A_559, %get3A_560] {strides = array<i32>} : memref<3x32x1024xf32, #tpu.memory_space<vmem>>, vector<1x1x16xf32>,
        %get3A_562 = vector.shape_cast %get3A_561 : vector<1x1x16xf32> to vector<16xf32>
        %mul3A_563 = arith.constant 3.200000e+01 : f32
        %mul3A_564 = vector.broadcast %mul3A_563 : f32 to vector<16xf32>
        %mul3A_565 = arith.mulf %get3A_562, %mul3A_564 : vector<16xf32>
        %swap3A_566 = arith.constant 0 : i32
        %swap3A_567 = arith.index_cast %swap3A_566 : i32 to index
        %swap3A_568 = arith.index_cast %add3A_302 : i32 to index
        %swap3A_569 = arith.constant 256 : index
        %swap3A_570 = tpu.vector_load %arg6[%swap3A_567, %swap3A_568, %swap3A_569] {strides = array<i32>} : memref<3x32x1024xf32, #tpu.memory_space<vmem>>, vector<1x1x16xf32>,
        %swap3A_571 = vector.shape_cast %swap3A_570 : vector<1x1x16xf32> to vector<16xf32>
        %swap3A_572 = vector.shape_cast %mul3A_565 : vector<16xf32> to vector<1x1x16xf32>
        tpu.vector_store %arg6[%swap3A_567, %swap3A_568, %swap3A_569], %swap3A_572 {strides = array<i32>} : memref<3x32x1024xf32, #tpu.memory_space<vmem>>, vector<1x1x16xf32>,
        %get3A_573 = arith.constant 0 : i32
        %get3A_574 = arith.index_cast %get3A_573 : i32 to index
        %get3A_575 = arith.index_cast %add3A_302 : i32 to index
        %get3A_576 = arith.constant 272 : index
        %get3A_577 = tpu.vector_load %arg6[%get3A_574, %get3A_575, %get3A_576] {strides = array<i32>} : memref<3x32x1024xf32, #tpu.memory_space<vmem>>, vector<1x1x16xf32>,
        %get3A_578 = vector.shape_cast %get3A_577 : vector<1x1x16xf32> to vector<16xf32>
        %mul3A_579 = arith.constant 3.200000e+01 : f32
        %mul3A_580 = vector.broadcast %mul3A_579 : f32 to vector<16xf32>
        %mul3A_581 = arith.mulf %get3A_578, %mul3A_580 : vector<16xf32>
        %swap3A_582 = arith.constant 0 : i32
        %swap3A_583 = arith.index_cast %swap3A_582 : i32 to index
        %swap3A_584 = arith.index_cast %add3A_302 : i32 to index
        %swap3A_585 = arith.constant 272 : index
        %swap3A_586 = tpu.vector_load %arg6[%swap3A_583, %swap3A_584, %swap3A_585] {strides = array<i32>} : memref<3x32x1024xf32, #tpu.memory_space<vmem>>, vector<1x1x16xf32>,
        %swap3A_587 = vector.shape_cast %swap3A_586 : vector<1x1x16xf32> to vector<16xf32>
        %swap3A_588 = vector.shape_cast %mul3A_581 : vector<16xf32> to vector<1x1x16xf32>
        tpu.vector_store %arg6[%swap3A_583, %swap3A_584, %swap3A_585], %swap3A_588 {strides = array<i32>} : memref<3x32x1024xf32, #tpu.memory_space<vmem>>, vector<1x1x16xf32>,
        %get3A_589 = arith.constant 0 : i32
        %get3A_590 = arith.index_cast %get3A_589 : i32 to index
        %get3A_591 = arith.index_cast %add3A_302 : i32 to index
        %get3A_592 = arith.constant 288 : index
        %get3A_593 = tpu.vector_load %arg6[%get3A_590, %get3A_591, %get3A_592] {strides = array<i32>} : memref<3x32x1024xf32, #tpu.memory_space<vmem>>, vector<1x1x16xf32>,
        %get3A_594 = vector.shape_cast %get3A_593 : vector<1x1x16xf32> to vector<16xf32>
        %mul3A_595 = arith.constant 3.200000e+01 : f32
        %mul3A_596 = vector.broadcast %mul3A_595 : f32 to vector<16xf32>
        %mul3A_597 = arith.mulf %get3A_594, %mul3A_596 : vector<16xf32>
        %swap3A_598 = arith.constant 0 : i32
        %swap3A_599 = arith.index_cast %swap3A_598 : i32 to index
        %swap3A_600 = arith.index_cast %add3A_302 : i32 to index
        %swap3A_601 = arith.constant 288 : index
        %swap3A_602 = tpu.vector_load %arg6[%swap3A_599, %swap3A_600, %swap3A_601] {strides = array<i32>} : memref<3x32x1024xf32, #tpu.memory_space<vmem>>, vector<1x1x16xf32>,
        %swap3A_603 = vector.shape_cast %swap3A_602 : vector<1x1x16xf32> to vector<16xf32>
        %swap3A_604 = vector.shape_cast %mul3A_597 : vector<16xf32> to vector<1x1x16xf32>
        tpu.vector_store %arg6[%swap3A_599, %swap3A_600, %swap3A_601], %swap3A_604 {strides = array<i32>} : memref<3x32x1024xf32, #tpu.memory_space<vmem>>, vector<1x1x16xf32>,
        %get3A_605 = arith.constant 0 : i32
        %get3A_606 = arith.index_cast %get3A_605 : i32 to index
        %get3A_607 = arith.index_cast %add3A_302 : i32 to index
        %get3A_608 = arith.constant 304 : index
        %get3A_609 = tpu.vector_load %arg6[%get3A_606, %get3A_607, %get3A_608] {strides = array<i32>} : memref<3x32x1024xf32, #tpu.memory_space<vmem>>, vector<1x1x16xf32>,
        %get3A_610 = vector.shape_cast %get3A_609 : vector<1x1x16xf32> to vector<16xf32>
        %mul3A_611 = arith.constant 3.200000e+01 : f32
        %mul3A_612 = vector.broadcast %mul3A_611 : f32 to vector<16xf32>
        %mul3A_613 = arith.mulf %get3A_610, %mul3A_612 : vector<16xf32>
        %swap3A_614 = arith.constant 0 : i32
        %swap3A_615 = arith.index_cast %swap3A_614 : i32 to index
        %swap3A_616 = arith.index_cast %add3A_302 : i32 to index
        %swap3A_617 = arith.constant 304 : index
        %swap3A_618 = tpu.vector_load %arg6[%swap3A_615, %swap3A_616, %swap3A_617] {strides = array<i32>} : memref<3x32x1024xf32, #tpu.memory_space<vmem>>, vector<1x1x16xf32>,
        %swap3A_619 = vector.shape_cast %swap3A_618 : vector<1x1x16xf32> to vector<16xf32>
        %swap3A_620 = vector.shape_cast %mul3A_613 : vector<16xf32> to vector<1x1x16xf32>
        tpu.vector_store %arg6[%swap3A_615, %swap3A_616, %swap3A_617], %swap3A_620 {strides = array<i32>} : memref<3x32x1024xf32, #tpu.memory_space<vmem>>, vector<1x1x16xf32>,
        %get3A_621 = arith.constant 0 : i32
        %get3A_622 = arith.index_cast %get3A_621 : i32 to index
        %get3A_623 = arith.index_cast %add3A_302 : i32 to index
        %get3A_624 = arith.constant 320 : index
        %get3A_625 = tpu.vector_load %arg6[%get3A_622, %get3A_623, %get3A_624] {strides = array<i32>} : memref<3x32x1024xf32, #tpu.memory_space<vmem>>, vector<1x1x16xf32>,
        %get3A_626 = vector.shape_cast %get3A_625 : vector<1x1x16xf32> to vector<16xf32>
        %mul3A_627 = arith.constant 3.200000e+01 : f32
        %mul3A_628 = vector.broadcast %mul3A_627 : f32 to vector<16xf32>
        %mul3A_629 = arith.mulf %get3A_626, %mul3A_628 : vector<16xf32>
        %swap3A_630 = arith.constant 0 : i32
        %swap3A_631 = arith.index_cast %swap3A_630 : i32 to index
        %swap3A_632 = arith.index_cast %add3A_302 : i32 to index
        %swap3A_633 = arith.constant 320 : index
        %swap3A_634 = tpu.vector_load %arg6[%swap3A_631, %swap3A_632, %swap3A_633] {strides = array<i32>} : memref<3x32x1024xf32, #tpu.memory_space<vmem>>, vector<1x1x16xf32>,
        %swap3A_635 = vector.shape_cast %swap3A_634 : vector<1x1x16xf32> to vector<16xf32>
        %swap3A_636 = vector.shape_cast %mul3A_629 : vector<16xf32> to vector<1x1x16xf32>
        tpu.vector_store %arg6[%swap3A_631, %swap3A_632, %swap3A_633], %swap3A_636 {strides = array<i32>} : memref<3x32x1024xf32, #tpu.memory_space<vmem>>, vector<1x1x16xf32>,
        %get3A_637 = arith.constant 0 : i32
        %get3A_638 = arith.index_cast %get3A_637 : i32 to index
        %get3A_639 = arith.index_cast %add3A_302 : i32 to index
        %get3A_640 = arith.constant 336 : index
        %get3A_641 = tpu.vector_load %arg6[%get3A_638, %get3A_639, %get3A_640] {strides = array<i32>} : memref<3x32x1024xf32, #tpu.memory_space<vmem>>, vector<1x1x16xf32>,
        %get3A_642 = vector.shape_cast %get3A_641 : vector<1x1x16xf32> to vector<16xf32>
        %mul3A_643 = arith.constant 3.200000e+01 : f32
        %mul3A_644 = vector.broadcast %mul3A_643 : f32 to vector<16xf32>
        %mul3A_645 = arith.mulf %get3A_642, %mul3A_644 : vector<16xf32>
        %swap3A_646 = arith.constant 0 : i32
        %swap3A_647 = arith.index_cast %swap3A_646 : i32 to index
        %swap3A_648 = arith.index_cast %add3A_302 : i32 to index
        %swap3A_649 = arith.constant 336 : index
        %swap3A_650 = tpu.vector_load %arg6[%swap3A_647, %swap3A_648, %swap3A_649] {strides = array<i32>} : memref<3x32x1024xf32, #tpu.memory_space<vmem>>, vector<1x1x16xf32>,
        %swap3A_651 = vector.shape_cast %swap3A_650 : vector<1x1x16xf32> to vector<16xf32>
        %swap3A_652 = vector.shape_cast %mul3A_645 : vector<16xf32> to vector<1x1x16xf32>
        tpu.vector_store %arg6[%swap3A_647, %swap3A_648, %swap3A_649], %swap3A_652 {strides = array<i32>} : memref<3x32x1024xf32, #tpu.memory_space<vmem>>, vector<1x1x16xf32>,
        %get3A_653 = arith.constant 0 : i32
        %get3A_654 = arith.index_cast %get3A_653 : i32 to index
        %get3A_655 = arith.index_cast %add3A_302 : i32 to index
        %get3A_656 = arith.constant 352 : index
        %get3A_657 = tpu.vector_load %arg6[%get3A_654, %get3A_655, %get3A_656] {strides = array<i32>} : memref<3x32x1024xf32, #tpu.memory_space<vmem>>, vector<1x1x16xf32>,
        %get3A_658 = vector.shape_cast %get3A_657 : vector<1x1x16xf32> to vector<16xf32>
        %mul3A_659 = arith.constant 3.200000e+01 : f32
        %mul3A_660 = vector.broadcast %mul3A_659 : f32 to vector<16xf32>
        %mul3A_661 = arith.mulf %get3A_658, %mul3A_660 : vector<16xf32>
        %swap3A_662 = arith.constant 0 : i32
        %swap3A_663 = arith.index_cast %swap3A_662 : i32 to index
        %swap3A_664 = arith.index_cast %add3A_302 : i32 to index
        %swap3A_665 = arith.constant 352 : index
        %swap3A_666 = tpu.vector_load %arg6[%swap3A_663, %swap3A_664, %swap3A_665] {strides = array<i32>} : memref<3x32x1024xf32, #tpu.memory_space<vmem>>, vector<1x1x16xf32>,
        %swap3A_667 = vector.shape_cast %swap3A_666 : vector<1x1x16xf32> to vector<16xf32>
        %swap3A_668 = vector.shape_cast %mul3A_661 : vector<16xf32> to vector<1x1x16xf32>
        tpu.vector_store %arg6[%swap3A_663, %swap3A_664, %swap3A_665], %swap3A_668 {strides = array<i32>} : memref<3x32x1024xf32, #tpu.memory_space<vmem>>, vector<1x1x16xf32>,
        %get3A_669 = arith.constant 0 : i32
        %get3A_670 = arith.index_cast %get3A_669 : i32 to index
        %get3A_671 = arith.index_cast %add3A_302 : i32 to index
        %get3A_672 = arith.constant 368 : index
        %get3A_673 = tpu.vector_load %arg6[%get3A_670, %get3A_671, %get3A_672] {strides = array<i32>} : memref<3x32x1024xf32, #tpu.memory_space<vmem>>, vector<1x1x16xf32>,
        %get3A_674 = vector.shape_cast %get3A_673 : vector<1x1x16xf32> to vector<16xf32>
        %mul3A_675 = arith.constant 3.200000e+01 : f32
        %mul3A_676 = vector.broadcast %mul3A_675 : f32 to vector<16xf32>
        %mul3A_677 = arith.mulf %get3A_674, %mul3A_676 : vector<16xf32>
        %swap3A_678 = arith.constant 0 : i32
        %swap3A_679 = arith.index_cast %swap3A_678 : i32 to index
        %swap3A_680 = arith.index_cast %add3A_302 : i32 to index
        %swap3A_681 = arith.constant 368 : index
        %swap3A_682 = tpu.vector_load %arg6[%swap3A_679, %swap3A_680, %swap3A_681] {strides = array<i32>} : memref<3x32x1024xf32, #tpu.memory_space<vmem>>, vector<1x1x16xf32>,
        %swap3A_683 = vector.shape_cast %swap3A_682 : vector<1x1x16xf32> to vector<16xf32>
        %swap3A_684 = vector.shape_cast %mul3A_677 : vector<16xf32> to vector<1x1x16xf32>
        tpu.vector_store %arg6[%swap3A_679, %swap3A_680, %swap3A_681], %swap3A_684 {strides = array<i32>} : memref<3x32x1024xf32, #tpu.memory_space<vmem>>, vector<1x1x16xf32>,
        %get3A_685 = arith.constant 0 : i32
        %get3A_686 = arith.index_cast %get3A_685 : i32 to index
        %get3A_687 = arith.index_cast %add3A_302 : i32 to index
        %get3A_688 = arith.constant 384 : index
        %get3A_689 = tpu.vector_load %arg6[%get3A_686, %get3A_687, %get3A_688] {strides = array<i32>} : memref<3x32x1024xf32, #tpu.memory_space<vmem>>, vector<1x1x16xf32>,
        %get3A_690 = vector.shape_cast %get3A_689 : vector<1x1x16xf32> to vector<16xf32>
        %mul3A_691 = arith.constant 3.200000e+01 : f32
        %mul3A_692 = vector.broadcast %mul3A_691 : f32 to vector<16xf32>
        %mul3A_693 = arith.mulf %get3A_690, %mul3A_692 : vector<16xf32>
        %swap3A_694 = arith.constant 0 : i32
        %swap3A_695 = arith.index_cast %swap3A_694 : i32 to index
        %swap3A_696 = arith.index_cast %add3A_302 : i32 to index
        %swap3A_697 = arith.constant 384 : index
        %swap3A_698 = tpu.vector_load %arg6[%swap3A_695, %swap3A_696, %swap3A_697] {strides = array<i32>} : memref<3x32x1024xf32, #tpu.memory_space<vmem>>, vector<1x1x16xf32>,
        %swap3A_699 = vector.shape_cast %swap3A_698 : vector<1x1x16xf32> to vector<16xf32>
        %swap3A_700 = vector.shape_cast %mul3A_693 : vector<16xf32> to vector<1x1x16xf32>
        tpu.vector_store %arg6[%swap3A_695, %swap3A_696, %swap3A_697], %swap3A_700 {strides = array<i32>} : memref<3x32x1024xf32, #tpu.memory_space<vmem>>, vector<1x1x16xf32>,
        %get3A_701 = arith.constant 0 : i32
        %get3A_702 = arith.index_cast %get3A_701 : i32 to index
        %get3A_703 = arith.index_cast %add3A_302 : i32 to index
        %get3A_704 = arith.constant 400 : index
        %get3A_705 = tpu.vector_load %arg6[%get3A_702, %get3A_703, %get3A_704] {strides = array<i32>} : memref<3x32x1024xf32, #tpu.memory_space<vmem>>, vector<1x1x16xf32>,
        %get3A_706 = vector.shape_cast %get3A_705 : vector<1x1x16xf32> to vector<16xf32>
        %mul3A_707 = arith.constant 3.200000e+01 : f32
        %mul3A_708 = vector.broadcast %mul3A_707 : f32 to vector<16xf32>
        %mul3A_709 = arith.mulf %get3A_706, %mul3A_708 : vector<16xf32>
        %swap3A_710 = arith.constant 0 : i32
        %swap3A_711 = arith.index_cast %swap3A_710 : i32 to index
        %swap3A_712 = arith.index_cast %add3A_302 : i32 to index
        %swap3A_713 = arith.constant 400 : index
        %swap3A_714 = tpu.vector_load %arg6[%swap3A_711, %swap3A_712, %swap3A_713] {strides = array<i32>} : memref<3x32x1024xf32, #tpu.memory_space<vmem>>, vector<1x1x16xf32>,
        %swap3A_715 = vector.shape_cast %swap3A_714 : vector<1x1x16xf32> to vector<16xf32>
        %swap3A_716 = vector.shape_cast %mul3A_709 : vector<16xf32> to vector<1x1x16xf32>
        tpu.vector_store %arg6[%swap3A_711, %swap3A_712, %swap3A_713], %swap3A_716 {strides = array<i32>} : memref<3x32x1024xf32, #tpu.memory_space<vmem>>, vector<1x1x16xf32>,
        %get3A_717 = arith.constant 0 : i32
        %get3A_718 = arith.index_cast %get3A_717 : i32 to index
        %get3A_719 = arith.index_cast %add3A_302 : i32 to index
        %get3A_720 = arith.constant 416 : index
        %get3A_721 = tpu.vector_load %arg6[%get3A_718, %get3A_719, %get3A_720] {strides = array<i32>} : memref<3x32x1024xf32, #tpu.memory_space<vmem>>, vector<1x1x16xf32>,
        %get3A_722 = vector.shape_cast %get3A_721 : vector<1x1x16xf32> to vector<16xf32>
        %mul3A_723 = arith.constant 3.200000e+01 : f32
        %mul3A_724 = vector.broadcast %mul3A_723 : f32 to vector<16xf32>
        %mul3A_725 = arith.mulf %get3A_722, %mul3A_724 : vector<16xf32>
        %swap3A_726 = arith.constant 0 : i32
        %swap3A_727 = arith.index_cast %swap3A_726 : i32 to index
        %swap3A_728 = arith.index_cast %add3A_302 : i32 to index
        %swap3A_729 = arith.constant 416 : index
        %swap3A_730 = tpu.vector_load %arg6[%swap3A_727, %swap3A_728, %swap3A_729] {strides = array<i32>} : memref<3x32x1024xf32, #tpu.memory_space<vmem>>, vector<1x1x16xf32>,
        %swap3A_731 = vector.shape_cast %swap3A_730 : vector<1x1x16xf32> to vector<16xf32>
        %swap3A_732 = vector.shape_cast %mul3A_725 : vector<16xf32> to vector<1x1x16xf32>
        tpu.vector_store %arg6[%swap3A_727, %swap3A_728, %swap3A_729], %swap3A_732 {strides = array<i32>} : memref<3x32x1024xf32, #tpu.memory_space<vmem>>, vector<1x1x16xf32>,
        %get3A_733 = arith.constant 0 : i32
        %get3A_734 = arith.index_cast %get3A_733 : i32 to index
        %get3A_735 = arith.index_cast %add3A_302 : i32 to index
        %get3A_736 = arith.constant 432 : index
        %get3A_737 = tpu.vector_load %arg6[%get3A_734, %get3A_735, %get3A_736] {strides = array<i32>} : memref<3x32x1024xf32, #tpu.memory_space<vmem>>, vector<1x1x16xf32>,
        %get3A_738 = vector.shape_cast %get3A_737 : vector<1x1x16xf32> to vector<16xf32>
        %mul3A_739 = arith.constant 3.200000e+01 : f32
        %mul3A_740 = vector.broadcast %mul3A_739 : f32 to vector<16xf32>
        %mul3A_741 = arith.mulf %get3A_738, %mul3A_740 : vector<16xf32>
        %swap3A_742 = arith.constant 0 : i32
        %swap3A_743 = arith.index_cast %swap3A_742 : i32 to index
        %swap3A_744 = arith.index_cast %add3A_302 : i32 to index
        %swap3A_745 = arith.constant 432 : index
        %swap3A_746 = tpu.vector_load %arg6[%swap3A_743, %swap3A_744, %swap3A_745] {strides = array<i32>} : memref<3x32x1024xf32, #tpu.memory_space<vmem>>, vector<1x1x16xf32>,
        %swap3A_747 = vector.shape_cast %swap3A_746 : vector<1x1x16xf32> to vector<16xf32>
        %swap3A_748 = vector.shape_cast %mul3A_741 : vector<16xf32> to vector<1x1x16xf32>
        tpu.vector_store %arg6[%swap3A_743, %swap3A_744, %swap3A_745], %swap3A_748 {strides = array<i32>} : memref<3x32x1024xf32, #tpu.memory_space<vmem>>, vector<1x1x16xf32>,
        %get3A_749 = arith.constant 0 : i32
        %get3A_750 = arith.index_cast %get3A_749 : i32 to index
        %get3A_751 = arith.index_cast %add3A_302 : i32 to index
        %get3A_752 = arith.constant 448 : index
        %get3A_753 = tpu.vector_load %arg6[%get3A_750, %get3A_751, %get3A_752] {strides = array<i32>} : memref<3x32x1024xf32, #tpu.memory_space<vmem>>, vector<1x1x16xf32>,
        %get3A_754 = vector.shape_cast %get3A_753 : vector<1x1x16xf32> to vector<16xf32>
        %mul3A_755 = arith.constant 3.200000e+01 : f32
        %mul3A_756 = vector.broadcast %mul3A_755 : f32 to vector<16xf32>
        %mul3A_757 = arith.mulf %get3A_754, %mul3A_756 : vector<16xf32>
        %swap3A_758 = arith.constant 0 : i32
        %swap3A_759 = arith.index_cast %swap3A_758 : i32 to index
        %swap3A_760 = arith.index_cast %add3A_302 : i32 to index
        %swap3A_761 = arith.constant 448 : index
        %swap3A_762 = tpu.vector_load %arg6[%swap3A_759, %swap3A_760, %swap3A_761] {strides = array<i32>} : memref<3x32x1024xf32, #tpu.memory_space<vmem>>, vector<1x1x16xf32>,
        %swap3A_763 = vector.shape_cast %swap3A_762 : vector<1x1x16xf32> to vector<16xf32>
        %swap3A_764 = vector.shape_cast %mul3A_757 : vector<16xf32> to vector<1x1x16xf32>
        tpu.vector_store %arg6[%swap3A_759, %swap3A_760, %swap3A_761], %swap3A_764 {strides = array<i32>} : memref<3x32x1024xf32, #tpu.memory_space<vmem>>, vector<1x1x16xf32>,
        %get3A_765 = arith.constant 0 : i32
        %get3A_766 = arith.index_cast %get3A_765 : i32 to index
        %get3A_767 = arith.index_cast %add3A_302 : i32 to index
        %get3A_768 = arith.constant 464 : index
        %get3A_769 = tpu.vector_load %arg6[%get3A_766, %get3A_767, %get3A_768] {strides = array<i32>} : memref<3x32x1024xf32, #tpu.memory_space<vmem>>, vector<1x1x16xf32>,
        %get3A_770 = vector.shape_cast %get3A_769 : vector<1x1x16xf32> to vector<16xf32>
        %mul3A_771 = arith.constant 3.200000e+01 : f32
        %mul3A_772 = vector.broadcast %mul3A_771 : f32 to vector<16xf32>
        %mul3A_773 = arith.mulf %get3A_770, %mul3A_772 : vector<16xf32>
        %swap3A_774 = arith.constant 0 : i32
        %swap3A_775 = arith.index_cast %swap3A_774 : i32 to index
        %swap3A_776 = arith.index_cast %add3A_302 : i32 to index
        %swap3A_777 = arith.constant 464 : index
        %swap3A_778 = tpu.vector_load %arg6[%swap3A_775, %swap3A_776, %swap3A_777] {strides = array<i32>} : memref<3x32x1024xf32, #tpu.memory_space<vmem>>, vector<1x1x16xf32>,
        %swap3A_779 = vector.shape_cast %swap3A_778 : vector<1x1x16xf32> to vector<16xf32>
        %swap3A_780 = vector.shape_cast %mul3A_773 : vector<16xf32> to vector<1x1x16xf32>
        tpu.vector_store %arg6[%swap3A_775, %swap3A_776, %swap3A_777], %swap3A_780 {strides = array<i32>} : memref<3x32x1024xf32, #tpu.memory_space<vmem>>, vector<1x1x16xf32>,
        %get3A_781 = arith.constant 0 : i32
        %get3A_782 = arith.index_cast %get3A_781 : i32 to index
        %get3A_783 = arith.index_cast %add3A_302 : i32 to index
        %get3A_784 = arith.constant 480 : index
        %get3A_785 = tpu.vector_load %arg6[%get3A_782, %get3A_783, %get3A_784] {strides = array<i32>} : memref<3x32x1024xf32, #tpu.memory_space<vmem>>, vector<1x1x16xf32>,
        %get3A_786 = vector.shape_cast %get3A_785 : vector<1x1x16xf32> to vector<16xf32>
        %mul3A_787 = arith.constant 3.200000e+01 : f32
        %mul3A_788 = vector.broadcast %mul3A_787 : f32 to vector<16xf32>
        %mul3A_789 = arith.mulf %get3A_786, %mul3A_788 : vector<16xf32>
        %swap3A_790 = arith.constant 0 : i32
        %swap3A_791 = arith.index_cast %swap3A_790 : i32 to index
        %swap3A_792 = arith.index_cast %add3A_302 : i32 to index
        %swap3A_793 = arith.constant 480 : index
        %swap3A_794 = tpu.vector_load %arg6[%swap3A_791, %swap3A_792, %swap3A_793] {strides = array<i32>} : memref<3x32x1024xf32, #tpu.memory_space<vmem>>, vector<1x1x16xf32>,
        %swap3A_795 = vector.shape_cast %swap3A_794 : vector<1x1x16xf32> to vector<16xf32>
        %swap3A_796 = vector.shape_cast %mul3A_789 : vector<16xf32> to vector<1x1x16xf32>
        tpu.vector_store %arg6[%swap3A_791, %swap3A_792, %swap3A_793], %swap3A_796 {strides = array<i32>} : memref<3x32x1024xf32, #tpu.memory_space<vmem>>, vector<1x1x16xf32>,
        %get3A_797 = arith.constant 0 : i32
        %get3A_798 = arith.index_cast %get3A_797 : i32 to index
        %get3A_799 = arith.index_cast %add3A_302 : i32 to index
        %get3A_800 = arith.constant 496 : index
        %get3A_801 = tpu.vector_load %arg6[%get3A_798, %get3A_799, %get3A_800] {strides = array<i32>} : memref<3x32x1024xf32, #tpu.memory_space<vmem>>, vector<1x1x16xf32>,
        %get3A_802 = vector.shape_cast %get3A_801 : vector<1x1x16xf32> to vector<16xf32>
        %mul3A_803 = arith.constant 3.200000e+01 : f32
        %mul3A_804 = vector.broadcast %mul3A_803 : f32 to vector<16xf32>
        %mul3A_805 = arith.mulf %get3A_802, %mul3A_804 : vector<16xf32>
        %swap3A_806 = arith.constant 0 : i32
        %swap3A_807 = arith.index_cast %swap3A_806 : i32 to index
        %swap3A_808 = arith.index_cast %add3A_302 : i32 to index
        %swap3A_809 = arith.constant 496 : index
        %swap3A_810 = tpu.vector_load %arg6[%swap3A_807, %swap3A_808, %swap3A_809] {strides = array<i32>} : memref<3x32x1024xf32, #tpu.memory_space<vmem>>, vector<1x1x16xf32>,
        %swap3A_811 = vector.shape_cast %swap3A_810 : vector<1x1x16xf32> to vector<16xf32>
        %swap3A_812 = vector.shape_cast %mul3A_805 : vector<16xf32> to vector<1x1x16xf32>
        tpu.vector_store %arg6[%swap3A_807, %swap3A_808, %swap3A_809], %swap3A_812 {strides = array<i32>} : memref<3x32x1024xf32, #tpu.memory_space<vmem>>, vector<1x1x16xf32>,
        %get3A_813 = arith.constant 0 : i32
        %get3A_814 = arith.index_cast %get3A_813 : i32 to index
        %get3A_815 = arith.index_cast %add3A_302 : i32 to index
        %get3A_816 = arith.constant 512 : index
        %get3A_817 = tpu.vector_load %arg6[%get3A_814, %get3A_815, %get3A_816] {strides = array<i32>} : memref<3x32x1024xf32, #tpu.memory_space<vmem>>, vector<1x1x16xf32>,
        %get3A_818 = vector.shape_cast %get3A_817 : vector<1x1x16xf32> to vector<16xf32>
        %mul3A_819 = arith.constant 3.200000e+01 : f32
        %mul3A_820 = vector.broadcast %mul3A_819 : f32 to vector<16xf32>
        %mul3A_821 = arith.mulf %get3A_818, %mul3A_820 : vector<16xf32>
        %swap3A_822 = arith.constant 0 : i32
        %swap3A_823 = arith.index_cast %swap3A_822 : i32 to index
        %swap3A_824 = arith.index_cast %add3A_302 : i32 to index
        %swap3A_825 = arith.constant 512 : index
        %swap3A_826 = tpu.vector_load %arg6[%swap3A_823, %swap3A_824, %swap3A_825] {strides = array<i32>} : memref<3x32x1024xf32, #tpu.memory_space<vmem>>, vector<1x1x16xf32>,
        %swap3A_827 = vector.shape_cast %swap3A_826 : vector<1x1x16xf32> to vector<16xf32>
        %swap3A_828 = vector.shape_cast %mul3A_821 : vector<16xf32> to vector<1x1x16xf32>
        tpu.vector_store %arg6[%swap3A_823, %swap3A_824, %swap3A_825], %swap3A_828 {strides = array<i32>} : memref<3x32x1024xf32, #tpu.memory_space<vmem>>, vector<1x1x16xf32>,
        %get3A_829 = arith.constant 0 : i32
        %get3A_830 = arith.index_cast %get3A_829 : i32 to index
        %get3A_831 = arith.index_cast %add3A_302 : i32 to index
        %get3A_832 = arith.constant 528 : index
        %get3A_833 = tpu.vector_load %arg6[%get3A_830, %get3A_831, %get3A_832] {strides = array<i32>} : memref<3x32x1024xf32, #tpu.memory_space<vmem>>, vector<1x1x16xf32>,
        %get3A_834 = vector.shape_cast %get3A_833 : vector<1x1x16xf32> to vector<16xf32>
        %mul3A_835 = arith.constant 3.200000e+01 : f32
        %mul3A_836 = vector.broadcast %mul3A_835 : f32 to vector<16xf32>
        %mul3A_837 = arith.mulf %get3A_834, %mul3A_836 : vector<16xf32>
        %swap3A_838 = arith.constant 0 : i32
        %swap3A_839 = arith.index_cast %swap3A_838 : i32 to index
        %swap3A_840 = arith.index_cast %add3A_302 : i32 to index
        %swap3A_841 = arith.constant 528 : index
        %swap3A_842 = tpu.vector_load %arg6[%swap3A_839, %swap3A_840, %swap3A_841] {strides = array<i32>} : memref<3x32x1024xf32, #tpu.memory_space<vmem>>, vector<1x1x16xf32>,
        %swap3A_843 = vector.shape_cast %swap3A_842 : vector<1x1x16xf32> to vector<16xf32>
        %swap3A_844 = vector.shape_cast %mul3A_837 : vector<16xf32> to vector<1x1x16xf32>
        tpu.vector_store %arg6[%swap3A_839, %swap3A_840, %swap3A_841], %swap3A_844 {strides = array<i32>} : memref<3x32x1024xf32, #tpu.memory_space<vmem>>, vector<1x1x16xf32>,
        %get3A_845 = arith.constant 0 : i32
        %get3A_846 = arith.index_cast %get3A_845 : i32 to index
        %get3A_847 = arith.index_cast %add3A_302 : i32 to index
        %get3A_848 = arith.constant 544 : index
        %get3A_849 = tpu.vector_load %arg6[%get3A_846, %get3A_847, %get3A_848] {strides = array<i32>} : memref<3x32x1024xf32, #tpu.memory_space<vmem>>, vector<1x1x16xf32>,
        %get3A_850 = vector.shape_cast %get3A_849 : vector<1x1x16xf32> to vector<16xf32>
        %mul3A_851 = arith.constant 3.200000e+01 : f32
        %mul3A_852 = vector.broadcast %mul3A_851 : f32 to vector<16xf32>
        %mul3A_853 = arith.mulf %get3A_850, %mul3A_852 : vector<16xf32>
        %swap3A_854 = arith.constant 0 : i32
        %swap3A_855 = arith.index_cast %swap3A_854 : i32 to index
        %swap3A_856 = arith.index_cast %add3A_302 : i32 to index
        %swap3A_857 = arith.constant 544 : index
        %swap3A_858 = tpu.vector_load %arg6[%swap3A_855, %swap3A_856, %swap3A_857] {strides = array<i32>} : memref<3x32x1024xf32, #tpu.memory_space<vmem>>, vector<1x1x16xf32>,
        %swap3A_859 = vector.shape_cast %swap3A_858 : vector<1x1x16xf32> to vector<16xf32>
        %swap3A_860 = vector.shape_cast %mul3A_853 : vector<16xf32> to vector<1x1x16xf32>
        tpu.vector_store %arg6[%swap3A_855, %swap3A_856, %swap3A_857], %swap3A_860 {strides = array<i32>} : memref<3x32x1024xf32, #tpu.memory_space<vmem>>, vector<1x1x16xf32>,
        %get3A_861 = arith.constant 0 : i32
        %get3A_862 = arith.index_cast %get3A_861 : i32 to index
        %get3A_863 = arith.index_cast %add3A_302 : i32 to index
        %get3A_864 = arith.constant 560 : index
        %get3A_865 = tpu.vector_load %arg6[%get3A_862, %get3A_863, %get3A_864] {strides = array<i32>} : memref<3x32x1024xf32, #tpu.memory_space<vmem>>, vector<1x1x16xf32>,
        %get3A_866 = vector.shape_cast %get3A_865 : vector<1x1x16xf32> to vector<16xf32>
        %mul3A_867 = arith.constant 3.200000e+01 : f32
        %mul3A_868 = vector.broadcast %mul3A_867 : f32 to vector<16xf32>
        %mul3A_869 = arith.mulf %get3A_866, %mul3A_868 : vector<16xf32>
        %swap3A_870 = arith.constant 0 : i32
        %swap3A_871 = arith.index_cast %swap3A_870 : i32 to index
        %swap3A_872 = arith.index_cast %add3A_302 : i32 to index
        %swap3A_873 = arith.constant 560 : index
        %swap3A_874 = tpu.vector_load %arg6[%swap3A_871, %swap3A_872, %swap3A_873] {strides = array<i32>} : memref<3x32x1024xf32, #tpu.memory_space<vmem>>, vector<1x1x16xf32>,
        %swap3A_875 = vector.shape_cast %swap3A_874 : vector<1x1x16xf32> to vector<16xf32>
        %swap3A_876 = vector.shape_cast %mul3A_869 : vector<16xf32> to vector<1x1x16xf32>
        tpu.vector_store %arg6[%swap3A_871, %swap3A_872, %swap3A_873], %swap3A_876 {strides = array<i32>} : memref<3x32x1024xf32, #tpu.memory_space<vmem>>, vector<1x1x16xf32>,
        %get3A_877 = arith.constant 0 : i32
        %get3A_878 = arith.index_cast %get3A_877 : i32 to index
        %get3A_879 = arith.index_cast %add3A_302 : i32 to index
        %get3A_880 = arith.constant 576 : index
        %get3A_881 = tpu.vector_load %arg6[%get3A_878, %get3A_879, %get3A_880] {strides = array<i32>} : memref<3x32x1024xf32, #tpu.memory_space<vmem>>, vector<1x1x16xf32>,
        %get3A_882 = vector.shape_cast %get3A_881 : vector<1x1x16xf32> to vector<16xf32>
        %mul3A_883 = arith.constant 3.200000e+01 : f32
        %mul3A_884 = vector.broadcast %mul3A_883 : f32 to vector<16xf32>
        %mul3A_885 = arith.mulf %get3A_882, %mul3A_884 : vector<16xf32>
        %swap3A_886 = arith.constant 0 : i32
        %swap3A_887 = arith.index_cast %swap3A_886 : i32 to index
        %swap3A_888 = arith.index_cast %add3A_302 : i32 to index
        %swap3A_889 = arith.constant 576 : index
        %swap3A_890 = tpu.vector_load %arg6[%swap3A_887, %swap3A_888, %swap3A_889] {strides = array<i32>} : memref<3x32x1024xf32, #tpu.memory_space<vmem>>, vector<1x1x16xf32>,
        %swap3A_891 = vector.shape_cast %swap3A_890 : vector<1x1x16xf32> to vector<16xf32>
        %swap3A_892 = vector.shape_cast %mul3A_885 : vector<16xf32> to vector<1x1x16xf32>
        tpu.vector_store %arg6[%swap3A_887, %swap3A_888, %swap3A_889], %swap3A_892 {strides = array<i32>} : memref<3x32x1024xf32, #tpu.memory_space<vmem>>, vector<1x1x16xf32>,
        %get3A_893 = arith.constant 0 : i32
        %get3A_894 = arith.index_cast %get3A_893 : i32 to index
        %get3A_895 = arith.index_cast %add3A_302 : i32 to index
        %get3A_896 = arith.constant 592 : index
        %get3A_897 = tpu.vector_load %arg6[%get3A_894, %get3A_895, %get3A_896] {strides = array<i32>} : memref<3x32x1024xf32, #tpu.memory_space<vmem>>, vector<1x1x16xf32>,
        %get3A_898 = vector.shape_cast %get3A_897 : vector<1x1x16xf32> to vector<16xf32>
        %mul3A_899 = arith.constant 3.200000e+01 : f32
        %mul3A_900 = vector.broadcast %mul3A_899 : f32 to vector<16xf32>
        %mul3A_901 = arith.mulf %get3A_898, %mul3A_900 : vector<16xf32>
        %swap3A_902 = arith.constant 0 : i32
        %swap3A_903 = arith.index_cast %swap3A_902 : i32 to index
        %swap3A_904 = arith.index_cast %add3A_302 : i32 to index
        %swap3A_905 = arith.constant 592 : index
        %swap3A_906 = tpu.vector_load %arg6[%swap3A_903, %swap3A_904, %swap3A_905] {strides = array<i32>} : memref<3x32x1024xf32, #tpu.memory_space<vmem>>, vector<1x1x16xf32>,
        %swap3A_907 = vector.shape_cast %swap3A_906 : vector<1x1x16xf32> to vector<16xf32>
        %swap3A_908 = vector.shape_cast %mul3A_901 : vector<16xf32> to vector<1x1x16xf32>
        tpu.vector_store %arg6[%swap3A_903, %swap3A_904, %swap3A_905], %swap3A_908 {strides = array<i32>} : memref<3x32x1024xf32, #tpu.memory_space<vmem>>, vector<1x1x16xf32>,
        %get3A_909 = arith.constant 0 : i32
        %get3A_910 = arith.index_cast %get3A_909 : i32 to index
        %get3A_911 = arith.index_cast %add3A_302 : i32 to index
        %get3A_912 = arith.constant 608 : index
        %get3A_913 = tpu.vector_load %arg6[%get3A_910, %get3A_911, %get3A_912] {strides = array<i32>} : memref<3x32x1024xf32, #tpu.memory_space<vmem>>, vector<1x1x16xf32>,
        %get3A_914 = vector.shape_cast %get3A_913 : vector<1x1x16xf32> to vector<16xf32>
        %mul3A_915 = arith.constant 3.200000e+01 : f32
        %mul3A_916 = vector.broadcast %mul3A_915 : f32 to vector<16xf32>
        %mul3A_917 = arith.mulf %get3A_914, %mul3A_916 : vector<16xf32>
        %swap3A_918 = arith.constant 0 : i32
        %swap3A_919 = arith.index_cast %swap3A_918 : i32 to index
        %swap3A_920 = arith.index_cast %add3A_302 : i32 to index
        %swap3A_921 = arith.constant 608 : index
        %swap3A_922 = tpu.vector_load %arg6[%swap3A_919, %swap3A_920, %swap3A_921] {strides = array<i32>} : memref<3x32x1024xf32, #tpu.memory_space<vmem>>, vector<1x1x16xf32>,
        %swap3A_923 = vector.shape_cast %swap3A_922 : vector<1x1x16xf32> to vector<16xf32>
        %swap3A_924 = vector.shape_cast %mul3A_917 : vector<16xf32> to vector<1x1x16xf32>
        tpu.vector_store %arg6[%swap3A_919, %swap3A_920, %swap3A_921], %swap3A_924 {strides = array<i32>} : memref<3x32x1024xf32, #tpu.memory_space<vmem>>, vector<1x1x16xf32>,
        %get3A_925 = arith.constant 0 : i32
        %get3A_926 = arith.index_cast %get3A_925 : i32 to index
        %get3A_927 = arith.index_cast %add3A_302 : i32 to index
        %get3A_928 = arith.constant 624 : index
        %get3A_929 = tpu.vector_load %arg6[%get3A_926, %get3A_927, %get3A_928] {strides = array<i32>} : memref<3x32x1024xf32, #tpu.memory_space<vmem>>, vector<1x1x16xf32>,
        %get3A_930 = vector.shape_cast %get3A_929 : vector<1x1x16xf32> to vector<16xf32>
        %mul3A_931 = arith.constant 3.200000e+01 : f32
        %mul3A_932 = vector.broadcast %mul3A_931 : f32 to vector<16xf32>
        %mul3A_933 = arith.mulf %get3A_930, %mul3A_932 : vector<16xf32>
        %swap3A_934 = arith.constant 0 : i32
        %swap3A_935 = arith.index_cast %swap3A_934 : i32 to index
        %swap3A_936 = arith.index_cast %add3A_302 : i32 to index
        %swap3A_937 = arith.constant 624 : index
        %swap3A_938 = tpu.vector_load %arg6[%swap3A_935, %swap3A_936, %swap3A_937] {strides = array<i32>} : memref<3x32x1024xf32, #tpu.memory_space<vmem>>, vector<1x1x16xf32>,
        %swap3A_939 = vector.shape_cast %swap3A_938 : vector<1x1x16xf32> to vector<16xf32>
        %swap3A_940 = vector.shape_cast %mul3A_933 : vector<16xf32> to vector<1x1x16xf32>
        tpu.vector_store %arg6[%swap3A_935, %swap3A_936, %swap3A_937], %swap3A_940 {strides = array<i32>} : memref<3x32x1024xf32, #tpu.memory_space<vmem>>, vector<1x1x16xf32>,
        %get3A_941 = arith.constant 0 : i32
        %get3A_942 = arith.index_cast %get3A_941 : i32 to index
        %get3A_943 = arith.index_cast %add3A_302 : i32 to index
        %get3A_944 = arith.constant 640 : index
        %get3A_945 = tpu.vector_load %arg6[%get3A_942, %get3A_943, %get3A_944] {strides = array<i32>} : memref<3x32x1024xf32, #tpu.memory_space<vmem>>, vector<1x1x16xf32>,
        %get3A_946 = vector.shape_cast %get3A_945 : vector<1x1x16xf32> to vector<16xf32>
        %mul3A_947 = arith.constant 3.200000e+01 : f32
        %mul3A_948 = vector.broadcast %mul3A_947 : f32 to vector<16xf32>
        %mul3A_949 = arith.mulf %get3A_946, %mul3A_948 : vector<16xf32>
        %swap3A_950 = arith.constant 0 : i32
        %swap3A_951 = arith.index_cast %swap3A_950 : i32 to index
        %swap3A_952 = arith.index_cast %add3A_302 : i32 to index
        %swap3A_953 = arith.constant 640 : index
        %swap3A_954 = tpu.vector_load %arg6[%swap3A_951, %swap3A_952, %swap3A_953] {strides = array<i32>} : memref<3x32x1024xf32, #tpu.memory_space<vmem>>, vector<1x1x16xf32>,
        %swap3A_955 = vector.shape_cast %swap3A_954 : vector<1x1x16xf32> to vector<16xf32>
        %swap3A_956 = vector.shape_cast %mul3A_949 : vector<16xf32> to vector<1x1x16xf32>
        tpu.vector_store %arg6[%swap3A_951, %swap3A_952, %swap3A_953], %swap3A_956 {strides = array<i32>} : memref<3x32x1024xf32, #tpu.memory_space<vmem>>, vector<1x1x16xf32>,
        %get3A_957 = arith.constant 0 : i32
        %get3A_958 = arith.index_cast %get3A_957 : i32 to index
        %get3A_959 = arith.index_cast %add3A_302 : i32 to index
        %get3A_960 = arith.constant 656 : index
        %get3A_961 = tpu.vector_load %arg6[%get3A_958, %get3A_959, %get3A_960] {strides = array<i32>} : memref<3x32x1024xf32, #tpu.memory_space<vmem>>, vector<1x1x16xf32>,
        %get3A_962 = vector.shape_cast %get3A_961 : vector<1x1x16xf32> to vector<16xf32>
        %mul3A_963 = arith.constant 3.200000e+01 : f32
        %mul3A_964 = vector.broadcast %mul3A_963 : f32 to vector<16xf32>
        %mul3A_965 = arith.mulf %get3A_962, %mul3A_964 : vector<16xf32>
        %swap3A_966 = arith.constant 0 : i32
        %swap3A_967 = arith.index_cast %swap3A_966 : i32 to index
        %swap3A_968 = arith.index_cast %add3A_302 : i32 to index
        %swap3A_969 = arith.constant 656 : index
        %swap3A_970 = tpu.vector_load %arg6[%swap3A_967, %swap3A_968, %swap3A_969] {strides = array<i32>} : memref<3x32x1024xf32, #tpu.memory_space<vmem>>, vector<1x1x16xf32>,
        %swap3A_971 = vector.shape_cast %swap3A_970 : vector<1x1x16xf32> to vector<16xf32>
        %swap3A_972 = vector.shape_cast %mul3A_965 : vector<16xf32> to vector<1x1x16xf32>
        tpu.vector_store %arg6[%swap3A_967, %swap3A_968, %swap3A_969], %swap3A_972 {strides = array<i32>} : memref<3x32x1024xf32, #tpu.memory_space<vmem>>, vector<1x1x16xf32>,
        %get3A_973 = arith.constant 0 : i32
        %get3A_974 = arith.index_cast %get3A_973 : i32 to index
        %get3A_975 = arith.index_cast %add3A_302 : i32 to index
        %get3A_976 = arith.constant 672 : index
        %get3A_977 = tpu.vector_load %arg6[%get3A_974, %get3A_975, %get3A_976] {strides = array<i32>} : memref<3x32x1024xf32, #tpu.memory_space<vmem>>, vector<1x1x16xf32>,
        %get3A_978 = vector.shape_cast %get3A_977 : vector<1x1x16xf32> to vector<16xf32>
        %mul3A_979 = arith.constant 3.200000e+01 : f32
        %mul3A_980 = vector.broadcast %mul3A_979 : f32 to vector<16xf32>
        %mul3A_981 = arith.mulf %get3A_978, %mul3A_980 : vector<16xf32>
        %swap3A_982 = arith.constant 0 : i32
        %swap3A_983 = arith.index_cast %swap3A_982 : i32 to index
        %swap3A_984 = arith.index_cast %add3A_302 : i32 to index
        %swap3A_985 = arith.constant 672 : index
        %swap3A_986 = tpu.vector_load %arg6[%swap3A_983, %swap3A_984, %swap3A_985] {strides = array<i32>} : memref<3x32x1024xf32, #tpu.memory_space<vmem>>, vector<1x1x16xf32>,
        %swap3A_987 = vector.shape_cast %swap3A_986 : vector<1x1x16xf32> to vector<16xf32>
        %swap3A_988 = vector.shape_cast %mul3A_981 : vector<16xf32> to vector<1x1x16xf32>
        tpu.vector_store %arg6[%swap3A_983, %swap3A_984, %swap3A_985], %swap3A_988 {strides = array<i32>} : memref<3x32x1024xf32, #tpu.memory_space<vmem>>, vector<1x1x16xf32>,
        %get3A_989 = arith.constant 0 : i32
        %get3A_990 = arith.index_cast %get3A_989 : i32 to index
        %get3A_991 = arith.index_cast %add3A_302 : i32 to index
        %get3A_992 = arith.constant 688 : index
        %get3A_993 = tpu.vector_load %arg6[%get3A_990, %get3A_991, %get3A_992] {strides = array<i32>} : memref<3x32x1024xf32, #tpu.memory_space<vmem>>, vector<1x1x16xf32>,
        %get3A_994 = vector.shape_cast %get3A_993 : vector<1x1x16xf32> to vector<16xf32>
        %mul3A_995 = arith.constant 3.200000e+01 : f32
        %mul3A_996 = vector.broadcast %mul3A_995 : f32 to vector<16xf32>
        %mul3A_997 = arith.mulf %get3A_994, %mul3A_996 : vector<16xf32>
        %swap3A_998 = arith.constant 0 : i32
        %swap3A_999 = arith.index_cast %swap3A_998 : i32 to index
        %swap3A_1000 = arith.index_cast %add3A_302 : i32 to index
        %swap3A_1001 = arith.constant 688 : index
        %swap3A_1002 = tpu.vector_load %arg6[%swap3A_999, %swap3A_1000, %swap3A_1001] {strides = array<i32>} : memref<3x32x1024xf32, #tpu.memory_space<vmem>>, vector<1x1x16xf32>,
        %swap3A_1003 = vector.shape_cast %swap3A_1002 : vector<1x1x16xf32> to vector<16xf32>
        %swap3A_1004 = vector.shape_cast %mul3A_997 : vector<16xf32> to vector<1x1x16xf32>
        tpu.vector_store %arg6[%swap3A_999, %swap3A_1000, %swap3A_1001], %swap3A_1004 {strides = array<i32>} : memref<3x32x1024xf32, #tpu.memory_space<vmem>>, vector<1x1x16xf32>,
        %get3A_1005 = arith.constant 0 : i32
        %get3A_1006 = arith.index_cast %get3A_1005 : i32 to index
        %get3A_1007 = arith.index_cast %add3A_302 : i32 to index
        %get3A_1008 = arith.constant 704 : index
        %get3A_1009 = tpu.vector_load %arg6[%get3A_1006, %get3A_1007, %get3A_1008] {strides = array<i32>} : memref<3x32x1024xf32, #tpu.memory_space<vmem>>, vector<1x1x16xf32>,
        %get3A_1010 = vector.shape_cast %get3A_1009 : vector<1x1x16xf32> to vector<16xf32>
        %mul3A_1011 = arith.constant 3.200000e+01 : f32
        %mul3A_1012 = vector.broadcast %mul3A_1011 : f32 to vector<16xf32>
        %mul3A_1013 = arith.mulf %get3A_1010, %mul3A_1012 : vector<16xf32>
        %swap3A_1014 = arith.constant 0 : i32
        %swap3A_1015 = arith.index_cast %swap3A_1014 : i32 to index
        %swap3A_1016 = arith.index_cast %add3A_302 : i32 to index
        %swap3A_1017 = arith.constant 704 : index
        %swap3A_1018 = tpu.vector_load %arg6[%swap3A_1015, %swap3A_1016, %swap3A_1017] {strides = array<i32>} : memref<3x32x1024xf32, #tpu.memory_space<vmem>>, vector<1x1x16xf32>,
        %swap3A_1019 = vector.shape_cast %swap3A_1018 : vector<1x1x16xf32> to vector<16xf32>
        %swap3A_1020 = vector.shape_cast %mul3A_1013 : vector<16xf32> to vector<1x1x16xf32>
        tpu.vector_store %arg6[%swap3A_1015, %swap3A_1016, %swap3A_1017], %swap3A_1020 {strides = array<i32>} : memref<3x32x1024xf32, #tpu.memory_space<vmem>>, vector<1x1x16xf32>,
        %get3A_1021 = arith.constant 0 : i32
        %get3A_1022 = arith.index_cast %get3A_1021 : i32 to index
        %get3A_1023 = arith.index_cast %add3A_302 : i32 to index
        %get3A_1024 = arith.constant 720 : index
        %get3A_1025 = tpu.vector_load %arg6[%get3A_1022, %get3A_1023, %get3A_1024] {strides = array<i32>} : memref<3x32x1024xf32, #tpu.memory_space<vmem>>, vector<1x1x16xf32>,
        %get3A_1026 = vector.shape_cast %get3A_1025 : vector<1x1x16xf32> to vector<16xf32>
        %mul3A_1027 = arith.constant 3.200000e+01 : f32
        %mul3A_1028 = vector.broadcast %mul3A_1027 : f32 to vector<16xf32>
        %mul3A_1029 = arith.mulf %get3A_1026, %mul3A_1028 : vector<16xf32>
        %swap3A_1030 = arith.constant 0 : i32
        %swap3A_1031 = arith.index_cast %swap3A_1030 : i32 to index
        %swap3A_1032 = arith.index_cast %add3A_302 : i32 to index
        %swap3A_1033 = arith.constant 720 : index
        %swap3A_1034 = tpu.vector_load %arg6[%swap3A_1031, %swap3A_1032, %swap3A_1033] {strides = array<i32>} : memref<3x32x1024xf32, #tpu.memory_space<vmem>>, vector<1x1x16xf32>,
        %swap3A_1035 = vector.shape_cast %swap3A_1034 : vector<1x1x16xf32> to vector<16xf32>
        %swap3A_1036 = vector.shape_cast %mul3A_1029 : vector<16xf32> to vector<1x1x16xf32>
        tpu.vector_store %arg6[%swap3A_1031, %swap3A_1032, %swap3A_1033], %swap3A_1036 {strides = array<i32>} : memref<3x32x1024xf32, #tpu.memory_space<vmem>>, vector<1x1x16xf32>,
        %get3A_1037 = arith.constant 0 : i32
        %get3A_1038 = arith.index_cast %get3A_1037 : i32 to index
        %get3A_1039 = arith.index_cast %add3A_302 : i32 to index
        %get3A_1040 = arith.constant 736 : index
        %get3A_1041 = tpu.vector_load %arg6[%get3A_1038, %get3A_1039, %get3A_1040] {strides = array<i32>} : memref<3x32x1024xf32, #tpu.memory_space<vmem>>, vector<1x1x16xf32>,
        %get3A_1042 = vector.shape_cast %get3A_1041 : vector<1x1x16xf32> to vector<16xf32>
        %mul3A_1043 = arith.constant 3.200000e+01 : f32
        %mul3A_1044 = vector.broadcast %mul3A_1043 : f32 to vector<16xf32>
        %mul3A_1045 = arith.mulf %get3A_1042, %mul3A_1044 : vector<16xf32>
        %swap3A_1046 = arith.constant 0 : i32
        %swap3A_1047 = arith.index_cast %swap3A_1046 : i32 to index
        %swap3A_1048 = arith.index_cast %add3A_302 : i32 to index
        %swap3A_1049 = arith.constant 736 : index
        %swap3A_1050 = tpu.vector_load %arg6[%swap3A_1047, %swap3A_1048, %swap3A_1049] {strides = array<i32>} : memref<3x32x1024xf32, #tpu.memory_space<vmem>>, vector<1x1x16xf32>,
        %swap3A_1051 = vector.shape_cast %swap3A_1050 : vector<1x1x16xf32> to vector<16xf32>
        %swap3A_1052 = vector.shape_cast %mul3A_1045 : vector<16xf32> to vector<1x1x16xf32>
        tpu.vector_store %arg6[%swap3A_1047, %swap3A_1048, %swap3A_1049], %swap3A_1052 {strides = array<i32>} : memref<3x32x1024xf32, #tpu.memory_space<vmem>>, vector<1x1x16xf32>,
        %get3A_1053 = arith.constant 0 : i32
        %get3A_1054 = arith.index_cast %get3A_1053 : i32 to index
        %get3A_1055 = arith.index_cast %add3A_302 : i32 to index
        %get3A_1056 = arith.constant 752 : index
        %get3A_1057 = tpu.vector_load %arg6[%get3A_1054, %get3A_1055, %get3A_1056] {strides = array<i32>} : memref<3x32x1024xf32, #tpu.memory_space<vmem>>, vector<1x1x16xf32>,
        %get3A_1058 = vector.shape_cast %get3A_1057 : vector<1x1x16xf32> to vector<16xf32>
        %mul3A_1059 = arith.constant 3.200000e+01 : f32
        %mul3A_1060 = vector.broadcast %mul3A_1059 : f32 to vector<16xf32>
        %mul3A_1061 = arith.mulf %get3A_1058, %mul3A_1060 : vector<16xf32>
        %swap3A_1062 = arith.constant 0 : i32
        %swap3A_1063 = arith.index_cast %swap3A_1062 : i32 to index
        %swap3A_1064 = arith.index_cast %add3A_302 : i32 to index
        %swap3A_1065 = arith.constant 752 : index
        %swap3A_1066 = tpu.vector_load %arg6[%swap3A_1063, %swap3A_1064, %swap3A_1065] {strides = array<i32>} : memref<3x32x1024xf32, #tpu.memory_space<vmem>>, vector<1x1x16xf32>,
        %swap3A_1067 = vector.shape_cast %swap3A_1066 : vector<1x1x16xf32> to vector<16xf32>
        %swap3A_1068 = vector.shape_cast %mul3A_1061 : vector<16xf32> to vector<1x1x16xf32>
        tpu.vector_store %arg6[%swap3A_1063, %swap3A_1064, %swap3A_1065], %swap3A_1068 {strides = array<i32>} : memref<3x32x1024xf32, #tpu.memory_space<vmem>>, vector<1x1x16xf32>,
        %get3A_1069 = arith.constant 0 : i32
        %get3A_1070 = arith.index_cast %get3A_1069 : i32 to index
        %get3A_1071 = arith.index_cast %add3A_302 : i32 to index
        %get3A_1072 = arith.constant 768 : index
        %get3A_1073 = tpu.vector_load %arg6[%get3A_1070, %get3A_1071, %get3A_1072] {strides = array<i32>} : memref<3x32x1024xf32, #tpu.memory_space<vmem>>, vector<1x1x16xf32>,
        %get3A_1074 = vector.shape_cast %get3A_1073 : vector<1x1x16xf32> to vector<16xf32>
        %mul3A_1075 = arith.constant 3.200000e+01 : f32
        %mul3A_1076 = vector.broadcast %mul3A_1075 : f32 to vector<16xf32>
        %mul3A_1077 = arith.mulf %get3A_1074, %mul3A_1076 : vector<16xf32>
        %swap3A_1078 = arith.constant 0 : i32
        %swap3A_1079 = arith.index_cast %swap3A_1078 : i32 to index
        %swap3A_1080 = arith.index_cast %add3A_302 : i32 to index
        %swap3A_1081 = arith.constant 768 : index
        %swap3A_1082 = tpu.vector_load %arg6[%swap3A_1079, %swap3A_1080, %swap3A_1081] {strides = array<i32>} : memref<3x32x1024xf32, #tpu.memory_space<vmem>>, vector<1x1x16xf32>,
        %swap3A_1083 = vector.shape_cast %swap3A_1082 : vector<1x1x16xf32> to vector<16xf32>
        %swap3A_1084 = vector.shape_cast %mul3A_1077 : vector<16xf32> to vector<1x1x16xf32>
        tpu.vector_store %arg6[%swap3A_1079, %swap3A_1080, %swap3A_1081], %swap3A_1084 {strides = array<i32>} : memref<3x32x1024xf32, #tpu.memory_space<vmem>>, vector<1x1x16xf32>,
        %get3A_1085 = arith.constant 0 : i32
        %get3A_1086 = arith.index_cast %get3A_1085 : i32 to index
        %get3A_1087 = arith.index_cast %add3A_302 : i32 to index
        %get3A_1088 = arith.constant 784 : index
        %get3A_1089 = tpu.vector_load %arg6[%get3A_1086, %get3A_1087, %get3A_1088] {strides = array<i32>} : memref<3x32x1024xf32, #tpu.memory_space<vmem>>, vector<1x1x16xf32>,
        %get3A_1090 = vector.shape_cast %get3A_1089 : vector<1x1x16xf32> to vector<16xf32>
        %mul3A_1091 = arith.constant 3.200000e+01 : f32
        %mul3A_1092 = vector.broadcast %mul3A_1091 : f32 to vector<16xf32>
        %mul3A_1093 = arith.mulf %get3A_1090, %mul3A_1092 : vector<16xf32>
        %swap3A_1094 = arith.constant 0 : i32
        %swap3A_1095 = arith.index_cast %swap3A_1094 : i32 to index
        %swap3A_1096 = arith.index_cast %add3A_302 : i32 to index
        %swap3A_1097 = arith.constant 784 : index
        %swap3A_1098 = tpu.vector_load %arg6[%swap3A_1095, %swap3A_1096, %swap3A_1097] {strides = array<i32>} : memref<3x32x1024xf32, #tpu.memory_space<vmem>>, vector<1x1x16xf32>,
        %swap3A_1099 = vector.shape_cast %swap3A_1098 : vector<1x1x16xf32> to vector<16xf32>
        %swap3A_1100 = vector.shape_cast %mul3A_1093 : vector<16xf32> to vector<1x1x16xf32>
        tpu.vector_store %arg6[%swap3A_1095, %swap3A_1096, %swap3A_1097], %swap3A_1100 {strides = array<i32>} : memref<3x32x1024xf32, #tpu.memory_space<vmem>>, vector<1x1x16xf32>,
        %get3A_1101 = arith.constant 0 : i32
        %get3A_1102 = arith.index_cast %get3A_1101 : i32 to index
        %get3A_1103 = arith.index_cast %add3A_302 : i32 to index
        %get3A_1104 = arith.constant 800 : index
        %get3A_1105 = tpu.vector_load %arg6[%get3A_1102, %get3A_1103, %get3A_1104] {strides = array<i32>} : memref<3x32x1024xf32, #tpu.memory_space<vmem>>, vector<1x1x16xf32>,
        %get3A_1106 = vector.shape_cast %get3A_1105 : vector<1x1x16xf32> to vector<16xf32>
        %mul3A_1107 = arith.constant 3.200000e+01 : f32
        %mul3A_1108 = vector.broadcast %mul3A_1107 : f32 to vector<16xf32>
        %mul3A_1109 = arith.mulf %get3A_1106, %mul3A_1108 : vector<16xf32>
        %swap3A_1110 = arith.constant 0 : i32
        %swap3A_1111 = arith.index_cast %swap3A_1110 : i32 to index
        %swap3A_1112 = arith.index_cast %add3A_302 : i32 to index
        %swap3A_1113 = arith.constant 800 : index
        %swap3A_1114 = tpu.vector_load %arg6[%swap3A_1111, %swap3A_1112, %swap3A_1113] {strides = array<i32>} : memref<3x32x1024xf32, #tpu.memory_space<vmem>>, vector<1x1x16xf32>,
        %swap3A_1115 = vector.shape_cast %swap3A_1114 : vector<1x1x16xf32> to vector<16xf32>
        %swap3A_1116 = vector.shape_cast %mul3A_1109 : vector<16xf32> to vector<1x1x16xf32>
        tpu.vector_store %arg6[%swap3A_1111, %swap3A_1112, %swap3A_1113], %swap3A_1116 {strides = array<i32>} : memref<3x32x1024xf32, #tpu.memory_space<vmem>>, vector<1x1x16xf32>,
        %get3A_1117 = arith.constant 0 : i32
        %get3A_1118 = arith.index_cast %get3A_1117 : i32 to index
        %get3A_1119 = arith.index_cast %add3A_302 : i32 to index
        %get3A_1120 = arith.constant 816 : index
        %get3A_1121 = tpu.vector_load %arg6[%get3A_1118, %get3A_1119, %get3A_1120] {strides = array<i32>} : memref<3x32x1024xf32, #tpu.memory_space<vmem>>, vector<1x1x16xf32>,
        %get3A_1122 = vector.shape_cast %get3A_1121 : vector<1x1x16xf32> to vector<16xf32>
        %mul3A_1123 = arith.constant 3.200000e+01 : f32
        %mul3A_1124 = vector.broadcast %mul3A_1123 : f32 to vector<16xf32>
        %mul3A_1125 = arith.mulf %get3A_1122, %mul3A_1124 : vector<16xf32>
        %swap3A_1126 = arith.constant 0 : i32
        %swap3A_1127 = arith.index_cast %swap3A_1126 : i32 to index
        %swap3A_1128 = arith.index_cast %add3A_302 : i32 to index
        %swap3A_1129 = arith.constant 816 : index
        %swap3A_1130 = tpu.vector_load %arg6[%swap3A_1127, %swap3A_1128, %swap3A_1129] {strides = array<i32>} : memref<3x32x1024xf32, #tpu.memory_space<vmem>>, vector<1x1x16xf32>,
        %swap3A_1131 = vector.shape_cast %swap3A_1130 : vector<1x1x16xf32> to vector<16xf32>
        %swap3A_1132 = vector.shape_cast %mul3A_1125 : vector<16xf32> to vector<1x1x16xf32>
        tpu.vector_store %arg6[%swap3A_1127, %swap3A_1128, %swap3A_1129], %swap3A_1132 {strides = array<i32>} : memref<3x32x1024xf32, #tpu.memory_space<vmem>>, vector<1x1x16xf32>,
        %get3A_1133 = arith.constant 0 : i32
        %get3A_1134 = arith.index_cast %get3A_1133 : i32 to index
        %get3A_1135 = arith.index_cast %add3A_302 : i32 to index
        %get3A_1136 = arith.constant 832 : index
        %get3A_1137 = tpu.vector_load %arg6[%get3A_1134, %get3A_1135, %get3A_1136] {strides = array<i32>} : memref<3x32x1024xf32, #tpu.memory_space<vmem>>, vector<1x1x16xf32>,
        %get3A_1138 = vector.shape_cast %get3A_1137 : vector<1x1x16xf32> to vector<16xf32>
        %mul3A_1139 = arith.constant 3.200000e+01 : f32
        %mul3A_1140 = vector.broadcast %mul3A_1139 : f32 to vector<16xf32>
        %mul3A_1141 = arith.mulf %get3A_1138, %mul3A_1140 : vector<16xf32>
        %swap3A_1142 = arith.constant 0 : i32
        %swap3A_1143 = arith.index_cast %swap3A_1142 : i32 to index
        %swap3A_1144 = arith.index_cast %add3A_302 : i32 to index
        %swap3A_1145 = arith.constant 832 : index
        %swap3A_1146 = tpu.vector_load %arg6[%swap3A_1143, %swap3A_1144, %swap3A_1145] {strides = array<i32>} : memref<3x32x1024xf32, #tpu.memory_space<vmem>>, vector<1x1x16xf32>,
        %swap3A_1147 = vector.shape_cast %swap3A_1146 : vector<1x1x16xf32> to vector<16xf32>
        %swap3A_1148 = vector.shape_cast %mul3A_1141 : vector<16xf32> to vector<1x1x16xf32>
        tpu.vector_store %arg6[%swap3A_1143, %swap3A_1144, %swap3A_1145], %swap3A_1148 {strides = array<i32>} : memref<3x32x1024xf32, #tpu.memory_space<vmem>>, vector<1x1x16xf32>,
        %get3A_1149 = arith.constant 0 : i32
        %get3A_1150 = arith.index_cast %get3A_1149 : i32 to index
        %get3A_1151 = arith.index_cast %add3A_302 : i32 to index
        %get3A_1152 = arith.constant 848 : index
        %get3A_1153 = tpu.vector_load %arg6[%get3A_1150, %get3A_1151, %get3A_1152] {strides = array<i32>} : memref<3x32x1024xf32, #tpu.memory_space<vmem>>, vector<1x1x16xf32>,
        %get3A_1154 = vector.shape_cast %get3A_1153 : vector<1x1x16xf32> to vector<16xf32>
        %mul3A_1155 = arith.constant 3.200000e+01 : f32
        %mul3A_1156 = vector.broadcast %mul3A_1155 : f32 to vector<16xf32>
        %mul3A_1157 = arith.mulf %get3A_1154, %mul3A_1156 : vector<16xf32>
        %swap3A_1158 = arith.constant 0 : i32
        %swap3A_1159 = arith.index_cast %swap3A_1158 : i32 to index
        %swap3A_1160 = arith.index_cast %add3A_302 : i32 to index
        %swap3A_1161 = arith.constant 848 : index
        %swap3A_1162 = tpu.vector_load %arg6[%swap3A_1159, %swap3A_1160, %swap3A_1161] {strides = array<i32>} : memref<3x32x1024xf32, #tpu.memory_space<vmem>>, vector<1x1x16xf32>,
        %swap3A_1163 = vector.shape_cast %swap3A_1162 : vector<1x1x16xf32> to vector<16xf32>
        %swap3A_1164 = vector.shape_cast %mul3A_1157 : vector<16xf32> to vector<1x1x16xf32>
        tpu.vector_store %arg6[%swap3A_1159, %swap3A_1160, %swap3A_1161], %swap3A_1164 {strides = array<i32>} : memref<3x32x1024xf32, #tpu.memory_space<vmem>>, vector<1x1x16xf32>,
        %get3A_1165 = arith.constant 0 : i32
        %get3A_1166 = arith.index_cast %get3A_1165 : i32 to index
        %get3A_1167 = arith.index_cast %add3A_302 : i32 to index
        %get3A_1168 = arith.constant 864 : index
        %get3A_1169 = tpu.vector_load %arg6[%get3A_1166, %get3A_1167, %get3A_1168] {strides = array<i32>} : memref<3x32x1024xf32, #tpu.memory_space<vmem>>, vector<1x1x16xf32>,
        %get3A_1170 = vector.shape_cast %get3A_1169 : vector<1x1x16xf32> to vector<16xf32>
        %mul3A_1171 = arith.constant 3.200000e+01 : f32
        %mul3A_1172 = vector.broadcast %mul3A_1171 : f32 to vector<16xf32>
        %mul3A_1173 = arith.mulf %get3A_1170, %mul3A_1172 : vector<16xf32>
        %swap3A_1174 = arith.constant 0 : i32
        %swap3A_1175 = arith.index_cast %swap3A_1174 : i32 to index
        %swap3A_1176 = arith.index_cast %add3A_302 : i32 to index
        %swap3A_1177 = arith.constant 864 : index
        %swap3A_1178 = tpu.vector_load %arg6[%swap3A_1175, %swap3A_1176, %swap3A_1177] {strides = array<i32>} : memref<3x32x1024xf32, #tpu.memory_space<vmem>>, vector<1x1x16xf32>,
        %swap3A_1179 = vector.shape_cast %swap3A_1178 : vector<1x1x16xf32> to vector<16xf32>
        %swap3A_1180 = vector.shape_cast %mul3A_1173 : vector<16xf32> to vector<1x1x16xf32>
        tpu.vector_store %arg6[%swap3A_1175, %swap3A_1176, %swap3A_1177], %swap3A_1180 {strides = array<i32>} : memref<3x32x1024xf32, #tpu.memory_space<vmem>>, vector<1x1x16xf32>,
        %get3A_1181 = arith.constant 0 : i32
        %get3A_1182 = arith.index_cast %get3A_1181 : i32 to index
        %get3A_1183 = arith.index_cast %add3A_302 : i32 to index
        %get3A_1184 = arith.constant 880 : index
        %get3A_1185 = tpu.vector_load %arg6[%get3A_1182, %get3A_1183, %get3A_1184] {strides = array<i32>} : memref<3x32x1024xf32, #tpu.memory_space<vmem>>, vector<1x1x16xf32>,
        %get3A_1186 = vector.shape_cast %get3A_1185 : vector<1x1x16xf32> to vector<16xf32>
        %mul3A_1187 = arith.constant 3.200000e+01 : f32
        %mul3A_1188 = vector.broadcast %mul3A_1187 : f32 to vector<16xf32>
        %mul3A_1189 = arith.mulf %get3A_1186, %mul3A_1188 : vector<16xf32>
        %swap3A_1190 = arith.constant 0 : i32
        %swap3A_1191 = arith.index_cast %swap3A_1190 : i32 to index
        %swap3A_1192 = arith.index_cast %add3A_302 : i32 to index
        %swap3A_1193 = arith.constant 880 : index
        %swap3A_1194 = tpu.vector_load %arg6[%swap3A_1191, %swap3A_1192, %swap3A_1193] {strides = array<i32>} : memref<3x32x1024xf32, #tpu.memory_space<vmem>>, vector<1x1x16xf32>,
        %swap3A_1195 = vector.shape_cast %swap3A_1194 : vector<1x1x16xf32> to vector<16xf32>
        %swap3A_1196 = vector.shape_cast %mul3A_1189 : vector<16xf32> to vector<1x1x16xf32>
        tpu.vector_store %arg6[%swap3A_1191, %swap3A_1192, %swap3A_1193], %swap3A_1196 {strides = array<i32>} : memref<3x32x1024xf32, #tpu.memory_space<vmem>>, vector<1x1x16xf32>,
        %get3A_1197 = arith.constant 0 : i32
        %get3A_1198 = arith.index_cast %get3A_1197 : i32 to index
        %get3A_1199 = arith.index_cast %add3A_302 : i32 to index
        %get3A_1200 = arith.constant 896 : index
        %get3A_1201 = tpu.vector_load %arg6[%get3A_1198, %get3A_1199, %get3A_1200] {strides = array<i32>} : memref<3x32x1024xf32, #tpu.memory_space<vmem>>, vector<1x1x16xf32>,
        %get3A_1202 = vector.shape_cast %get3A_1201 : vector<1x1x16xf32> to vector<16xf32>
        %mul3A_1203 = arith.constant 3.200000e+01 : f32
        %mul3A_1204 = vector.broadcast %mul3A_1203 : f32 to vector<16xf32>
        %mul3A_1205 = arith.mulf %get3A_1202, %mul3A_1204 : vector<16xf32>
        %swap3A_1206 = arith.constant 0 : i32
        %swap3A_1207 = arith.index_cast %swap3A_1206 : i32 to index
        %swap3A_1208 = arith.index_cast %add3A_302 : i32 to index
        %swap3A_1209 = arith.constant 896 : index
        %swap3A_1210 = tpu.vector_load %arg6[%swap3A_1207, %swap3A_1208, %swap3A_1209] {strides = array<i32>} : memref<3x32x1024xf32, #tpu.memory_space<vmem>>, vector<1x1x16xf32>,
        %swap3A_1211 = vector.shape_cast %swap3A_1210 : vector<1x1x16xf32> to vector<16xf32>
        %swap3A_1212 = vector.shape_cast %mul3A_1205 : vector<16xf32> to vector<1x1x16xf32>
        tpu.vector_store %arg6[%swap3A_1207, %swap3A_1208, %swap3A_1209], %swap3A_1212 {strides = array<i32>} : memref<3x32x1024xf32, #tpu.memory_space<vmem>>, vector<1x1x16xf32>,
        %get3A_1213 = arith.constant 0 : i32
        %get3A_1214 = arith.index_cast %get3A_1213 : i32 to index
        %get3A_1215 = arith.index_cast %add3A_302 : i32 to index
        %get3A_1216 = arith.constant 912 : index
        %get3A_1217 = tpu.vector_load %arg6[%get3A_1214, %get3A_1215, %get3A_1216] {strides = array<i32>} : memref<3x32x1024xf32, #tpu.memory_space<vmem>>, vector<1x1x16xf32>,
        %get3A_1218 = vector.shape_cast %get3A_1217 : vector<1x1x16xf32> to vector<16xf32>
        %mul3A_1219 = arith.constant 3.200000e+01 : f32
        %mul3A_1220 = vector.broadcast %mul3A_1219 : f32 to vector<16xf32>
        %mul3A_1221 = arith.mulf %get3A_1218, %mul3A_1220 : vector<16xf32>
        %swap3A_1222 = arith.constant 0 : i32
        %swap3A_1223 = arith.index_cast %swap3A_1222 : i32 to index
        %swap3A_1224 = arith.index_cast %add3A_302 : i32 to index
        %swap3A_1225 = arith.constant 912 : index
        %swap3A_1226 = tpu.vector_load %arg6[%swap3A_1223, %swap3A_1224, %swap3A_1225] {strides = array<i32>} : memref<3x32x1024xf32, #tpu.memory_space<vmem>>, vector<1x1x16xf32>,
        %swap3A_1227 = vector.shape_cast %swap3A_1226 : vector<1x1x16xf32> to vector<16xf32>
        %swap3A_1228 = vector.shape_cast %mul3A_1221 : vector<16xf32> to vector<1x1x16xf32>
        tpu.vector_store %arg6[%swap3A_1223, %swap3A_1224, %swap3A_1225], %swap3A_1228 {strides = array<i32>} : memref<3x32x1024xf32, #tpu.memory_space<vmem>>, vector<1x1x16xf32>,
        %get3A_1229 = arith.constant 0 : i32
        %get3A_1230 = arith.index_cast %get3A_1229 : i32 to index
        %get3A_1231 = arith.index_cast %add3A_302 : i32 to index
        %get3A_1232 = arith.constant 928 : index
        %get3A_1233 = tpu.vector_load %arg6[%get3A_1230, %get3A_1231, %get3A_1232] {strides = array<i32>} : memref<3x32x1024xf32, #tpu.memory_space<vmem>>, vector<1x1x16xf32>,
        %get3A_1234 = vector.shape_cast %get3A_1233 : vector<1x1x16xf32> to vector<16xf32>
        %mul3A_1235 = arith.constant 3.200000e+01 : f32
        %mul3A_1236 = vector.broadcast %mul3A_1235 : f32 to vector<16xf32>
        %mul3A_1237 = arith.mulf %get3A_1234, %mul3A_1236 : vector<16xf32>
        %swap3A_1238 = arith.constant 0 : i32
        %swap3A_1239 = arith.index_cast %swap3A_1238 : i32 to index
        %swap3A_1240 = arith.index_cast %add3A_302 : i32 to index
        %swap3A_1241 = arith.constant 928 : index
        %swap3A_1242 = tpu.vector_load %arg6[%swap3A_1239, %swap3A_1240, %swap3A_1241] {strides = array<i32>} : memref<3x32x1024xf32, #tpu.memory_space<vmem>>, vector<1x1x16xf32>,
        %swap3A_1243 = vector.shape_cast %swap3A_1242 : vector<1x1x16xf32> to vector<16xf32>
        %swap3A_1244 = vector.shape_cast %mul3A_1237 : vector<16xf32> to vector<1x1x16xf32>
        tpu.vector_store %arg6[%swap3A_1239, %swap3A_1240, %swap3A_1241], %swap3A_1244 {strides = array<i32>} : memref<3x32x1024xf32, #tpu.memory_space<vmem>>, vector<1x1x16xf32>,
        %get3A_1245 = arith.constant 0 : i32
        %get3A_1246 = arith.index_cast %get3A_1245 : i32 to index
        %get3A_1247 = arith.index_cast %add3A_302 : i32 to index
        %get3A_1248 = arith.constant 944 : index
        %get3A_1249 = tpu.vector_load %arg6[%get3A_1246, %get3A_1247, %get3A_1248] {strides = array<i32>} : memref<3x32x1024xf32, #tpu.memory_space<vmem>>, vector<1x1x16xf32>,
        %get3A_1250 = vector.shape_cast %get3A_1249 : vector<1x1x16xf32> to vector<16xf32>
        %mul3A_1251 = arith.constant 3.200000e+01 : f32
        %mul3A_1252 = vector.broadcast %mul3A_1251 : f32 to vector<16xf32>
        %mul3A_1253 = arith.mulf %get3A_1250, %mul3A_1252 : vector<16xf32>
        %swap3A_1254 = arith.constant 0 : i32
        %swap3A_1255 = arith.index_cast %swap3A_1254 : i32 to index
        %swap3A_1256 = arith.index_cast %add3A_302 : i32 to index
        %swap3A_1257 = arith.constant 944 : index
        %swap3A_1258 = tpu.vector_load %arg6[%swap3A_1255, %swap3A_1256, %swap3A_1257] {strides = array<i32>} : memref<3x32x1024xf32, #tpu.memory_space<vmem>>, vector<1x1x16xf32>,
        %swap3A_1259 = vector.shape_cast %swap3A_1258 : vector<1x1x16xf32> to vector<16xf32>
        %swap3A_1260 = vector.shape_cast %mul3A_1253 : vector<16xf32> to vector<1x1x16xf32>
        tpu.vector_store %arg6[%swap3A_1255, %swap3A_1256, %swap3A_1257], %swap3A_1260 {strides = array<i32>} : memref<3x32x1024xf32, #tpu.memory_space<vmem>>, vector<1x1x16xf32>,
        %get3A_1261 = arith.constant 0 : i32
        %get3A_1262 = arith.index_cast %get3A_1261 : i32 to index
        %get3A_1263 = arith.index_cast %add3A_302 : i32 to index
        %get3A_1264 = arith.constant 960 : index
        %get3A_1265 = tpu.vector_load %arg6[%get3A_1262, %get3A_1263, %get3A_1264] {strides = array<i32>} : memref<3x32x1024xf32, #tpu.memory_space<vmem>>, vector<1x1x16xf32>,
        %get3A_1266 = vector.shape_cast %get3A_1265 : vector<1x1x16xf32> to vector<16xf32>
        %mul3A_1267 = arith.constant 3.200000e+01 : f32
        %mul3A_1268 = vector.broadcast %mul3A_1267 : f32 to vector<16xf32>
        %mul3A_1269 = arith.mulf %get3A_1266, %mul3A_1268 : vector<16xf32>
        %swap3A_1270 = arith.constant 0 : i32
        %swap3A_1271 = arith.index_cast %swap3A_1270 : i32 to index
        %swap3A_1272 = arith.index_cast %add3A_302 : i32 to index
        %swap3A_1273 = arith.constant 960 : index
        %swap3A_1274 = tpu.vector_load %arg6[%swap3A_1271, %swap3A_1272, %swap3A_1273] {strides = array<i32>} : memref<3x32x1024xf32, #tpu.memory_space<vmem>>, vector<1x1x16xf32>,
        %swap3A_1275 = vector.shape_cast %swap3A_1274 : vector<1x1x16xf32> to vector<16xf32>
        %swap3A_1276 = vector.shape_cast %mul3A_1269 : vector<16xf32> to vector<1x1x16xf32>
        tpu.vector_store %arg6[%swap3A_1271, %swap3A_1272, %swap3A_1273], %swap3A_1276 {strides = array<i32>} : memref<3x32x1024xf32, #tpu.memory_space<vmem>>, vector<1x1x16xf32>,
        %get3A_1277 = arith.constant 0 : i32
        %get3A_1278 = arith.index_cast %get3A_1277 : i32 to index
        %get3A_1279 = arith.index_cast %add3A_302 : i32 to index
        %get3A_1280 = arith.constant 976 : index
        %get3A_1281 = tpu.vector_load %arg6[%get3A_1278, %get3A_1279, %get3A_1280] {strides = array<i32>} : memref<3x32x1024xf32, #tpu.memory_space<vmem>>, vector<1x1x16xf32>,
        %get3A_1282 = vector.shape_cast %get3A_1281 : vector<1x1x16xf32> to vector<16xf32>
        %mul3A_1283 = arith.constant 3.200000e+01 : f32
        %mul3A_1284 = vector.broadcast %mul3A_1283 : f32 to vector<16xf32>
        %mul3A_1285 = arith.mulf %get3A_1282, %mul3A_1284 : vector<16xf32>
        %swap3A_1286 = arith.constant 0 : i32
        %swap3A_1287 = arith.index_cast %swap3A_1286 : i32 to index
        %swap3A_1288 = arith.index_cast %add3A_302 : i32 to index
        %swap3A_1289 = arith.constant 976 : index
        %swap3A_1290 = tpu.vector_load %arg6[%swap3A_1287, %swap3A_1288, %swap3A_1289] {strides = array<i32>} : memref<3x32x1024xf32, #tpu.memory_space<vmem>>, vector<1x1x16xf32>,
        %swap3A_1291 = vector.shape_cast %swap3A_1290 : vector<1x1x16xf32> to vector<16xf32>
        %swap3A_1292 = vector.shape_cast %mul3A_1285 : vector<16xf32> to vector<1x1x16xf32>
        tpu.vector_store %arg6[%swap3A_1287, %swap3A_1288, %swap3A_1289], %swap3A_1292 {strides = array<i32>} : memref<3x32x1024xf32, #tpu.memory_space<vmem>>, vector<1x1x16xf32>,
        %get3A_1293 = arith.constant 0 : i32
        %get3A_1294 = arith.index_cast %get3A_1293 : i32 to index
        %get3A_1295 = arith.index_cast %add3A_302 : i32 to index
        %get3A_1296 = arith.constant 992 : index
        %get3A_1297 = tpu.vector_load %arg6[%get3A_1294, %get3A_1295, %get3A_1296] {strides = array<i32>} : memref<3x32x1024xf32, #tpu.memory_space<vmem>>, vector<1x1x16xf32>,
        %get3A_1298 = vector.shape_cast %get3A_1297 : vector<1x1x16xf32> to vector<16xf32>
        %mul3A_1299 = arith.constant 3.200000e+01 : f32
        %mul3A_1300 = vector.broadcast %mul3A_1299 : f32 to vector<16xf32>
        %mul3A_1301 = arith.mulf %get3A_1298, %mul3A_1300 : vector<16xf32>
        %swap3A_1302 = arith.constant 0 : i32
        %swap3A_1303 = arith.index_cast %swap3A_1302 : i32 to index
        %swap3A_1304 = arith.index_cast %add3A_302 : i32 to index
        %swap3A_1305 = arith.constant 992 : index
        %swap3A_1306 = tpu.vector_load %arg6[%swap3A_1303, %swap3A_1304, %swap3A_1305] {strides = array<i32>} : memref<3x32x1024xf32, #tpu.memory_space<vmem>>, vector<1x1x16xf32>,
        %swap3A_1307 = vector.shape_cast %swap3A_1306 : vector<1x1x16xf32> to vector<16xf32>
        %swap3A_1308 = vector.shape_cast %mul3A_1301 : vector<16xf32> to vector<1x1x16xf32>
        tpu.vector_store %arg6[%swap3A_1303, %swap3A_1304, %swap3A_1305], %swap3A_1308 {strides = array<i32>} : memref<3x32x1024xf32, #tpu.memory_space<vmem>>, vector<1x1x16xf32>,
        %get3A_1309 = arith.constant 0 : i32
        %get3A_1310 = arith.index_cast %get3A_1309 : i32 to index
        %get3A_1311 = arith.index_cast %add3A_302 : i32 to index
        %get3A_1312 = arith.constant 1008 : index
        %get3A_1313 = tpu.vector_load %arg6[%get3A_1310, %get3A_1311, %get3A_1312] {strides = array<i32>} : memref<3x32x1024xf32, #tpu.memory_space<vmem>>, vector<1x1x16xf32>,
        %get3A_1314 = vector.shape_cast %get3A_1313 : vector<1x1x16xf32> to vector<16xf32>
        %mul3A_1315 = arith.constant 3.200000e+01 : f32
        %mul3A_1316 = vector.broadcast %mul3A_1315 : f32 to vector<16xf32>
        %mul3A_1317 = arith.mulf %get3A_1314, %mul3A_1316 : vector<16xf32>
        %swap3A_1318 = arith.constant 0 : i32
        %swap3A_1319 = arith.index_cast %swap3A_1318 : i32 to index
        %swap3A_1320 = arith.index_cast %add3A_302 : i32 to index
        %swap3A_1321 = arith.constant 1008 : index
        %swap3A_1322 = tpu.vector_load %arg6[%swap3A_1319, %swap3A_1320, %swap3A_1321] {strides = array<i32>} : memref<3x32x1024xf32, #tpu.memory_space<vmem>>, vector<1x1x16xf32>,
        %swap3A_1323 = vector.shape_cast %swap3A_1322 : vector<1x1x16xf32> to vector<16xf32>
        %swap3A_1324 = vector.shape_cast %mul3A_1317 : vector<16xf32> to vector<1x1x16xf32>
        tpu.vector_store %arg6[%swap3A_1319, %swap3A_1320, %swap3A_1321], %swap3A_1324 {strides = array<i32>} : memref<3x32x1024xf32, #tpu.memory_space<vmem>>, vector<1x1x16xf32>,
      }
      %scan3A_151 = arith.constant 32 : i32
      %mul3A_152 = arith.constant 32 : i32
      %mul3A_153 = arith.muli %add3A_135, %mul3A_152 : i32
      %add3A_154 = arith.addi %mul3A_2, %mul3A_153 : i32
      %dma_start3A_155 = arith.constant 0 : i32
      %dma_start3A_156 = arith.constant 0 : i32
      %dma_start3A_157 = arith.constant 0 : i32
      %dma_start3A_158 = tpu.memref_slice %arg6[%dma_start3A_155, %dma_start3A_156, %dma_start3A_157] : memref<3x32x1024xf32, #tpu.memory_space<vmem>> -> memref<1x32x1024xf32, #tpu.memory_space<vmem>>
      %dma_start3A_159 = tpu.memref_squeeze %dma_start3A_158 : memref<1x32x1024xf32, #tpu.memory_space<vmem>> -> memref<32x1024xf32, #tpu.memory_space<vmem>>
      %dma_start3A_160 = arith.constant 0 : i32
      %dma_start3A_161 = tpu.memref_slice %arg4[%add3A_154, %dma_start3A_160] : memref<16384x1024xf32, #tpu.memory_space<hbm>> -> memref<32x1024xf32, #tpu.memory_space<hbm>>
      %dma_start3A_162 = arith.constant 0 : i32
      %dma_start3A_163 = tpu.memref_slice %arg4[%add3A_154, %dma_start3A_162] : memref<16384x1024xf32, #tpu.memory_space<hbm>> -> memref<32x1024xf32, #tpu.memory_space<hbm>>
      %dma_start3A_164 = arith.constant 0 : i32
      %dma_start3A_165 = arith.constant 0 : i32
      %dma_start3A_166 = tpu.memref_slice %arg6[%dma_start3A_155, %dma_start3A_164, %dma_start3A_165] : memref<3x32x1024xf32, #tpu.memory_space<vmem>> -> memref<1x32x1024xf32, #tpu.memory_space<vmem>>
      %dma_start3A_167 = tpu.memref_squeeze %dma_start3A_166 : memref<1x32x1024xf32, #tpu.memory_space<vmem>> -> memref<32x1024xf32, #tpu.memory_space<vmem>>
      tpu.enqueue_dma source(%dma_start3A_167 : memref<32x1024xf32, #tpu.memory_space<vmem>>) target(%dma_start3A_163 : memref<32x1024xf32, #tpu.memory_space<hbm>>) target_semaphore(%arg10 : memref<!tpu.dma_semaphore, #tpu.memory_space<semaphore_mem>>)
      %ge3A = arith.constant 1 : i32
      %ge3A_168 = arith.cmpi sge, %add3A_131, %ge3A : i32
      %convert_element_type3A = arith.extui %ge3A_168 : i1 to i32
      %cond3A = arith.constant 0 : i32
      %cond3A_169 = arith.cmpi ne, %convert_element_type3A, %cond3A : i32
      scf.if %cond3A_169 {
        %sub3A_298 = arith.constant 1 : i32
        %sub3A_299 = arith.subi %add3A_135, %sub3A_298 : i32
        %mul3A_300 = arith.constant 32 : i32
        %mul3A_301 = arith.muli %sub3A_299, %mul3A_300 : i32
        %add3A_302 = arith.addi %mul3A_2, %mul3A_301 : i32
        %dma_wait3A_303 = arith.constant 2 : i32
        %dma_wait3A_304 = arith.constant 0 : i32
        %dma_wait3A_305 = arith.constant 0 : i32
        %dma_wait3A_306 = tpu.memref_slice %arg6[%dma_wait3A_303, %dma_wait3A_304, %dma_wait3A_305] : memref<3x32x1024xf32, #tpu.memory_space<vmem>> -> memref<1x32x1024xf32, #tpu.memory_space<vmem>>
        %dma_wait3A_307 = tpu.memref_squeeze %dma_wait3A_306 : memref<1x32x1024xf32, #tpu.memory_space<vmem>> -> memref<32x1024xf32, #tpu.memory_space<vmem>>
        %dma_wait3A_308 = arith.constant 0 : i32
        %dma_wait3A_309 = tpu.memref_slice %arg4[%add3A_302, %dma_wait3A_308] : memref<16384x1024xf32, #tpu.memory_space<hbm>> -> memref<32x1024xf32, #tpu.memory_space<hbm>>
        %dma_wait3A_310 = arith.constant 0 : i32
        %dma_wait3A_311 = tpu.memref_slice %arg4[%add3A_302, %dma_wait3A_310] : memref<16384x1024xf32, #tpu.memory_space<hbm>> -> memref<32x1024xf32, #tpu.memory_space<hbm>>
        %dma_wait3A_312 = arith.constant 0 : i32
        %dma_wait3A_313 = arith.constant 0 : i32
        %dma_wait3A_314 = tpu.memref_slice %arg6[%dma_wait3A_303, %dma_wait3A_312, %dma_wait3A_313] : memref<3x32x1024xf32, #tpu.memory_space<vmem>> -> memref<1x32x1024xf32, #tpu.memory_space<vmem>>
        %dma_wait3A_315 = tpu.memref_squeeze %dma_wait3A_314 : memref<1x32x1024xf32, #tpu.memory_space<vmem>> -> memref<32x1024xf32, #tpu.memory_space<vmem>>
        tpu.wait_dma2 semaphore(%arg12 : memref<!tpu.dma_semaphore, #tpu.memory_space<semaphore_mem>>) src(%dma_wait3A_315 : memref<32x1024xf32, #tpu.memory_space<vmem>>) dst(%dma_wait3A_311 : memref<32x1024xf32, #tpu.memory_space<hbm>>)
        %add3A_316 = arith.constant 2 : i32
        %add3A_317 = arith.addi %add3A_135, %add3A_316 : i32
        %mul3A_318 = arith.constant 32 : i32
        %mul3A_319 = arith.muli %add3A_317, %mul3A_318 : i32
        %dma_start3A_320 = arith.constant 2 : i32
        %dma_start3A_321 = arith.constant 0 : i32
        %dma_start3A_322 = arith.constant 0 : i32
        %dma_start3A_323 = tpu.memref_slice %arg6[%dma_start3A_320, %dma_start3A_321, %dma_start3A_322] : memref<3x32x1024xf32, #tpu.memory_space<vmem>> -> memref<1x32x1024xf32, #tpu.memory_space<vmem>>
        %dma_start3A_324 = tpu.memref_squeeze %dma_start3A_323 : memref<1x32x1024xf32, #tpu.memory_space<vmem>> -> memref<32x1024xf32, #tpu.memory_space<vmem>>
        %dma_start3A_325 = tpu.memref_slice %arg5[%mul3A_319] : memref<512xi32, #tpu.memory_space<vmem>> -> memref<32xi32, #tpu.memory_space<vmem>>
        %dma_start3A_326 = arith.constant 0 : i32
        %dma_start3A_327 = arith.constant 0 : i32
        %dma_start3A_328 = tpu.memref_slice %arg3[%dma_start3A_326, %dma_start3A_327] : memref<100000x1024xf32, #tpu.memory_space<hbm>> -> memref<100000x1024xf32, #tpu.memory_space<hbm>>
        tpu.enqueue_indirect_dma source(%dma_start3A_328 : memref<100000x1024xf32, #tpu.memory_space<hbm>>) target(%dma_start3A_324 : memref<32x1024xf32, #tpu.memory_space<vmem>>) offsets(%dma_start3A_325 : memref<32xi32, #tpu.memory_space<vmem>>) semaphore(%arg9 : memref<!tpu.dma_semaphore, #tpu.memory_space<semaphore_mem>>)
      } else {
      }
      %mul3A_170 = arith.constant 3 : i32
      %mul3A_171 = arith.muli %add3A_131, %mul3A_170 : i32
      %add3A_172 = arith.constant 1 : i32
      %add3A_173 = arith.addi %mul3A_171, %add3A_172 : i32
      %mul3A_174 = arith.constant 32 : i32
      %mul3A_175 = arith.muli %add3A_173, %mul3A_174 : i32
      %dma_wait3A_176 = arith.constant 1 : i32
      %dma_wait3A_177 = arith.constant 0 : i32
      %dma_wait3A_178 = arith.constant 0 : i32
      %dma_wait3A_179 = tpu.memref_slice %arg6[%dma_wait3A_176, %dma_wait3A_177, %dma_wait3A_178] : memref<3x32x1024xf32, #tpu.memory_space<vmem>> -> memref<1x32x1024xf32, #tpu.memory_space<vmem>>
      %dma_wait3A_180 = tpu.memref_squeeze %dma_wait3A_179 : memref<1x32x1024xf32, #tpu.memory_space<vmem>> -> memref<32x1024xf32, #tpu.memory_space<vmem>>
      %dma_wait3A_181 = tpu.memref_slice %arg5[%mul3A_175] : memref<512xi32, #tpu.memory_space<vmem>> -> memref<32xi32, #tpu.memory_space<vmem>>
      %dma_wait3A_182 = arith.constant 0 : i32
      %dma_wait3A_183 = arith.constant 0 : i32
      %dma_wait3A_184 = tpu.memref_slice %arg3[%dma_wait3A_182, %dma_wait3A_183] : memref<100000x1024xf32, #tpu.memory_space<hbm>> -> memref<100000x1024xf32, #tpu.memory_space<hbm>>
      tpu.wait_indirect_dma semaphore(%arg8 : memref<!tpu.dma_semaphore, #tpu.memory_space<semaphore_mem>>) src(%dma_wait3A_184 : memref<100000x1024xf32, #tpu.memory_space<hbm>>) dst(%dma_wait3A_180 : memref<32x1024xf32, #tpu.memory_space<vmem>>)
      %scan3A_185 = arith.constant 0 : i32
      %scan3A_186 = arith.constant 32 : i32
      %scan3A_187 = arith.addi %scan3A_185, %scan3A_186 : i32
      %scan3A_188 = arith.constant 1 : i32
      scf.for %scan3A_298 = %scan3A_185 to %scan3A_187 step %scan3A_188  : i32 {
        %mul3A_299 = arith.constant 1 : i32
        %mul3A_300 = arith.muli %scan3A_298, %mul3A_299 : i32
        %add3A_301 = arith.constant 0 : i32
        %add3A_302 = arith.addi %add3A_301, %mul3A_300 : i32
        %get3A = arith.constant 1 : i32
        %get3A_303 = arith.index_cast %get3A : i32 to index
        %get3A_304 = arith.index_cast %add3A_302 : i32 to index
        %get3A_305 = arith.constant 0 : index
        %get3A_306 = tpu.vector_load %arg6[%get3A_303, %get3A_304, %get3A_305] {strides = array<i32>} : memref<3x32x1024xf32, #tpu.memory_space<vmem>>, vector<1x1x16xf32>,
        %get3A_307 = vector.shape_cast %get3A_306 : vector<1x1x16xf32> to vector<16xf32>
        %mul3A_308 = arith.constant 3.200000e+01 : f32
        %mul3A_309 = vector.broadcast %mul3A_308 : f32 to vector<16xf32>
        %mul3A_310 = arith.mulf %get3A_307, %mul3A_309 : vector<16xf32>
        %swap3A = arith.constant 1 : i32
        %swap3A_311 = arith.index_cast %swap3A : i32 to index
        %swap3A_312 = arith.index_cast %add3A_302 : i32 to index
        %swap3A_313 = arith.constant 0 : index
        %swap3A_314 = tpu.vector_load %arg6[%swap3A_311, %swap3A_312, %swap3A_313] {strides = array<i32>} : memref<3x32x1024xf32, #tpu.memory_space<vmem>>, vector<1x1x16xf32>,
        %swap3A_315 = vector.shape_cast %swap3A_314 : vector<1x1x16xf32> to vector<16xf32>
        %swap3A_316 = vector.shape_cast %mul3A_310 : vector<16xf32> to vector<1x1x16xf32>
        tpu.vector_store %arg6[%swap3A_311, %swap3A_312, %swap3A_313], %swap3A_316 {strides = array<i32>} : memref<3x32x1024xf32, #tpu.memory_space<vmem>>, vector<1x1x16xf32>,
        %get3A_317 = arith.constant 1 : i32
        %get3A_318 = arith.index_cast %get3A_317 : i32 to index
        %get3A_319 = arith.index_cast %add3A_302 : i32 to index
        %get3A_320 = arith.constant 16 : index
        %get3A_321 = tpu.vector_load %arg6[%get3A_318, %get3A_319, %get3A_320] {strides = array<i32>} : memref<3x32x1024xf32, #tpu.memory_space<vmem>>, vector<1x1x16xf32>,
        %get3A_322 = vector.shape_cast %get3A_321 : vector<1x1x16xf32> to vector<16xf32>
        %mul3A_323 = arith.constant 3.200000e+01 : f32
        %mul3A_324 = vector.broadcast %mul3A_323 : f32 to vector<16xf32>
        %mul3A_325 = arith.mulf %get3A_322, %mul3A_324 : vector<16xf32>
        %swap3A_326 = arith.constant 1 : i32
        %swap3A_327 = arith.index_cast %swap3A_326 : i32 to index
        %swap3A_328 = arith.index_cast %add3A_302 : i32 to index
        %swap3A_329 = arith.constant 16 : index
        %swap3A_330 = tpu.vector_load %arg6[%swap3A_327, %swap3A_328, %swap3A_329] {strides = array<i32>} : memref<3x32x1024xf32, #tpu.memory_space<vmem>>, vector<1x1x16xf32>,
        %swap3A_331 = vector.shape_cast %swap3A_330 : vector<1x1x16xf32> to vector<16xf32>
        %swap3A_332 = vector.shape_cast %mul3A_325 : vector<16xf32> to vector<1x1x16xf32>
        tpu.vector_store %arg6[%swap3A_327, %swap3A_328, %swap3A_329], %swap3A_332 {strides = array<i32>} : memref<3x32x1024xf32, #tpu.memory_space<vmem>>, vector<1x1x16xf32>,
        %get3A_333 = arith.constant 1 : i32
        %get3A_334 = arith.index_cast %get3A_333 : i32 to index
        %get3A_335 = arith.index_cast %add3A_302 : i32 to index
        %get3A_336 = arith.constant 32 : index
        %get3A_337 = tpu.vector_load %arg6[%get3A_334, %get3A_335, %get3A_336] {strides = array<i32>} : memref<3x32x1024xf32, #tpu.memory_space<vmem>>, vector<1x1x16xf32>,
        %get3A_338 = vector.shape_cast %get3A_337 : vector<1x1x16xf32> to vector<16xf32>
        %mul3A_339 = arith.constant 3.200000e+01 : f32
        %mul3A_340 = vector.broadcast %mul3A_339 : f32 to vector<16xf32>
        %mul3A_341 = arith.mulf %get3A_338, %mul3A_340 : vector<16xf32>
        %swap3A_342 = arith.constant 1 : i32
        %swap3A_343 = arith.index_cast %swap3A_342 : i32 to index
        %swap3A_344 = arith.index_cast %add3A_302 : i32 to index
        %swap3A_345 = arith.constant 32 : index
        %swap3A_346 = tpu.vector_load %arg6[%swap3A_343, %swap3A_344, %swap3A_345] {strides = array<i32>} : memref<3x32x1024xf32, #tpu.memory_space<vmem>>, vector<1x1x16xf32>,
        %swap3A_347 = vector.shape_cast %swap3A_346 : vector<1x1x16xf32> to vector<16xf32>
        %swap3A_348 = vector.shape_cast %mul3A_341 : vector<16xf32> to vector<1x1x16xf32>
        tpu.vector_store %arg6[%swap3A_343, %swap3A_344, %swap3A_345], %swap3A_348 {strides = array<i32>} : memref<3x32x1024xf32, #tpu.memory_space<vmem>>, vector<1x1x16xf32>,
        %get3A_349 = arith.constant 1 : i32
        %get3A_350 = arith.index_cast %get3A_349 : i32 to index
        %get3A_351 = arith.index_cast %add3A_302 : i32 to index
        %get3A_352 = arith.constant 48 : index
        %get3A_353 = tpu.vector_load %arg6[%get3A_350, %get3A_351, %get3A_352] {strides = array<i32>} : memref<3x32x1024xf32, #tpu.memory_space<vmem>>, vector<1x1x16xf32>,
        %get3A_354 = vector.shape_cast %get3A_353 : vector<1x1x16xf32> to vector<16xf32>
        %mul3A_355 = arith.constant 3.200000e+01 : f32
        %mul3A_356 = vector.broadcast %mul3A_355 : f32 to vector<16xf32>
        %mul3A_357 = arith.mulf %get3A_354, %mul3A_356 : vector<16xf32>
        %swap3A_358 = arith.constant 1 : i32
        %swap3A_359 = arith.index_cast %swap3A_358 : i32 to index
        %swap3A_360 = arith.index_cast %add3A_302 : i32 to index
        %swap3A_361 = arith.constant 48 : index
        %swap3A_362 = tpu.vector_load %arg6[%swap3A_359, %swap3A_360, %swap3A_361] {strides = array<i32>} : memref<3x32x1024xf32, #tpu.memory_space<vmem>>, vector<1x1x16xf32>,
        %swap3A_363 = vector.shape_cast %swap3A_362 : vector<1x1x16xf32> to vector<16xf32>
        %swap3A_364 = vector.shape_cast %mul3A_357 : vector<16xf32> to vector<1x1x16xf32>
        tpu.vector_store %arg6[%swap3A_359, %swap3A_360, %swap3A_361], %swap3A_364 {strides = array<i32>} : memref<3x32x1024xf32, #tpu.memory_space<vmem>>, vector<1x1x16xf32>,
        %get3A_365 = arith.constant 1 : i32
        %get3A_366 = arith.index_cast %get3A_365 : i32 to index
        %get3A_367 = arith.index_cast %add3A_302 : i32 to index
        %get3A_368 = arith.constant 64 : index
        %get3A_369 = tpu.vector_load %arg6[%get3A_366, %get3A_367, %get3A_368] {strides = array<i32>} : memref<3x32x1024xf32, #tpu.memory_space<vmem>>, vector<1x1x16xf32>,
        %get3A_370 = vector.shape_cast %get3A_369 : vector<1x1x16xf32> to vector<16xf32>
        %mul3A_371 = arith.constant 3.200000e+01 : f32
        %mul3A_372 = vector.broadcast %mul3A_371 : f32 to vector<16xf32>
        %mul3A_373 = arith.mulf %get3A_370, %mul3A_372 : vector<16xf32>
        %swap3A_374 = arith.constant 1 : i32
        %swap3A_375 = arith.index_cast %swap3A_374 : i32 to index
        %swap3A_376 = arith.index_cast %add3A_302 : i32 to index
        %swap3A_377 = arith.constant 64 : index
        %swap3A_378 = tpu.vector_load %arg6[%swap3A_375, %swap3A_376, %swap3A_377] {strides = array<i32>} : memref<3x32x1024xf32, #tpu.memory_space<vmem>>, vector<1x1x16xf32>,
        %swap3A_379 = vector.shape_cast %swap3A_378 : vector<1x1x16xf32> to vector<16xf32>
        %swap3A_380 = vector.shape_cast %mul3A_373 : vector<16xf32> to vector<1x1x16xf32>
        tpu.vector_store %arg6[%swap3A_375, %swap3A_376, %swap3A_377], %swap3A_380 {strides = array<i32>} : memref<3x32x1024xf32, #tpu.memory_space<vmem>>, vector<1x1x16xf32>,
        %get3A_381 = arith.constant 1 : i32
        %get3A_382 = arith.index_cast %get3A_381 : i32 to index
        %get3A_383 = arith.index_cast %add3A_302 : i32 to index
        %get3A_384 = arith.constant 80 : index
        %get3A_385 = tpu.vector_load %arg6[%get3A_382, %get3A_383, %get3A_384] {strides = array<i32>} : memref<3x32x1024xf32, #tpu.memory_space<vmem>>, vector<1x1x16xf32>,
        %get3A_386 = vector.shape_cast %get3A_385 : vector<1x1x16xf32> to vector<16xf32>
        %mul3A_387 = arith.constant 3.200000e+01 : f32
        %mul3A_388 = vector.broadcast %mul3A_387 : f32 to vector<16xf32>
        %mul3A_389 = arith.mulf %get3A_386, %mul3A_388 : vector<16xf32>
        %swap3A_390 = arith.constant 1 : i32
        %swap3A_391 = arith.index_cast %swap3A_390 : i32 to index
        %swap3A_392 = arith.index_cast %add3A_302 : i32 to index
        %swap3A_393 = arith.constant 80 : index
        %swap3A_394 = tpu.vector_load %arg6[%swap3A_391, %swap3A_392, %swap3A_393] {strides = array<i32>} : memref<3x32x1024xf32, #tpu.memory_space<vmem>>, vector<1x1x16xf32>,
        %swap3A_395 = vector.shape_cast %swap3A_394 : vector<1x1x16xf32> to vector<16xf32>
        %swap3A_396 = vector.shape_cast %mul3A_389 : vector<16xf32> to vector<1x1x16xf32>
        tpu.vector_store %arg6[%swap3A_391, %swap3A_392, %swap3A_393], %swap3A_396 {strides = array<i32>} : memref<3x32x1024xf32, #tpu.memory_space<vmem>>, vector<1x1x16xf32>,
        %get3A_397 = arith.constant 1 : i32
        %get3A_398 = arith.index_cast %get3A_397 : i32 to index
        %get3A_399 = arith.index_cast %add3A_302 : i32 to index
        %get3A_400 = arith.constant 96 : index
        %get3A_401 = tpu.vector_load %arg6[%get3A_398, %get3A_399, %get3A_400] {strides = array<i32>} : memref<3x32x1024xf32, #tpu.memory_space<vmem>>, vector<1x1x16xf32>,
        %get3A_402 = vector.shape_cast %get3A_401 : vector<1x1x16xf32> to vector<16xf32>
        %mul3A_403 = arith.constant 3.200000e+01 : f32
        %mul3A_404 = vector.broadcast %mul3A_403 : f32 to vector<16xf32>
        %mul3A_405 = arith.mulf %get3A_402, %mul3A_404 : vector<16xf32>
        %swap3A_406 = arith.constant 1 : i32
        %swap3A_407 = arith.index_cast %swap3A_406 : i32 to index
        %swap3A_408 = arith.index_cast %add3A_302 : i32 to index
        %swap3A_409 = arith.constant 96 : index
        %swap3A_410 = tpu.vector_load %arg6[%swap3A_407, %swap3A_408, %swap3A_409] {strides = array<i32>} : memref<3x32x1024xf32, #tpu.memory_space<vmem>>, vector<1x1x16xf32>,
        %swap3A_411 = vector.shape_cast %swap3A_410 : vector<1x1x16xf32> to vector<16xf32>
        %swap3A_412 = vector.shape_cast %mul3A_405 : vector<16xf32> to vector<1x1x16xf32>
        tpu.vector_store %arg6[%swap3A_407, %swap3A_408, %swap3A_409], %swap3A_412 {strides = array<i32>} : memref<3x32x1024xf32, #tpu.memory_space<vmem>>, vector<1x1x16xf32>,
        %get3A_413 = arith.constant 1 : i32
        %get3A_414 = arith.index_cast %get3A_413 : i32 to index
        %get3A_415 = arith.index_cast %add3A_302 : i32 to index
        %get3A_416 = arith.constant 112 : index
        %get3A_417 = tpu.vector_load %arg6[%get3A_414, %get3A_415, %get3A_416] {strides = array<i32>} : memref<3x32x1024xf32, #tpu.memory_space<vmem>>, vector<1x1x16xf32>,
        %get3A_418 = vector.shape_cast %get3A_417 : vector<1x1x16xf32> to vector<16xf32>
        %mul3A_419 = arith.constant 3.200000e+01 : f32
        %mul3A_420 = vector.broadcast %mul3A_419 : f32 to vector<16xf32>
        %mul3A_421 = arith.mulf %get3A_418, %mul3A_420 : vector<16xf32>
        %swap3A_422 = arith.constant 1 : i32
        %swap3A_423 = arith.index_cast %swap3A_422 : i32 to index
        %swap3A_424 = arith.index_cast %add3A_302 : i32 to index
        %swap3A_425 = arith.constant 112 : index
        %swap3A_426 = tpu.vector_load %arg6[%swap3A_423, %swap3A_424, %swap3A_425] {strides = array<i32>} : memref<3x32x1024xf32, #tpu.memory_space<vmem>>, vector<1x1x16xf32>,
        %swap3A_427 = vector.shape_cast %swap3A_426 : vector<1x1x16xf32> to vector<16xf32>
        %swap3A_428 = vector.shape_cast %mul3A_421 : vector<16xf32> to vector<1x1x16xf32>
        tpu.vector_store %arg6[%swap3A_423, %swap3A_424, %swap3A_425], %swap3A_428 {strides = array<i32>} : memref<3x32x1024xf32, #tpu.memory_space<vmem>>, vector<1x1x16xf32>,
        %get3A_429 = arith.constant 1 : i32
        %get3A_430 = arith.index_cast %get3A_429 : i32 to index
        %get3A_431 = arith.index_cast %add3A_302 : i32 to index
        %get3A_432 = arith.constant 128 : index
        %get3A_433 = tpu.vector_load %arg6[%get3A_430, %get3A_431, %get3A_432] {strides = array<i32>} : memref<3x32x1024xf32, #tpu.memory_space<vmem>>, vector<1x1x16xf32>,
        %get3A_434 = vector.shape_cast %get3A_433 : vector<1x1x16xf32> to vector<16xf32>
        %mul3A_435 = arith.constant 3.200000e+01 : f32
        %mul3A_436 = vector.broadcast %mul3A_435 : f32 to vector<16xf32>
        %mul3A_437 = arith.mulf %get3A_434, %mul3A_436 : vector<16xf32>
        %swap3A_438 = arith.constant 1 : i32
        %swap3A_439 = arith.index_cast %swap3A_438 : i32 to index
        %swap3A_440 = arith.index_cast %add3A_302 : i32 to index
        %swap3A_441 = arith.constant 128 : index
        %swap3A_442 = tpu.vector_load %arg6[%swap3A_439, %swap3A_440, %swap3A_441] {strides = array<i32>} : memref<3x32x1024xf32, #tpu.memory_space<vmem>>, vector<1x1x16xf32>,
        %swap3A_443 = vector.shape_cast %swap3A_442 : vector<1x1x16xf32> to vector<16xf32>
        %swap3A_444 = vector.shape_cast %mul3A_437 : vector<16xf32> to vector<1x1x16xf32>
        tpu.vector_store %arg6[%swap3A_439, %swap3A_440, %swap3A_441], %swap3A_444 {strides = array<i32>} : memref<3x32x1024xf32, #tpu.memory_space<vmem>>, vector<1x1x16xf32>,
        %get3A_445 = arith.constant 1 : i32
        %get3A_446 = arith.index_cast %get3A_445 : i32 to index
        %get3A_447 = arith.index_cast %add3A_302 : i32 to index
        %get3A_448 = arith.constant 144 : index
        %get3A_449 = tpu.vector_load %arg6[%get3A_446, %get3A_447, %get3A_448] {strides = array<i32>} : memref<3x32x1024xf32, #tpu.memory_space<vmem>>, vector<1x1x16xf32>,
        %get3A_450 = vector.shape_cast %get3A_449 : vector<1x1x16xf32> to vector<16xf32>
        %mul3A_451 = arith.constant 3.200000e+01 : f32
        %mul3A_452 = vector.broadcast %mul3A_451 : f32 to vector<16xf32>
        %mul3A_453 = arith.mulf %get3A_450, %mul3A_452 : vector<16xf32>
        %swap3A_454 = arith.constant 1 : i32
        %swap3A_455 = arith.index_cast %swap3A_454 : i32 to index
        %swap3A_456 = arith.index_cast %add3A_302 : i32 to index
        %swap3A_457 = arith.constant 144 : index
        %swap3A_458 = tpu.vector_load %arg6[%swap3A_455, %swap3A_456, %swap3A_457] {strides = array<i32>} : memref<3x32x1024xf32, #tpu.memory_space<vmem>>, vector<1x1x16xf32>,
        %swap3A_459 = vector.shape_cast %swap3A_458 : vector<1x1x16xf32> to vector<16xf32>
        %swap3A_460 = vector.shape_cast %mul3A_453 : vector<16xf32> to vector<1x1x16xf32>
        tpu.vector_store %arg6[%swap3A_455, %swap3A_456, %swap3A_457], %swap3A_460 {strides = array<i32>} : memref<3x32x1024xf32, #tpu.memory_space<vmem>>, vector<1x1x16xf32>,
        %get3A_461 = arith.constant 1 : i32
        %get3A_462 = arith.index_cast %get3A_461 : i32 to index
        %get3A_463 = arith.index_cast %add3A_302 : i32 to index
        %get3A_464 = arith.constant 160 : index
        %get3A_465 = tpu.vector_load %arg6[%get3A_462, %get3A_463, %get3A_464] {strides = array<i32>} : memref<3x32x1024xf32, #tpu.memory_space<vmem>>, vector<1x1x16xf32>,
        %get3A_466 = vector.shape_cast %get3A_465 : vector<1x1x16xf32> to vector<16xf32>
        %mul3A_467 = arith.constant 3.200000e+01 : f32
        %mul3A_468 = vector.broadcast %mul3A_467 : f32 to vector<16xf32>
        %mul3A_469 = arith.mulf %get3A_466, %mul3A_468 : vector<16xf32>
        %swap3A_470 = arith.constant 1 : i32
        %swap3A_471 = arith.index_cast %swap3A_470 : i32 to index
        %swap3A_472 = arith.index_cast %add3A_302 : i32 to index
        %swap3A_473 = arith.constant 160 : index
        %swap3A_474 = tpu.vector_load %arg6[%swap3A_471, %swap3A_472, %swap3A_473] {strides = array<i32>} : memref<3x32x1024xf32, #tpu.memory_space<vmem>>, vector<1x1x16xf32>,
        %swap3A_475 = vector.shape_cast %swap3A_474 : vector<1x1x16xf32> to vector<16xf32>
        %swap3A_476 = vector.shape_cast %mul3A_469 : vector<16xf32> to vector<1x1x16xf32>
        tpu.vector_store %arg6[%swap3A_471, %swap3A_472, %swap3A_473], %swap3A_476 {strides = array<i32>} : memref<3x32x1024xf32, #tpu.memory_space<vmem>>, vector<1x1x16xf32>,
        %get3A_477 = arith.constant 1 : i32
        %get3A_478 = arith.index_cast %get3A_477 : i32 to index
        %get3A_479 = arith.index_cast %add3A_302 : i32 to index
        %get3A_480 = arith.constant 176 : index
        %get3A_481 = tpu.vector_load %arg6[%get3A_478, %get3A_479, %get3A_480] {strides = array<i32>} : memref<3x32x1024xf32, #tpu.memory_space<vmem>>, vector<1x1x16xf32>,
        %get3A_482 = vector.shape_cast %get3A_481 : vector<1x1x16xf32> to vector<16xf32>
        %mul3A_483 = arith.constant 3.200000e+01 : f32
        %mul3A_484 = vector.broadcast %mul3A_483 : f32 to vector<16xf32>
        %mul3A_485 = arith.mulf %get3A_482, %mul3A_484 : vector<16xf32>
        %swap3A_486 = arith.constant 1 : i32
        %swap3A_487 = arith.index_cast %swap3A_486 : i32 to index
        %swap3A_488 = arith.index_cast %add3A_302 : i32 to index
        %swap3A_489 = arith.constant 176 : index
        %swap3A_490 = tpu.vector_load %arg6[%swap3A_487, %swap3A_488, %swap3A_489] {strides = array<i32>} : memref<3x32x1024xf32, #tpu.memory_space<vmem>>, vector<1x1x16xf32>,
        %swap3A_491 = vector.shape_cast %swap3A_490 : vector<1x1x16xf32> to vector<16xf32>
        %swap3A_492 = vector.shape_cast %mul3A_485 : vector<16xf32> to vector<1x1x16xf32>
        tpu.vector_store %arg6[%swap3A_487, %swap3A_488, %swap3A_489], %swap3A_492 {strides = array<i32>} : memref<3x32x1024xf32, #tpu.memory_space<vmem>>, vector<1x1x16xf32>,
        %get3A_493 = arith.constant 1 : i32
        %get3A_494 = arith.index_cast %get3A_493 : i32 to index
        %get3A_495 = arith.index_cast %add3A_302 : i32 to index
        %get3A_496 = arith.constant 192 : index
        %get3A_497 = tpu.vector_load %arg6[%get3A_494, %get3A_495, %get3A_496] {strides = array<i32>} : memref<3x32x1024xf32, #tpu.memory_space<vmem>>, vector<1x1x16xf32>,
        %get3A_498 = vector.shape_cast %get3A_497 : vector<1x1x16xf32> to vector<16xf32>
        %mul3A_499 = arith.constant 3.200000e+01 : f32
        %mul3A_500 = vector.broadcast %mul3A_499 : f32 to vector<16xf32>
        %mul3A_501 = arith.mulf %get3A_498, %mul3A_500 : vector<16xf32>
        %swap3A_502 = arith.constant 1 : i32
        %swap3A_503 = arith.index_cast %swap3A_502 : i32 to index
        %swap3A_504 = arith.index_cast %add3A_302 : i32 to index
        %swap3A_505 = arith.constant 192 : index
        %swap3A_506 = tpu.vector_load %arg6[%swap3A_503, %swap3A_504, %swap3A_505] {strides = array<i32>} : memref<3x32x1024xf32, #tpu.memory_space<vmem>>, vector<1x1x16xf32>,
        %swap3A_507 = vector.shape_cast %swap3A_506 : vector<1x1x16xf32> to vector<16xf32>
        %swap3A_508 = vector.shape_cast %mul3A_501 : vector<16xf32> to vector<1x1x16xf32>
        tpu.vector_store %arg6[%swap3A_503, %swap3A_504, %swap3A_505], %swap3A_508 {strides = array<i32>} : memref<3x32x1024xf32, #tpu.memory_space<vmem>>, vector<1x1x16xf32>,
        %get3A_509 = arith.constant 1 : i32
        %get3A_510 = arith.index_cast %get3A_509 : i32 to index
        %get3A_511 = arith.index_cast %add3A_302 : i32 to index
        %get3A_512 = arith.constant 208 : index
        %get3A_513 = tpu.vector_load %arg6[%get3A_510, %get3A_511, %get3A_512] {strides = array<i32>} : memref<3x32x1024xf32, #tpu.memory_space<vmem>>, vector<1x1x16xf32>,
        %get3A_514 = vector.shape_cast %get3A_513 : vector<1x1x16xf32> to vector<16xf32>
        %mul3A_515 = arith.constant 3.200000e+01 : f32
        %mul3A_516 = vector.broadcast %mul3A_515 : f32 to vector<16xf32>
        %mul3A_517 = arith.mulf %get3A_514, %mul3A_516 : vector<16xf32>
        %swap3A_518 = arith.constant 1 : i32
        %swap3A_519 = arith.index_cast %swap3A_518 : i32 to index
        %swap3A_520 = arith.index_cast %add3A_302 : i32 to index
        %swap3A_521 = arith.constant 208 : index
        %swap3A_522 = tpu.vector_load %arg6[%swap3A_519, %swap3A_520, %swap3A_521] {strides = array<i32>} : memref<3x32x1024xf32, #tpu.memory_space<vmem>>, vector<1x1x16xf32>,
        %swap3A_523 = vector.shape_cast %swap3A_522 : vector<1x1x16xf32> to vector<16xf32>
        %swap3A_524 = vector.shape_cast %mul3A_517 : vector<16xf32> to vector<1x1x16xf32>
        tpu.vector_store %arg6[%swap3A_519, %swap3A_520, %swap3A_521], %swap3A_524 {strides = array<i32>} : memref<3x32x1024xf32, #tpu.memory_space<vmem>>, vector<1x1x16xf32>,
        %get3A_525 = arith.constant 1 : i32
        %get3A_526 = arith.index_cast %get3A_525 : i32 to index
        %get3A_527 = arith.index_cast %add3A_302 : i32 to index
        %get3A_528 = arith.constant 224 : index
        %get3A_529 = tpu.vector_load %arg6[%get3A_526, %get3A_527, %get3A_528] {strides = array<i32>} : memref<3x32x1024xf32, #tpu.memory_space<vmem>>, vector<1x1x16xf32>,
        %get3A_530 = vector.shape_cast %get3A_529 : vector<1x1x16xf32> to vector<16xf32>
        %mul3A_531 = arith.constant 3.200000e+01 : f32
        %mul3A_532 = vector.broadcast %mul3A_531 : f32 to vector<16xf32>
        %mul3A_533 = arith.mulf %get3A_530, %mul3A_532 : vector<16xf32>
        %swap3A_534 = arith.constant 1 : i32
        %swap3A_535 = arith.index_cast %swap3A_534 : i32 to index
        %swap3A_536 = arith.index_cast %add3A_302 : i32 to index
        %swap3A_537 = arith.constant 224 : index
        %swap3A_538 = tpu.vector_load %arg6[%swap3A_535, %swap3A_536, %swap3A_537] {strides = array<i32>} : memref<3x32x1024xf32, #tpu.memory_space<vmem>>, vector<1x1x16xf32>,
        %swap3A_539 = vector.shape_cast %swap3A_538 : vector<1x1x16xf32> to vector<16xf32>
        %swap3A_540 = vector.shape_cast %mul3A_533 : vector<16xf32> to vector<1x1x16xf32>
        tpu.vector_store %arg6[%swap3A_535, %swap3A_536, %swap3A_537], %swap3A_540 {strides = array<i32>} : memref<3x32x1024xf32, #tpu.memory_space<vmem>>, vector<1x1x16xf32>,
        %get3A_541 = arith.constant 1 : i32
        %get3A_542 = arith.index_cast %get3A_541 : i32 to index
        %get3A_543 = arith.index_cast %add3A_302 : i32 to index
        %get3A_544 = arith.constant 240 : index
        %get3A_545 = tpu.vector_load %arg6[%get3A_542, %get3A_543, %get3A_544] {strides = array<i32>} : memref<3x32x1024xf32, #tpu.memory_space<vmem>>, vector<1x1x16xf32>,
        %get3A_546 = vector.shape_cast %get3A_545 : vector<1x1x16xf32> to vector<16xf32>
        %mul3A_547 = arith.constant 3.200000e+01 : f32
        %mul3A_548 = vector.broadcast %mul3A_547 : f32 to vector<16xf32>
        %mul3A_549 = arith.mulf %get3A_546, %mul3A_548 : vector<16xf32>
        %swap3A_550 = arith.constant 1 : i32
        %swap3A_551 = arith.index_cast %swap3A_550 : i32 to index
        %swap3A_552 = arith.index_cast %add3A_302 : i32 to index
        %swap3A_553 = arith.constant 240 : index
        %swap3A_554 = tpu.vector_load %arg6[%swap3A_551, %swap3A_552, %swap3A_553] {strides = array<i32>} : memref<3x32x1024xf32, #tpu.memory_space<vmem>>, vector<1x1x16xf32>,
        %swap3A_555 = vector.shape_cast %swap3A_554 : vector<1x1x16xf32> to vector<16xf32>
        %swap3A_556 = vector.shape_cast %mul3A_549 : vector<16xf32> to vector<1x1x16xf32>
        tpu.vector_store %arg6[%swap3A_551, %swap3A_552, %swap3A_553], %swap3A_556 {strides = array<i32>} : memref<3x32x1024xf32, #tpu.memory_space<vmem>>, vector<1x1x16xf32>,
        %get3A_557 = arith.constant 1 : i32
        %get3A_558 = arith.index_cast %get3A_557 : i32 to index
        %get3A_559 = arith.index_cast %add3A_302 : i32 to index
        %get3A_560 = arith.constant 256 : index
        %get3A_561 = tpu.vector_load %arg6[%get3A_558, %get3A_559, %get3A_560] {strides = array<i32>} : memref<3x32x1024xf32, #tpu.memory_space<vmem>>, vector<1x1x16xf32>,
        %get3A_562 = vector.shape_cast %get3A_561 : vector<1x1x16xf32> to vector<16xf32>
        %mul3A_563 = arith.constant 3.200000e+01 : f32
        %mul3A_564 = vector.broadcast %mul3A_563 : f32 to vector<16xf32>
        %mul3A_565 = arith.mulf %get3A_562, %mul3A_564 : vector<16xf32>
        %swap3A_566 = arith.constant 1 : i32
        %swap3A_567 = arith.index_cast %swap3A_566 : i32 to index
        %swap3A_568 = arith.index_cast %add3A_302 : i32 to index
        %swap3A_569 = arith.constant 256 : index
        %swap3A_570 = tpu.vector_load %arg6[%swap3A_567, %swap3A_568, %swap3A_569] {strides = array<i32>} : memref<3x32x1024xf32, #tpu.memory_space<vmem>>, vector<1x1x16xf32>,
        %swap3A_571 = vector.shape_cast %swap3A_570 : vector<1x1x16xf32> to vector<16xf32>
        %swap3A_572 = vector.shape_cast %mul3A_565 : vector<16xf32> to vector<1x1x16xf32>
        tpu.vector_store %arg6[%swap3A_567, %swap3A_568, %swap3A_569], %swap3A_572 {strides = array<i32>} : memref<3x32x1024xf32, #tpu.memory_space<vmem>>, vector<1x1x16xf32>,
        %get3A_573 = arith.constant 1 : i32
        %get3A_574 = arith.index_cast %get3A_573 : i32 to index
        %get3A_575 = arith.index_cast %add3A_302 : i32 to index
        %get3A_576 = arith.constant 272 : index
        %get3A_577 = tpu.vector_load %arg6[%get3A_574, %get3A_575, %get3A_576] {strides = array<i32>} : memref<3x32x1024xf32, #tpu.memory_space<vmem>>, vector<1x1x16xf32>,
        %get3A_578 = vector.shape_cast %get3A_577 : vector<1x1x16xf32> to vector<16xf32>
        %mul3A_579 = arith.constant 3.200000e+01 : f32
        %mul3A_580 = vector.broadcast %mul3A_579 : f32 to vector<16xf32>
        %mul3A_581 = arith.mulf %get3A_578, %mul3A_580 : vector<16xf32>
        %swap3A_582 = arith.constant 1 : i32
        %swap3A_583 = arith.index_cast %swap3A_582 : i32 to index
        %swap3A_584 = arith.index_cast %add3A_302 : i32 to index
        %swap3A_585 = arith.constant 272 : index
        %swap3A_586 = tpu.vector_load %arg6[%swap3A_583, %swap3A_584, %swap3A_585] {strides = array<i32>} : memref<3x32x1024xf32, #tpu.memory_space<vmem>>, vector<1x1x16xf32>,
        %swap3A_587 = vector.shape_cast %swap3A_586 : vector<1x1x16xf32> to vector<16xf32>
        %swap3A_588 = vector.shape_cast %mul3A_581 : vector<16xf32> to vector<1x1x16xf32>
        tpu.vector_store %arg6[%swap3A_583, %swap3A_584, %swap3A_585], %swap3A_588 {strides = array<i32>} : memref<3x32x1024xf32, #tpu.memory_space<vmem>>, vector<1x1x16xf32>,
        %get3A_589 = arith.constant 1 : i32
        %get3A_590 = arith.index_cast %get3A_589 : i32 to index
        %get3A_591 = arith.index_cast %add3A_302 : i32 to index
        %get3A_592 = arith.constant 288 : index
        %get3A_593 = tpu.vector_load %arg6[%get3A_590, %get3A_591, %get3A_592] {strides = array<i32>} : memref<3x32x1024xf32, #tpu.memory_space<vmem>>, vector<1x1x16xf32>,
        %get3A_594 = vector.shape_cast %get3A_593 : vector<1x1x16xf32> to vector<16xf32>
        %mul3A_595 = arith.constant 3.200000e+01 : f32
        %mul3A_596 = vector.broadcast %mul3A_595 : f32 to vector<16xf32>
        %mul3A_597 = arith.mulf %get3A_594, %mul3A_596 : vector<16xf32>
        %swap3A_598 = arith.constant 1 : i32
        %swap3A_599 = arith.index_cast %swap3A_598 : i32 to index
        %swap3A_600 = arith.index_cast %add3A_302 : i32 to index
        %swap3A_601 = arith.constant 288 : index
        %swap3A_602 = tpu.vector_load %arg6[%swap3A_599, %swap3A_600, %swap3A_601] {strides = array<i32>} : memref<3x32x1024xf32, #tpu.memory_space<vmem>>, vector<1x1x16xf32>,
        %swap3A_603 = vector.shape_cast %swap3A_602 : vector<1x1x16xf32> to vector<16xf32>
        %swap3A_604 = vector.shape_cast %mul3A_597 : vector<16xf32> to vector<1x1x16xf32>
        tpu.vector_store %arg6[%swap3A_599, %swap3A_600, %swap3A_601], %swap3A_604 {strides = array<i32>} : memref<3x32x1024xf32, #tpu.memory_space<vmem>>, vector<1x1x16xf32>,
        %get3A_605 = arith.constant 1 : i32
        %get3A_606 = arith.index_cast %get3A_605 : i32 to index
        %get3A_607 = arith.index_cast %add3A_302 : i32 to index
        %get3A_608 = arith.constant 304 : index
        %get3A_609 = tpu.vector_load %arg6[%get3A_606, %get3A_607, %get3A_608] {strides = array<i32>} : memref<3x32x1024xf32, #tpu.memory_space<vmem>>, vector<1x1x16xf32>,
        %get3A_610 = vector.shape_cast %get3A_609 : vector<1x1x16xf32> to vector<16xf32>
        %mul3A_611 = arith.constant 3.200000e+01 : f32
        %mul3A_612 = vector.broadcast %mul3A_611 : f32 to vector<16xf32>
        %mul3A_613 = arith.mulf %get3A_610, %mul3A_612 : vector<16xf32>
        %swap3A_614 = arith.constant 1 : i32
        %swap3A_615 = arith.index_cast %swap3A_614 : i32 to index
        %swap3A_616 = arith.index_cast %add3A_302 : i32 to index
        %swap3A_617 = arith.constant 304 : index
        %swap3A_618 = tpu.vector_load %arg6[%swap3A_615, %swap3A_616, %swap3A_617] {strides = array<i32>} : memref<3x32x1024xf32, #tpu.memory_space<vmem>>, vector<1x1x16xf32>,
        %swap3A_619 = vector.shape_cast %swap3A_618 : vector<1x1x16xf32> to vector<16xf32>
        %swap3A_620 = vector.shape_cast %mul3A_613 : vector<16xf32> to vector<1x1x16xf32>
        tpu.vector_store %arg6[%swap3A_615, %swap3A_616, %swap3A_617], %swap3A_620 {strides = array<i32>} : memref<3x32x1024xf32, #tpu.memory_space<vmem>>, vector<1x1x16xf32>,
        %get3A_621 = arith.constant 1 : i32
        %get3A_622 = arith.index_cast %get3A_621 : i32 to index
        %get3A_623 = arith.index_cast %add3A_302 : i32 to index
        %get3A_624 = arith.constant 320 : index
        %get3A_625 = tpu.vector_load %arg6[%get3A_622, %get3A_623, %get3A_624] {strides = array<i32>} : memref<3x32x1024xf32, #tpu.memory_space<vmem>>, vector<1x1x16xf32>,
        %get3A_626 = vector.shape_cast %get3A_625 : vector<1x1x16xf32> to vector<16xf32>
        %mul3A_627 = arith.constant 3.200000e+01 : f32
        %mul3A_628 = vector.broadcast %mul3A_627 : f32 to vector<16xf32>
        %mul3A_629 = arith.mulf %get3A_626, %mul3A_628 : vector<16xf32>
        %swap3A_630 = arith.constant 1 : i32
        %swap3A_631 = arith.index_cast %swap3A_630 : i32 to index
        %swap3A_632 = arith.index_cast %add3A_302 : i32 to index
        %swap3A_633 = arith.constant 320 : index
        %swap3A_634 = tpu.vector_load %arg6[%swap3A_631, %swap3A_632, %swap3A_633] {strides = array<i32>} : memref<3x32x1024xf32, #tpu.memory_space<vmem>>, vector<1x1x16xf32>,
        %swap3A_635 = vector.shape_cast %swap3A_634 : vector<1x1x16xf32> to vector<16xf32>
        %swap3A_636 = vector.shape_cast %mul3A_629 : vector<16xf32> to vector<1x1x16xf32>
        tpu.vector_store %arg6[%swap3A_631, %swap3A_632, %swap3A_633], %swap3A_636 {strides = array<i32>} : memref<3x32x1024xf32, #tpu.memory_space<vmem>>, vector<1x1x16xf32>,
        %get3A_637 = arith.constant 1 : i32
        %get3A_638 = arith.index_cast %get3A_637 : i32 to index
        %get3A_639 = arith.index_cast %add3A_302 : i32 to index
        %get3A_640 = arith.constant 336 : index
        %get3A_641 = tpu.vector_load %arg6[%get3A_638, %get3A_639, %get3A_640] {strides = array<i32>} : memref<3x32x1024xf32, #tpu.memory_space<vmem>>, vector<1x1x16xf32>,
        %get3A_642 = vector.shape_cast %get3A_641 : vector<1x1x16xf32> to vector<16xf32>
        %mul3A_643 = arith.constant 3.200000e+01 : f32
        %mul3A_644 = vector.broadcast %mul3A_643 : f32 to vector<16xf32>
        %mul3A_645 = arith.mulf %get3A_642, %mul3A_644 : vector<16xf32>
        %swap3A_646 = arith.constant 1 : i32
        %swap3A_647 = arith.index_cast %swap3A_646 : i32 to index
        %swap3A_648 = arith.index_cast %add3A_302 : i32 to index
        %swap3A_649 = arith.constant 336 : index
        %swap3A_650 = tpu.vector_load %arg6[%swap3A_647, %swap3A_648, %swap3A_649] {strides = array<i32>} : memref<3x32x1024xf32, #tpu.memory_space<vmem>>, vector<1x1x16xf32>,
        %swap3A_651 = vector.shape_cast %swap3A_650 : vector<1x1x16xf32> to vector<16xf32>
        %swap3A_652 = vector.shape_cast %mul3A_645 : vector<16xf32> to vector<1x1x16xf32>
        tpu.vector_store %arg6[%swap3A_647, %swap3A_648, %swap3A_649], %swap3A_652 {strides = array<i32>} : memref<3x32x1024xf32, #tpu.memory_space<vmem>>, vector<1x1x16xf32>,
        %get3A_653 = arith.constant 1 : i32
        %get3A_654 = arith.index_cast %get3A_653 : i32 to index
        %get3A_655 = arith.index_cast %add3A_302 : i32 to index
        %get3A_656 = arith.constant 352 : index
        %get3A_657 = tpu.vector_load %arg6[%get3A_654, %get3A_655, %get3A_656] {strides = array<i32>} : memref<3x32x1024xf32, #tpu.memory_space<vmem>>, vector<1x1x16xf32>,
        %get3A_658 = vector.shape_cast %get3A_657 : vector<1x1x16xf32> to vector<16xf32>
        %mul3A_659 = arith.constant 3.200000e+01 : f32
        %mul3A_660 = vector.broadcast %mul3A_659 : f32 to vector<16xf32>
        %mul3A_661 = arith.mulf %get3A_658, %mul3A_660 : vector<16xf32>
        %swap3A_662 = arith.constant 1 : i32
        %swap3A_663 = arith.index_cast %swap3A_662 : i32 to index
        %swap3A_664 = arith.index_cast %add3A_302 : i32 to index
        %swap3A_665 = arith.constant 352 : index
        %swap3A_666 = tpu.vector_load %arg6[%swap3A_663, %swap3A_664, %swap3A_665] {strides = array<i32>} : memref<3x32x1024xf32, #tpu.memory_space<vmem>>, vector<1x1x16xf32>,
        %swap3A_667 = vector.shape_cast %swap3A_666 : vector<1x1x16xf32> to vector<16xf32>
        %swap3A_668 = vector.shape_cast %mul3A_661 : vector<16xf32> to vector<1x1x16xf32>
        tpu.vector_store %arg6[%swap3A_663, %swap3A_664, %swap3A_665], %swap3A_668 {strides = array<i32>} : memref<3x32x1024xf32, #tpu.memory_space<vmem>>, vector<1x1x16xf32>,
        %get3A_669 = arith.constant 1 : i32
        %get3A_670 = arith.index_cast %get3A_669 : i32 to index
        %get3A_671 = arith.index_cast %add3A_302 : i32 to index
        %get3A_672 = arith.constant 368 : index
        %get3A_673 = tpu.vector_load %arg6[%get3A_670, %get3A_671, %get3A_672] {strides = array<i32>} : memref<3x32x1024xf32, #tpu.memory_space<vmem>>, vector<1x1x16xf32>,
        %get3A_674 = vector.shape_cast %get3A_673 : vector<1x1x16xf32> to vector<16xf32>
        %mul3A_675 = arith.constant 3.200000e+01 : f32
        %mul3A_676 = vector.broadcast %mul3A_675 : f32 to vector<16xf32>
        %mul3A_677 = arith.mulf %get3A_674, %mul3A_676 : vector<16xf32>
        %swap3A_678 = arith.constant 1 : i32
        %swap3A_679 = arith.index_cast %swap3A_678 : i32 to index
        %swap3A_680 = arith.index_cast %add3A_302 : i32 to index
        %swap3A_681 = arith.constant 368 : index
        %swap3A_682 = tpu.vector_load %arg6[%swap3A_679, %swap3A_680, %swap3A_681] {strides = array<i32>} : memref<3x32x1024xf32, #tpu.memory_space<vmem>>, vector<1x1x16xf32>,
        %swap3A_683 = vector.shape_cast %swap3A_682 : vector<1x1x16xf32> to vector<16xf32>
        %swap3A_684 = vector.shape_cast %mul3A_677 : vector<16xf32> to vector<1x1x16xf32>
        tpu.vector_store %arg6[%swap3A_679, %swap3A_680, %swap3A_681], %swap3A_684 {strides = array<i32>} : memref<3x32x1024xf32, #tpu.memory_space<vmem>>, vector<1x1x16xf32>,
        %get3A_685 = arith.constant 1 : i32
        %get3A_686 = arith.index_cast %get3A_685 : i32 to index
        %get3A_687 = arith.index_cast %add3A_302 : i32 to index
        %get3A_688 = arith.constant 384 : index
        %get3A_689 = tpu.vector_load %arg6[%get3A_686, %get3A_687, %get3A_688] {strides = array<i32>} : memref<3x32x1024xf32, #tpu.memory_space<vmem>>, vector<1x1x16xf32>,
        %get3A_690 = vector.shape_cast %get3A_689 : vector<1x1x16xf32> to vector<16xf32>
        %mul3A_691 = arith.constant 3.200000e+01 : f32
        %mul3A_692 = vector.broadcast %mul3A_691 : f32 to vector<16xf32>
        %mul3A_693 = arith.mulf %get3A_690, %mul3A_692 : vector<16xf32>
        %swap3A_694 = arith.constant 1 : i32
        %swap3A_695 = arith.index_cast %swap3A_694 : i32 to index
        %swap3A_696 = arith.index_cast %add3A_302 : i32 to index
        %swap3A_697 = arith.constant 384 : index
        %swap3A_698 = tpu.vector_load %arg6[%swap3A_695, %swap3A_696, %swap3A_697] {strides = array<i32>} : memref<3x32x1024xf32, #tpu.memory_space<vmem>>, vector<1x1x16xf32>,
        %swap3A_699 = vector.shape_cast %swap3A_698 : vector<1x1x16xf32> to vector<16xf32>
        %swap3A_700 = vector.shape_cast %mul3A_693 : vector<16xf32> to vector<1x1x16xf32>
        tpu.vector_store %arg6[%swap3A_695, %swap3A_696, %swap3A_697], %swap3A_700 {strides = array<i32>} : memref<3x32x1024xf32, #tpu.memory_space<vmem>>, vector<1x1x16xf32>,
        %get3A_701 = arith.constant 1 : i32
        %get3A_702 = arith.index_cast %get3A_701 : i32 to index
        %get3A_703 = arith.index_cast %add3A_302 : i32 to index
        %get3A_704 = arith.constant 400 : index
        %get3A_705 = tpu.vector_load %arg6[%get3A_702, %get3A_703, %get3A_704] {strides = array<i32>} : memref<3x32x1024xf32, #tpu.memory_space<vmem>>, vector<1x1x16xf32>,
        %get3A_706 = vector.shape_cast %get3A_705 : vector<1x1x16xf32> to vector<16xf32>
        %mul3A_707 = arith.constant 3.200000e+01 : f32
        %mul3A_708 = vector.broadcast %mul3A_707 : f32 to vector<16xf32>
        %mul3A_709 = arith.mulf %get3A_706, %mul3A_708 : vector<16xf32>
        %swap3A_710 = arith.constant 1 : i32
        %swap3A_711 = arith.index_cast %swap3A_710 : i32 to index
        %swap3A_712 = arith.index_cast %add3A_302 : i32 to index
        %swap3A_713 = arith.constant 400 : index
        %swap3A_714 = tpu.vector_load %arg6[%swap3A_711, %swap3A_712, %swap3A_713] {strides = array<i32>} : memref<3x32x1024xf32, #tpu.memory_space<vmem>>, vector<1x1x16xf32>,
        %swap3A_715 = vector.shape_cast %swap3A_714 : vector<1x1x16xf32> to vector<16xf32>
        %swap3A_716 = vector.shape_cast %mul3A_709 : vector<16xf32> to vector<1x1x16xf32>
        tpu.vector_store %arg6[%swap3A_711, %swap3A_712, %swap3A_713], %swap3A_716 {strides = array<i32>} : memref<3x32x1024xf32, #tpu.memory_space<vmem>>, vector<1x1x16xf32>,
        %get3A_717 = arith.constant 1 : i32
        %get3A_718 = arith.index_cast %get3A_717 : i32 to index
        %get3A_719 = arith.index_cast %add3A_302 : i32 to index
        %get3A_720 = arith.constant 416 : index
        %get3A_721 = tpu.vector_load %arg6[%get3A_718, %get3A_719, %get3A_720] {strides = array<i32>} : memref<3x32x1024xf32, #tpu.memory_space<vmem>>, vector<1x1x16xf32>,
        %get3A_722 = vector.shape_cast %get3A_721 : vector<1x1x16xf32> to vector<16xf32>
        %mul3A_723 = arith.constant 3.200000e+01 : f32
        %mul3A_724 = vector.broadcast %mul3A_723 : f32 to vector<16xf32>
        %mul3A_725 = arith.mulf %get3A_722, %mul3A_724 : vector<16xf32>
        %swap3A_726 = arith.constant 1 : i32
        %swap3A_727 = arith.index_cast %swap3A_726 : i32 to index
        %swap3A_728 = arith.index_cast %add3A_302 : i32 to index
        %swap3A_729 = arith.constant 416 : index
        %swap3A_730 = tpu.vector_load %arg6[%swap3A_727, %swap3A_728, %swap3A_729] {strides = array<i32>} : memref<3x32x1024xf32, #tpu.memory_space<vmem>>, vector<1x1x16xf32>,
        %swap3A_731 = vector.shape_cast %swap3A_730 : vector<1x1x16xf32> to vector<16xf32>
        %swap3A_732 = vector.shape_cast %mul3A_725 : vector<16xf32> to vector<1x1x16xf32>
        tpu.vector_store %arg6[%swap3A_727, %swap3A_728, %swap3A_729], %swap3A_732 {strides = array<i32>} : memref<3x32x1024xf32, #tpu.memory_space<vmem>>, vector<1x1x16xf32>,
        %get3A_733 = arith.constant 1 : i32
        %get3A_734 = arith.index_cast %get3A_733 : i32 to index
        %get3A_735 = arith.index_cast %add3A_302 : i32 to index
        %get3A_736 = arith.constant 432 : index
        %get3A_737 = tpu.vector_load %arg6[%get3A_734, %get3A_735, %get3A_736] {strides = array<i32>} : memref<3x32x1024xf32, #tpu.memory_space<vmem>>, vector<1x1x16xf32>,
        %get3A_738 = vector.shape_cast %get3A_737 : vector<1x1x16xf32> to vector<16xf32>
        %mul3A_739 = arith.constant 3.200000e+01 : f32
        %mul3A_740 = vector.broadcast %mul3A_739 : f32 to vector<16xf32>
        %mul3A_741 = arith.mulf %get3A_738, %mul3A_740 : vector<16xf32>
        %swap3A_742 = arith.constant 1 : i32
        %swap3A_743 = arith.index_cast %swap3A_742 : i32 to index
        %swap3A_744 = arith.index_cast %add3A_302 : i32 to index
        %swap3A_745 = arith.constant 432 : index
        %swap3A_746 = tpu.vector_load %arg6[%swap3A_743, %swap3A_744, %swap3A_745] {strides = array<i32>} : memref<3x32x1024xf32, #tpu.memory_space<vmem>>, vector<1x1x16xf32>,
        %swap3A_747 = vector.shape_cast %swap3A_746 : vector<1x1x16xf32> to vector<16xf32>
        %swap3A_748 = vector.shape_cast %mul3A_741 : vector<16xf32> to vector<1x1x16xf32>
        tpu.vector_store %arg6[%swap3A_743, %swap3A_744, %swap3A_745], %swap3A_748 {strides = array<i32>} : memref<3x32x1024xf32, #tpu.memory_space<vmem>>, vector<1x1x16xf32>,
        %get3A_749 = arith.constant 1 : i32
        %get3A_750 = arith.index_cast %get3A_749 : i32 to index
        %get3A_751 = arith.index_cast %add3A_302 : i32 to index
        %get3A_752 = arith.constant 448 : index
        %get3A_753 = tpu.vector_load %arg6[%get3A_750, %get3A_751, %get3A_752] {strides = array<i32>} : memref<3x32x1024xf32, #tpu.memory_space<vmem>>, vector<1x1x16xf32>,
        %get3A_754 = vector.shape_cast %get3A_753 : vector<1x1x16xf32> to vector<16xf32>
        %mul3A_755 = arith.constant 3.200000e+01 : f32
        %mul3A_756 = vector.broadcast %mul3A_755 : f32 to vector<16xf32>
        %mul3A_757 = arith.mulf %get3A_754, %mul3A_756 : vector<16xf32>
        %swap3A_758 = arith.constant 1 : i32
        %swap3A_759 = arith.index_cast %swap3A_758 : i32 to index
        %swap3A_760 = arith.index_cast %add3A_302 : i32 to index
        %swap3A_761 = arith.constant 448 : index
        %swap3A_762 = tpu.vector_load %arg6[%swap3A_759, %swap3A_760, %swap3A_761] {strides = array<i32>} : memref<3x32x1024xf32, #tpu.memory_space<vmem>>, vector<1x1x16xf32>,
        %swap3A_763 = vector.shape_cast %swap3A_762 : vector<1x1x16xf32> to vector<16xf32>
        %swap3A_764 = vector.shape_cast %mul3A_757 : vector<16xf32> to vector<1x1x16xf32>
        tpu.vector_store %arg6[%swap3A_759, %swap3A_760, %swap3A_761], %swap3A_764 {strides = array<i32>} : memref<3x32x1024xf32, #tpu.memory_space<vmem>>, vector<1x1x16xf32>,
        %get3A_765 = arith.constant 1 : i32
        %get3A_766 = arith.index_cast %get3A_765 : i32 to index
        %get3A_767 = arith.index_cast %add3A_302 : i32 to index
        %get3A_768 = arith.constant 464 : index
        %get3A_769 = tpu.vector_load %arg6[%get3A_766, %get3A_767, %get3A_768] {strides = array<i32>} : memref<3x32x1024xf32, #tpu.memory_space<vmem>>, vector<1x1x16xf32>,
        %get3A_770 = vector.shape_cast %get3A_769 : vector<1x1x16xf32> to vector<16xf32>
        %mul3A_771 = arith.constant 3.200000e+01 : f32
        %mul3A_772 = vector.broadcast %mul3A_771 : f32 to vector<16xf32>
        %mul3A_773 = arith.mulf %get3A_770, %mul3A_772 : vector<16xf32>
        %swap3A_774 = arith.constant 1 : i32
        %swap3A_775 = arith.index_cast %swap3A_774 : i32 to index
        %swap3A_776 = arith.index_cast %add3A_302 : i32 to index
        %swap3A_777 = arith.constant 464 : index
        %swap3A_778 = tpu.vector_load %arg6[%swap3A_775, %swap3A_776, %swap3A_777] {strides = array<i32>} : memref<3x32x1024xf32, #tpu.memory_space<vmem>>, vector<1x1x16xf32>,
        %swap3A_779 = vector.shape_cast %swap3A_778 : vector<1x1x16xf32> to vector<16xf32>
        %swap3A_780 = vector.shape_cast %mul3A_773 : vector<16xf32> to vector<1x1x16xf32>
        tpu.vector_store %arg6[%swap3A_775, %swap3A_776, %swap3A_777], %swap3A_780 {strides = array<i32>} : memref<3x32x1024xf32, #tpu.memory_space<vmem>>, vector<1x1x16xf32>,
        %get3A_781 = arith.constant 1 : i32
        %get3A_782 = arith.index_cast %get3A_781 : i32 to index
        %get3A_783 = arith.index_cast %add3A_302 : i32 to index
        %get3A_784 = arith.constant 480 : index
        %get3A_785 = tpu.vector_load %arg6[%get3A_782, %get3A_783, %get3A_784] {strides = array<i32>} : memref<3x32x1024xf32, #tpu.memory_space<vmem>>, vector<1x1x16xf32>,
        %get3A_786 = vector.shape_cast %get3A_785 : vector<1x1x16xf32> to vector<16xf32>
        %mul3A_787 = arith.constant 3.200000e+01 : f32
        %mul3A_788 = vector.broadcast %mul3A_787 : f32 to vector<16xf32>
        %mul3A_789 = arith.mulf %get3A_786, %mul3A_788 : vector<16xf32>
        %swap3A_790 = arith.constant 1 : i32
        %swap3A_791 = arith.index_cast %swap3A_790 : i32 to index
        %swap3A_792 = arith.index_cast %add3A_302 : i32 to index
        %swap3A_793 = arith.constant 480 : index
        %swap3A_794 = tpu.vector_load %arg6[%swap3A_791, %swap3A_792, %swap3A_793] {strides = array<i32>} : memref<3x32x1024xf32, #tpu.memory_space<vmem>>, vector<1x1x16xf32>,
        %swap3A_795 = vector.shape_cast %swap3A_794 : vector<1x1x16xf32> to vector<16xf32>
        %swap3A_796 = vector.shape_cast %mul3A_789 : vector<16xf32> to vector<1x1x16xf32>
        tpu.vector_store %arg6[%swap3A_791, %swap3A_792, %swap3A_793], %swap3A_796 {strides = array<i32>} : memref<3x32x1024xf32, #tpu.memory_space<vmem>>, vector<1x1x16xf32>,
        %get3A_797 = arith.constant 1 : i32
        %get3A_798 = arith.index_cast %get3A_797 : i32 to index
        %get3A_799 = arith.index_cast %add3A_302 : i32 to index
        %get3A_800 = arith.constant 496 : index
        %get3A_801 = tpu.vector_load %arg6[%get3A_798, %get3A_799, %get3A_800] {strides = array<i32>} : memref<3x32x1024xf32, #tpu.memory_space<vmem>>, vector<1x1x16xf32>,
        %get3A_802 = vector.shape_cast %get3A_801 : vector<1x1x16xf32> to vector<16xf32>
        %mul3A_803 = arith.constant 3.200000e+01 : f32
        %mul3A_804 = vector.broadcast %mul3A_803 : f32 to vector<16xf32>
        %mul3A_805 = arith.mulf %get3A_802, %mul3A_804 : vector<16xf32>
        %swap3A_806 = arith.constant 1 : i32
        %swap3A_807 = arith.index_cast %swap3A_806 : i32 to index
        %swap3A_808 = arith.index_cast %add3A_302 : i32 to index
        %swap3A_809 = arith.constant 496 : index
        %swap3A_810 = tpu.vector_load %arg6[%swap3A_807, %swap3A_808, %swap3A_809] {strides = array<i32>} : memref<3x32x1024xf32, #tpu.memory_space<vmem>>, vector<1x1x16xf32>,
        %swap3A_811 = vector.shape_cast %swap3A_810 : vector<1x1x16xf32> to vector<16xf32>
        %swap3A_812 = vector.shape_cast %mul3A_805 : vector<16xf32> to vector<1x1x16xf32>
        tpu.vector_store %arg6[%swap3A_807, %swap3A_808, %swap3A_809], %swap3A_812 {strides = array<i32>} : memref<3x32x1024xf32, #tpu.memory_space<vmem>>, vector<1x1x16xf32>,
        %get3A_813 = arith.constant 1 : i32
        %get3A_814 = arith.index_cast %get3A_813 : i32 to index
        %get3A_815 = arith.index_cast %add3A_302 : i32 to index
        %get3A_816 = arith.constant 512 : index
        %get3A_817 = tpu.vector_load %arg6[%get3A_814, %get3A_815, %get3A_816] {strides = array<i32>} : memref<3x32x1024xf32, #tpu.memory_space<vmem>>, vector<1x1x16xf32>,
        %get3A_818 = vector.shape_cast %get3A_817 : vector<1x1x16xf32> to vector<16xf32>
        %mul3A_819 = arith.constant 3.200000e+01 : f32
        %mul3A_820 = vector.broadcast %mul3A_819 : f32 to vector<16xf32>
        %mul3A_821 = arith.mulf %get3A_818, %mul3A_820 : vector<16xf32>
        %swap3A_822 = arith.constant 1 : i32
        %swap3A_823 = arith.index_cast %swap3A_822 : i32 to index
        %swap3A_824 = arith.index_cast %add3A_302 : i32 to index
        %swap3A_825 = arith.constant 512 : index
        %swap3A_826 = tpu.vector_load %arg6[%swap3A_823, %swap3A_824, %swap3A_825] {strides = array<i32>} : memref<3x32x1024xf32, #tpu.memory_space<vmem>>, vector<1x1x16xf32>,
        %swap3A_827 = vector.shape_cast %swap3A_826 : vector<1x1x16xf32> to vector<16xf32>
        %swap3A_828 = vector.shape_cast %mul3A_821 : vector<16xf32> to vector<1x1x16xf32>
        tpu.vector_store %arg6[%swap3A_823, %swap3A_824, %swap3A_825], %swap3A_828 {strides = array<i32>} : memref<3x32x1024xf32, #tpu.memory_space<vmem>>, vector<1x1x16xf32>,
        %get3A_829 = arith.constant 1 : i32
        %get3A_830 = arith.index_cast %get3A_829 : i32 to index
        %get3A_831 = arith.index_cast %add3A_302 : i32 to index
        %get3A_832 = arith.constant 528 : index
        %get3A_833 = tpu.vector_load %arg6[%get3A_830, %get3A_831, %get3A_832] {strides = array<i32>} : memref<3x32x1024xf32, #tpu.memory_space<vmem>>, vector<1x1x16xf32>,
        %get3A_834 = vector.shape_cast %get3A_833 : vector<1x1x16xf32> to vector<16xf32>
        %mul3A_835 = arith.constant 3.200000e+01 : f32
        %mul3A_836 = vector.broadcast %mul3A_835 : f32 to vector<16xf32>
        %mul3A_837 = arith.mulf %get3A_834, %mul3A_836 : vector<16xf32>
        %swap3A_838 = arith.constant 1 : i32
        %swap3A_839 = arith.index_cast %swap3A_838 : i32 to index
        %swap3A_840 = arith.index_cast %add3A_302 : i32 to index
        %swap3A_841 = arith.constant 528 : index
        %swap3A_842 = tpu.vector_load %arg6[%swap3A_839, %swap3A_840, %swap3A_841] {strides = array<i32>} : memref<3x32x1024xf32, #tpu.memory_space<vmem>>, vector<1x1x16xf32>,
        %swap3A_843 = vector.shape_cast %swap3A_842 : vector<1x1x16xf32> to vector<16xf32>
        %swap3A_844 = vector.shape_cast %mul3A_837 : vector<16xf32> to vector<1x1x16xf32>
        tpu.vector_store %arg6[%swap3A_839, %swap3A_840, %swap3A_841], %swap3A_844 {strides = array<i32>} : memref<3x32x1024xf32, #tpu.memory_space<vmem>>, vector<1x1x16xf32>,
        %get3A_845 = arith.constant 1 : i32
        %get3A_846 = arith.index_cast %get3A_845 : i32 to index
        %get3A_847 = arith.index_cast %add3A_302 : i32 to index
        %get3A_848 = arith.constant 544 : index
        %get3A_849 = tpu.vector_load %arg6[%get3A_846, %get3A_847, %get3A_848] {strides = array<i32>} : memref<3x32x1024xf32, #tpu.memory_space<vmem>>, vector<1x1x16xf32>,
        %get3A_850 = vector.shape_cast %get3A_849 : vector<1x1x16xf32> to vector<16xf32>
        %mul3A_851 = arith.constant 3.200000e+01 : f32
        %mul3A_852 = vector.broadcast %mul3A_851 : f32 to vector<16xf32>
        %mul3A_853 = arith.mulf %get3A_850, %mul3A_852 : vector<16xf32>
        %swap3A_854 = arith.constant 1 : i32
        %swap3A_855 = arith.index_cast %swap3A_854 : i32 to index
        %swap3A_856 = arith.index_cast %add3A_302 : i32 to index
        %swap3A_857 = arith.constant 544 : index
        %swap3A_858 = tpu.vector_load %arg6[%swap3A_855, %swap3A_856, %swap3A_857] {strides = array<i32>} : memref<3x32x1024xf32, #tpu.memory_space<vmem>>, vector<1x1x16xf32>,
        %swap3A_859 = vector.shape_cast %swap3A_858 : vector<1x1x16xf32> to vector<16xf32>
        %swap3A_860 = vector.shape_cast %mul3A_853 : vector<16xf32> to vector<1x1x16xf32>
        tpu.vector_store %arg6[%swap3A_855, %swap3A_856, %swap3A_857], %swap3A_860 {strides = array<i32>} : memref<3x32x1024xf32, #tpu.memory_space<vmem>>, vector<1x1x16xf32>,
        %get3A_861 = arith.constant 1 : i32
        %get3A_862 = arith.index_cast %get3A_861 : i32 to index
        %get3A_863 = arith.index_cast %add3A_302 : i32 to index
        %get3A_864 = arith.constant 560 : index
        %get3A_865 = tpu.vector_load %arg6[%get3A_862, %get3A_863, %get3A_864] {strides = array<i32>} : memref<3x32x1024xf32, #tpu.memory_space<vmem>>, vector<1x1x16xf32>,
        %get3A_866 = vector.shape_cast %get3A_865 : vector<1x1x16xf32> to vector<16xf32>
        %mul3A_867 = arith.constant 3.200000e+01 : f32
        %mul3A_868 = vector.broadcast %mul3A_867 : f32 to vector<16xf32>
        %mul3A_869 = arith.mulf %get3A_866, %mul3A_868 : vector<16xf32>
        %swap3A_870 = arith.constant 1 : i32
        %swap3A_871 = arith.index_cast %swap3A_870 : i32 to index
        %swap3A_872 = arith.index_cast %add3A_302 : i32 to index
        %swap3A_873 = arith.constant 560 : index
        %swap3A_874 = tpu.vector_load %arg6[%swap3A_871, %swap3A_872, %swap3A_873] {strides = array<i32>} : memref<3x32x1024xf32, #tpu.memory_space<vmem>>, vector<1x1x16xf32>,
        %swap3A_875 = vector.shape_cast %swap3A_874 : vector<1x1x16xf32> to vector<16xf32>
        %swap3A_876 = vector.shape_cast %mul3A_869 : vector<16xf32> to vector<1x1x16xf32>
        tpu.vector_store %arg6[%swap3A_871, %swap3A_872, %swap3A_873], %swap3A_876 {strides = array<i32>} : memref<3x32x1024xf32, #tpu.memory_space<vmem>>, vector<1x1x16xf32>,
        %get3A_877 = arith.constant 1 : i32
        %get3A_878 = arith.index_cast %get3A_877 : i32 to index
        %get3A_879 = arith.index_cast %add3A_302 : i32 to index
        %get3A_880 = arith.constant 576 : index
        %get3A_881 = tpu.vector_load %arg6[%get3A_878, %get3A_879, %get3A_880] {strides = array<i32>} : memref<3x32x1024xf32, #tpu.memory_space<vmem>>, vector<1x1x16xf32>,
        %get3A_882 = vector.shape_cast %get3A_881 : vector<1x1x16xf32> to vector<16xf32>
        %mul3A_883 = arith.constant 3.200000e+01 : f32
        %mul3A_884 = vector.broadcast %mul3A_883 : f32 to vector<16xf32>
        %mul3A_885 = arith.mulf %get3A_882, %mul3A_884 : vector<16xf32>
        %swap3A_886 = arith.constant 1 : i32
        %swap3A_887 = arith.index_cast %swap3A_886 : i32 to index
        %swap3A_888 = arith.index_cast %add3A_302 : i32 to index
        %swap3A_889 = arith.constant 576 : index
        %swap3A_890 = tpu.vector_load %arg6[%swap3A_887, %swap3A_888, %swap3A_889] {strides = array<i32>} : memref<3x32x1024xf32, #tpu.memory_space<vmem>>, vector<1x1x16xf32>,
        %swap3A_891 = vector.shape_cast %swap3A_890 : vector<1x1x16xf32> to vector<16xf32>
        %swap3A_892 = vector.shape_cast %mul3A_885 : vector<16xf32> to vector<1x1x16xf32>
        tpu.vector_store %arg6[%swap3A_887, %swap3A_888, %swap3A_889], %swap3A_892 {strides = array<i32>} : memref<3x32x1024xf32, #tpu.memory_space<vmem>>, vector<1x1x16xf32>,
        %get3A_893 = arith.constant 1 : i32
        %get3A_894 = arith.index_cast %get3A_893 : i32 to index
        %get3A_895 = arith.index_cast %add3A_302 : i32 to index
        %get3A_896 = arith.constant 592 : index
        %get3A_897 = tpu.vector_load %arg6[%get3A_894, %get3A_895, %get3A_896] {strides = array<i32>} : memref<3x32x1024xf32, #tpu.memory_space<vmem>>, vector<1x1x16xf32>,
        %get3A_898 = vector.shape_cast %get3A_897 : vector<1x1x16xf32> to vector<16xf32>
        %mul3A_899 = arith.constant 3.200000e+01 : f32
        %mul3A_900 = vector.broadcast %mul3A_899 : f32 to vector<16xf32>
        %mul3A_901 = arith.mulf %get3A_898, %mul3A_900 : vector<16xf32>
        %swap3A_902 = arith.constant 1 : i32
        %swap3A_903 = arith.index_cast %swap3A_902 : i32 to index
        %swap3A_904 = arith.index_cast %add3A_302 : i32 to index
        %swap3A_905 = arith.constant 592 : index
        %swap3A_906 = tpu.vector_load %arg6[%swap3A_903, %swap3A_904, %swap3A_905] {strides = array<i32>} : memref<3x32x1024xf32, #tpu.memory_space<vmem>>, vector<1x1x16xf32>,
        %swap3A_907 = vector.shape_cast %swap3A_906 : vector<1x1x16xf32> to vector<16xf32>
        %swap3A_908 = vector.shape_cast %mul3A_901 : vector<16xf32> to vector<1x1x16xf32>
        tpu.vector_store %arg6[%swap3A_903, %swap3A_904, %swap3A_905], %swap3A_908 {strides = array<i32>} : memref<3x32x1024xf32, #tpu.memory_space<vmem>>, vector<1x1x16xf32>,
        %get3A_909 = arith.constant 1 : i32
        %get3A_910 = arith.index_cast %get3A_909 : i32 to index
        %get3A_911 = arith.index_cast %add3A_302 : i32 to index
        %get3A_912 = arith.constant 608 : index
        %get3A_913 = tpu.vector_load %arg6[%get3A_910, %get3A_911, %get3A_912] {strides = array<i32>} : memref<3x32x1024xf32, #tpu.memory_space<vmem>>, vector<1x1x16xf32>,
        %get3A_914 = vector.shape_cast %get3A_913 : vector<1x1x16xf32> to vector<16xf32>
        %mul3A_915 = arith.constant 3.200000e+01 : f32
        %mul3A_916 = vector.broadcast %mul3A_915 : f32 to vector<16xf32>
        %mul3A_917 = arith.mulf %get3A_914, %mul3A_916 : vector<16xf32>
        %swap3A_918 = arith.constant 1 : i32
        %swap3A_919 = arith.index_cast %swap3A_918 : i32 to index
        %swap3A_920 = arith.index_cast %add3A_302 : i32 to index
        %swap3A_921 = arith.constant 608 : index
        %swap3A_922 = tpu.vector_load %arg6[%swap3A_919, %swap3A_920, %swap3A_921] {strides = array<i32>} : memref<3x32x1024xf32, #tpu.memory_space<vmem>>, vector<1x1x16xf32>,
        %swap3A_923 = vector.shape_cast %swap3A_922 : vector<1x1x16xf32> to vector<16xf32>
        %swap3A_924 = vector.shape_cast %mul3A_917 : vector<16xf32> to vector<1x1x16xf32>
        tpu.vector_store %arg6[%swap3A_919, %swap3A_920, %swap3A_921], %swap3A_924 {strides = array<i32>} : memref<3x32x1024xf32, #tpu.memory_space<vmem>>, vector<1x1x16xf32>,
        %get3A_925 = arith.constant 1 : i32
        %get3A_926 = arith.index_cast %get3A_925 : i32 to index
        %get3A_927 = arith.index_cast %add3A_302 : i32 to index
        %get3A_928 = arith.constant 624 : index
        %get3A_929 = tpu.vector_load %arg6[%get3A_926, %get3A_927, %get3A_928] {strides = array<i32>} : memref<3x32x1024xf32, #tpu.memory_space<vmem>>, vector<1x1x16xf32>,
        %get3A_930 = vector.shape_cast %get3A_929 : vector<1x1x16xf32> to vector<16xf32>
        %mul3A_931 = arith.constant 3.200000e+01 : f32
        %mul3A_932 = vector.broadcast %mul3A_931 : f32 to vector<16xf32>
        %mul3A_933 = arith.mulf %get3A_930, %mul3A_932 : vector<16xf32>
        %swap3A_934 = arith.constant 1 : i32
        %swap3A_935 = arith.index_cast %swap3A_934 : i32 to index
        %swap3A_936 = arith.index_cast %add3A_302 : i32 to index
        %swap3A_937 = arith.constant 624 : index
        %swap3A_938 = tpu.vector_load %arg6[%swap3A_935, %swap3A_936, %swap3A_937] {strides = array<i32>} : memref<3x32x1024xf32, #tpu.memory_space<vmem>>, vector<1x1x16xf32>,
        %swap3A_939 = vector.shape_cast %swap3A_938 : vector<1x1x16xf32> to vector<16xf32>
        %swap3A_940 = vector.shape_cast %mul3A_933 : vector<16xf32> to vector<1x1x16xf32>
        tpu.vector_store %arg6[%swap3A_935, %swap3A_936, %swap3A_937], %swap3A_940 {strides = array<i32>} : memref<3x32x1024xf32, #tpu.memory_space<vmem>>, vector<1x1x16xf32>,
        %get3A_941 = arith.constant 1 : i32
        %get3A_942 = arith.index_cast %get3A_941 : i32 to index
        %get3A_943 = arith.index_cast %add3A_302 : i32 to index
        %get3A_944 = arith.constant 640 : index
        %get3A_945 = tpu.vector_load %arg6[%get3A_942, %get3A_943, %get3A_944] {strides = array<i32>} : memref<3x32x1024xf32, #tpu.memory_space<vmem>>, vector<1x1x16xf32>,
        %get3A_946 = vector.shape_cast %get3A_945 : vector<1x1x16xf32> to vector<16xf32>
        %mul3A_947 = arith.constant 3.200000e+01 : f32
        %mul3A_948 = vector.broadcast %mul3A_947 : f32 to vector<16xf32>
        %mul3A_949 = arith.mulf %get3A_946, %mul3A_948 : vector<16xf32>
        %swap3A_950 = arith.constant 1 : i32
        %swap3A_951 = arith.index_cast %swap3A_950 : i32 to index
        %swap3A_952 = arith.index_cast %add3A_302 : i32 to index
        %swap3A_953 = arith.constant 640 : index
        %swap3A_954 = tpu.vector_load %arg6[%swap3A_951, %swap3A_952, %swap3A_953] {strides = array<i32>} : memref<3x32x1024xf32, #tpu.memory_space<vmem>>, vector<1x1x16xf32>,
        %swap3A_955 = vector.shape_cast %swap3A_954 : vector<1x1x16xf32> to vector<16xf32>
        %swap3A_956 = vector.shape_cast %mul3A_949 : vector<16xf32> to vector<1x1x16xf32>
        tpu.vector_store %arg6[%swap3A_951, %swap3A_952, %swap3A_953], %swap3A_956 {strides = array<i32>} : memref<3x32x1024xf32, #tpu.memory_space<vmem>>, vector<1x1x16xf32>,
        %get3A_957 = arith.constant 1 : i32
        %get3A_958 = arith.index_cast %get3A_957 : i32 to index
        %get3A_959 = arith.index_cast %add3A_302 : i32 to index
        %get3A_960 = arith.constant 656 : index
        %get3A_961 = tpu.vector_load %arg6[%get3A_958, %get3A_959, %get3A_960] {strides = array<i32>} : memref<3x32x1024xf32, #tpu.memory_space<vmem>>, vector<1x1x16xf32>,
        %get3A_962 = vector.shape_cast %get3A_961 : vector<1x1x16xf32> to vector<16xf32>
        %mul3A_963 = arith.constant 3.200000e+01 : f32
        %mul3A_964 = vector.broadcast %mul3A_963 : f32 to vector<16xf32>
        %mul3A_965 = arith.mulf %get3A_962, %mul3A_964 : vector<16xf32>
        %swap3A_966 = arith.constant 1 : i32
        %swap3A_967 = arith.index_cast %swap3A_966 : i32 to index
        %swap3A_968 = arith.index_cast %add3A_302 : i32 to index
        %swap3A_969 = arith.constant 656 : index
        %swap3A_970 = tpu.vector_load %arg6[%swap3A_967, %swap3A_968, %swap3A_969] {strides = array<i32>} : memref<3x32x1024xf32, #tpu.memory_space<vmem>>, vector<1x1x16xf32>,
        %swap3A_971 = vector.shape_cast %swap3A_970 : vector<1x1x16xf32> to vector<16xf32>
        %swap3A_972 = vector.shape_cast %mul3A_965 : vector<16xf32> to vector<1x1x16xf32>
        tpu.vector_store %arg6[%swap3A_967, %swap3A_968, %swap3A_969], %swap3A_972 {strides = array<i32>} : memref<3x32x1024xf32, #tpu.memory_space<vmem>>, vector<1x1x16xf32>,
        %get3A_973 = arith.constant 1 : i32
        %get3A_974 = arith.index_cast %get3A_973 : i32 to index
        %get3A_975 = arith.index_cast %add3A_302 : i32 to index
        %get3A_976 = arith.constant 672 : index
        %get3A_977 = tpu.vector_load %arg6[%get3A_974, %get3A_975, %get3A_976] {strides = array<i32>} : memref<3x32x1024xf32, #tpu.memory_space<vmem>>, vector<1x1x16xf32>,
        %get3A_978 = vector.shape_cast %get3A_977 : vector<1x1x16xf32> to vector<16xf32>
        %mul3A_979 = arith.constant 3.200000e+01 : f32
        %mul3A_980 = vector.broadcast %mul3A_979 : f32 to vector<16xf32>
        %mul3A_981 = arith.mulf %get3A_978, %mul3A_980 : vector<16xf32>
        %swap3A_982 = arith.constant 1 : i32
        %swap3A_983 = arith.index_cast %swap3A_982 : i32 to index
        %swap3A_984 = arith.index_cast %add3A_302 : i32 to index
        %swap3A_985 = arith.constant 672 : index
        %swap3A_986 = tpu.vector_load %arg6[%swap3A_983, %swap3A_984, %swap3A_985] {strides = array<i32>} : memref<3x32x1024xf32, #tpu.memory_space<vmem>>, vector<1x1x16xf32>,
        %swap3A_987 = vector.shape_cast %swap3A_986 : vector<1x1x16xf32> to vector<16xf32>
        %swap3A_988 = vector.shape_cast %mul3A_981 : vector<16xf32> to vector<1x1x16xf32>
        tpu.vector_store %arg6[%swap3A_983, %swap3A_984, %swap3A_985], %swap3A_988 {strides = array<i32>} : memref<3x32x1024xf32, #tpu.memory_space<vmem>>, vector<1x1x16xf32>,
        %get3A_989 = arith.constant 1 : i32
        %get3A_990 = arith.index_cast %get3A_989 : i32 to index
        %get3A_991 = arith.index_cast %add3A_302 : i32 to index
        %get3A_992 = arith.constant 688 : index
        %get3A_993 = tpu.vector_load %arg6[%get3A_990, %get3A_991, %get3A_992] {strides = array<i32>} : memref<3x32x1024xf32, #tpu.memory_space<vmem>>, vector<1x1x16xf32>,
        %get3A_994 = vector.shape_cast %get3A_993 : vector<1x1x16xf32> to vector<16xf32>
        %mul3A_995 = arith.constant 3.200000e+01 : f32
        %mul3A_996 = vector.broadcast %mul3A_995 : f32 to vector<16xf32>
        %mul3A_997 = arith.mulf %get3A_994, %mul3A_996 : vector<16xf32>
        %swap3A_998 = arith.constant 1 : i32
        %swap3A_999 = arith.index_cast %swap3A_998 : i32 to index
        %swap3A_1000 = arith.index_cast %add3A_302 : i32 to index
        %swap3A_1001 = arith.constant 688 : index
        %swap3A_1002 = tpu.vector_load %arg6[%swap3A_999, %swap3A_1000, %swap3A_1001] {strides = array<i32>} : memref<3x32x1024xf32, #tpu.memory_space<vmem>>, vector<1x1x16xf32>,
        %swap3A_1003 = vector.shape_cast %swap3A_1002 : vector<1x1x16xf32> to vector<16xf32>
        %swap3A_1004 = vector.shape_cast %mul3A_997 : vector<16xf32> to vector<1x1x16xf32>
        tpu.vector_store %arg6[%swap3A_999, %swap3A_1000, %swap3A_1001], %swap3A_1004 {strides = array<i32>} : memref<3x32x1024xf32, #tpu.memory_space<vmem>>, vector<1x1x16xf32>,
        %get3A_1005 = arith.constant 1 : i32
        %get3A_1006 = arith.index_cast %get3A_1005 : i32 to index
        %get3A_1007 = arith.index_cast %add3A_302 : i32 to index
        %get3A_1008 = arith.constant 704 : index
        %get3A_1009 = tpu.vector_load %arg6[%get3A_1006, %get3A_1007, %get3A_1008] {strides = array<i32>} : memref<3x32x1024xf32, #tpu.memory_space<vmem>>, vector<1x1x16xf32>,
        %get3A_1010 = vector.shape_cast %get3A_1009 : vector<1x1x16xf32> to vector<16xf32>
        %mul3A_1011 = arith.constant 3.200000e+01 : f32
        %mul3A_1012 = vector.broadcast %mul3A_1011 : f32 to vector<16xf32>
        %mul3A_1013 = arith.mulf %get3A_1010, %mul3A_1012 : vector<16xf32>
        %swap3A_1014 = arith.constant 1 : i32
        %swap3A_1015 = arith.index_cast %swap3A_1014 : i32 to index
        %swap3A_1016 = arith.index_cast %add3A_302 : i32 to index
        %swap3A_1017 = arith.constant 704 : index
        %swap3A_1018 = tpu.vector_load %arg6[%swap3A_1015, %swap3A_1016, %swap3A_1017] {strides = array<i32>} : memref<3x32x1024xf32, #tpu.memory_space<vmem>>, vector<1x1x16xf32>,
        %swap3A_1019 = vector.shape_cast %swap3A_1018 : vector<1x1x16xf32> to vector<16xf32>
        %swap3A_1020 = vector.shape_cast %mul3A_1013 : vector<16xf32> to vector<1x1x16xf32>
        tpu.vector_store %arg6[%swap3A_1015, %swap3A_1016, %swap3A_1017], %swap3A_1020 {strides = array<i32>} : memref<3x32x1024xf32, #tpu.memory_space<vmem>>, vector<1x1x16xf32>,
        %get3A_1021 = arith.constant 1 : i32
        %get3A_1022 = arith.index_cast %get3A_1021 : i32 to index
        %get3A_1023 = arith.index_cast %add3A_302 : i32 to index
        %get3A_1024 = arith.constant 720 : index
        %get3A_1025 = tpu.vector_load %arg6[%get3A_1022, %get3A_1023, %get3A_1024] {strides = array<i32>} : memref<3x32x1024xf32, #tpu.memory_space<vmem>>, vector<1x1x16xf32>,
        %get3A_1026 = vector.shape_cast %get3A_1025 : vector<1x1x16xf32> to vector<16xf32>
        %mul3A_1027 = arith.constant 3.200000e+01 : f32
        %mul3A_1028 = vector.broadcast %mul3A_1027 : f32 to vector<16xf32>
        %mul3A_1029 = arith.mulf %get3A_1026, %mul3A_1028 : vector<16xf32>
        %swap3A_1030 = arith.constant 1 : i32
        %swap3A_1031 = arith.index_cast %swap3A_1030 : i32 to index
        %swap3A_1032 = arith.index_cast %add3A_302 : i32 to index
        %swap3A_1033 = arith.constant 720 : index
        %swap3A_1034 = tpu.vector_load %arg6[%swap3A_1031, %swap3A_1032, %swap3A_1033] {strides = array<i32>} : memref<3x32x1024xf32, #tpu.memory_space<vmem>>, vector<1x1x16xf32>,
        %swap3A_1035 = vector.shape_cast %swap3A_1034 : vector<1x1x16xf32> to vector<16xf32>
        %swap3A_1036 = vector.shape_cast %mul3A_1029 : vector<16xf32> to vector<1x1x16xf32>
        tpu.vector_store %arg6[%swap3A_1031, %swap3A_1032, %swap3A_1033], %swap3A_1036 {strides = array<i32>} : memref<3x32x1024xf32, #tpu.memory_space<vmem>>, vector<1x1x16xf32>,
        %get3A_1037 = arith.constant 1 : i32
        %get3A_1038 = arith.index_cast %get3A_1037 : i32 to index
        %get3A_1039 = arith.index_cast %add3A_302 : i32 to index
        %get3A_1040 = arith.constant 736 : index
        %get3A_1041 = tpu.vector_load %arg6[%get3A_1038, %get3A_1039, %get3A_1040] {strides = array<i32>} : memref<3x32x1024xf32, #tpu.memory_space<vmem>>, vector<1x1x16xf32>,
        %get3A_1042 = vector.shape_cast %get3A_1041 : vector<1x1x16xf32> to vector<16xf32>
        %mul3A_1043 = arith.constant 3.200000e+01 : f32
        %mul3A_1044 = vector.broadcast %mul3A_1043 : f32 to vector<16xf32>
        %mul3A_1045 = arith.mulf %get3A_1042, %mul3A_1044 : vector<16xf32>
        %swap3A_1046 = arith.constant 1 : i32
        %swap3A_1047 = arith.index_cast %swap3A_1046 : i32 to index
        %swap3A_1048 = arith.index_cast %add3A_302 : i32 to index
        %swap3A_1049 = arith.constant 736 : index
        %swap3A_1050 = tpu.vector_load %arg6[%swap3A_1047, %swap3A_1048, %swap3A_1049] {strides = array<i32>} : memref<3x32x1024xf32, #tpu.memory_space<vmem>>, vector<1x1x16xf32>,
        %swap3A_1051 = vector.shape_cast %swap3A_1050 : vector<1x1x16xf32> to vector<16xf32>
        %swap3A_1052 = vector.shape_cast %mul3A_1045 : vector<16xf32> to vector<1x1x16xf32>
        tpu.vector_store %arg6[%swap3A_1047, %swap3A_1048, %swap3A_1049], %swap3A_1052 {strides = array<i32>} : memref<3x32x1024xf32, #tpu.memory_space<vmem>>, vector<1x1x16xf32>,
        %get3A_1053 = arith.constant 1 : i32
        %get3A_1054 = arith.index_cast %get3A_1053 : i32 to index
        %get3A_1055 = arith.index_cast %add3A_302 : i32 to index
        %get3A_1056 = arith.constant 752 : index
        %get3A_1057 = tpu.vector_load %arg6[%get3A_1054, %get3A_1055, %get3A_1056] {strides = array<i32>} : memref<3x32x1024xf32, #tpu.memory_space<vmem>>, vector<1x1x16xf32>,
        %get3A_1058 = vector.shape_cast %get3A_1057 : vector<1x1x16xf32> to vector<16xf32>
        %mul3A_1059 = arith.constant 3.200000e+01 : f32
        %mul3A_1060 = vector.broadcast %mul3A_1059 : f32 to vector<16xf32>
        %mul3A_1061 = arith.mulf %get3A_1058, %mul3A_1060 : vector<16xf32>
        %swap3A_1062 = arith.constant 1 : i32
        %swap3A_1063 = arith.index_cast %swap3A_1062 : i32 to index
        %swap3A_1064 = arith.index_cast %add3A_302 : i32 to index
        %swap3A_1065 = arith.constant 752 : index
        %swap3A_1066 = tpu.vector_load %arg6[%swap3A_1063, %swap3A_1064, %swap3A_1065] {strides = array<i32>} : memref<3x32x1024xf32, #tpu.memory_space<vmem>>, vector<1x1x16xf32>,
        %swap3A_1067 = vector.shape_cast %swap3A_1066 : vector<1x1x16xf32> to vector<16xf32>
        %swap3A_1068 = vector.shape_cast %mul3A_1061 : vector<16xf32> to vector<1x1x16xf32>
        tpu.vector_store %arg6[%swap3A_1063, %swap3A_1064, %swap3A_1065], %swap3A_1068 {strides = array<i32>} : memref<3x32x1024xf32, #tpu.memory_space<vmem>>, vector<1x1x16xf32>,
        %get3A_1069 = arith.constant 1 : i32
        %get3A_1070 = arith.index_cast %get3A_1069 : i32 to index
        %get3A_1071 = arith.index_cast %add3A_302 : i32 to index
        %get3A_1072 = arith.constant 768 : index
        %get3A_1073 = tpu.vector_load %arg6[%get3A_1070, %get3A_1071, %get3A_1072] {strides = array<i32>} : memref<3x32x1024xf32, #tpu.memory_space<vmem>>, vector<1x1x16xf32>,
        %get3A_1074 = vector.shape_cast %get3A_1073 : vector<1x1x16xf32> to vector<16xf32>
        %mul3A_1075 = arith.constant 3.200000e+01 : f32
        %mul3A_1076 = vector.broadcast %mul3A_1075 : f32 to vector<16xf32>
        %mul3A_1077 = arith.mulf %get3A_1074, %mul3A_1076 : vector<16xf32>
        %swap3A_1078 = arith.constant 1 : i32
        %swap3A_1079 = arith.index_cast %swap3A_1078 : i32 to index
        %swap3A_1080 = arith.index_cast %add3A_302 : i32 to index
        %swap3A_1081 = arith.constant 768 : index
        %swap3A_1082 = tpu.vector_load %arg6[%swap3A_1079, %swap3A_1080, %swap3A_1081] {strides = array<i32>} : memref<3x32x1024xf32, #tpu.memory_space<vmem>>, vector<1x1x16xf32>,
        %swap3A_1083 = vector.shape_cast %swap3A_1082 : vector<1x1x16xf32> to vector<16xf32>
        %swap3A_1084 = vector.shape_cast %mul3A_1077 : vector<16xf32> to vector<1x1x16xf32>
        tpu.vector_store %arg6[%swap3A_1079, %swap3A_1080, %swap3A_1081], %swap3A_1084 {strides = array<i32>} : memref<3x32x1024xf32, #tpu.memory_space<vmem>>, vector<1x1x16xf32>,
        %get3A_1085 = arith.constant 1 : i32
        %get3A_1086 = arith.index_cast %get3A_1085 : i32 to index
        %get3A_1087 = arith.index_cast %add3A_302 : i32 to index
        %get3A_1088 = arith.constant 784 : index
        %get3A_1089 = tpu.vector_load %arg6[%get3A_1086, %get3A_1087, %get3A_1088] {strides = array<i32>} : memref<3x32x1024xf32, #tpu.memory_space<vmem>>, vector<1x1x16xf32>,
        %get3A_1090 = vector.shape_cast %get3A_1089 : vector<1x1x16xf32> to vector<16xf32>
        %mul3A_1091 = arith.constant 3.200000e+01 : f32
        %mul3A_1092 = vector.broadcast %mul3A_1091 : f32 to vector<16xf32>
        %mul3A_1093 = arith.mulf %get3A_1090, %mul3A_1092 : vector<16xf32>
        %swap3A_1094 = arith.constant 1 : i32
        %swap3A_1095 = arith.index_cast %swap3A_1094 : i32 to index
        %swap3A_1096 = arith.index_cast %add3A_302 : i32 to index
        %swap3A_1097 = arith.constant 784 : index
        %swap3A_1098 = tpu.vector_load %arg6[%swap3A_1095, %swap3A_1096, %swap3A_1097] {strides = array<i32>} : memref<3x32x1024xf32, #tpu.memory_space<vmem>>, vector<1x1x16xf32>,
        %swap3A_1099 = vector.shape_cast %swap3A_1098 : vector<1x1x16xf32> to vector<16xf32>
        %swap3A_1100 = vector.shape_cast %mul3A_1093 : vector<16xf32> to vector<1x1x16xf32>
        tpu.vector_store %arg6[%swap3A_1095, %swap3A_1096, %swap3A_1097], %swap3A_1100 {strides = array<i32>} : memref<3x32x1024xf32, #tpu.memory_space<vmem>>, vector<1x1x16xf32>,
        %get3A_1101 = arith.constant 1 : i32
        %get3A_1102 = arith.index_cast %get3A_1101 : i32 to index
        %get3A_1103 = arith.index_cast %add3A_302 : i32 to index
        %get3A_1104 = arith.constant 800 : index
        %get3A_1105 = tpu.vector_load %arg6[%get3A_1102, %get3A_1103, %get3A_1104] {strides = array<i32>} : memref<3x32x1024xf32, #tpu.memory_space<vmem>>, vector<1x1x16xf32>,
        %get3A_1106 = vector.shape_cast %get3A_1105 : vector<1x1x16xf32> to vector<16xf32>
        %mul3A_1107 = arith.constant 3.200000e+01 : f32
        %mul3A_1108 = vector.broadcast %mul3A_1107 : f32 to vector<16xf32>
        %mul3A_1109 = arith.mulf %get3A_1106, %mul3A_1108 : vector<16xf32>
        %swap3A_1110 = arith.constant 1 : i32
        %swap3A_1111 = arith.index_cast %swap3A_1110 : i32 to index
        %swap3A_1112 = arith.index_cast %add3A_302 : i32 to index
        %swap3A_1113 = arith.constant 800 : index
        %swap3A_1114 = tpu.vector_load %arg6[%swap3A_1111, %swap3A_1112, %swap3A_1113] {strides = array<i32>} : memref<3x32x1024xf32, #tpu.memory_space<vmem>>, vector<1x1x16xf32>,
        %swap3A_1115 = vector.shape_cast %swap3A_1114 : vector<1x1x16xf32> to vector<16xf32>
        %swap3A_1116 = vector.shape_cast %mul3A_1109 : vector<16xf32> to vector<1x1x16xf32>
        tpu.vector_store %arg6[%swap3A_1111, %swap3A_1112, %swap3A_1113], %swap3A_1116 {strides = array<i32>} : memref<3x32x1024xf32, #tpu.memory_space<vmem>>, vector<1x1x16xf32>,
        %get3A_1117 = arith.constant 1 : i32
        %get3A_1118 = arith.index_cast %get3A_1117 : i32 to index
        %get3A_1119 = arith.index_cast %add3A_302 : i32 to index
        %get3A_1120 = arith.constant 816 : index
        %get3A_1121 = tpu.vector_load %arg6[%get3A_1118, %get3A_1119, %get3A_1120] {strides = array<i32>} : memref<3x32x1024xf32, #tpu.memory_space<vmem>>, vector<1x1x16xf32>,
        %get3A_1122 = vector.shape_cast %get3A_1121 : vector<1x1x16xf32> to vector<16xf32>
        %mul3A_1123 = arith.constant 3.200000e+01 : f32
        %mul3A_1124 = vector.broadcast %mul3A_1123 : f32 to vector<16xf32>
        %mul3A_1125 = arith.mulf %get3A_1122, %mul3A_1124 : vector<16xf32>
        %swap3A_1126 = arith.constant 1 : i32
        %swap3A_1127 = arith.index_cast %swap3A_1126 : i32 to index
        %swap3A_1128 = arith.index_cast %add3A_302 : i32 to index
        %swap3A_1129 = arith.constant 816 : index
        %swap3A_1130 = tpu.vector_load %arg6[%swap3A_1127, %swap3A_1128, %swap3A_1129] {strides = array<i32>} : memref<3x32x1024xf32, #tpu.memory_space<vmem>>, vector<1x1x16xf32>,
        %swap3A_1131 = vector.shape_cast %swap3A_1130 : vector<1x1x16xf32> to vector<16xf32>
        %swap3A_1132 = vector.shape_cast %mul3A_1125 : vector<16xf32> to vector<1x1x16xf32>
        tpu.vector_store %arg6[%swap3A_1127, %swap3A_1128, %swap3A_1129], %swap3A_1132 {strides = array<i32>} : memref<3x32x1024xf32, #tpu.memory_space<vmem>>, vector<1x1x16xf32>,
        %get3A_1133 = arith.constant 1 : i32
        %get3A_1134 = arith.index_cast %get3A_1133 : i32 to index
        %get3A_1135 = arith.index_cast %add3A_302 : i32 to index
        %get3A_1136 = arith.constant 832 : index
        %get3A_1137 = tpu.vector_load %arg6[%get3A_1134, %get3A_1135, %get3A_1136] {strides = array<i32>} : memref<3x32x1024xf32, #tpu.memory_space<vmem>>, vector<1x1x16xf32>,
        %get3A_1138 = vector.shape_cast %get3A_1137 : vector<1x1x16xf32> to vector<16xf32>
        %mul3A_1139 = arith.constant 3.200000e+01 : f32
        %mul3A_1140 = vector.broadcast %mul3A_1139 : f32 to vector<16xf32>
        %mul3A_1141 = arith.mulf %get3A_1138, %mul3A_1140 : vector<16xf32>
        %swap3A_1142 = arith.constant 1 : i32
        %swap3A_1143 = arith.index_cast %swap3A_1142 : i32 to index
        %swap3A_1144 = arith.index_cast %add3A_302 : i32 to index
        %swap3A_1145 = arith.constant 832 : index
        %swap3A_1146 = tpu.vector_load %arg6[%swap3A_1143, %swap3A_1144, %swap3A_1145] {strides = array<i32>} : memref<3x32x1024xf32, #tpu.memory_space<vmem>>, vector<1x1x16xf32>,
        %swap3A_1147 = vector.shape_cast %swap3A_1146 : vector<1x1x16xf32> to vector<16xf32>
        %swap3A_1148 = vector.shape_cast %mul3A_1141 : vector<16xf32> to vector<1x1x16xf32>
        tpu.vector_store %arg6[%swap3A_1143, %swap3A_1144, %swap3A_1145], %swap3A_1148 {strides = array<i32>} : memref<3x32x1024xf32, #tpu.memory_space<vmem>>, vector<1x1x16xf32>,
        %get3A_1149 = arith.constant 1 : i32
        %get3A_1150 = arith.index_cast %get3A_1149 : i32 to index
        %get3A_1151 = arith.index_cast %add3A_302 : i32 to index
        %get3A_1152 = arith.constant 848 : index
        %get3A_1153 = tpu.vector_load %arg6[%get3A_1150, %get3A_1151, %get3A_1152] {strides = array<i32>} : memref<3x32x1024xf32, #tpu.memory_space<vmem>>, vector<1x1x16xf32>,
        %get3A_1154 = vector.shape_cast %get3A_1153 : vector<1x1x16xf32> to vector<16xf32>
        %mul3A_1155 = arith.constant 3.200000e+01 : f32
        %mul3A_1156 = vector.broadcast %mul3A_1155 : f32 to vector<16xf32>
        %mul3A_1157 = arith.mulf %get3A_1154, %mul3A_1156 : vector<16xf32>
        %swap3A_1158 = arith.constant 1 : i32
        %swap3A_1159 = arith.index_cast %swap3A_1158 : i32 to index
        %swap3A_1160 = arith.index_cast %add3A_302 : i32 to index
        %swap3A_1161 = arith.constant 848 : index
        %swap3A_1162 = tpu.vector_load %arg6[%swap3A_1159, %swap3A_1160, %swap3A_1161] {strides = array<i32>} : memref<3x32x1024xf32, #tpu.memory_space<vmem>>, vector<1x1x16xf32>,
        %swap3A_1163 = vector.shape_cast %swap3A_1162 : vector<1x1x16xf32> to vector<16xf32>
        %swap3A_1164 = vector.shape_cast %mul3A_1157 : vector<16xf32> to vector<1x1x16xf32>
        tpu.vector_store %arg6[%swap3A_1159, %swap3A_1160, %swap3A_1161], %swap3A_1164 {strides = array<i32>} : memref<3x32x1024xf32, #tpu.memory_space<vmem>>, vector<1x1x16xf32>,
        %get3A_1165 = arith.constant 1 : i32
        %get3A_1166 = arith.index_cast %get3A_1165 : i32 to index
        %get3A_1167 = arith.index_cast %add3A_302 : i32 to index
        %get3A_1168 = arith.constant 864 : index
        %get3A_1169 = tpu.vector_load %arg6[%get3A_1166, %get3A_1167, %get3A_1168] {strides = array<i32>} : memref<3x32x1024xf32, #tpu.memory_space<vmem>>, vector<1x1x16xf32>,
        %get3A_1170 = vector.shape_cast %get3A_1169 : vector<1x1x16xf32> to vector<16xf32>
        %mul3A_1171 = arith.constant 3.200000e+01 : f32
        %mul3A_1172 = vector.broadcast %mul3A_1171 : f32 to vector<16xf32>
        %mul3A_1173 = arith.mulf %get3A_1170, %mul3A_1172 : vector<16xf32>
        %swap3A_1174 = arith.constant 1 : i32
        %swap3A_1175 = arith.index_cast %swap3A_1174 : i32 to index
        %swap3A_1176 = arith.index_cast %add3A_302 : i32 to index
        %swap3A_1177 = arith.constant 864 : index
        %swap3A_1178 = tpu.vector_load %arg6[%swap3A_1175, %swap3A_1176, %swap3A_1177] {strides = array<i32>} : memref<3x32x1024xf32, #tpu.memory_space<vmem>>, vector<1x1x16xf32>,
        %swap3A_1179 = vector.shape_cast %swap3A_1178 : vector<1x1x16xf32> to vector<16xf32>
        %swap3A_1180 = vector.shape_cast %mul3A_1173 : vector<16xf32> to vector<1x1x16xf32>
        tpu.vector_store %arg6[%swap3A_1175, %swap3A_1176, %swap3A_1177], %swap3A_1180 {strides = array<i32>} : memref<3x32x1024xf32, #tpu.memory_space<vmem>>, vector<1x1x16xf32>,
        %get3A_1181 = arith.constant 1 : i32
        %get3A_1182 = arith.index_cast %get3A_1181 : i32 to index
        %get3A_1183 = arith.index_cast %add3A_302 : i32 to index
        %get3A_1184 = arith.constant 880 : index
        %get3A_1185 = tpu.vector_load %arg6[%get3A_1182, %get3A_1183, %get3A_1184] {strides = array<i32>} : memref<3x32x1024xf32, #tpu.memory_space<vmem>>, vector<1x1x16xf32>,
        %get3A_1186 = vector.shape_cast %get3A_1185 : vector<1x1x16xf32> to vector<16xf32>
        %mul3A_1187 = arith.constant 3.200000e+01 : f32
        %mul3A_1188 = vector.broadcast %mul3A_1187 : f32 to vector<16xf32>
        %mul3A_1189 = arith.mulf %get3A_1186, %mul3A_1188 : vector<16xf32>
        %swap3A_1190 = arith.constant 1 : i32
        %swap3A_1191 = arith.index_cast %swap3A_1190 : i32 to index
        %swap3A_1192 = arith.index_cast %add3A_302 : i32 to index
        %swap3A_1193 = arith.constant 880 : index
        %swap3A_1194 = tpu.vector_load %arg6[%swap3A_1191, %swap3A_1192, %swap3A_1193] {strides = array<i32>} : memref<3x32x1024xf32, #tpu.memory_space<vmem>>, vector<1x1x16xf32>,
        %swap3A_1195 = vector.shape_cast %swap3A_1194 : vector<1x1x16xf32> to vector<16xf32>
        %swap3A_1196 = vector.shape_cast %mul3A_1189 : vector<16xf32> to vector<1x1x16xf32>
        tpu.vector_store %arg6[%swap3A_1191, %swap3A_1192, %swap3A_1193], %swap3A_1196 {strides = array<i32>} : memref<3x32x1024xf32, #tpu.memory_space<vmem>>, vector<1x1x16xf32>,
        %get3A_1197 = arith.constant 1 : i32
        %get3A_1198 = arith.index_cast %get3A_1197 : i32 to index
        %get3A_1199 = arith.index_cast %add3A_302 : i32 to index
        %get3A_1200 = arith.constant 896 : index
        %get3A_1201 = tpu.vector_load %arg6[%get3A_1198, %get3A_1199, %get3A_1200] {strides = array<i32>} : memref<3x32x1024xf32, #tpu.memory_space<vmem>>, vector<1x1x16xf32>,
        %get3A_1202 = vector.shape_cast %get3A_1201 : vector<1x1x16xf32> to vector<16xf32>
        %mul3A_1203 = arith.constant 3.200000e+01 : f32
        %mul3A_1204 = vector.broadcast %mul3A_1203 : f32 to vector<16xf32>
        %mul3A_1205 = arith.mulf %get3A_1202, %mul3A_1204 : vector<16xf32>
        %swap3A_1206 = arith.constant 1 : i32
        %swap3A_1207 = arith.index_cast %swap3A_1206 : i32 to index
        %swap3A_1208 = arith.index_cast %add3A_302 : i32 to index
        %swap3A_1209 = arith.constant 896 : index
        %swap3A_1210 = tpu.vector_load %arg6[%swap3A_1207, %swap3A_1208, %swap3A_1209] {strides = array<i32>} : memref<3x32x1024xf32, #tpu.memory_space<vmem>>, vector<1x1x16xf32>,
        %swap3A_1211 = vector.shape_cast %swap3A_1210 : vector<1x1x16xf32> to vector<16xf32>
        %swap3A_1212 = vector.shape_cast %mul3A_1205 : vector<16xf32> to vector<1x1x16xf32>
        tpu.vector_store %arg6[%swap3A_1207, %swap3A_1208, %swap3A_1209], %swap3A_1212 {strides = array<i32>} : memref<3x32x1024xf32, #tpu.memory_space<vmem>>, vector<1x1x16xf32>,
        %get3A_1213 = arith.constant 1 : i32
        %get3A_1214 = arith.index_cast %get3A_1213 : i32 to index
        %get3A_1215 = arith.index_cast %add3A_302 : i32 to index
        %get3A_1216 = arith.constant 912 : index
        %get3A_1217 = tpu.vector_load %arg6[%get3A_1214, %get3A_1215, %get3A_1216] {strides = array<i32>} : memref<3x32x1024xf32, #tpu.memory_space<vmem>>, vector<1x1x16xf32>,
        %get3A_1218 = vector.shape_cast %get3A_1217 : vector<1x1x16xf32> to vector<16xf32>
        %mul3A_1219 = arith.constant 3.200000e+01 : f32
        %mul3A_1220 = vector.broadcast %mul3A_1219 : f32 to vector<16xf32>
        %mul3A_1221 = arith.mulf %get3A_1218, %mul3A_1220 : vector<16xf32>
        %swap3A_1222 = arith.constant 1 : i32
        %swap3A_1223 = arith.index_cast %swap3A_1222 : i32 to index
        %swap3A_1224 = arith.index_cast %add3A_302 : i32 to index
        %swap3A_1225 = arith.constant 912 : index
        %swap3A_1226 = tpu.vector_load %arg6[%swap3A_1223, %swap3A_1224, %swap3A_1225] {strides = array<i32>} : memref<3x32x1024xf32, #tpu.memory_space<vmem>>, vector<1x1x16xf32>,
        %swap3A_1227 = vector.shape_cast %swap3A_1226 : vector<1x1x16xf32> to vector<16xf32>
        %swap3A_1228 = vector.shape_cast %mul3A_1221 : vector<16xf32> to vector<1x1x16xf32>
        tpu.vector_store %arg6[%swap3A_1223, %swap3A_1224, %swap3A_1225], %swap3A_1228 {strides = array<i32>} : memref<3x32x1024xf32, #tpu.memory_space<vmem>>, vector<1x1x16xf32>,
        %get3A_1229 = arith.constant 1 : i32
        %get3A_1230 = arith.index_cast %get3A_1229 : i32 to index
        %get3A_1231 = arith.index_cast %add3A_302 : i32 to index
        %get3A_1232 = arith.constant 928 : index
        %get3A_1233 = tpu.vector_load %arg6[%get3A_1230, %get3A_1231, %get3A_1232] {strides = array<i32>} : memref<3x32x1024xf32, #tpu.memory_space<vmem>>, vector<1x1x16xf32>,
        %get3A_1234 = vector.shape_cast %get3A_1233 : vector<1x1x16xf32> to vector<16xf32>
        %mul3A_1235 = arith.constant 3.200000e+01 : f32
        %mul3A_1236 = vector.broadcast %mul3A_1235 : f32 to vector<16xf32>
        %mul3A_1237 = arith.mulf %get3A_1234, %mul3A_1236 : vector<16xf32>
        %swap3A_1238 = arith.constant 1 : i32
        %swap3A_1239 = arith.index_cast %swap3A_1238 : i32 to index
        %swap3A_1240 = arith.index_cast %add3A_302 : i32 to index
        %swap3A_1241 = arith.constant 928 : index
        %swap3A_1242 = tpu.vector_load %arg6[%swap3A_1239, %swap3A_1240, %swap3A_1241] {strides = array<i32>} : memref<3x32x1024xf32, #tpu.memory_space<vmem>>, vector<1x1x16xf32>,
        %swap3A_1243 = vector.shape_cast %swap3A_1242 : vector<1x1x16xf32> to vector<16xf32>
        %swap3A_1244 = vector.shape_cast %mul3A_1237 : vector<16xf32> to vector<1x1x16xf32>
        tpu.vector_store %arg6[%swap3A_1239, %swap3A_1240, %swap3A_1241], %swap3A_1244 {strides = array<i32>} : memref<3x32x1024xf32, #tpu.memory_space<vmem>>, vector<1x1x16xf32>,
        %get3A_1245 = arith.constant 1 : i32
        %get3A_1246 = arith.index_cast %get3A_1245 : i32 to index
        %get3A_1247 = arith.index_cast %add3A_302 : i32 to index
        %get3A_1248 = arith.constant 944 : index
        %get3A_1249 = tpu.vector_load %arg6[%get3A_1246, %get3A_1247, %get3A_1248] {strides = array<i32>} : memref<3x32x1024xf32, #tpu.memory_space<vmem>>, vector<1x1x16xf32>,
        %get3A_1250 = vector.shape_cast %get3A_1249 : vector<1x1x16xf32> to vector<16xf32>
        %mul3A_1251 = arith.constant 3.200000e+01 : f32
        %mul3A_1252 = vector.broadcast %mul3A_1251 : f32 to vector<16xf32>
        %mul3A_1253 = arith.mulf %get3A_1250, %mul3A_1252 : vector<16xf32>
        %swap3A_1254 = arith.constant 1 : i32
        %swap3A_1255 = arith.index_cast %swap3A_1254 : i32 to index
        %swap3A_1256 = arith.index_cast %add3A_302 : i32 to index
        %swap3A_1257 = arith.constant 944 : index
        %swap3A_1258 = tpu.vector_load %arg6[%swap3A_1255, %swap3A_1256, %swap3A_1257] {strides = array<i32>} : memref<3x32x1024xf32, #tpu.memory_space<vmem>>, vector<1x1x16xf32>,
        %swap3A_1259 = vector.shape_cast %swap3A_1258 : vector<1x1x16xf32> to vector<16xf32>
        %swap3A_1260 = vector.shape_cast %mul3A_1253 : vector<16xf32> to vector<1x1x16xf32>
        tpu.vector_store %arg6[%swap3A_1255, %swap3A_1256, %swap3A_1257], %swap3A_1260 {strides = array<i32>} : memref<3x32x1024xf32, #tpu.memory_space<vmem>>, vector<1x1x16xf32>,
        %get3A_1261 = arith.constant 1 : i32
        %get3A_1262 = arith.index_cast %get3A_1261 : i32 to index
        %get3A_1263 = arith.index_cast %add3A_302 : i32 to index
        %get3A_1264 = arith.constant 960 : index
        %get3A_1265 = tpu.vector_load %arg6[%get3A_1262, %get3A_1263, %get3A_1264] {strides = array<i32>} : memref<3x32x1024xf32, #tpu.memory_space<vmem>>, vector<1x1x16xf32>,
        %get3A_1266 = vector.shape_cast %get3A_1265 : vector<1x1x16xf32> to vector<16xf32>
        %mul3A_1267 = arith.constant 3.200000e+01 : f32
        %mul3A_1268 = vector.broadcast %mul3A_1267 : f32 to vector<16xf32>
        %mul3A_1269 = arith.mulf %get3A_1266, %mul3A_1268 : vector<16xf32>
        %swap3A_1270 = arith.constant 1 : i32
        %swap3A_1271 = arith.index_cast %swap3A_1270 : i32 to index
        %swap3A_1272 = arith.index_cast %add3A_302 : i32 to index
        %swap3A_1273 = arith.constant 960 : index
        %swap3A_1274 = tpu.vector_load %arg6[%swap3A_1271, %swap3A_1272, %swap3A_1273] {strides = array<i32>} : memref<3x32x1024xf32, #tpu.memory_space<vmem>>, vector<1x1x16xf32>,
        %swap3A_1275 = vector.shape_cast %swap3A_1274 : vector<1x1x16xf32> to vector<16xf32>
        %swap3A_1276 = vector.shape_cast %mul3A_1269 : vector<16xf32> to vector<1x1x16xf32>
        tpu.vector_store %arg6[%swap3A_1271, %swap3A_1272, %swap3A_1273], %swap3A_1276 {strides = array<i32>} : memref<3x32x1024xf32, #tpu.memory_space<vmem>>, vector<1x1x16xf32>,
        %get3A_1277 = arith.constant 1 : i32
        %get3A_1278 = arith.index_cast %get3A_1277 : i32 to index
        %get3A_1279 = arith.index_cast %add3A_302 : i32 to index
        %get3A_1280 = arith.constant 976 : index
        %get3A_1281 = tpu.vector_load %arg6[%get3A_1278, %get3A_1279, %get3A_1280] {strides = array<i32>} : memref<3x32x1024xf32, #tpu.memory_space<vmem>>, vector<1x1x16xf32>,
        %get3A_1282 = vector.shape_cast %get3A_1281 : vector<1x1x16xf32> to vector<16xf32>
        %mul3A_1283 = arith.constant 3.200000e+01 : f32
        %mul3A_1284 = vector.broadcast %mul3A_1283 : f32 to vector<16xf32>
        %mul3A_1285 = arith.mulf %get3A_1282, %mul3A_1284 : vector<16xf32>
        %swap3A_1286 = arith.constant 1 : i32
        %swap3A_1287 = arith.index_cast %swap3A_1286 : i32 to index
        %swap3A_1288 = arith.index_cast %add3A_302 : i32 to index
        %swap3A_1289 = arith.constant 976 : index
        %swap3A_1290 = tpu.vector_load %arg6[%swap3A_1287, %swap3A_1288, %swap3A_1289] {strides = array<i32>} : memref<3x32x1024xf32, #tpu.memory_space<vmem>>, vector<1x1x16xf32>,
        %swap3A_1291 = vector.shape_cast %swap3A_1290 : vector<1x1x16xf32> to vector<16xf32>
        %swap3A_1292 = vector.shape_cast %mul3A_1285 : vector<16xf32> to vector<1x1x16xf32>
        tpu.vector_store %arg6[%swap3A_1287, %swap3A_1288, %swap3A_1289], %swap3A_1292 {strides = array<i32>} : memref<3x32x1024xf32, #tpu.memory_space<vmem>>, vector<1x1x16xf32>,
        %get3A_1293 = arith.constant 1 : i32
        %get3A_1294 = arith.index_cast %get3A_1293 : i32 to index
        %get3A_1295 = arith.index_cast %add3A_302 : i32 to index
        %get3A_1296 = arith.constant 992 : index
        %get3A_1297 = tpu.vector_load %arg6[%get3A_1294, %get3A_1295, %get3A_1296] {strides = array<i32>} : memref<3x32x1024xf32, #tpu.memory_space<vmem>>, vector<1x1x16xf32>,
        %get3A_1298 = vector.shape_cast %get3A_1297 : vector<1x1x16xf32> to vector<16xf32>
        %mul3A_1299 = arith.constant 3.200000e+01 : f32
        %mul3A_1300 = vector.broadcast %mul3A_1299 : f32 to vector<16xf32>
        %mul3A_1301 = arith.mulf %get3A_1298, %mul3A_1300 : vector<16xf32>
        %swap3A_1302 = arith.constant 1 : i32
        %swap3A_1303 = arith.index_cast %swap3A_1302 : i32 to index
        %swap3A_1304 = arith.index_cast %add3A_302 : i32 to index
        %swap3A_1305 = arith.constant 992 : index
        %swap3A_1306 = tpu.vector_load %arg6[%swap3A_1303, %swap3A_1304, %swap3A_1305] {strides = array<i32>} : memref<3x32x1024xf32, #tpu.memory_space<vmem>>, vector<1x1x16xf32>,
        %swap3A_1307 = vector.shape_cast %swap3A_1306 : vector<1x1x16xf32> to vector<16xf32>
        %swap3A_1308 = vector.shape_cast %mul3A_1301 : vector<16xf32> to vector<1x1x16xf32>
        tpu.vector_store %arg6[%swap3A_1303, %swap3A_1304, %swap3A_1305], %swap3A_1308 {strides = array<i32>} : memref<3x32x1024xf32, #tpu.memory_space<vmem>>, vector<1x1x16xf32>,
        %get3A_1309 = arith.constant 1 : i32
        %get3A_1310 = arith.index_cast %get3A_1309 : i32 to index
        %get3A_1311 = arith.index_cast %add3A_302 : i32 to index
        %get3A_1312 = arith.constant 1008 : index
        %get3A_1313 = tpu.vector_load %arg6[%get3A_1310, %get3A_1311, %get3A_1312] {strides = array<i32>} : memref<3x32x1024xf32, #tpu.memory_space<vmem>>, vector<1x1x16xf32>,
        %get3A_1314 = vector.shape_cast %get3A_1313 : vector<1x1x16xf32> to vector<16xf32>
        %mul3A_1315 = arith.constant 3.200000e+01 : f32
        %mul3A_1316 = vector.broadcast %mul3A_1315 : f32 to vector<16xf32>
        %mul3A_1317 = arith.mulf %get3A_1314, %mul3A_1316 : vector<16xf32>
        %swap3A_1318 = arith.constant 1 : i32
        %swap3A_1319 = arith.index_cast %swap3A_1318 : i32 to index
        %swap3A_1320 = arith.index_cast %add3A_302 : i32 to index
        %swap3A_1321 = arith.constant 1008 : index
        %swap3A_1322 = tpu.vector_load %arg6[%swap3A_1319, %swap3A_1320, %swap3A_1321] {strides = array<i32>} : memref<3x32x1024xf32, #tpu.memory_space<vmem>>, vector<1x1x16xf32>,
        %swap3A_1323 = vector.shape_cast %swap3A_1322 : vector<1x1x16xf32> to vector<16xf32>
        %swap3A_1324 = vector.shape_cast %mul3A_1317 : vector<16xf32> to vector<1x1x16xf32>
        tpu.vector_store %arg6[%swap3A_1319, %swap3A_1320, %swap3A_1321], %swap3A_1324 {strides = array<i32>} : memref<3x32x1024xf32, #tpu.memory_space<vmem>>, vector<1x1x16xf32>,
      }
      %scan3A_189 = arith.constant 32 : i32
      %mul3A_190 = arith.constant 32 : i32
      %mul3A_191 = arith.muli %add3A_173, %mul3A_190 : i32
      %add3A_192 = arith.addi %mul3A_2, %mul3A_191 : i32
      %dma_start3A_193 = arith.constant 1 : i32
      %dma_start3A_194 = arith.constant 0 : i32
      %dma_start3A_195 = arith.constant 0 : i32
      %dma_start3A_196 = tpu.memref_slice %arg6[%dma_start3A_193, %dma_start3A_194, %dma_start3A_195] : memref<3x32x1024xf32, #tpu.memory_space<vmem>> -> memref<1x32x1024xf32, #tpu.memory_space<vmem>>
      %dma_start3A_197 = tpu.memref_squeeze %dma_start3A_196 : memref<1x32x1024xf32, #tpu.memory_space<vmem>> -> memref<32x1024xf32, #tpu.memory_space<vmem>>
      %dma_start3A_198 = arith.constant 0 : i32
      %dma_start3A_199 = tpu.memref_slice %arg4[%add3A_192, %dma_start3A_198] : memref<16384x1024xf32, #tpu.memory_space<hbm>> -> memref<32x1024xf32, #tpu.memory_space<hbm>>
      %dma_start3A_200 = arith.constant 0 : i32
      %dma_start3A_201 = tpu.memref_slice %arg4[%add3A_192, %dma_start3A_200] : memref<16384x1024xf32, #tpu.memory_space<hbm>> -> memref<32x1024xf32, #tpu.memory_space<hbm>>
      %dma_start3A_202 = arith.constant 0 : i32
      %dma_start3A_203 = arith.constant 0 : i32
      %dma_start3A_204 = tpu.memref_slice %arg6[%dma_start3A_193, %dma_start3A_202, %dma_start3A_203] : memref<3x32x1024xf32, #tpu.memory_space<vmem>> -> memref<1x32x1024xf32, #tpu.memory_space<vmem>>
      %dma_start3A_205 = tpu.memref_squeeze %dma_start3A_204 : memref<1x32x1024xf32, #tpu.memory_space<vmem>> -> memref<32x1024xf32, #tpu.memory_space<vmem>>
      tpu.enqueue_dma source(%dma_start3A_205 : memref<32x1024xf32, #tpu.memory_space<vmem>>) target(%dma_start3A_201 : memref<32x1024xf32, #tpu.memory_space<hbm>>) target_semaphore(%arg11 : memref<!tpu.dma_semaphore, #tpu.memory_space<semaphore_mem>>)
      %sub3A_206 = arith.constant 1 : i32
      %sub3A_207 = arith.subi %add3A_173, %sub3A_206 : i32
      %mul3A_208 = arith.constant 32 : i32
      %mul3A_209 = arith.muli %sub3A_207, %mul3A_208 : i32
      %add3A_210 = arith.addi %mul3A_2, %mul3A_209 : i32
      %dma_wait3A_211 = arith.constant 0 : i32
      %dma_wait3A_212 = arith.constant 0 : i32
      %dma_wait3A_213 = arith.constant 0 : i32
      %dma_wait3A_214 = tpu.memref_slice %arg6[%dma_wait3A_211, %dma_wait3A_212, %dma_wait3A_213] : memref<3x32x1024xf32, #tpu.memory_space<vmem>> -> memref<1x32x1024xf32, #tpu.memory_space<vmem>>
      %dma_wait3A_215 = tpu.memref_squeeze %dma_wait3A_214 : memref<1x32x1024xf32, #tpu.memory_space<vmem>> -> memref<32x1024xf32, #tpu.memory_space<vmem>>
      %dma_wait3A_216 = arith.constant 0 : i32
      %dma_wait3A_217 = tpu.memref_slice %arg4[%add3A_210, %dma_wait3A_216] : memref<16384x1024xf32, #tpu.memory_space<hbm>> -> memref<32x1024xf32, #tpu.memory_space<hbm>>
      %dma_wait3A_218 = arith.constant 0 : i32
      %dma_wait3A_219 = tpu.memref_slice %arg4[%add3A_210, %dma_wait3A_218] : memref<16384x1024xf32, #tpu.memory_space<hbm>> -> memref<32x1024xf32, #tpu.memory_space<hbm>>
      %dma_wait3A_220 = arith.constant 0 : i32
      %dma_wait3A_221 = arith.constant 0 : i32
      %dma_wait3A_222 = tpu.memref_slice %arg6[%dma_wait3A_211, %dma_wait3A_220, %dma_wait3A_221] : memref<3x32x1024xf32, #tpu.memory_space<vmem>> -> memref<1x32x1024xf32, #tpu.memory_space<vmem>>
      %dma_wait3A_223 = tpu.memref_squeeze %dma_wait3A_222 : memref<1x32x1024xf32, #tpu.memory_space<vmem>> -> memref<32x1024xf32, #tpu.memory_space<vmem>>
      tpu.wait_dma2 semaphore(%arg10 : memref<!tpu.dma_semaphore, #tpu.memory_space<semaphore_mem>>) src(%dma_wait3A_223 : memref<32x1024xf32, #tpu.memory_space<vmem>>) dst(%dma_wait3A_219 : memref<32x1024xf32, #tpu.memory_space<hbm>>)
      %add3A_224 = arith.constant 2 : i32
      %add3A_225 = arith.addi %add3A_173, %add3A_224 : i32
      %mul3A_226 = arith.constant 32 : i32
      %mul3A_227 = arith.muli %add3A_225, %mul3A_226 : i32
      %dma_start3A_228 = arith.constant 0 : i32
      %dma_start3A_229 = arith.constant 0 : i32
      %dma_start3A_230 = arith.constant 0 : i32
      %dma_start3A_231 = tpu.memref_slice %arg6[%dma_start3A_228, %dma_start3A_229, %dma_start3A_230] : memref<3x32x1024xf32, #tpu.memory_space<vmem>> -> memref<1x32x1024xf32, #tpu.memory_space<vmem>>
      %dma_start3A_232 = tpu.memref_squeeze %dma_start3A_231 : memref<1x32x1024xf32, #tpu.memory_space<vmem>> -> memref<32x1024xf32, #tpu.memory_space<vmem>>
      %dma_start3A_233 = tpu.memref_slice %arg5[%mul3A_227] : memref<512xi32, #tpu.memory_space<vmem>> -> memref<32xi32, #tpu.memory_space<vmem>>
      %dma_start3A_234 = arith.constant 0 : i32
      %dma_start3A_235 = arith.constant 0 : i32
      %dma_start3A_236 = tpu.memref_slice %arg3[%dma_start3A_234, %dma_start3A_235] : memref<100000x1024xf32, #tpu.memory_space<hbm>> -> memref<100000x1024xf32, #tpu.memory_space<hbm>>
      tpu.enqueue_indirect_dma source(%dma_start3A_236 : memref<100000x1024xf32, #tpu.memory_space<hbm>>) target(%dma_start3A_232 : memref<32x1024xf32, #tpu.memory_space<vmem>>) offsets(%dma_start3A_233 : memref<32xi32, #tpu.memory_space<vmem>>) semaphore(%arg7 : memref<!tpu.dma_semaphore, #tpu.memory_space<semaphore_mem>>)
      %mul3A_237 = arith.constant 3 : i32
      %mul3A_238 = arith.muli %add3A_131, %mul3A_237 : i32
      %add3A_239 = arith.constant 2 : i32
      %add3A_240 = arith.addi %mul3A_238, %add3A_239 : i32
      %mul3A_241 = arith.constant 32 : i32
      %mul3A_242 = arith.muli %add3A_240, %mul3A_241 : i32
      %dma_wait3A_243 = arith.constant 2 : i32
      %dma_wait3A_244 = arith.constant 0 : i32
      %dma_wait3A_245 = arith.constant 0 : i32
      %dma_wait3A_246 = tpu.memref_slice %arg6[%dma_wait3A_243, %dma_wait3A_244, %dma_wait3A_245] : memref<3x32x1024xf32, #tpu.memory_space<vmem>> -> memref<1x32x1024xf32, #tpu.memory_space<vmem>>
      %dma_wait3A_247 = tpu.memref_squeeze %dma_wait3A_246 : memref<1x32x1024xf32, #tpu.memory_space<vmem>> -> memref<32x1024xf32, #tpu.memory_space<vmem>>
      %dma_wait3A_248 = tpu.memref_slice %arg5[%mul3A_242] : memref<512xi32, #tpu.memory_space<vmem>> -> memref<32xi32, #tpu.memory_space<vmem>>
      %dma_wait3A_249 = arith.constant 0 : i32
      %dma_wait3A_250 = arith.constant 0 : i32
      %dma_wait3A_251 = tpu.memref_slice %arg3[%dma_wait3A_249, %dma_wait3A_250] : memref<100000x1024xf32, #tpu.memory_space<hbm>> -> memref<100000x1024xf32, #tpu.memory_space<hbm>>
      tpu.wait_indirect_dma semaphore(%arg9 : memref<!tpu.dma_semaphore, #tpu.memory_space<semaphore_mem>>) src(%dma_wait3A_251 : memref<100000x1024xf32, #tpu.memory_space<hbm>>) dst(%dma_wait3A_247 : memref<32x1024xf32, #tpu.memory_space<vmem>>)
      %scan3A_252 = arith.constant 0 : i32
      %scan3A_253 = arith.constant 32 : i32
      %scan3A_254 = arith.addi %scan3A_252, %scan3A_253 : i32
      %scan3A_255 = arith.constant 1 : i32
      scf.for %scan3A_298 = %scan3A_252 to %scan3A_254 step %scan3A_255  : i32 {
        %mul3A_299 = arith.constant 1 : i32
        %mul3A_300 = arith.muli %scan3A_298, %mul3A_299 : i32
        %add3A_301 = arith.constant 0 : i32
        %add3A_302 = arith.addi %add3A_301, %mul3A_300 : i32
        %get3A = arith.constant 2 : i32
        %get3A_303 = arith.index_cast %get3A : i32 to index
        %get3A_304 = arith.index_cast %add3A_302 : i32 to index
        %get3A_305 = arith.constant 0 : index
        %get3A_306 = tpu.vector_load %arg6[%get3A_303, %get3A_304, %get3A_305] {strides = array<i32>} : memref<3x32x1024xf32, #tpu.memory_space<vmem>>, vector<1x1x16xf32>,
        %get3A_307 = vector.shape_cast %get3A_306 : vector<1x1x16xf32> to vector<16xf32>
        %mul3A_308 = arith.constant 3.200000e+01 : f32
        %mul3A_309 = vector.broadcast %mul3A_308 : f32 to vector<16xf32>
        %mul3A_310 = arith.mulf %get3A_307, %mul3A_309 : vector<16xf32>
        %swap3A = arith.constant 2 : i32
        %swap3A_311 = arith.index_cast %swap3A : i32 to index
        %swap3A_312 = arith.index_cast %add3A_302 : i32 to index
        %swap3A_313 = arith.constant 0 : index
        %swap3A_314 = tpu.vector_load %arg6[%swap3A_311, %swap3A_312, %swap3A_313] {strides = array<i32>} : memref<3x32x1024xf32, #tpu.memory_space<vmem>>, vector<1x1x16xf32>,
        %swap3A_315 = vector.shape_cast %swap3A_314 : vector<1x1x16xf32> to vector<16xf32>
        %swap3A_316 = vector.shape_cast %mul3A_310 : vector<16xf32> to vector<1x1x16xf32>
        tpu.vector_store %arg6[%swap3A_311, %swap3A_312, %swap3A_313], %swap3A_316 {strides = array<i32>} : memref<3x32x1024xf32, #tpu.memory_space<vmem>>, vector<1x1x16xf32>,
        %get3A_317 = arith.constant 2 : i32
        %get3A_318 = arith.index_cast %get3A_317 : i32 to index
        %get3A_319 = arith.index_cast %add3A_302 : i32 to index
        %get3A_320 = arith.constant 16 : index
        %get3A_321 = tpu.vector_load %arg6[%get3A_318, %get3A_319, %get3A_320] {strides = array<i32>} : memref<3x32x1024xf32, #tpu.memory_space<vmem>>, vector<1x1x16xf32>,
        %get3A_322 = vector.shape_cast %get3A_321 : vector<1x1x16xf32> to vector<16xf32>
        %mul3A_323 = arith.constant 3.200000e+01 : f32
        %mul3A_324 = vector.broadcast %mul3A_323 : f32 to vector<16xf32>
        %mul3A_325 = arith.mulf %get3A_322, %mul3A_324 : vector<16xf32>
        %swap3A_326 = arith.constant 2 : i32
        %swap3A_327 = arith.index_cast %swap3A_326 : i32 to index
        %swap3A_328 = arith.index_cast %add3A_302 : i32 to index
        %swap3A_329 = arith.constant 16 : index
        %swap3A_330 = tpu.vector_load %arg6[%swap3A_327, %swap3A_328, %swap3A_329] {strides = array<i32>} : memref<3x32x1024xf32, #tpu.memory_space<vmem>>, vector<1x1x16xf32>,
        %swap3A_331 = vector.shape_cast %swap3A_330 : vector<1x1x16xf32> to vector<16xf32>
        %swap3A_332 = vector.shape_cast %mul3A_325 : vector<16xf32> to vector<1x1x16xf32>
        tpu.vector_store %arg6[%swap3A_327, %swap3A_328, %swap3A_329], %swap3A_332 {strides = array<i32>} : memref<3x32x1024xf32, #tpu.memory_space<vmem>>, vector<1x1x16xf32>,
        %get3A_333 = arith.constant 2 : i32
        %get3A_334 = arith.index_cast %get3A_333 : i32 to index
        %get3A_335 = arith.index_cast %add3A_302 : i32 to index
        %get3A_336 = arith.constant 32 : index
        %get3A_337 = tpu.vector_load %arg6[%get3A_334, %get3A_335, %get3A_336] {strides = array<i32>} : memref<3x32x1024xf32, #tpu.memory_space<vmem>>, vector<1x1x16xf32>,
        %get3A_338 = vector.shape_cast %get3A_337 : vector<1x1x16xf32> to vector<16xf32>
        %mul3A_339 = arith.constant 3.200000e+01 : f32
        %mul3A_340 = vector.broadcast %mul3A_339 : f32 to vector<16xf32>
        %mul3A_341 = arith.mulf %get3A_338, %mul3A_340 : vector<16xf32>
        %swap3A_342 = arith.constant 2 : i32
        %swap3A_343 = arith.index_cast %swap3A_342 : i32 to index
        %swap3A_344 = arith.index_cast %add3A_302 : i32 to index
        %swap3A_345 = arith.constant 32 : index
        %swap3A_346 = tpu.vector_load %arg6[%swap3A_343, %swap3A_344, %swap3A_345] {strides = array<i32>} : memref<3x32x1024xf32, #tpu.memory_space<vmem>>, vector<1x1x16xf32>,
        %swap3A_347 = vector.shape_cast %swap3A_346 : vector<1x1x16xf32> to vector<16xf32>
        %swap3A_348 = vector.shape_cast %mul3A_341 : vector<16xf32> to vector<1x1x16xf32>
        tpu.vector_store %arg6[%swap3A_343, %swap3A_344, %swap3A_345], %swap3A_348 {strides = array<i32>} : memref<3x32x1024xf32, #tpu.memory_space<vmem>>, vector<1x1x16xf32>,
        %get3A_349 = arith.constant 2 : i32
        %get3A_350 = arith.index_cast %get3A_349 : i32 to index
        %get3A_351 = arith.index_cast %add3A_302 : i32 to index
        %get3A_352 = arith.constant 48 : index
        %get3A_353 = tpu.vector_load %arg6[%get3A_350, %get3A_351, %get3A_352] {strides = array<i32>} : memref<3x32x1024xf32, #tpu.memory_space<vmem>>, vector<1x1x16xf32>,
        %get3A_354 = vector.shape_cast %get3A_353 : vector<1x1x16xf32> to vector<16xf32>
        %mul3A_355 = arith.constant 3.200000e+01 : f32
        %mul3A_356 = vector.broadcast %mul3A_355 : f32 to vector<16xf32>
        %mul3A_357 = arith.mulf %get3A_354, %mul3A_356 : vector<16xf32>
        %swap3A_358 = arith.constant 2 : i32
        %swap3A_359 = arith.index_cast %swap3A_358 : i32 to index
        %swap3A_360 = arith.index_cast %add3A_302 : i32 to index
        %swap3A_361 = arith.constant 48 : index
        %swap3A_362 = tpu.vector_load %arg6[%swap3A_359, %swap3A_360, %swap3A_361] {strides = array<i32>} : memref<3x32x1024xf32, #tpu.memory_space<vmem>>, vector<1x1x16xf32>,
        %swap3A_363 = vector.shape_cast %swap3A_362 : vector<1x1x16xf32> to vector<16xf32>
        %swap3A_364 = vector.shape_cast %mul3A_357 : vector<16xf32> to vector<1x1x16xf32>
        tpu.vector_store %arg6[%swap3A_359, %swap3A_360, %swap3A_361], %swap3A_364 {strides = array<i32>} : memref<3x32x1024xf32, #tpu.memory_space<vmem>>, vector<1x1x16xf32>,
        %get3A_365 = arith.constant 2 : i32
        %get3A_366 = arith.index_cast %get3A_365 : i32 to index
        %get3A_367 = arith.index_cast %add3A_302 : i32 to index
        %get3A_368 = arith.constant 64 : index
        %get3A_369 = tpu.vector_load %arg6[%get3A_366, %get3A_367, %get3A_368] {strides = array<i32>} : memref<3x32x1024xf32, #tpu.memory_space<vmem>>, vector<1x1x16xf32>,
        %get3A_370 = vector.shape_cast %get3A_369 : vector<1x1x16xf32> to vector<16xf32>
        %mul3A_371 = arith.constant 3.200000e+01 : f32
        %mul3A_372 = vector.broadcast %mul3A_371 : f32 to vector<16xf32>
        %mul3A_373 = arith.mulf %get3A_370, %mul3A_372 : vector<16xf32>
        %swap3A_374 = arith.constant 2 : i32
        %swap3A_375 = arith.index_cast %swap3A_374 : i32 to index
        %swap3A_376 = arith.index_cast %add3A_302 : i32 to index
        %swap3A_377 = arith.constant 64 : index
        %swap3A_378 = tpu.vector_load %arg6[%swap3A_375, %swap3A_376, %swap3A_377] {strides = array<i32>} : memref<3x32x1024xf32, #tpu.memory_space<vmem>>, vector<1x1x16xf32>,
        %swap3A_379 = vector.shape_cast %swap3A_378 : vector<1x1x16xf32> to vector<16xf32>
        %swap3A_380 = vector.shape_cast %mul3A_373 : vector<16xf32> to vector<1x1x16xf32>
        tpu.vector_store %arg6[%swap3A_375, %swap3A_376, %swap3A_377], %swap3A_380 {strides = array<i32>} : memref<3x32x1024xf32, #tpu.memory_space<vmem>>, vector<1x1x16xf32>,
        %get3A_381 = arith.constant 2 : i32
        %get3A_382 = arith.index_cast %get3A_381 : i32 to index
        %get3A_383 = arith.index_cast %add3A_302 : i32 to index
        %get3A_384 = arith.constant 80 : index
        %get3A_385 = tpu.vector_load %arg6[%get3A_382, %get3A_383, %get3A_384] {strides = array<i32>} : memref<3x32x1024xf32, #tpu.memory_space<vmem>>, vector<1x1x16xf32>,
        %get3A_386 = vector.shape_cast %get3A_385 : vector<1x1x16xf32> to vector<16xf32>
        %mul3A_387 = arith.constant 3.200000e+01 : f32
        %mul3A_388 = vector.broadcast %mul3A_387 : f32 to vector<16xf32>
        %mul3A_389 = arith.mulf %get3A_386, %mul3A_388 : vector<16xf32>
        %swap3A_390 = arith.constant 2 : i32
        %swap3A_391 = arith.index_cast %swap3A_390 : i32 to index
        %swap3A_392 = arith.index_cast %add3A_302 : i32 to index
        %swap3A_393 = arith.constant 80 : index
        %swap3A_394 = tpu.vector_load %arg6[%swap3A_391, %swap3A_392, %swap3A_393] {strides = array<i32>} : memref<3x32x1024xf32, #tpu.memory_space<vmem>>, vector<1x1x16xf32>,
        %swap3A_395 = vector.shape_cast %swap3A_394 : vector<1x1x16xf32> to vector<16xf32>
        %swap3A_396 = vector.shape_cast %mul3A_389 : vector<16xf32> to vector<1x1x16xf32>
        tpu.vector_store %arg6[%swap3A_391, %swap3A_392, %swap3A_393], %swap3A_396 {strides = array<i32>} : memref<3x32x1024xf32, #tpu.memory_space<vmem>>, vector<1x1x16xf32>,
        %get3A_397 = arith.constant 2 : i32
        %get3A_398 = arith.index_cast %get3A_397 : i32 to index
        %get3A_399 = arith.index_cast %add3A_302 : i32 to index
        %get3A_400 = arith.constant 96 : index
        %get3A_401 = tpu.vector_load %arg6[%get3A_398, %get3A_399, %get3A_400] {strides = array<i32>} : memref<3x32x1024xf32, #tpu.memory_space<vmem>>, vector<1x1x16xf32>,
        %get3A_402 = vector.shape_cast %get3A_401 : vector<1x1x16xf32> to vector<16xf32>
        %mul3A_403 = arith.constant 3.200000e+01 : f32
        %mul3A_404 = vector.broadcast %mul3A_403 : f32 to vector<16xf32>
        %mul3A_405 = arith.mulf %get3A_402, %mul3A_404 : vector<16xf32>
        %swap3A_406 = arith.constant 2 : i32
        %swap3A_407 = arith.index_cast %swap3A_406 : i32 to index
        %swap3A_408 = arith.index_cast %add3A_302 : i32 to index
        %swap3A_409 = arith.constant 96 : index
        %swap3A_410 = tpu.vector_load %arg6[%swap3A_407, %swap3A_408, %swap3A_409] {strides = array<i32>} : memref<3x32x1024xf32, #tpu.memory_space<vmem>>, vector<1x1x16xf32>,
        %swap3A_411 = vector.shape_cast %swap3A_410 : vector<1x1x16xf32> to vector<16xf32>
        %swap3A_412 = vector.shape_cast %mul3A_405 : vector<16xf32> to vector<1x1x16xf32>
        tpu.vector_store %arg6[%swap3A_407, %swap3A_408, %swap3A_409], %swap3A_412 {strides = array<i32>} : memref<3x32x1024xf32, #tpu.memory_space<vmem>>, vector<1x1x16xf32>,
        %get3A_413 = arith.constant 2 : i32
        %get3A_414 = arith.index_cast %get3A_413 : i32 to index
        %get3A_415 = arith.index_cast %add3A_302 : i32 to index
        %get3A_416 = arith.constant 112 : index
        %get3A_417 = tpu.vector_load %arg6[%get3A_414, %get3A_415, %get3A_416] {strides = array<i32>} : memref<3x32x1024xf32, #tpu.memory_space<vmem>>, vector<1x1x16xf32>,
        %get3A_418 = vector.shape_cast %get3A_417 : vector<1x1x16xf32> to vector<16xf32>
        %mul3A_419 = arith.constant 3.200000e+01 : f32
        %mul3A_420 = vector.broadcast %mul3A_419 : f32 to vector<16xf32>
        %mul3A_421 = arith.mulf %get3A_418, %mul3A_420 : vector<16xf32>
        %swap3A_422 = arith.constant 2 : i32
        %swap3A_423 = arith.index_cast %swap3A_422 : i32 to index
        %swap3A_424 = arith.index_cast %add3A_302 : i32 to index
        %swap3A_425 = arith.constant 112 : index
        %swap3A_426 = tpu.vector_load %arg6[%swap3A_423, %swap3A_424, %swap3A_425] {strides = array<i32>} : memref<3x32x1024xf32, #tpu.memory_space<vmem>>, vector<1x1x16xf32>,
        %swap3A_427 = vector.shape_cast %swap3A_426 : vector<1x1x16xf32> to vector<16xf32>
        %swap3A_428 = vector.shape_cast %mul3A_421 : vector<16xf32> to vector<1x1x16xf32>
        tpu.vector_store %arg6[%swap3A_423, %swap3A_424, %swap3A_425], %swap3A_428 {strides = array<i32>} : memref<3x32x1024xf32, #tpu.memory_space<vmem>>, vector<1x1x16xf32>,
        %get3A_429 = arith.constant 2 : i32
        %get3A_430 = arith.index_cast %get3A_429 : i32 to index
        %get3A_431 = arith.index_cast %add3A_302 : i32 to index
        %get3A_432 = arith.constant 128 : index
        %get3A_433 = tpu.vector_load %arg6[%get3A_430, %get3A_431, %get3A_432] {strides = array<i32>} : memref<3x32x1024xf32, #tpu.memory_space<vmem>>, vector<1x1x16xf32>,
        %get3A_434 = vector.shape_cast %get3A_433 : vector<1x1x16xf32> to vector<16xf32>
        %mul3A_435 = arith.constant 3.200000e+01 : f32
        %mul3A_436 = vector.broadcast %mul3A_435 : f32 to vector<16xf32>
        %mul3A_437 = arith.mulf %get3A_434, %mul3A_436 : vector<16xf32>
        %swap3A_438 = arith.constant 2 : i32
        %swap3A_439 = arith.index_cast %swap3A_438 : i32 to index
        %swap3A_440 = arith.index_cast %add3A_302 : i32 to index
        %swap3A_441 = arith.constant 128 : index
        %swap3A_442 = tpu.vector_load %arg6[%swap3A_439, %swap3A_440, %swap3A_441] {strides = array<i32>} : memref<3x32x1024xf32, #tpu.memory_space<vmem>>, vector<1x1x16xf32>,
        %swap3A_443 = vector.shape_cast %swap3A_442 : vector<1x1x16xf32> to vector<16xf32>
        %swap3A_444 = vector.shape_cast %mul3A_437 : vector<16xf32> to vector<1x1x16xf32>
        tpu.vector_store %arg6[%swap3A_439, %swap3A_440, %swap3A_441], %swap3A_444 {strides = array<i32>} : memref<3x32x1024xf32, #tpu.memory_space<vmem>>, vector<1x1x16xf32>,
        %get3A_445 = arith.constant 2 : i32
        %get3A_446 = arith.index_cast %get3A_445 : i32 to index
        %get3A_447 = arith.index_cast %add3A_302 : i32 to index
        %get3A_448 = arith.constant 144 : index
        %get3A_449 = tpu.vector_load %arg6[%get3A_446, %get3A_447, %get3A_448] {strides = array<i32>} : memref<3x32x1024xf32, #tpu.memory_space<vmem>>, vector<1x1x16xf32>,
        %get3A_450 = vector.shape_cast %get3A_449 : vector<1x1x16xf32> to vector<16xf32>
        %mul3A_451 = arith.constant 3.200000e+01 : f32
        %mul3A_452 = vector.broadcast %mul3A_451 : f32 to vector<16xf32>
        %mul3A_453 = arith.mulf %get3A_450, %mul3A_452 : vector<16xf32>
        %swap3A_454 = arith.constant 2 : i32
        %swap3A_455 = arith.index_cast %swap3A_454 : i32 to index
        %swap3A_456 = arith.index_cast %add3A_302 : i32 to index
        %swap3A_457 = arith.constant 144 : index
        %swap3A_458 = tpu.vector_load %arg6[%swap3A_455, %swap3A_456, %swap3A_457] {strides = array<i32>} : memref<3x32x1024xf32, #tpu.memory_space<vmem>>, vector<1x1x16xf32>,
        %swap3A_459 = vector.shape_cast %swap3A_458 : vector<1x1x16xf32> to vector<16xf32>
        %swap3A_460 = vector.shape_cast %mul3A_453 : vector<16xf32> to vector<1x1x16xf32>
        tpu.vector_store %arg6[%swap3A_455, %swap3A_456, %swap3A_457], %swap3A_460 {strides = array<i32>} : memref<3x32x1024xf32, #tpu.memory_space<vmem>>, vector<1x1x16xf32>,
        %get3A_461 = arith.constant 2 : i32
        %get3A_462 = arith.index_cast %get3A_461 : i32 to index
        %get3A_463 = arith.index_cast %add3A_302 : i32 to index
        %get3A_464 = arith.constant 160 : index
        %get3A_465 = tpu.vector_load %arg6[%get3A_462, %get3A_463, %get3A_464] {strides = array<i32>} : memref<3x32x1024xf32, #tpu.memory_space<vmem>>, vector<1x1x16xf32>,
        %get3A_466 = vector.shape_cast %get3A_465 : vector<1x1x16xf32> to vector<16xf32>
        %mul3A_467 = arith.constant 3.200000e+01 : f32
        %mul3A_468 = vector.broadcast %mul3A_467 : f32 to vector<16xf32>
        %mul3A_469 = arith.mulf %get3A_466, %mul3A_468 : vector<16xf32>
        %swap3A_470 = arith.constant 2 : i32
        %swap3A_471 = arith.index_cast %swap3A_470 : i32 to index
        %swap3A_472 = arith.index_cast %add3A_302 : i32 to index
        %swap3A_473 = arith.constant 160 : index
        %swap3A_474 = tpu.vector_load %arg6[%swap3A_471, %swap3A_472, %swap3A_473] {strides = array<i32>} : memref<3x32x1024xf32, #tpu.memory_space<vmem>>, vector<1x1x16xf32>,
        %swap3A_475 = vector.shape_cast %swap3A_474 : vector<1x1x16xf32> to vector<16xf32>
        %swap3A_476 = vector.shape_cast %mul3A_469 : vector<16xf32> to vector<1x1x16xf32>
        tpu.vector_store %arg6[%swap3A_471, %swap3A_472, %swap3A_473], %swap3A_476 {strides = array<i32>} : memref<3x32x1024xf32, #tpu.memory_space<vmem>>, vector<1x1x16xf32>,
        %get3A_477 = arith.constant 2 : i32
        %get3A_478 = arith.index_cast %get3A_477 : i32 to index
        %get3A_479 = arith.index_cast %add3A_302 : i32 to index
        %get3A_480 = arith.constant 176 : index
        %get3A_481 = tpu.vector_load %arg6[%get3A_478, %get3A_479, %get3A_480] {strides = array<i32>} : memref<3x32x1024xf32, #tpu.memory_space<vmem>>, vector<1x1x16xf32>,
        %get3A_482 = vector.shape_cast %get3A_481 : vector<1x1x16xf32> to vector<16xf32>
        %mul3A_483 = arith.constant 3.200000e+01 : f32
        %mul3A_484 = vector.broadcast %mul3A_483 : f32 to vector<16xf32>
        %mul3A_485 = arith.mulf %get3A_482, %mul3A_484 : vector<16xf32>
        %swap3A_486 = arith.constant 2 : i32
        %swap3A_487 = arith.index_cast %swap3A_486 : i32 to index
        %swap3A_488 = arith.index_cast %add3A_302 : i32 to index
        %swap3A_489 = arith.constant 176 : index
        %swap3A_490 = tpu.vector_load %arg6[%swap3A_487, %swap3A_488, %swap3A_489] {strides = array<i32>} : memref<3x32x1024xf32, #tpu.memory_space<vmem>>, vector<1x1x16xf32>,
        %swap3A_491 = vector.shape_cast %swap3A_490 : vector<1x1x16xf32> to vector<16xf32>
        %swap3A_492 = vector.shape_cast %mul3A_485 : vector<16xf32> to vector<1x1x16xf32>
        tpu.vector_store %arg6[%swap3A_487, %swap3A_488, %swap3A_489], %swap3A_492 {strides = array<i32>} : memref<3x32x1024xf32, #tpu.memory_space<vmem>>, vector<1x1x16xf32>,
        %get3A_493 = arith.constant 2 : i32
        %get3A_494 = arith.index_cast %get3A_493 : i32 to index
        %get3A_495 = arith.index_cast %add3A_302 : i32 to index
        %get3A_496 = arith.constant 192 : index
        %get3A_497 = tpu.vector_load %arg6[%get3A_494, %get3A_495, %get3A_496] {strides = array<i32>} : memref<3x32x1024xf32, #tpu.memory_space<vmem>>, vector<1x1x16xf32>,
        %get3A_498 = vector.shape_cast %get3A_497 : vector<1x1x16xf32> to vector<16xf32>
        %mul3A_499 = arith.constant 3.200000e+01 : f32
        %mul3A_500 = vector.broadcast %mul3A_499 : f32 to vector<16xf32>
        %mul3A_501 = arith.mulf %get3A_498, %mul3A_500 : vector<16xf32>
        %swap3A_502 = arith.constant 2 : i32
        %swap3A_503 = arith.index_cast %swap3A_502 : i32 to index
        %swap3A_504 = arith.index_cast %add3A_302 : i32 to index
        %swap3A_505 = arith.constant 192 : index
        %swap3A_506 = tpu.vector_load %arg6[%swap3A_503, %swap3A_504, %swap3A_505] {strides = array<i32>} : memref<3x32x1024xf32, #tpu.memory_space<vmem>>, vector<1x1x16xf32>,
        %swap3A_507 = vector.shape_cast %swap3A_506 : vector<1x1x16xf32> to vector<16xf32>
        %swap3A_508 = vector.shape_cast %mul3A_501 : vector<16xf32> to vector<1x1x16xf32>
        tpu.vector_store %arg6[%swap3A_503, %swap3A_504, %swap3A_505], %swap3A_508 {strides = array<i32>} : memref<3x32x1024xf32, #tpu.memory_space<vmem>>, vector<1x1x16xf32>,
        %get3A_509 = arith.constant 2 : i32
        %get3A_510 = arith.index_cast %get3A_509 : i32 to index
        %get3A_511 = arith.index_cast %add3A_302 : i32 to index
        %get3A_512 = arith.constant 208 : index
        %get3A_513 = tpu.vector_load %arg6[%get3A_510, %get3A_511, %get3A_512] {strides = array<i32>} : memref<3x32x1024xf32, #tpu.memory_space<vmem>>, vector<1x1x16xf32>,
        %get3A_514 = vector.shape_cast %get3A_513 : vector<1x1x16xf32> to vector<16xf32>
        %mul3A_515 = arith.constant 3.200000e+01 : f32
        %mul3A_516 = vector.broadcast %mul3A_515 : f32 to vector<16xf32>
        %mul3A_517 = arith.mulf %get3A_514, %mul3A_516 : vector<16xf32>
        %swap3A_518 = arith.constant 2 : i32
        %swap3A_519 = arith.index_cast %swap3A_518 : i32 to index
        %swap3A_520 = arith.index_cast %add3A_302 : i32 to index
        %swap3A_521 = arith.constant 208 : index
        %swap3A_522 = tpu.vector_load %arg6[%swap3A_519, %swap3A_520, %swap3A_521] {strides = array<i32>} : memref<3x32x1024xf32, #tpu.memory_space<vmem>>, vector<1x1x16xf32>,
        %swap3A_523 = vector.shape_cast %swap3A_522 : vector<1x1x16xf32> to vector<16xf32>
        %swap3A_524 = vector.shape_cast %mul3A_517 : vector<16xf32> to vector<1x1x16xf32>
        tpu.vector_store %arg6[%swap3A_519, %swap3A_520, %swap3A_521], %swap3A_524 {strides = array<i32>} : memref<3x32x1024xf32, #tpu.memory_space<vmem>>, vector<1x1x16xf32>,
        %get3A_525 = arith.constant 2 : i32
        %get3A_526 = arith.index_cast %get3A_525 : i32 to index
        %get3A_527 = arith.index_cast %add3A_302 : i32 to index
        %get3A_528 = arith.constant 224 : index
        %get3A_529 = tpu.vector_load %arg6[%get3A_526, %get3A_527, %get3A_528] {strides = array<i32>} : memref<3x32x1024xf32, #tpu.memory_space<vmem>>, vector<1x1x16xf32>,
        %get3A_530 = vector.shape_cast %get3A_529 : vector<1x1x16xf32> to vector<16xf32>
        %mul3A_531 = arith.constant 3.200000e+01 : f32
        %mul3A_532 = vector.broadcast %mul3A_531 : f32 to vector<16xf32>
        %mul3A_533 = arith.mulf %get3A_530, %mul3A_532 : vector<16xf32>
        %swap3A_534 = arith.constant 2 : i32
        %swap3A_535 = arith.index_cast %swap3A_534 : i32 to index
        %swap3A_536 = arith.index_cast %add3A_302 : i32 to index
        %swap3A_537 = arith.constant 224 : index
        %swap3A_538 = tpu.vector_load %arg6[%swap3A_535, %swap3A_536, %swap3A_537] {strides = array<i32>} : memref<3x32x1024xf32, #tpu.memory_space<vmem>>, vector<1x1x16xf32>,
        %swap3A_539 = vector.shape_cast %swap3A_538 : vector<1x1x16xf32> to vector<16xf32>
        %swap3A_540 = vector.shape_cast %mul3A_533 : vector<16xf32> to vector<1x1x16xf32>
        tpu.vector_store %arg6[%swap3A_535, %swap3A_536, %swap3A_537], %swap3A_540 {strides = array<i32>} : memref<3x32x1024xf32, #tpu.memory_space<vmem>>, vector<1x1x16xf32>,
        %get3A_541 = arith.constant 2 : i32
        %get3A_542 = arith.index_cast %get3A_541 : i32 to index
        %get3A_543 = arith.index_cast %add3A_302 : i32 to index
        %get3A_544 = arith.constant 240 : index
        %get3A_545 = tpu.vector_load %arg6[%get3A_542, %get3A_543, %get3A_544] {strides = array<i32>} : memref<3x32x1024xf32, #tpu.memory_space<vmem>>, vector<1x1x16xf32>,
        %get3A_546 = vector.shape_cast %get3A_545 : vector<1x1x16xf32> to vector<16xf32>
        %mul3A_547 = arith.constant 3.200000e+01 : f32
        %mul3A_548 = vector.broadcast %mul3A_547 : f32 to vector<16xf32>
        %mul3A_549 = arith.mulf %get3A_546, %mul3A_548 : vector<16xf32>
        %swap3A_550 = arith.constant 2 : i32
        %swap3A_551 = arith.index_cast %swap3A_550 : i32 to index
        %swap3A_552 = arith.index_cast %add3A_302 : i32 to index
        %swap3A_553 = arith.constant 240 : index
        %swap3A_554 = tpu.vector_load %arg6[%swap3A_551, %swap3A_552, %swap3A_553] {strides = array<i32>} : memref<3x32x1024xf32, #tpu.memory_space<vmem>>, vector<1x1x16xf32>,
        %swap3A_555 = vector.shape_cast %swap3A_554 : vector<1x1x16xf32> to vector<16xf32>
        %swap3A_556 = vector.shape_cast %mul3A_549 : vector<16xf32> to vector<1x1x16xf32>
        tpu.vector_store %arg6[%swap3A_551, %swap3A_552, %swap3A_553], %swap3A_556 {strides = array<i32>} : memref<3x32x1024xf32, #tpu.memory_space<vmem>>, vector<1x1x16xf32>,
        %get3A_557 = arith.constant 2 : i32
        %get3A_558 = arith.index_cast %get3A_557 : i32 to index
        %get3A_559 = arith.index_cast %add3A_302 : i32 to index
        %get3A_560 = arith.constant 256 : index
        %get3A_561 = tpu.vector_load %arg6[%get3A_558, %get3A_559, %get3A_560] {strides = array<i32>} : memref<3x32x1024xf32, #tpu.memory_space<vmem>>, vector<1x1x16xf32>,
        %get3A_562 = vector.shape_cast %get3A_561 : vector<1x1x16xf32> to vector<16xf32>
        %mul3A_563 = arith.constant 3.200000e+01 : f32
        %mul3A_564 = vector.broadcast %mul3A_563 : f32 to vector<16xf32>
        %mul3A_565 = arith.mulf %get3A_562, %mul3A_564 : vector<16xf32>
        %swap3A_566 = arith.constant 2 : i32
        %swap3A_567 = arith.index_cast %swap3A_566 : i32 to index
        %swap3A_568 = arith.index_cast %add3A_302 : i32 to index
        %swap3A_569 = arith.constant 256 : index
        %swap3A_570 = tpu.vector_load %arg6[%swap3A_567, %swap3A_568, %swap3A_569] {strides = array<i32>} : memref<3x32x1024xf32, #tpu.memory_space<vmem>>, vector<1x1x16xf32>,
        %swap3A_571 = vector.shape_cast %swap3A_570 : vector<1x1x16xf32> to vector<16xf32>
        %swap3A_572 = vector.shape_cast %mul3A_565 : vector<16xf32> to vector<1x1x16xf32>
        tpu.vector_store %arg6[%swap3A_567, %swap3A_568, %swap3A_569], %swap3A_572 {strides = array<i32>} : memref<3x32x1024xf32, #tpu.memory_space<vmem>>, vector<1x1x16xf32>,
        %get3A_573 = arith.constant 2 : i32
        %get3A_574 = arith.index_cast %get3A_573 : i32 to index
        %get3A_575 = arith.index_cast %add3A_302 : i32 to index
        %get3A_576 = arith.constant 272 : index
        %get3A_577 = tpu.vector_load %arg6[%get3A_574, %get3A_575, %get3A_576] {strides = array<i32>} : memref<3x32x1024xf32, #tpu.memory_space<vmem>>, vector<1x1x16xf32>,
        %get3A_578 = vector.shape_cast %get3A_577 : vector<1x1x16xf32> to vector<16xf32>
        %mul3A_579 = arith.constant 3.200000e+01 : f32
        %mul3A_580 = vector.broadcast %mul3A_579 : f32 to vector<16xf32>
        %mul3A_581 = arith.mulf %get3A_578, %mul3A_580 : vector<16xf32>
        %swap3A_582 = arith.constant 2 : i32
        %swap3A_583 = arith.index_cast %swap3A_582 : i32 to index
        %swap3A_584 = arith.index_cast %add3A_302 : i32 to index
        %swap3A_585 = arith.constant 272 : index
        %swap3A_586 = tpu.vector_load %arg6[%swap3A_583, %swap3A_584, %swap3A_585] {strides = array<i32>} : memref<3x32x1024xf32, #tpu.memory_space<vmem>>, vector<1x1x16xf32>,
        %swap3A_587 = vector.shape_cast %swap3A_586 : vector<1x1x16xf32> to vector<16xf32>
        %swap3A_588 = vector.shape_cast %mul3A_581 : vector<16xf32> to vector<1x1x16xf32>
        tpu.vector_store %arg6[%swap3A_583, %swap3A_584, %swap3A_585], %swap3A_588 {strides = array<i32>} : memref<3x32x1024xf32, #tpu.memory_space<vmem>>, vector<1x1x16xf32>,
        %get3A_589 = arith.constant 2 : i32
        %get3A_590 = arith.index_cast %get3A_589 : i32 to index
        %get3A_591 = arith.index_cast %add3A_302 : i32 to index
        %get3A_592 = arith.constant 288 : index
        %get3A_593 = tpu.vector_load %arg6[%get3A_590, %get3A_591, %get3A_592] {strides = array<i32>} : memref<3x32x1024xf32, #tpu.memory_space<vmem>>, vector<1x1x16xf32>,
        %get3A_594 = vector.shape_cast %get3A_593 : vector<1x1x16xf32> to vector<16xf32>
        %mul3A_595 = arith.constant 3.200000e+01 : f32
        %mul3A_596 = vector.broadcast %mul3A_595 : f32 to vector<16xf32>
        %mul3A_597 = arith.mulf %get3A_594, %mul3A_596 : vector<16xf32>
        %swap3A_598 = arith.constant 2 : i32
        %swap3A_599 = arith.index_cast %swap3A_598 : i32 to index
        %swap3A_600 = arith.index_cast %add3A_302 : i32 to index
        %swap3A_601 = arith.constant 288 : index
        %swap3A_602 = tpu.vector_load %arg6[%swap3A_599, %swap3A_600, %swap3A_601] {strides = array<i32>} : memref<3x32x1024xf32, #tpu.memory_space<vmem>>, vector<1x1x16xf32>,
        %swap3A_603 = vector.shape_cast %swap3A_602 : vector<1x1x16xf32> to vector<16xf32>
        %swap3A_604 = vector.shape_cast %mul3A_597 : vector<16xf32> to vector<1x1x16xf32>
        tpu.vector_store %arg6[%swap3A_599, %swap3A_600, %swap3A_601], %swap3A_604 {strides = array<i32>} : memref<3x32x1024xf32, #tpu.memory_space<vmem>>, vector<1x1x16xf32>,
        %get3A_605 = arith.constant 2 : i32
        %get3A_606 = arith.index_cast %get3A_605 : i32 to index
        %get3A_607 = arith.index_cast %add3A_302 : i32 to index
        %get3A_608 = arith.constant 304 : index
        %get3A_609 = tpu.vector_load %arg6[%get3A_606, %get3A_607, %get3A_608] {strides = array<i32>} : memref<3x32x1024xf32, #tpu.memory_space<vmem>>, vector<1x1x16xf32>,
        %get3A_610 = vector.shape_cast %get3A_609 : vector<1x1x16xf32> to vector<16xf32>
        %mul3A_611 = arith.constant 3.200000e+01 : f32
        %mul3A_612 = vector.broadcast %mul3A_611 : f32 to vector<16xf32>
        %mul3A_613 = arith.mulf %get3A_610, %mul3A_612 : vector<16xf32>
        %swap3A_614 = arith.constant 2 : i32
        %swap3A_615 = arith.index_cast %swap3A_614 : i32 to index
        %swap3A_616 = arith.index_cast %add3A_302 : i32 to index
        %swap3A_617 = arith.constant 304 : index
        %swap3A_618 = tpu.vector_load %arg6[%swap3A_615, %swap3A_616, %swap3A_617] {strides = array<i32>} : memref<3x32x1024xf32, #tpu.memory_space<vmem>>, vector<1x1x16xf32>,
        %swap3A_619 = vector.shape_cast %swap3A_618 : vector<1x1x16xf32> to vector<16xf32>
        %swap3A_620 = vector.shape_cast %mul3A_613 : vector<16xf32> to vector<1x1x16xf32>
        tpu.vector_store %arg6[%swap3A_615, %swap3A_616, %swap3A_617], %swap3A_620 {strides = array<i32>} : memref<3x32x1024xf32, #tpu.memory_space<vmem>>, vector<1x1x16xf32>,
        %get3A_621 = arith.constant 2 : i32
        %get3A_622 = arith.index_cast %get3A_621 : i32 to index
        %get3A_623 = arith.index_cast %add3A_302 : i32 to index
        %get3A_624 = arith.constant 320 : index
        %get3A_625 = tpu.vector_load %arg6[%get3A_622, %get3A_623, %get3A_624] {strides = array<i32>} : memref<3x32x1024xf32, #tpu.memory_space<vmem>>, vector<1x1x16xf32>,
        %get3A_626 = vector.shape_cast %get3A_625 : vector<1x1x16xf32> to vector<16xf32>
        %mul3A_627 = arith.constant 3.200000e+01 : f32
        %mul3A_628 = vector.broadcast %mul3A_627 : f32 to vector<16xf32>
        %mul3A_629 = arith.mulf %get3A_626, %mul3A_628 : vector<16xf32>
        %swap3A_630 = arith.constant 2 : i32
        %swap3A_631 = arith.index_cast %swap3A_630 : i32 to index
        %swap3A_632 = arith.index_cast %add3A_302 : i32 to index
        %swap3A_633 = arith.constant 320 : index
        %swap3A_634 = tpu.vector_load %arg6[%swap3A_631, %swap3A_632, %swap3A_633] {strides = array<i32>} : memref<3x32x1024xf32, #tpu.memory_space<vmem>>, vector<1x1x16xf32>,
        %swap3A_635 = vector.shape_cast %swap3A_634 : vector<1x1x16xf32> to vector<16xf32>
        %swap3A_636 = vector.shape_cast %mul3A_629 : vector<16xf32> to vector<1x1x16xf32>
        tpu.vector_store %arg6[%swap3A_631, %swap3A_632, %swap3A_633], %swap3A_636 {strides = array<i32>} : memref<3x32x1024xf32, #tpu.memory_space<vmem>>, vector<1x1x16xf32>,
        %get3A_637 = arith.constant 2 : i32
        %get3A_638 = arith.index_cast %get3A_637 : i32 to index
        %get3A_639 = arith.index_cast %add3A_302 : i32 to index
        %get3A_640 = arith.constant 336 : index
        %get3A_641 = tpu.vector_load %arg6[%get3A_638, %get3A_639, %get3A_640] {strides = array<i32>} : memref<3x32x1024xf32, #tpu.memory_space<vmem>>, vector<1x1x16xf32>,
        %get3A_642 = vector.shape_cast %get3A_641 : vector<1x1x16xf32> to vector<16xf32>
        %mul3A_643 = arith.constant 3.200000e+01 : f32
        %mul3A_644 = vector.broadcast %mul3A_643 : f32 to vector<16xf32>
        %mul3A_645 = arith.mulf %get3A_642, %mul3A_644 : vector<16xf32>
        %swap3A_646 = arith.constant 2 : i32
        %swap3A_647 = arith.index_cast %swap3A_646 : i32 to index
        %swap3A_648 = arith.index_cast %add3A_302 : i32 to index
        %swap3A_649 = arith.constant 336 : index
        %swap3A_650 = tpu.vector_load %arg6[%swap3A_647, %swap3A_648, %swap3A_649] {strides = array<i32>} : memref<3x32x1024xf32, #tpu.memory_space<vmem>>, vector<1x1x16xf32>,
        %swap3A_651 = vector.shape_cast %swap3A_650 : vector<1x1x16xf32> to vector<16xf32>
        %swap3A_652 = vector.shape_cast %mul3A_645 : vector<16xf32> to vector<1x1x16xf32>
        tpu.vector_store %arg6[%swap3A_647, %swap3A_648, %swap3A_649], %swap3A_652 {strides = array<i32>} : memref<3x32x1024xf32, #tpu.memory_space<vmem>>, vector<1x1x16xf32>,
        %get3A_653 = arith.constant 2 : i32
        %get3A_654 = arith.index_cast %get3A_653 : i32 to index
        %get3A_655 = arith.index_cast %add3A_302 : i32 to index
        %get3A_656 = arith.constant 352 : index
        %get3A_657 = tpu.vector_load %arg6[%get3A_654, %get3A_655, %get3A_656] {strides = array<i32>} : memref<3x32x1024xf32, #tpu.memory_space<vmem>>, vector<1x1x16xf32>,
        %get3A_658 = vector.shape_cast %get3A_657 : vector<1x1x16xf32> to vector<16xf32>
        %mul3A_659 = arith.constant 3.200000e+01 : f32
        %mul3A_660 = vector.broadcast %mul3A_659 : f32 to vector<16xf32>
        %mul3A_661 = arith.mulf %get3A_658, %mul3A_660 : vector<16xf32>
        %swap3A_662 = arith.constant 2 : i32
        %swap3A_663 = arith.index_cast %swap3A_662 : i32 to index
        %swap3A_664 = arith.index_cast %add3A_302 : i32 to index
        %swap3A_665 = arith.constant 352 : index
        %swap3A_666 = tpu.vector_load %arg6[%swap3A_663, %swap3A_664, %swap3A_665] {strides = array<i32>} : memref<3x32x1024xf32, #tpu.memory_space<vmem>>, vector<1x1x16xf32>,
        %swap3A_667 = vector.shape_cast %swap3A_666 : vector<1x1x16xf32> to vector<16xf32>
        %swap3A_668 = vector.shape_cast %mul3A_661 : vector<16xf32> to vector<1x1x16xf32>
        tpu.vector_store %arg6[%swap3A_663, %swap3A_664, %swap3A_665], %swap3A_668 {strides = array<i32>} : memref<3x32x1024xf32, #tpu.memory_space<vmem>>, vector<1x1x16xf32>,
        %get3A_669 = arith.constant 2 : i32
        %get3A_670 = arith.index_cast %get3A_669 : i32 to index
        %get3A_671 = arith.index_cast %add3A_302 : i32 to index
        %get3A_672 = arith.constant 368 : index
        %get3A_673 = tpu.vector_load %arg6[%get3A_670, %get3A_671, %get3A_672] {strides = array<i32>} : memref<3x32x1024xf32, #tpu.memory_space<vmem>>, vector<1x1x16xf32>,
        %get3A_674 = vector.shape_cast %get3A_673 : vector<1x1x16xf32> to vector<16xf32>
        %mul3A_675 = arith.constant 3.200000e+01 : f32
        %mul3A_676 = vector.broadcast %mul3A_675 : f32 to vector<16xf32>
        %mul3A_677 = arith.mulf %get3A_674, %mul3A_676 : vector<16xf32>
        %swap3A_678 = arith.constant 2 : i32
        %swap3A_679 = arith.index_cast %swap3A_678 : i32 to index
        %swap3A_680 = arith.index_cast %add3A_302 : i32 to index
        %swap3A_681 = arith.constant 368 : index
        %swap3A_682 = tpu.vector_load %arg6[%swap3A_679, %swap3A_680, %swap3A_681] {strides = array<i32>} : memref<3x32x1024xf32, #tpu.memory_space<vmem>>, vector<1x1x16xf32>,
        %swap3A_683 = vector.shape_cast %swap3A_682 : vector<1x1x16xf32> to vector<16xf32>
        %swap3A_684 = vector.shape_cast %mul3A_677 : vector<16xf32> to vector<1x1x16xf32>
        tpu.vector_store %arg6[%swap3A_679, %swap3A_680, %swap3A_681], %swap3A_684 {strides = array<i32>} : memref<3x32x1024xf32, #tpu.memory_space<vmem>>, vector<1x1x16xf32>,
        %get3A_685 = arith.constant 2 : i32
        %get3A_686 = arith.index_cast %get3A_685 : i32 to index
        %get3A_687 = arith.index_cast %add3A_302 : i32 to index
        %get3A_688 = arith.constant 384 : index
        %get3A_689 = tpu.vector_load %arg6[%get3A_686, %get3A_687, %get3A_688] {strides = array<i32>} : memref<3x32x1024xf32, #tpu.memory_space<vmem>>, vector<1x1x16xf32>,
        %get3A_690 = vector.shape_cast %get3A_689 : vector<1x1x16xf32> to vector<16xf32>
        %mul3A_691 = arith.constant 3.200000e+01 : f32
        %mul3A_692 = vector.broadcast %mul3A_691 : f32 to vector<16xf32>
        %mul3A_693 = arith.mulf %get3A_690, %mul3A_692 : vector<16xf32>
        %swap3A_694 = arith.constant 2 : i32
        %swap3A_695 = arith.index_cast %swap3A_694 : i32 to index
        %swap3A_696 = arith.index_cast %add3A_302 : i32 to index
        %swap3A_697 = arith.constant 384 : index
        %swap3A_698 = tpu.vector_load %arg6[%swap3A_695, %swap3A_696, %swap3A_697] {strides = array<i32>} : memref<3x32x1024xf32, #tpu.memory_space<vmem>>, vector<1x1x16xf32>,
        %swap3A_699 = vector.shape_cast %swap3A_698 : vector<1x1x16xf32> to vector<16xf32>
        %swap3A_700 = vector.shape_cast %mul3A_693 : vector<16xf32> to vector<1x1x16xf32>
        tpu.vector_store %arg6[%swap3A_695, %swap3A_696, %swap3A_697], %swap3A_700 {strides = array<i32>} : memref<3x32x1024xf32, #tpu.memory_space<vmem>>, vector<1x1x16xf32>,
        %get3A_701 = arith.constant 2 : i32
        %get3A_702 = arith.index_cast %get3A_701 : i32 to index
        %get3A_703 = arith.index_cast %add3A_302 : i32 to index
        %get3A_704 = arith.constant 400 : index
        %get3A_705 = tpu.vector_load %arg6[%get3A_702, %get3A_703, %get3A_704] {strides = array<i32>} : memref<3x32x1024xf32, #tpu.memory_space<vmem>>, vector<1x1x16xf32>,
        %get3A_706 = vector.shape_cast %get3A_705 : vector<1x1x16xf32> to vector<16xf32>
        %mul3A_707 = arith.constant 3.200000e+01 : f32
        %mul3A_708 = vector.broadcast %mul3A_707 : f32 to vector<16xf32>
        %mul3A_709 = arith.mulf %get3A_706, %mul3A_708 : vector<16xf32>
        %swap3A_710 = arith.constant 2 : i32
        %swap3A_711 = arith.index_cast %swap3A_710 : i32 to index
        %swap3A_712 = arith.index_cast %add3A_302 : i32 to index
        %swap3A_713 = arith.constant 400 : index
        %swap3A_714 = tpu.vector_load %arg6[%swap3A_711, %swap3A_712, %swap3A_713] {strides = array<i32>} : memref<3x32x1024xf32, #tpu.memory_space<vmem>>, vector<1x1x16xf32>,
        %swap3A_715 = vector.shape_cast %swap3A_714 : vector<1x1x16xf32> to vector<16xf32>
        %swap3A_716 = vector.shape_cast %mul3A_709 : vector<16xf32> to vector<1x1x16xf32>
        tpu.vector_store %arg6[%swap3A_711, %swap3A_712, %swap3A_713], %swap3A_716 {strides = array<i32>} : memref<3x32x1024xf32, #tpu.memory_space<vmem>>, vector<1x1x16xf32>,
        %get3A_717 = arith.constant 2 : i32
        %get3A_718 = arith.index_cast %get3A_717 : i32 to index
        %get3A_719 = arith.index_cast %add3A_302 : i32 to index
        %get3A_720 = arith.constant 416 : index
        %get3A_721 = tpu.vector_load %arg6[%get3A_718, %get3A_719, %get3A_720] {strides = array<i32>} : memref<3x32x1024xf32, #tpu.memory_space<vmem>>, vector<1x1x16xf32>,
        %get3A_722 = vector.shape_cast %get3A_721 : vector<1x1x16xf32> to vector<16xf32>
        %mul3A_723 = arith.constant 3.200000e+01 : f32
        %mul3A_724 = vector.broadcast %mul3A_723 : f32 to vector<16xf32>
        %mul3A_725 = arith.mulf %get3A_722, %mul3A_724 : vector<16xf32>
        %swap3A_726 = arith.constant 2 : i32
        %swap3A_727 = arith.index_cast %swap3A_726 : i32 to index
        %swap3A_728 = arith.index_cast %add3A_302 : i32 to index
        %swap3A_729 = arith.constant 416 : index
        %swap3A_730 = tpu.vector_load %arg6[%swap3A_727, %swap3A_728, %swap3A_729] {strides = array<i32>} : memref<3x32x1024xf32, #tpu.memory_space<vmem>>, vector<1x1x16xf32>,
        %swap3A_731 = vector.shape_cast %swap3A_730 : vector<1x1x16xf32> to vector<16xf32>
        %swap3A_732 = vector.shape_cast %mul3A_725 : vector<16xf32> to vector<1x1x16xf32>
        tpu.vector_store %arg6[%swap3A_727, %swap3A_728, %swap3A_729], %swap3A_732 {strides = array<i32>} : memref<3x32x1024xf32, #tpu.memory_space<vmem>>, vector<1x1x16xf32>,
        %get3A_733 = arith.constant 2 : i32
        %get3A_734 = arith.index_cast %get3A_733 : i32 to index
        %get3A_735 = arith.index_cast %add3A_302 : i32 to index
        %get3A_736 = arith.constant 432 : index
        %get3A_737 = tpu.vector_load %arg6[%get3A_734, %get3A_735, %get3A_736] {strides = array<i32>} : memref<3x32x1024xf32, #tpu.memory_space<vmem>>, vector<1x1x16xf32>,
        %get3A_738 = vector.shape_cast %get3A_737 : vector<1x1x16xf32> to vector<16xf32>
        %mul3A_739 = arith.constant 3.200000e+01 : f32
        %mul3A_740 = vector.broadcast %mul3A_739 : f32 to vector<16xf32>
        %mul3A_741 = arith.mulf %get3A_738, %mul3A_740 : vector<16xf32>
        %swap3A_742 = arith.constant 2 : i32
        %swap3A_743 = arith.index_cast %swap3A_742 : i32 to index
        %swap3A_744 = arith.index_cast %add3A_302 : i32 to index
        %swap3A_745 = arith.constant 432 : index
        %swap3A_746 = tpu.vector_load %arg6[%swap3A_743, %swap3A_744, %swap3A_745] {strides = array<i32>} : memref<3x32x1024xf32, #tpu.memory_space<vmem>>, vector<1x1x16xf32>,
        %swap3A_747 = vector.shape_cast %swap3A_746 : vector<1x1x16xf32> to vector<16xf32>
        %swap3A_748 = vector.shape_cast %mul3A_741 : vector<16xf32> to vector<1x1x16xf32>
        tpu.vector_store %arg6[%swap3A_743, %swap3A_744, %swap3A_745], %swap3A_748 {strides = array<i32>} : memref<3x32x1024xf32, #tpu.memory_space<vmem>>, vector<1x1x16xf32>,
        %get3A_749 = arith.constant 2 : i32
        %get3A_750 = arith.index_cast %get3A_749 : i32 to index
        %get3A_751 = arith.index_cast %add3A_302 : i32 to index
        %get3A_752 = arith.constant 448 : index
        %get3A_753 = tpu.vector_load %arg6[%get3A_750, %get3A_751, %get3A_752] {strides = array<i32>} : memref<3x32x1024xf32, #tpu.memory_space<vmem>>, vector<1x1x16xf32>,
        %get3A_754 = vector.shape_cast %get3A_753 : vector<1x1x16xf32> to vector<16xf32>
        %mul3A_755 = arith.constant 3.200000e+01 : f32
        %mul3A_756 = vector.broadcast %mul3A_755 : f32 to vector<16xf32>
        %mul3A_757 = arith.mulf %get3A_754, %mul3A_756 : vector<16xf32>
        %swap3A_758 = arith.constant 2 : i32
        %swap3A_759 = arith.index_cast %swap3A_758 : i32 to index
        %swap3A_760 = arith.index_cast %add3A_302 : i32 to index
        %swap3A_761 = arith.constant 448 : index
        %swap3A_762 = tpu.vector_load %arg6[%swap3A_759, %swap3A_760, %swap3A_761] {strides = array<i32>} : memref<3x32x1024xf32, #tpu.memory_space<vmem>>, vector<1x1x16xf32>,
        %swap3A_763 = vector.shape_cast %swap3A_762 : vector<1x1x16xf32> to vector<16xf32>
        %swap3A_764 = vector.shape_cast %mul3A_757 : vector<16xf32> to vector<1x1x16xf32>
        tpu.vector_store %arg6[%swap3A_759, %swap3A_760, %swap3A_761], %swap3A_764 {strides = array<i32>} : memref<3x32x1024xf32, #tpu.memory_space<vmem>>, vector<1x1x16xf32>,
        %get3A_765 = arith.constant 2 : i32
        %get3A_766 = arith.index_cast %get3A_765 : i32 to index
        %get3A_767 = arith.index_cast %add3A_302 : i32 to index
        %get3A_768 = arith.constant 464 : index
        %get3A_769 = tpu.vector_load %arg6[%get3A_766, %get3A_767, %get3A_768] {strides = array<i32>} : memref<3x32x1024xf32, #tpu.memory_space<vmem>>, vector<1x1x16xf32>,
        %get3A_770 = vector.shape_cast %get3A_769 : vector<1x1x16xf32> to vector<16xf32>
        %mul3A_771 = arith.constant 3.200000e+01 : f32
        %mul3A_772 = vector.broadcast %mul3A_771 : f32 to vector<16xf32>
        %mul3A_773 = arith.mulf %get3A_770, %mul3A_772 : vector<16xf32>
        %swap3A_774 = arith.constant 2 : i32
        %swap3A_775 = arith.index_cast %swap3A_774 : i32 to index
        %swap3A_776 = arith.index_cast %add3A_302 : i32 to index
        %swap3A_777 = arith.constant 464 : index
        %swap3A_778 = tpu.vector_load %arg6[%swap3A_775, %swap3A_776, %swap3A_777] {strides = array<i32>} : memref<3x32x1024xf32, #tpu.memory_space<vmem>>, vector<1x1x16xf32>,
        %swap3A_779 = vector.shape_cast %swap3A_778 : vector<1x1x16xf32> to vector<16xf32>
        %swap3A_780 = vector.shape_cast %mul3A_773 : vector<16xf32> to vector<1x1x16xf32>
        tpu.vector_store %arg6[%swap3A_775, %swap3A_776, %swap3A_777], %swap3A_780 {strides = array<i32>} : memref<3x32x1024xf32, #tpu.memory_space<vmem>>, vector<1x1x16xf32>,
        %get3A_781 = arith.constant 2 : i32
        %get3A_782 = arith.index_cast %get3A_781 : i32 to index
        %get3A_783 = arith.index_cast %add3A_302 : i32 to index
        %get3A_784 = arith.constant 480 : index
        %get3A_785 = tpu.vector_load %arg6[%get3A_782, %get3A_783, %get3A_784] {strides = array<i32>} : memref<3x32x1024xf32, #tpu.memory_space<vmem>>, vector<1x1x16xf32>,
        %get3A_786 = vector.shape_cast %get3A_785 : vector<1x1x16xf32> to vector<16xf32>
        %mul3A_787 = arith.constant 3.200000e+01 : f32
        %mul3A_788 = vector.broadcast %mul3A_787 : f32 to vector<16xf32>
        %mul3A_789 = arith.mulf %get3A_786, %mul3A_788 : vector<16xf32>
        %swap3A_790 = arith.constant 2 : i32
        %swap3A_791 = arith.index_cast %swap3A_790 : i32 to index
        %swap3A_792 = arith.index_cast %add3A_302 : i32 to index
        %swap3A_793 = arith.constant 480 : index
        %swap3A_794 = tpu.vector_load %arg6[%swap3A_791, %swap3A_792, %swap3A_793] {strides = array<i32>} : memref<3x32x1024xf32, #tpu.memory_space<vmem>>, vector<1x1x16xf32>,
        %swap3A_795 = vector.shape_cast %swap3A_794 : vector<1x1x16xf32> to vector<16xf32>
        %swap3A_796 = vector.shape_cast %mul3A_789 : vector<16xf32> to vector<1x1x16xf32>
        tpu.vector_store %arg6[%swap3A_791, %swap3A_792, %swap3A_793], %swap3A_796 {strides = array<i32>} : memref<3x32x1024xf32, #tpu.memory_space<vmem>>, vector<1x1x16xf32>,
        %get3A_797 = arith.constant 2 : i32
        %get3A_798 = arith.index_cast %get3A_797 : i32 to index
        %get3A_799 = arith.index_cast %add3A_302 : i32 to index
        %get3A_800 = arith.constant 496 : index
        %get3A_801 = tpu.vector_load %arg6[%get3A_798, %get3A_799, %get3A_800] {strides = array<i32>} : memref<3x32x1024xf32, #tpu.memory_space<vmem>>, vector<1x1x16xf32>,
        %get3A_802 = vector.shape_cast %get3A_801 : vector<1x1x16xf32> to vector<16xf32>
        %mul3A_803 = arith.constant 3.200000e+01 : f32
        %mul3A_804 = vector.broadcast %mul3A_803 : f32 to vector<16xf32>
        %mul3A_805 = arith.mulf %get3A_802, %mul3A_804 : vector<16xf32>
        %swap3A_806 = arith.constant 2 : i32
        %swap3A_807 = arith.index_cast %swap3A_806 : i32 to index
        %swap3A_808 = arith.index_cast %add3A_302 : i32 to index
        %swap3A_809 = arith.constant 496 : index
        %swap3A_810 = tpu.vector_load %arg6[%swap3A_807, %swap3A_808, %swap3A_809] {strides = array<i32>} : memref<3x32x1024xf32, #tpu.memory_space<vmem>>, vector<1x1x16xf32>,
        %swap3A_811 = vector.shape_cast %swap3A_810 : vector<1x1x16xf32> to vector<16xf32>
        %swap3A_812 = vector.shape_cast %mul3A_805 : vector<16xf32> to vector<1x1x16xf32>
        tpu.vector_store %arg6[%swap3A_807, %swap3A_808, %swap3A_809], %swap3A_812 {strides = array<i32>} : memref<3x32x1024xf32, #tpu.memory_space<vmem>>, vector<1x1x16xf32>,
        %get3A_813 = arith.constant 2 : i32
        %get3A_814 = arith.index_cast %get3A_813 : i32 to index
        %get3A_815 = arith.index_cast %add3A_302 : i32 to index
        %get3A_816 = arith.constant 512 : index
        %get3A_817 = tpu.vector_load %arg6[%get3A_814, %get3A_815, %get3A_816] {strides = array<i32>} : memref<3x32x1024xf32, #tpu.memory_space<vmem>>, vector<1x1x16xf32>,
        %get3A_818 = vector.shape_cast %get3A_817 : vector<1x1x16xf32> to vector<16xf32>
        %mul3A_819 = arith.constant 3.200000e+01 : f32
        %mul3A_820 = vector.broadcast %mul3A_819 : f32 to vector<16xf32>
        %mul3A_821 = arith.mulf %get3A_818, %mul3A_820 : vector<16xf32>
        %swap3A_822 = arith.constant 2 : i32
        %swap3A_823 = arith.index_cast %swap3A_822 : i32 to index
        %swap3A_824 = arith.index_cast %add3A_302 : i32 to index
        %swap3A_825 = arith.constant 512 : index
        %swap3A_826 = tpu.vector_load %arg6[%swap3A_823, %swap3A_824, %swap3A_825] {strides = array<i32>} : memref<3x32x1024xf32, #tpu.memory_space<vmem>>, vector<1x1x16xf32>,
        %swap3A_827 = vector.shape_cast %swap3A_826 : vector<1x1x16xf32> to vector<16xf32>
        %swap3A_828 = vector.shape_cast %mul3A_821 : vector<16xf32> to vector<1x1x16xf32>
        tpu.vector_store %arg6[%swap3A_823, %swap3A_824, %swap3A_825], %swap3A_828 {strides = array<i32>} : memref<3x32x1024xf32, #tpu.memory_space<vmem>>, vector<1x1x16xf32>,
        %get3A_829 = arith.constant 2 : i32
        %get3A_830 = arith.index_cast %get3A_829 : i32 to index
        %get3A_831 = arith.index_cast %add3A_302 : i32 to index
        %get3A_832 = arith.constant 528 : index
        %get3A_833 = tpu.vector_load %arg6[%get3A_830, %get3A_831, %get3A_832] {strides = array<i32>} : memref<3x32x1024xf32, #tpu.memory_space<vmem>>, vector<1x1x16xf32>,
        %get3A_834 = vector.shape_cast %get3A_833 : vector<1x1x16xf32> to vector<16xf32>
        %mul3A_835 = arith.constant 3.200000e+01 : f32
        %mul3A_836 = vector.broadcast %mul3A_835 : f32 to vector<16xf32>
        %mul3A_837 = arith.mulf %get3A_834, %mul3A_836 : vector<16xf32>
        %swap3A_838 = arith.constant 2 : i32
        %swap3A_839 = arith.index_cast %swap3A_838 : i32 to index
        %swap3A_840 = arith.index_cast %add3A_302 : i32 to index
        %swap3A_841 = arith.constant 528 : index
        %swap3A_842 = tpu.vector_load %arg6[%swap3A_839, %swap3A_840, %swap3A_841] {strides = array<i32>} : memref<3x32x1024xf32, #tpu.memory_space<vmem>>, vector<1x1x16xf32>,
        %swap3A_843 = vector.shape_cast %swap3A_842 : vector<1x1x16xf32> to vector<16xf32>
        %swap3A_844 = vector.shape_cast %mul3A_837 : vector<16xf32> to vector<1x1x16xf32>
        tpu.vector_store %arg6[%swap3A_839, %swap3A_840, %swap3A_841], %swap3A_844 {strides = array<i32>} : memref<3x32x1024xf32, #tpu.memory_space<vmem>>, vector<1x1x16xf32>,
        %get3A_845 = arith.constant 2 : i32
        %get3A_846 = arith.index_cast %get3A_845 : i32 to index
        %get3A_847 = arith.index_cast %add3A_302 : i32 to index
        %get3A_848 = arith.constant 544 : index
        %get3A_849 = tpu.vector_load %arg6[%get3A_846, %get3A_847, %get3A_848] {strides = array<i32>} : memref<3x32x1024xf32, #tpu.memory_space<vmem>>, vector<1x1x16xf32>,
        %get3A_850 = vector.shape_cast %get3A_849 : vector<1x1x16xf32> to vector<16xf32>
        %mul3A_851 = arith.constant 3.200000e+01 : f32
        %mul3A_852 = vector.broadcast %mul3A_851 : f32 to vector<16xf32>
        %mul3A_853 = arith.mulf %get3A_850, %mul3A_852 : vector<16xf32>
        %swap3A_854 = arith.constant 2 : i32
        %swap3A_855 = arith.index_cast %swap3A_854 : i32 to index
        %swap3A_856 = arith.index_cast %add3A_302 : i32 to index
        %swap3A_857 = arith.constant 544 : index
        %swap3A_858 = tpu.vector_load %arg6[%swap3A_855, %swap3A_856, %swap3A_857] {strides = array<i32>} : memref<3x32x1024xf32, #tpu.memory_space<vmem>>, vector<1x1x16xf32>,
        %swap3A_859 = vector.shape_cast %swap3A_858 : vector<1x1x16xf32> to vector<16xf32>
        %swap3A_860 = vector.shape_cast %mul3A_853 : vector<16xf32> to vector<1x1x16xf32>
        tpu.vector_store %arg6[%swap3A_855, %swap3A_856, %swap3A_857], %swap3A_860 {strides = array<i32>} : memref<3x32x1024xf32, #tpu.memory_space<vmem>>, vector<1x1x16xf32>,
        %get3A_861 = arith.constant 2 : i32
        %get3A_862 = arith.index_cast %get3A_861 : i32 to index
        %get3A_863 = arith.index_cast %add3A_302 : i32 to index
        %get3A_864 = arith.constant 560 : index
        %get3A_865 = tpu.vector_load %arg6[%get3A_862, %get3A_863, %get3A_864] {strides = array<i32>} : memref<3x32x1024xf32, #tpu.memory_space<vmem>>, vector<1x1x16xf32>,
        %get3A_866 = vector.shape_cast %get3A_865 : vector<1x1x16xf32> to vector<16xf32>
        %mul3A_867 = arith.constant 3.200000e+01 : f32
        %mul3A_868 = vector.broadcast %mul3A_867 : f32 to vector<16xf32>
        %mul3A_869 = arith.mulf %get3A_866, %mul3A_868 : vector<16xf32>
        %swap3A_870 = arith.constant 2 : i32
        %swap3A_871 = arith.index_cast %swap3A_870 : i32 to index
        %swap3A_872 = arith.index_cast %add3A_302 : i32 to index
        %swap3A_873 = arith.constant 560 : index
        %swap3A_874 = tpu.vector_load %arg6[%swap3A_871, %swap3A_872, %swap3A_873] {strides = array<i32>} : memref<3x32x1024xf32, #tpu.memory_space<vmem>>, vector<1x1x16xf32>,
        %swap3A_875 = vector.shape_cast %swap3A_874 : vector<1x1x16xf32> to vector<16xf32>
        %swap3A_876 = vector.shape_cast %mul3A_869 : vector<16xf32> to vector<1x1x16xf32>
        tpu.vector_store %arg6[%swap3A_871, %swap3A_872, %swap3A_873], %swap3A_876 {strides = array<i32>} : memref<3x32x1024xf32, #tpu.memory_space<vmem>>, vector<1x1x16xf32>,
        %get3A_877 = arith.constant 2 : i32
        %get3A_878 = arith.index_cast %get3A_877 : i32 to index
        %get3A_879 = arith.index_cast %add3A_302 : i32 to index
        %get3A_880 = arith.constant 576 : index
        %get3A_881 = tpu.vector_load %arg6[%get3A_878, %get3A_879, %get3A_880] {strides = array<i32>} : memref<3x32x1024xf32, #tpu.memory_space<vmem>>, vector<1x1x16xf32>,
        %get3A_882 = vector.shape_cast %get3A_881 : vector<1x1x16xf32> to vector<16xf32>
        %mul3A_883 = arith.constant 3.200000e+01 : f32
        %mul3A_884 = vector.broadcast %mul3A_883 : f32 to vector<16xf32>
        %mul3A_885 = arith.mulf %get3A_882, %mul3A_884 : vector<16xf32>
        %swap3A_886 = arith.constant 2 : i32
        %swap3A_887 = arith.index_cast %swap3A_886 : i32 to index
        %swap3A_888 = arith.index_cast %add3A_302 : i32 to index
        %swap3A_889 = arith.constant 576 : index
        %swap3A_890 = tpu.vector_load %arg6[%swap3A_887, %swap3A_888, %swap3A_889] {strides = array<i32>} : memref<3x32x1024xf32, #tpu.memory_space<vmem>>, vector<1x1x16xf32>,
        %swap3A_891 = vector.shape_cast %swap3A_890 : vector<1x1x16xf32> to vector<16xf32>
        %swap3A_892 = vector.shape_cast %mul3A_885 : vector<16xf32> to vector<1x1x16xf32>
        tpu.vector_store %arg6[%swap3A_887, %swap3A_888, %swap3A_889], %swap3A_892 {strides = array<i32>} : memref<3x32x1024xf32, #tpu.memory_space<vmem>>, vector<1x1x16xf32>,
        %get3A_893 = arith.constant 2 : i32
        %get3A_894 = arith.index_cast %get3A_893 : i32 to index
        %get3A_895 = arith.index_cast %add3A_302 : i32 to index
        %get3A_896 = arith.constant 592 : index
        %get3A_897 = tpu.vector_load %arg6[%get3A_894, %get3A_895, %get3A_896] {strides = array<i32>} : memref<3x32x1024xf32, #tpu.memory_space<vmem>>, vector<1x1x16xf32>,
        %get3A_898 = vector.shape_cast %get3A_897 : vector<1x1x16xf32> to vector<16xf32>
        %mul3A_899 = arith.constant 3.200000e+01 : f32
        %mul3A_900 = vector.broadcast %mul3A_899 : f32 to vector<16xf32>
        %mul3A_901 = arith.mulf %get3A_898, %mul3A_900 : vector<16xf32>
        %swap3A_902 = arith.constant 2 : i32
        %swap3A_903 = arith.index_cast %swap3A_902 : i32 to index
        %swap3A_904 = arith.index_cast %add3A_302 : i32 to index
        %swap3A_905 = arith.constant 592 : index
        %swap3A_906 = tpu.vector_load %arg6[%swap3A_903, %swap3A_904, %swap3A_905] {strides = array<i32>} : memref<3x32x1024xf32, #tpu.memory_space<vmem>>, vector<1x1x16xf32>,
        %swap3A_907 = vector.shape_cast %swap3A_906 : vector<1x1x16xf32> to vector<16xf32>
        %swap3A_908 = vector.shape_cast %mul3A_901 : vector<16xf32> to vector<1x1x16xf32>
        tpu.vector_store %arg6[%swap3A_903, %swap3A_904, %swap3A_905], %swap3A_908 {strides = array<i32>} : memref<3x32x1024xf32, #tpu.memory_space<vmem>>, vector<1x1x16xf32>,
        %get3A_909 = arith.constant 2 : i32
        %get3A_910 = arith.index_cast %get3A_909 : i32 to index
        %get3A_911 = arith.index_cast %add3A_302 : i32 to index
        %get3A_912 = arith.constant 608 : index
        %get3A_913 = tpu.vector_load %arg6[%get3A_910, %get3A_911, %get3A_912] {strides = array<i32>} : memref<3x32x1024xf32, #tpu.memory_space<vmem>>, vector<1x1x16xf32>,
        %get3A_914 = vector.shape_cast %get3A_913 : vector<1x1x16xf32> to vector<16xf32>
        %mul3A_915 = arith.constant 3.200000e+01 : f32
        %mul3A_916 = vector.broadcast %mul3A_915 : f32 to vector<16xf32>
        %mul3A_917 = arith.mulf %get3A_914, %mul3A_916 : vector<16xf32>
        %swap3A_918 = arith.constant 2 : i32
        %swap3A_919 = arith.index_cast %swap3A_918 : i32 to index
        %swap3A_920 = arith.index_cast %add3A_302 : i32 to index
        %swap3A_921 = arith.constant 608 : index
        %swap3A_922 = tpu.vector_load %arg6[%swap3A_919, %swap3A_920, %swap3A_921] {strides = array<i32>} : memref<3x32x1024xf32, #tpu.memory_space<vmem>>, vector<1x1x16xf32>,
        %swap3A_923 = vector.shape_cast %swap3A_922 : vector<1x1x16xf32> to vector<16xf32>
        %swap3A_924 = vector.shape_cast %mul3A_917 : vector<16xf32> to vector<1x1x16xf32>
        tpu.vector_store %arg6[%swap3A_919, %swap3A_920, %swap3A_921], %swap3A_924 {strides = array<i32>} : memref<3x32x1024xf32, #tpu.memory_space<vmem>>, vector<1x1x16xf32>,
        %get3A_925 = arith.constant 2 : i32
        %get3A_926 = arith.index_cast %get3A_925 : i32 to index
        %get3A_927 = arith.index_cast %add3A_302 : i32 to index
        %get3A_928 = arith.constant 624 : index
        %get3A_929 = tpu.vector_load %arg6[%get3A_926, %get3A_927, %get3A_928] {strides = array<i32>} : memref<3x32x1024xf32, #tpu.memory_space<vmem>>, vector<1x1x16xf32>,
        %get3A_930 = vector.shape_cast %get3A_929 : vector<1x1x16xf32> to vector<16xf32>
        %mul3A_931 = arith.constant 3.200000e+01 : f32
        %mul3A_932 = vector.broadcast %mul3A_931 : f32 to vector<16xf32>
        %mul3A_933 = arith.mulf %get3A_930, %mul3A_932 : vector<16xf32>
        %swap3A_934 = arith.constant 2 : i32
        %swap3A_935 = arith.index_cast %swap3A_934 : i32 to index
        %swap3A_936 = arith.index_cast %add3A_302 : i32 to index
        %swap3A_937 = arith.constant 624 : index
        %swap3A_938 = tpu.vector_load %arg6[%swap3A_935, %swap3A_936, %swap3A_937] {strides = array<i32>} : memref<3x32x1024xf32, #tpu.memory_space<vmem>>, vector<1x1x16xf32>,
        %swap3A_939 = vector.shape_cast %swap3A_938 : vector<1x1x16xf32> to vector<16xf32>
        %swap3A_940 = vector.shape_cast %mul3A_933 : vector<16xf32> to vector<1x1x16xf32>
        tpu.vector_store %arg6[%swap3A_935, %swap3A_936, %swap3A_937], %swap3A_940 {strides = array<i32>} : memref<3x32x1024xf32, #tpu.memory_space<vmem>>, vector<1x1x16xf32>,
        %get3A_941 = arith.constant 2 : i32
        %get3A_942 = arith.index_cast %get3A_941 : i32 to index
        %get3A_943 = arith.index_cast %add3A_302 : i32 to index
        %get3A_944 = arith.constant 640 : index
        %get3A_945 = tpu.vector_load %arg6[%get3A_942, %get3A_943, %get3A_944] {strides = array<i32>} : memref<3x32x1024xf32, #tpu.memory_space<vmem>>, vector<1x1x16xf32>,
        %get3A_946 = vector.shape_cast %get3A_945 : vector<1x1x16xf32> to vector<16xf32>
        %mul3A_947 = arith.constant 3.200000e+01 : f32
        %mul3A_948 = vector.broadcast %mul3A_947 : f32 to vector<16xf32>
        %mul3A_949 = arith.mulf %get3A_946, %mul3A_948 : vector<16xf32>
        %swap3A_950 = arith.constant 2 : i32
        %swap3A_951 = arith.index_cast %swap3A_950 : i32 to index
        %swap3A_952 = arith.index_cast %add3A_302 : i32 to index
        %swap3A_953 = arith.constant 640 : index
        %swap3A_954 = tpu.vector_load %arg6[%swap3A_951, %swap3A_952, %swap3A_953] {strides = array<i32>} : memref<3x32x1024xf32, #tpu.memory_space<vmem>>, vector<1x1x16xf32>,
        %swap3A_955 = vector.shape_cast %swap3A_954 : vector<1x1x16xf32> to vector<16xf32>
        %swap3A_956 = vector.shape_cast %mul3A_949 : vector<16xf32> to vector<1x1x16xf32>
        tpu.vector_store %arg6[%swap3A_951, %swap3A_952, %swap3A_953], %swap3A_956 {strides = array<i32>} : memref<3x32x1024xf32, #tpu.memory_space<vmem>>, vector<1x1x16xf32>,
        %get3A_957 = arith.constant 2 : i32
        %get3A_958 = arith.index_cast %get3A_957 : i32 to index
        %get3A_959 = arith.index_cast %add3A_302 : i32 to index
        %get3A_960 = arith.constant 656 : index
        %get3A_961 = tpu.vector_load %arg6[%get3A_958, %get3A_959, %get3A_960] {strides = array<i32>} : memref<3x32x1024xf32, #tpu.memory_space<vmem>>, vector<1x1x16xf32>,
        %get3A_962 = vector.shape_cast %get3A_961 : vector<1x1x16xf32> to vector<16xf32>
        %mul3A_963 = arith.constant 3.200000e+01 : f32
        %mul3A_964 = vector.broadcast %mul3A_963 : f32 to vector<16xf32>
        %mul3A_965 = arith.mulf %get3A_962, %mul3A_964 : vector<16xf32>
        %swap3A_966 = arith.constant 2 : i32
        %swap3A_967 = arith.index_cast %swap3A_966 : i32 to index
        %swap3A_968 = arith.index_cast %add3A_302 : i32 to index
        %swap3A_969 = arith.constant 656 : index
        %swap3A_970 = tpu.vector_load %arg6[%swap3A_967, %swap3A_968, %swap3A_969] {strides = array<i32>} : memref<3x32x1024xf32, #tpu.memory_space<vmem>>, vector<1x1x16xf32>,
        %swap3A_971 = vector.shape_cast %swap3A_970 : vector<1x1x16xf32> to vector<16xf32>
        %swap3A_972 = vector.shape_cast %mul3A_965 : vector<16xf32> to vector<1x1x16xf32>
        tpu.vector_store %arg6[%swap3A_967, %swap3A_968, %swap3A_969], %swap3A_972 {strides = array<i32>} : memref<3x32x1024xf32, #tpu.memory_space<vmem>>, vector<1x1x16xf32>,
        %get3A_973 = arith.constant 2 : i32
        %get3A_974 = arith.index_cast %get3A_973 : i32 to index
        %get3A_975 = arith.index_cast %add3A_302 : i32 to index
        %get3A_976 = arith.constant 672 : index
        %get3A_977 = tpu.vector_load %arg6[%get3A_974, %get3A_975, %get3A_976] {strides = array<i32>} : memref<3x32x1024xf32, #tpu.memory_space<vmem>>, vector<1x1x16xf32>,
        %get3A_978 = vector.shape_cast %get3A_977 : vector<1x1x16xf32> to vector<16xf32>
        %mul3A_979 = arith.constant 3.200000e+01 : f32
        %mul3A_980 = vector.broadcast %mul3A_979 : f32 to vector<16xf32>
        %mul3A_981 = arith.mulf %get3A_978, %mul3A_980 : vector<16xf32>
        %swap3A_982 = arith.constant 2 : i32
        %swap3A_983 = arith.index_cast %swap3A_982 : i32 to index
        %swap3A_984 = arith.index_cast %add3A_302 : i32 to index
        %swap3A_985 = arith.constant 672 : index
        %swap3A_986 = tpu.vector_load %arg6[%swap3A_983, %swap3A_984, %swap3A_985] {strides = array<i32>} : memref<3x32x1024xf32, #tpu.memory_space<vmem>>, vector<1x1x16xf32>,
        %swap3A_987 = vector.shape_cast %swap3A_986 : vector<1x1x16xf32> to vector<16xf32>
        %swap3A_988 = vector.shape_cast %mul3A_981 : vector<16xf32> to vector<1x1x16xf32>
        tpu.vector_store %arg6[%swap3A_983, %swap3A_984, %swap3A_985], %swap3A_988 {strides = array<i32>} : memref<3x32x1024xf32, #tpu.memory_space<vmem>>, vector<1x1x16xf32>,
        %get3A_989 = arith.constant 2 : i32
        %get3A_990 = arith.index_cast %get3A_989 : i32 to index
        %get3A_991 = arith.index_cast %add3A_302 : i32 to index
        %get3A_992 = arith.constant 688 : index
        %get3A_993 = tpu.vector_load %arg6[%get3A_990, %get3A_991, %get3A_992] {strides = array<i32>} : memref<3x32x1024xf32, #tpu.memory_space<vmem>>, vector<1x1x16xf32>,
        %get3A_994 = vector.shape_cast %get3A_993 : vector<1x1x16xf32> to vector<16xf32>
        %mul3A_995 = arith.constant 3.200000e+01 : f32
        %mul3A_996 = vector.broadcast %mul3A_995 : f32 to vector<16xf32>
        %mul3A_997 = arith.mulf %get3A_994, %mul3A_996 : vector<16xf32>
        %swap3A_998 = arith.constant 2 : i32
        %swap3A_999 = arith.index_cast %swap3A_998 : i32 to index
        %swap3A_1000 = arith.index_cast %add3A_302 : i32 to index
        %swap3A_1001 = arith.constant 688 : index
        %swap3A_1002 = tpu.vector_load %arg6[%swap3A_999, %swap3A_1000, %swap3A_1001] {strides = array<i32>} : memref<3x32x1024xf32, #tpu.memory_space<vmem>>, vector<1x1x16xf32>,
        %swap3A_1003 = vector.shape_cast %swap3A_1002 : vector<1x1x16xf32> to vector<16xf32>
        %swap3A_1004 = vector.shape_cast %mul3A_997 : vector<16xf32> to vector<1x1x16xf32>
        tpu.vector_store %arg6[%swap3A_999, %swap3A_1000, %swap3A_1001], %swap3A_1004 {strides = array<i32>} : memref<3x32x1024xf32, #tpu.memory_space<vmem>>, vector<1x1x16xf32>,
        %get3A_1005 = arith.constant 2 : i32
        %get3A_1006 = arith.index_cast %get3A_1005 : i32 to index
        %get3A_1007 = arith.index_cast %add3A_302 : i32 to index
        %get3A_1008 = arith.constant 704 : index
        %get3A_1009 = tpu.vector_load %arg6[%get3A_1006, %get3A_1007, %get3A_1008] {strides = array<i32>} : memref<3x32x1024xf32, #tpu.memory_space<vmem>>, vector<1x1x16xf32>,
        %get3A_1010 = vector.shape_cast %get3A_1009 : vector<1x1x16xf32> to vector<16xf32>
        %mul3A_1011 = arith.constant 3.200000e+01 : f32
        %mul3A_1012 = vector.broadcast %mul3A_1011 : f32 to vector<16xf32>
        %mul3A_1013 = arith.mulf %get3A_1010, %mul3A_1012 : vector<16xf32>
        %swap3A_1014 = arith.constant 2 : i32
        %swap3A_1015 = arith.index_cast %swap3A_1014 : i32 to index
        %swap3A_1016 = arith.index_cast %add3A_302 : i32 to index
        %swap3A_1017 = arith.constant 704 : index
        %swap3A_1018 = tpu.vector_load %arg6[%swap3A_1015, %swap3A_1016, %swap3A_1017] {strides = array<i32>} : memref<3x32x1024xf32, #tpu.memory_space<vmem>>, vector<1x1x16xf32>,
        %swap3A_1019 = vector.shape_cast %swap3A_1018 : vector<1x1x16xf32> to vector<16xf32>
        %swap3A_1020 = vector.shape_cast %mul3A_1013 : vector<16xf32> to vector<1x1x16xf32>
        tpu.vector_store %arg6[%swap3A_1015, %swap3A_1016, %swap3A_1017], %swap3A_1020 {strides = array<i32>} : memref<3x32x1024xf32, #tpu.memory_space<vmem>>, vector<1x1x16xf32>,
        %get3A_1021 = arith.constant 2 : i32
        %get3A_1022 = arith.index_cast %get3A_1021 : i32 to index
        %get3A_1023 = arith.index_cast %add3A_302 : i32 to index
        %get3A_1024 = arith.constant 720 : index
        %get3A_1025 = tpu.vector_load %arg6[%get3A_1022, %get3A_1023, %get3A_1024] {strides = array<i32>} : memref<3x32x1024xf32, #tpu.memory_space<vmem>>, vector<1x1x16xf32>,
        %get3A_1026 = vector.shape_cast %get3A_1025 : vector<1x1x16xf32> to vector<16xf32>
        %mul3A_1027 = arith.constant 3.200000e+01 : f32
        %mul3A_1028 = vector.broadcast %mul3A_1027 : f32 to vector<16xf32>
        %mul3A_1029 = arith.mulf %get3A_1026, %mul3A_1028 : vector<16xf32>
        %swap3A_1030 = arith.constant 2 : i32
        %swap3A_1031 = arith.index_cast %swap3A_1030 : i32 to index
        %swap3A_1032 = arith.index_cast %add3A_302 : i32 to index
        %swap3A_1033 = arith.constant 720 : index
        %swap3A_1034 = tpu.vector_load %arg6[%swap3A_1031, %swap3A_1032, %swap3A_1033] {strides = array<i32>} : memref<3x32x1024xf32, #tpu.memory_space<vmem>>, vector<1x1x16xf32>,
        %swap3A_1035 = vector.shape_cast %swap3A_1034 : vector<1x1x16xf32> to vector<16xf32>
        %swap3A_1036 = vector.shape_cast %mul3A_1029 : vector<16xf32> to vector<1x1x16xf32>
        tpu.vector_store %arg6[%swap3A_1031, %swap3A_1032, %swap3A_1033], %swap3A_1036 {strides = array<i32>} : memref<3x32x1024xf32, #tpu.memory_space<vmem>>, vector<1x1x16xf32>,
        %get3A_1037 = arith.constant 2 : i32
        %get3A_1038 = arith.index_cast %get3A_1037 : i32 to index
        %get3A_1039 = arith.index_cast %add3A_302 : i32 to index
        %get3A_1040 = arith.constant 736 : index
        %get3A_1041 = tpu.vector_load %arg6[%get3A_1038, %get3A_1039, %get3A_1040] {strides = array<i32>} : memref<3x32x1024xf32, #tpu.memory_space<vmem>>, vector<1x1x16xf32>,
        %get3A_1042 = vector.shape_cast %get3A_1041 : vector<1x1x16xf32> to vector<16xf32>
        %mul3A_1043 = arith.constant 3.200000e+01 : f32
        %mul3A_1044 = vector.broadcast %mul3A_1043 : f32 to vector<16xf32>
        %mul3A_1045 = arith.mulf %get3A_1042, %mul3A_1044 : vector<16xf32>
        %swap3A_1046 = arith.constant 2 : i32
        %swap3A_1047 = arith.index_cast %swap3A_1046 : i32 to index
        %swap3A_1048 = arith.index_cast %add3A_302 : i32 to index
        %swap3A_1049 = arith.constant 736 : index
        %swap3A_1050 = tpu.vector_load %arg6[%swap3A_1047, %swap3A_1048, %swap3A_1049] {strides = array<i32>} : memref<3x32x1024xf32, #tpu.memory_space<vmem>>, vector<1x1x16xf32>,
        %swap3A_1051 = vector.shape_cast %swap3A_1050 : vector<1x1x16xf32> to vector<16xf32>
        %swap3A_1052 = vector.shape_cast %mul3A_1045 : vector<16xf32> to vector<1x1x16xf32>
        tpu.vector_store %arg6[%swap3A_1047, %swap3A_1048, %swap3A_1049], %swap3A_1052 {strides = array<i32>} : memref<3x32x1024xf32, #tpu.memory_space<vmem>>, vector<1x1x16xf32>,
        %get3A_1053 = arith.constant 2 : i32
        %get3A_1054 = arith.index_cast %get3A_1053 : i32 to index
        %get3A_1055 = arith.index_cast %add3A_302 : i32 to index
        %get3A_1056 = arith.constant 752 : index
        %get3A_1057 = tpu.vector_load %arg6[%get3A_1054, %get3A_1055, %get3A_1056] {strides = array<i32>} : memref<3x32x1024xf32, #tpu.memory_space<vmem>>, vector<1x1x16xf32>,
        %get3A_1058 = vector.shape_cast %get3A_1057 : vector<1x1x16xf32> to vector<16xf32>
        %mul3A_1059 = arith.constant 3.200000e+01 : f32
        %mul3A_1060 = vector.broadcast %mul3A_1059 : f32 to vector<16xf32>
        %mul3A_1061 = arith.mulf %get3A_1058, %mul3A_1060 : vector<16xf32>
        %swap3A_1062 = arith.constant 2 : i32
        %swap3A_1063 = arith.index_cast %swap3A_1062 : i32 to index
        %swap3A_1064 = arith.index_cast %add3A_302 : i32 to index
        %swap3A_1065 = arith.constant 752 : index
        %swap3A_1066 = tpu.vector_load %arg6[%swap3A_1063, %swap3A_1064, %swap3A_1065] {strides = array<i32>} : memref<3x32x1024xf32, #tpu.memory_space<vmem>>, vector<1x1x16xf32>,
        %swap3A_1067 = vector.shape_cast %swap3A_1066 : vector<1x1x16xf32> to vector<16xf32>
        %swap3A_1068 = vector.shape_cast %mul3A_1061 : vector<16xf32> to vector<1x1x16xf32>
        tpu.vector_store %arg6[%swap3A_1063, %swap3A_1064, %swap3A_1065], %swap3A_1068 {strides = array<i32>} : memref<3x32x1024xf32, #tpu.memory_space<vmem>>, vector<1x1x16xf32>,
        %get3A_1069 = arith.constant 2 : i32
        %get3A_1070 = arith.index_cast %get3A_1069 : i32 to index
        %get3A_1071 = arith.index_cast %add3A_302 : i32 to index
        %get3A_1072 = arith.constant 768 : index
        %get3A_1073 = tpu.vector_load %arg6[%get3A_1070, %get3A_1071, %get3A_1072] {strides = array<i32>} : memref<3x32x1024xf32, #tpu.memory_space<vmem>>, vector<1x1x16xf32>,
        %get3A_1074 = vector.shape_cast %get3A_1073 : vector<1x1x16xf32> to vector<16xf32>
        %mul3A_1075 = arith.constant 3.200000e+01 : f32
        %mul3A_1076 = vector.broadcast %mul3A_1075 : f32 to vector<16xf32>
        %mul3A_1077 = arith.mulf %get3A_1074, %mul3A_1076 : vector<16xf32>
        %swap3A_1078 = arith.constant 2 : i32
        %swap3A_1079 = arith.index_cast %swap3A_1078 : i32 to index
        %swap3A_1080 = arith.index_cast %add3A_302 : i32 to index
        %swap3A_1081 = arith.constant 768 : index
        %swap3A_1082 = tpu.vector_load %arg6[%swap3A_1079, %swap3A_1080, %swap3A_1081] {strides = array<i32>} : memref<3x32x1024xf32, #tpu.memory_space<vmem>>, vector<1x1x16xf32>,
        %swap3A_1083 = vector.shape_cast %swap3A_1082 : vector<1x1x16xf32> to vector<16xf32>
        %swap3A_1084 = vector.shape_cast %mul3A_1077 : vector<16xf32> to vector<1x1x16xf32>
        tpu.vector_store %arg6[%swap3A_1079, %swap3A_1080, %swap3A_1081], %swap3A_1084 {strides = array<i32>} : memref<3x32x1024xf32, #tpu.memory_space<vmem>>, vector<1x1x16xf32>,
        %get3A_1085 = arith.constant 2 : i32
        %get3A_1086 = arith.index_cast %get3A_1085 : i32 to index
        %get3A_1087 = arith.index_cast %add3A_302 : i32 to index
        %get3A_1088 = arith.constant 784 : index
        %get3A_1089 = tpu.vector_load %arg6[%get3A_1086, %get3A_1087, %get3A_1088] {strides = array<i32>} : memref<3x32x1024xf32, #tpu.memory_space<vmem>>, vector<1x1x16xf32>,
        %get3A_1090 = vector.shape_cast %get3A_1089 : vector<1x1x16xf32> to vector<16xf32>
        %mul3A_1091 = arith.constant 3.200000e+01 : f32
        %mul3A_1092 = vector.broadcast %mul3A_1091 : f32 to vector<16xf32>
        %mul3A_1093 = arith.mulf %get3A_1090, %mul3A_1092 : vector<16xf32>
        %swap3A_1094 = arith.constant 2 : i32
        %swap3A_1095 = arith.index_cast %swap3A_1094 : i32 to index
        %swap3A_1096 = arith.index_cast %add3A_302 : i32 to index
        %swap3A_1097 = arith.constant 784 : index
        %swap3A_1098 = tpu.vector_load %arg6[%swap3A_1095, %swap3A_1096, %swap3A_1097] {strides = array<i32>} : memref<3x32x1024xf32, #tpu.memory_space<vmem>>, vector<1x1x16xf32>,
        %swap3A_1099 = vector.shape_cast %swap3A_1098 : vector<1x1x16xf32> to vector<16xf32>
        %swap3A_1100 = vector.shape_cast %mul3A_1093 : vector<16xf32> to vector<1x1x16xf32>
        tpu.vector_store %arg6[%swap3A_1095, %swap3A_1096, %swap3A_1097], %swap3A_1100 {strides = array<i32>} : memref<3x32x1024xf32, #tpu.memory_space<vmem>>, vector<1x1x16xf32>,
        %get3A_1101 = arith.constant 2 : i32
        %get3A_1102 = arith.index_cast %get3A_1101 : i32 to index
        %get3A_1103 = arith.index_cast %add3A_302 : i32 to index
        %get3A_1104 = arith.constant 800 : index
        %get3A_1105 = tpu.vector_load %arg6[%get3A_1102, %get3A_1103, %get3A_1104] {strides = array<i32>} : memref<3x32x1024xf32, #tpu.memory_space<vmem>>, vector<1x1x16xf32>,
        %get3A_1106 = vector.shape_cast %get3A_1105 : vector<1x1x16xf32> to vector<16xf32>
        %mul3A_1107 = arith.constant 3.200000e+01 : f32
        %mul3A_1108 = vector.broadcast %mul3A_1107 : f32 to vector<16xf32>
        %mul3A_1109 = arith.mulf %get3A_1106, %mul3A_1108 : vector<16xf32>
        %swap3A_1110 = arith.constant 2 : i32
        %swap3A_1111 = arith.index_cast %swap3A_1110 : i32 to index
        %swap3A_1112 = arith.index_cast %add3A_302 : i32 to index
        %swap3A_1113 = arith.constant 800 : index
        %swap3A_1114 = tpu.vector_load %arg6[%swap3A_1111, %swap3A_1112, %swap3A_1113] {strides = array<i32>} : memref<3x32x1024xf32, #tpu.memory_space<vmem>>, vector<1x1x16xf32>,
        %swap3A_1115 = vector.shape_cast %swap3A_1114 : vector<1x1x16xf32> to vector<16xf32>
        %swap3A_1116 = vector.shape_cast %mul3A_1109 : vector<16xf32> to vector<1x1x16xf32>
        tpu.vector_store %arg6[%swap3A_1111, %swap3A_1112, %swap3A_1113], %swap3A_1116 {strides = array<i32>} : memref<3x32x1024xf32, #tpu.memory_space<vmem>>, vector<1x1x16xf32>,
        %get3A_1117 = arith.constant 2 : i32
        %get3A_1118 = arith.index_cast %get3A_1117 : i32 to index
        %get3A_1119 = arith.index_cast %add3A_302 : i32 to index
        %get3A_1120 = arith.constant 816 : index
        %get3A_1121 = tpu.vector_load %arg6[%get3A_1118, %get3A_1119, %get3A_1120] {strides = array<i32>} : memref<3x32x1024xf32, #tpu.memory_space<vmem>>, vector<1x1x16xf32>,
        %get3A_1122 = vector.shape_cast %get3A_1121 : vector<1x1x16xf32> to vector<16xf32>
        %mul3A_1123 = arith.constant 3.200000e+01 : f32
        %mul3A_1124 = vector.broadcast %mul3A_1123 : f32 to vector<16xf32>
        %mul3A_1125 = arith.mulf %get3A_1122, %mul3A_1124 : vector<16xf32>
        %swap3A_1126 = arith.constant 2 : i32
        %swap3A_1127 = arith.index_cast %swap3A_1126 : i32 to index
        %swap3A_1128 = arith.index_cast %add3A_302 : i32 to index
        %swap3A_1129 = arith.constant 816 : index
        %swap3A_1130 = tpu.vector_load %arg6[%swap3A_1127, %swap3A_1128, %swap3A_1129] {strides = array<i32>} : memref<3x32x1024xf32, #tpu.memory_space<vmem>>, vector<1x1x16xf32>,
        %swap3A_1131 = vector.shape_cast %swap3A_1130 : vector<1x1x16xf32> to vector<16xf32>
        %swap3A_1132 = vector.shape_cast %mul3A_1125 : vector<16xf32> to vector<1x1x16xf32>
        tpu.vector_store %arg6[%swap3A_1127, %swap3A_1128, %swap3A_1129], %swap3A_1132 {strides = array<i32>} : memref<3x32x1024xf32, #tpu.memory_space<vmem>>, vector<1x1x16xf32>,
        %get3A_1133 = arith.constant 2 : i32
        %get3A_1134 = arith.index_cast %get3A_1133 : i32 to index
        %get3A_1135 = arith.index_cast %add3A_302 : i32 to index
        %get3A_1136 = arith.constant 832 : index
        %get3A_1137 = tpu.vector_load %arg6[%get3A_1134, %get3A_1135, %get3A_1136] {strides = array<i32>} : memref<3x32x1024xf32, #tpu.memory_space<vmem>>, vector<1x1x16xf32>,
        %get3A_1138 = vector.shape_cast %get3A_1137 : vector<1x1x16xf32> to vector<16xf32>
        %mul3A_1139 = arith.constant 3.200000e+01 : f32
        %mul3A_1140 = vector.broadcast %mul3A_1139 : f32 to vector<16xf32>
        %mul3A_1141 = arith.mulf %get3A_1138, %mul3A_1140 : vector<16xf32>
        %swap3A_1142 = arith.constant 2 : i32
        %swap3A_1143 = arith.index_cast %swap3A_1142 : i32 to index
        %swap3A_1144 = arith.index_cast %add3A_302 : i32 to index
        %swap3A_1145 = arith.constant 832 : index
        %swap3A_1146 = tpu.vector_load %arg6[%swap3A_1143, %swap3A_1144, %swap3A_1145] {strides = array<i32>} : memref<3x32x1024xf32, #tpu.memory_space<vmem>>, vector<1x1x16xf32>,
        %swap3A_1147 = vector.shape_cast %swap3A_1146 : vector<1x1x16xf32> to vector<16xf32>
        %swap3A_1148 = vector.shape_cast %mul3A_1141 : vector<16xf32> to vector<1x1x16xf32>
        tpu.vector_store %arg6[%swap3A_1143, %swap3A_1144, %swap3A_1145], %swap3A_1148 {strides = array<i32>} : memref<3x32x1024xf32, #tpu.memory_space<vmem>>, vector<1x1x16xf32>,
        %get3A_1149 = arith.constant 2 : i32
        %get3A_1150 = arith.index_cast %get3A_1149 : i32 to index
        %get3A_1151 = arith.index_cast %add3A_302 : i32 to index
        %get3A_1152 = arith.constant 848 : index
        %get3A_1153 = tpu.vector_load %arg6[%get3A_1150, %get3A_1151, %get3A_1152] {strides = array<i32>} : memref<3x32x1024xf32, #tpu.memory_space<vmem>>, vector<1x1x16xf32>,
        %get3A_1154 = vector.shape_cast %get3A_1153 : vector<1x1x16xf32> to vector<16xf32>
        %mul3A_1155 = arith.constant 3.200000e+01 : f32
        %mul3A_1156 = vector.broadcast %mul3A_1155 : f32 to vector<16xf32>
        %mul3A_1157 = arith.mulf %get3A_1154, %mul3A_1156 : vector<16xf32>
        %swap3A_1158 = arith.constant 2 : i32
        %swap3A_1159 = arith.index_cast %swap3A_1158 : i32 to index
        %swap3A_1160 = arith.index_cast %add3A_302 : i32 to index
        %swap3A_1161 = arith.constant 848 : index
        %swap3A_1162 = tpu.vector_load %arg6[%swap3A_1159, %swap3A_1160, %swap3A_1161] {strides = array<i32>} : memref<3x32x1024xf32, #tpu.memory_space<vmem>>, vector<1x1x16xf32>,
        %swap3A_1163 = vector.shape_cast %swap3A_1162 : vector<1x1x16xf32> to vector<16xf32>
        %swap3A_1164 = vector.shape_cast %mul3A_1157 : vector<16xf32> to vector<1x1x16xf32>
        tpu.vector_store %arg6[%swap3A_1159, %swap3A_1160, %swap3A_1161], %swap3A_1164 {strides = array<i32>} : memref<3x32x1024xf32, #tpu.memory_space<vmem>>, vector<1x1x16xf32>,
        %get3A_1165 = arith.constant 2 : i32
        %get3A_1166 = arith.index_cast %get3A_1165 : i32 to index
        %get3A_1167 = arith.index_cast %add3A_302 : i32 to index
        %get3A_1168 = arith.constant 864 : index
        %get3A_1169 = tpu.vector_load %arg6[%get3A_1166, %get3A_1167, %get3A_1168] {strides = array<i32>} : memref<3x32x1024xf32, #tpu.memory_space<vmem>>, vector<1x1x16xf32>,
        %get3A_1170 = vector.shape_cast %get3A_1169 : vector<1x1x16xf32> to vector<16xf32>
        %mul3A_1171 = arith.constant 3.200000e+01 : f32
        %mul3A_1172 = vector.broadcast %mul3A_1171 : f32 to vector<16xf32>
        %mul3A_1173 = arith.mulf %get3A_1170, %mul3A_1172 : vector<16xf32>
        %swap3A_1174 = arith.constant 2 : i32
        %swap3A_1175 = arith.index_cast %swap3A_1174 : i32 to index
        %swap3A_1176 = arith.index_cast %add3A_302 : i32 to index
        %swap3A_1177 = arith.constant 864 : index
        %swap3A_1178 = tpu.vector_load %arg6[%swap3A_1175, %swap3A_1176, %swap3A_1177] {strides = array<i32>} : memref<3x32x1024xf32, #tpu.memory_space<vmem>>, vector<1x1x16xf32>,
        %swap3A_1179 = vector.shape_cast %swap3A_1178 : vector<1x1x16xf32> to vector<16xf32>
        %swap3A_1180 = vector.shape_cast %mul3A_1173 : vector<16xf32> to vector<1x1x16xf32>
        tpu.vector_store %arg6[%swap3A_1175, %swap3A_1176, %swap3A_1177], %swap3A_1180 {strides = array<i32>} : memref<3x32x1024xf32, #tpu.memory_space<vmem>>, vector<1x1x16xf32>,
        %get3A_1181 = arith.constant 2 : i32
        %get3A_1182 = arith.index_cast %get3A_1181 : i32 to index
        %get3A_1183 = arith.index_cast %add3A_302 : i32 to index
        %get3A_1184 = arith.constant 880 : index
        %get3A_1185 = tpu.vector_load %arg6[%get3A_1182, %get3A_1183, %get3A_1184] {strides = array<i32>} : memref<3x32x1024xf32, #tpu.memory_space<vmem>>, vector<1x1x16xf32>,
        %get3A_1186 = vector.shape_cast %get3A_1185 : vector<1x1x16xf32> to vector<16xf32>
        %mul3A_1187 = arith.constant 3.200000e+01 : f32
        %mul3A_1188 = vector.broadcast %mul3A_1187 : f32 to vector<16xf32>
        %mul3A_1189 = arith.mulf %get3A_1186, %mul3A_1188 : vector<16xf32>
        %swap3A_1190 = arith.constant 2 : i32
        %swap3A_1191 = arith.index_cast %swap3A_1190 : i32 to index
        %swap3A_1192 = arith.index_cast %add3A_302 : i32 to index
        %swap3A_1193 = arith.constant 880 : index
        %swap3A_1194 = tpu.vector_load %arg6[%swap3A_1191, %swap3A_1192, %swap3A_1193] {strides = array<i32>} : memref<3x32x1024xf32, #tpu.memory_space<vmem>>, vector<1x1x16xf32>,
        %swap3A_1195 = vector.shape_cast %swap3A_1194 : vector<1x1x16xf32> to vector<16xf32>
        %swap3A_1196 = vector.shape_cast %mul3A_1189 : vector<16xf32> to vector<1x1x16xf32>
        tpu.vector_store %arg6[%swap3A_1191, %swap3A_1192, %swap3A_1193], %swap3A_1196 {strides = array<i32>} : memref<3x32x1024xf32, #tpu.memory_space<vmem>>, vector<1x1x16xf32>,
        %get3A_1197 = arith.constant 2 : i32
        %get3A_1198 = arith.index_cast %get3A_1197 : i32 to index
        %get3A_1199 = arith.index_cast %add3A_302 : i32 to index
        %get3A_1200 = arith.constant 896 : index
        %get3A_1201 = tpu.vector_load %arg6[%get3A_1198, %get3A_1199, %get3A_1200] {strides = array<i32>} : memref<3x32x1024xf32, #tpu.memory_space<vmem>>, vector<1x1x16xf32>,
        %get3A_1202 = vector.shape_cast %get3A_1201 : vector<1x1x16xf32> to vector<16xf32>
        %mul3A_1203 = arith.constant 3.200000e+01 : f32
        %mul3A_1204 = vector.broadcast %mul3A_1203 : f32 to vector<16xf32>
        %mul3A_1205 = arith.mulf %get3A_1202, %mul3A_1204 : vector<16xf32>
        %swap3A_1206 = arith.constant 2 : i32
        %swap3A_1207 = arith.index_cast %swap3A_1206 : i32 to index
        %swap3A_1208 = arith.index_cast %add3A_302 : i32 to index
        %swap3A_1209 = arith.constant 896 : index
        %swap3A_1210 = tpu.vector_load %arg6[%swap3A_1207, %swap3A_1208, %swap3A_1209] {strides = array<i32>} : memref<3x32x1024xf32, #tpu.memory_space<vmem>>, vector<1x1x16xf32>,
        %swap3A_1211 = vector.shape_cast %swap3A_1210 : vector<1x1x16xf32> to vector<16xf32>
        %swap3A_1212 = vector.shape_cast %mul3A_1205 : vector<16xf32> to vector<1x1x16xf32>
        tpu.vector_store %arg6[%swap3A_1207, %swap3A_1208, %swap3A_1209], %swap3A_1212 {strides = array<i32>} : memref<3x32x1024xf32, #tpu.memory_space<vmem>>, vector<1x1x16xf32>,
        %get3A_1213 = arith.constant 2 : i32
        %get3A_1214 = arith.index_cast %get3A_1213 : i32 to index
        %get3A_1215 = arith.index_cast %add3A_302 : i32 to index
        %get3A_1216 = arith.constant 912 : index
        %get3A_1217 = tpu.vector_load %arg6[%get3A_1214, %get3A_1215, %get3A_1216] {strides = array<i32>} : memref<3x32x1024xf32, #tpu.memory_space<vmem>>, vector<1x1x16xf32>,
        %get3A_1218 = vector.shape_cast %get3A_1217 : vector<1x1x16xf32> to vector<16xf32>
        %mul3A_1219 = arith.constant 3.200000e+01 : f32
        %mul3A_1220 = vector.broadcast %mul3A_1219 : f32 to vector<16xf32>
        %mul3A_1221 = arith.mulf %get3A_1218, %mul3A_1220 : vector<16xf32>
        %swap3A_1222 = arith.constant 2 : i32
        %swap3A_1223 = arith.index_cast %swap3A_1222 : i32 to index
        %swap3A_1224 = arith.index_cast %add3A_302 : i32 to index
        %swap3A_1225 = arith.constant 912 : index
        %swap3A_1226 = tpu.vector_load %arg6[%swap3A_1223, %swap3A_1224, %swap3A_1225] {strides = array<i32>} : memref<3x32x1024xf32, #tpu.memory_space<vmem>>, vector<1x1x16xf32>,
        %swap3A_1227 = vector.shape_cast %swap3A_1226 : vector<1x1x16xf32> to vector<16xf32>
        %swap3A_1228 = vector.shape_cast %mul3A_1221 : vector<16xf32> to vector<1x1x16xf32>
        tpu.vector_store %arg6[%swap3A_1223, %swap3A_1224, %swap3A_1225], %swap3A_1228 {strides = array<i32>} : memref<3x32x1024xf32, #tpu.memory_space<vmem>>, vector<1x1x16xf32>,
        %get3A_1229 = arith.constant 2 : i32
        %get3A_1230 = arith.index_cast %get3A_1229 : i32 to index
        %get3A_1231 = arith.index_cast %add3A_302 : i32 to index
        %get3A_1232 = arith.constant 928 : index
        %get3A_1233 = tpu.vector_load %arg6[%get3A_1230, %get3A_1231, %get3A_1232] {strides = array<i32>} : memref<3x32x1024xf32, #tpu.memory_space<vmem>>, vector<1x1x16xf32>,
        %get3A_1234 = vector.shape_cast %get3A_1233 : vector<1x1x16xf32> to vector<16xf32>
        %mul3A_1235 = arith.constant 3.200000e+01 : f32
        %mul3A_1236 = vector.broadcast %mul3A_1235 : f32 to vector<16xf32>
        %mul3A_1237 = arith.mulf %get3A_1234, %mul3A_1236 : vector<16xf32>
        %swap3A_1238 = arith.constant 2 : i32
        %swap3A_1239 = arith.index_cast %swap3A_1238 : i32 to index
        %swap3A_1240 = arith.index_cast %add3A_302 : i32 to index
        %swap3A_1241 = arith.constant 928 : index
        %swap3A_1242 = tpu.vector_load %arg6[%swap3A_1239, %swap3A_1240, %swap3A_1241] {strides = array<i32>} : memref<3x32x1024xf32, #tpu.memory_space<vmem>>, vector<1x1x16xf32>,
        %swap3A_1243 = vector.shape_cast %swap3A_1242 : vector<1x1x16xf32> to vector<16xf32>
        %swap3A_1244 = vector.shape_cast %mul3A_1237 : vector<16xf32> to vector<1x1x16xf32>
        tpu.vector_store %arg6[%swap3A_1239, %swap3A_1240, %swap3A_1241], %swap3A_1244 {strides = array<i32>} : memref<3x32x1024xf32, #tpu.memory_space<vmem>>, vector<1x1x16xf32>,
        %get3A_1245 = arith.constant 2 : i32
        %get3A_1246 = arith.index_cast %get3A_1245 : i32 to index
        %get3A_1247 = arith.index_cast %add3A_302 : i32 to index
        %get3A_1248 = arith.constant 944 : index
        %get3A_1249 = tpu.vector_load %arg6[%get3A_1246, %get3A_1247, %get3A_1248] {strides = array<i32>} : memref<3x32x1024xf32, #tpu.memory_space<vmem>>, vector<1x1x16xf32>,
        %get3A_1250 = vector.shape_cast %get3A_1249 : vector<1x1x16xf32> to vector<16xf32>
        %mul3A_1251 = arith.constant 3.200000e+01 : f32
        %mul3A_1252 = vector.broadcast %mul3A_1251 : f32 to vector<16xf32>
        %mul3A_1253 = arith.mulf %get3A_1250, %mul3A_1252 : vector<16xf32>
        %swap3A_1254 = arith.constant 2 : i32
        %swap3A_1255 = arith.index_cast %swap3A_1254 : i32 to index
        %swap3A_1256 = arith.index_cast %add3A_302 : i32 to index
        %swap3A_1257 = arith.constant 944 : index
        %swap3A_1258 = tpu.vector_load %arg6[%swap3A_1255, %swap3A_1256, %swap3A_1257] {strides = array<i32>} : memref<3x32x1024xf32, #tpu.memory_space<vmem>>, vector<1x1x16xf32>,
        %swap3A_1259 = vector.shape_cast %swap3A_1258 : vector<1x1x16xf32> to vector<16xf32>
        %swap3A_1260 = vector.shape_cast %mul3A_1253 : vector<16xf32> to vector<1x1x16xf32>
        tpu.vector_store %arg6[%swap3A_1255, %swap3A_1256, %swap3A_1257], %swap3A_1260 {strides = array<i32>} : memref<3x32x1024xf32, #tpu.memory_space<vmem>>, vector<1x1x16xf32>,
        %get3A_1261 = arith.constant 2 : i32
        %get3A_1262 = arith.index_cast %get3A_1261 : i32 to index
        %get3A_1263 = arith.index_cast %add3A_302 : i32 to index
        %get3A_1264 = arith.constant 960 : index
        %get3A_1265 = tpu.vector_load %arg6[%get3A_1262, %get3A_1263, %get3A_1264] {strides = array<i32>} : memref<3x32x1024xf32, #tpu.memory_space<vmem>>, vector<1x1x16xf32>,
        %get3A_1266 = vector.shape_cast %get3A_1265 : vector<1x1x16xf32> to vector<16xf32>
        %mul3A_1267 = arith.constant 3.200000e+01 : f32
        %mul3A_1268 = vector.broadcast %mul3A_1267 : f32 to vector<16xf32>
        %mul3A_1269 = arith.mulf %get3A_1266, %mul3A_1268 : vector<16xf32>
        %swap3A_1270 = arith.constant 2 : i32
        %swap3A_1271 = arith.index_cast %swap3A_1270 : i32 to index
        %swap3A_1272 = arith.index_cast %add3A_302 : i32 to index
        %swap3A_1273 = arith.constant 960 : index
        %swap3A_1274 = tpu.vector_load %arg6[%swap3A_1271, %swap3A_1272, %swap3A_1273] {strides = array<i32>} : memref<3x32x1024xf32, #tpu.memory_space<vmem>>, vector<1x1x16xf32>,
        %swap3A_1275 = vector.shape_cast %swap3A_1274 : vector<1x1x16xf32> to vector<16xf32>
        %swap3A_1276 = vector.shape_cast %mul3A_1269 : vector<16xf32> to vector<1x1x16xf32>
        tpu.vector_store %arg6[%swap3A_1271, %swap3A_1272, %swap3A_1273], %swap3A_1276 {strides = array<i32>} : memref<3x32x1024xf32, #tpu.memory_space<vmem>>, vector<1x1x16xf32>,
        %get3A_1277 = arith.constant 2 : i32
        %get3A_1278 = arith.index_cast %get3A_1277 : i32 to index
        %get3A_1279 = arith.index_cast %add3A_302 : i32 to index
        %get3A_1280 = arith.constant 976 : index
        %get3A_1281 = tpu.vector_load %arg6[%get3A_1278, %get3A_1279, %get3A_1280] {strides = array<i32>} : memref<3x32x1024xf32, #tpu.memory_space<vmem>>, vector<1x1x16xf32>,
        %get3A_1282 = vector.shape_cast %get3A_1281 : vector<1x1x16xf32> to vector<16xf32>
        %mul3A_1283 = arith.constant 3.200000e+01 : f32
        %mul3A_1284 = vector.broadcast %mul3A_1283 : f32 to vector<16xf32>
        %mul3A_1285 = arith.mulf %get3A_1282, %mul3A_1284 : vector<16xf32>
        %swap3A_1286 = arith.constant 2 : i32
        %swap3A_1287 = arith.index_cast %swap3A_1286 : i32 to index
        %swap3A_1288 = arith.index_cast %add3A_302 : i32 to index
        %swap3A_1289 = arith.constant 976 : index
        %swap3A_1290 = tpu.vector_load %arg6[%swap3A_1287, %swap3A_1288, %swap3A_1289] {strides = array<i32>} : memref<3x32x1024xf32, #tpu.memory_space<vmem>>, vector<1x1x16xf32>,
        %swap3A_1291 = vector.shape_cast %swap3A_1290 : vector<1x1x16xf32> to vector<16xf32>
        %swap3A_1292 = vector.shape_cast %mul3A_1285 : vector<16xf32> to vector<1x1x16xf32>
        tpu.vector_store %arg6[%swap3A_1287, %swap3A_1288, %swap3A_1289], %swap3A_1292 {strides = array<i32>} : memref<3x32x1024xf32, #tpu.memory_space<vmem>>, vector<1x1x16xf32>,
        %get3A_1293 = arith.constant 2 : i32
        %get3A_1294 = arith.index_cast %get3A_1293 : i32 to index
        %get3A_1295 = arith.index_cast %add3A_302 : i32 to index
        %get3A_1296 = arith.constant 992 : index
        %get3A_1297 = tpu.vector_load %arg6[%get3A_1294, %get3A_1295, %get3A_1296] {strides = array<i32>} : memref<3x32x1024xf32, #tpu.memory_space<vmem>>, vector<1x1x16xf32>,
        %get3A_1298 = vector.shape_cast %get3A_1297 : vector<1x1x16xf32> to vector<16xf32>
        %mul3A_1299 = arith.constant 3.200000e+01 : f32
        %mul3A_1300 = vector.broadcast %mul3A_1299 : f32 to vector<16xf32>
        %mul3A_1301 = arith.mulf %get3A_1298, %mul3A_1300 : vector<16xf32>
        %swap3A_1302 = arith.constant 2 : i32
        %swap3A_1303 = arith.index_cast %swap3A_1302 : i32 to index
        %swap3A_1304 = arith.index_cast %add3A_302 : i32 to index
        %swap3A_1305 = arith.constant 992 : index
        %swap3A_1306 = tpu.vector_load %arg6[%swap3A_1303, %swap3A_1304, %swap3A_1305] {strides = array<i32>} : memref<3x32x1024xf32, #tpu.memory_space<vmem>>, vector<1x1x16xf32>,
        %swap3A_1307 = vector.shape_cast %swap3A_1306 : vector<1x1x16xf32> to vector<16xf32>
        %swap3A_1308 = vector.shape_cast %mul3A_1301 : vector<16xf32> to vector<1x1x16xf32>
        tpu.vector_store %arg6[%swap3A_1303, %swap3A_1304, %swap3A_1305], %swap3A_1308 {strides = array<i32>} : memref<3x32x1024xf32, #tpu.memory_space<vmem>>, vector<1x1x16xf32>,
        %get3A_1309 = arith.constant 2 : i32
        %get3A_1310 = arith.index_cast %get3A_1309 : i32 to index
        %get3A_1311 = arith.index_cast %add3A_302 : i32 to index
        %get3A_1312 = arith.constant 1008 : index
        %get3A_1313 = tpu.vector_load %arg6[%get3A_1310, %get3A_1311, %get3A_1312] {strides = array<i32>} : memref<3x32x1024xf32, #tpu.memory_space<vmem>>, vector<1x1x16xf32>,
        %get3A_1314 = vector.shape_cast %get3A_1313 : vector<1x1x16xf32> to vector<16xf32>
        %mul3A_1315 = arith.constant 3.200000e+01 : f32
        %mul3A_1316 = vector.broadcast %mul3A_1315 : f32 to vector<16xf32>
        %mul3A_1317 = arith.mulf %get3A_1314, %mul3A_1316 : vector<16xf32>
        %swap3A_1318 = arith.constant 2 : i32
        %swap3A_1319 = arith.index_cast %swap3A_1318 : i32 to index
        %swap3A_1320 = arith.index_cast %add3A_302 : i32 to index
        %swap3A_1321 = arith.constant 1008 : index
        %swap3A_1322 = tpu.vector_load %arg6[%swap3A_1319, %swap3A_1320, %swap3A_1321] {strides = array<i32>} : memref<3x32x1024xf32, #tpu.memory_space<vmem>>, vector<1x1x16xf32>,
        %swap3A_1323 = vector.shape_cast %swap3A_1322 : vector<1x1x16xf32> to vector<16xf32>
        %swap3A_1324 = vector.shape_cast %mul3A_1317 : vector<16xf32> to vector<1x1x16xf32>
        tpu.vector_store %arg6[%swap3A_1319, %swap3A_1320, %swap3A_1321], %swap3A_1324 {strides = array<i32>} : memref<3x32x1024xf32, #tpu.memory_space<vmem>>, vector<1x1x16xf32>,
      }
      %scan3A_256 = arith.constant 32 : i32
      %mul3A_257 = arith.constant 32 : i32
      %mul3A_258 = arith.muli %add3A_240, %mul3A_257 : i32
      %add3A_259 = arith.addi %mul3A_2, %mul3A_258 : i32
      %dma_start3A_260 = arith.constant 2 : i32
      %dma_start3A_261 = arith.constant 0 : i32
      %dma_start3A_262 = arith.constant 0 : i32
      %dma_start3A_263 = tpu.memref_slice %arg6[%dma_start3A_260, %dma_start3A_261, %dma_start3A_262] : memref<3x32x1024xf32, #tpu.memory_space<vmem>> -> memref<1x32x1024xf32, #tpu.memory_space<vmem>>
      %dma_start3A_264 = tpu.memref_squeeze %dma_start3A_263 : memref<1x32x1024xf32, #tpu.memory_space<vmem>> -> memref<32x1024xf32, #tpu.memory_space<vmem>>
      %dma_start3A_265 = arith.constant 0 : i32
      %dma_start3A_266 = tpu.memref_slice %arg4[%add3A_259, %dma_start3A_265] : memref<16384x1024xf32, #tpu.memory_space<hbm>> -> memref<32x1024xf32, #tpu.memory_space<hbm>>
      %dma_start3A_267 = arith.constant 0 : i32
      %dma_start3A_268 = tpu.memref_slice %arg4[%add3A_259, %dma_start3A_267] : memref<16384x1024xf32, #tpu.memory_space<hbm>> -> memref<32x1024xf32, #tpu.memory_space<hbm>>
      %dma_start3A_269 = arith.constant 0 : i32
      %dma_start3A_270 = arith.constant 0 : i32
      %dma_start3A_271 = tpu.memref_slice %arg6[%dma_start3A_260, %dma_start3A_269, %dma_start3A_270] : memref<3x32x1024xf32, #tpu.memory_space<vmem>> -> memref<1x32x1024xf32, #tpu.memory_space<vmem>>
      %dma_start3A_272 = tpu.memref_squeeze %dma_start3A_271 : memref<1x32x1024xf32, #tpu.memory_space<vmem>> -> memref<32x1024xf32, #tpu.memory_space<vmem>>
      tpu.enqueue_dma source(%dma_start3A_272 : memref<32x1024xf32, #tpu.memory_space<vmem>>) target(%dma_start3A_268 : memref<32x1024xf32, #tpu.memory_space<hbm>>) target_semaphore(%arg12 : memref<!tpu.dma_semaphore, #tpu.memory_space<semaphore_mem>>)
      %sub3A_273 = arith.constant 1 : i32
      %sub3A_274 = arith.subi %add3A_240, %sub3A_273 : i32
      %mul3A_275 = arith.constant 32 : i32
      %mul3A_276 = arith.muli %sub3A_274, %mul3A_275 : i32
      %add3A_277 = arith.addi %mul3A_2, %mul3A_276 : i32
      %dma_wait3A_278 = arith.constant 1 : i32
      %dma_wait3A_279 = arith.constant 0 : i32
      %dma_wait3A_280 = arith.constant 0 : i32
      %dma_wait3A_281 = tpu.memref_slice %arg6[%dma_wait3A_278, %dma_wait3A_279, %dma_wait3A_280] : memref<3x32x1024xf32, #tpu.memory_space<vmem>> -> memref<1x32x1024xf32, #tpu.memory_space<vmem>>
      %dma_wait3A_282 = tpu.memref_squeeze %dma_wait3A_281 : memref<1x32x1024xf32, #tpu.memory_space<vmem>> -> memref<32x1024xf32, #tpu.memory_space<vmem>>
      %dma_wait3A_283 = arith.constant 0 : i32
      %dma_wait3A_284 = tpu.memref_slice %arg4[%add3A_277, %dma_wait3A_283] : memref<16384x1024xf32, #tpu.memory_space<hbm>> -> memref<32x1024xf32, #tpu.memory_space<hbm>>
      %dma_wait3A_285 = arith.constant 0 : i32
      %dma_wait3A_286 = tpu.memref_slice %arg4[%add3A_277, %dma_wait3A_285] : memref<16384x1024xf32, #tpu.memory_space<hbm>> -> memref<32x1024xf32, #tpu.memory_space<hbm>>
      %dma_wait3A_287 = arith.constant 0 : i32
      %dma_wait3A_288 = arith.constant 0 : i32
      %dma_wait3A_289 = tpu.memref_slice %arg6[%dma_wait3A_278, %dma_wait3A_287, %dma_wait3A_288] : memref<3x32x1024xf32, #tpu.memory_space<vmem>> -> memref<1x32x1024xf32, #tpu.memory_space<vmem>>
      %dma_wait3A_290 = tpu.memref_squeeze %dma_wait3A_289 : memref<1x32x1024xf32, #tpu.memory_space<vmem>> -> memref<32x1024xf32, #tpu.memory_space<vmem>>
      tpu.wait_dma2 semaphore(%arg11 : memref<!tpu.dma_semaphore, #tpu.memory_space<semaphore_mem>>) src(%dma_wait3A_290 : memref<32x1024xf32, #tpu.memory_space<vmem>>) dst(%dma_wait3A_286 : memref<32x1024xf32, #tpu.memory_space<hbm>>)
      %add3A_291 = arith.constant 2 : i32
      %add3A_292 = arith.addi %add3A_240, %add3A_291 : i32
      %lt3A_293 = arith.constant 16 : i32
      %lt3A_294 = arith.cmpi slt, %add3A_292, %lt3A_293 : i32
      %convert_element_type3A_295 = arith.extui %lt3A_294 : i1 to i32
      %cond3A_296 = arith.constant 0 : i32
      %cond3A_297 = arith.cmpi ne, %convert_element_type3A_295, %cond3A_296 : i32
      scf.if %cond3A_297 {
        %add3A_298 = arith.constant 2 : i32
        %add3A_299 = arith.addi %add3A_240, %add3A_298 : i32
        %mul3A_300 = arith.constant 32 : i32
        %mul3A_301 = arith.muli %add3A_299, %mul3A_300 : i32
        %dma_start3A_302 = arith.constant 1 : i32
        %dma_start3A_303 = arith.constant 0 : i32
        %dma_start3A_304 = arith.constant 0 : i32
        %dma_start3A_305 = tpu.memref_slice %arg6[%dma_start3A_302, %dma_start3A_303, %dma_start3A_304] : memref<3x32x1024xf32, #tpu.memory_space<vmem>> -> memref<1x32x1024xf32, #tpu.memory_space<vmem>>
        %dma_start3A_306 = tpu.memref_squeeze %dma_start3A_305 : memref<1x32x1024xf32, #tpu.memory_space<vmem>> -> memref<32x1024xf32, #tpu.memory_space<vmem>>
        %dma_start3A_307 = tpu.memref_slice %arg5[%mul3A_301] : memref<512xi32, #tpu.memory_space<vmem>> -> memref<32xi32, #tpu.memory_space<vmem>>
        %dma_start3A_308 = arith.constant 0 : i32
        %dma_start3A_309 = arith.constant 0 : i32
        %dma_start3A_310 = tpu.memref_slice %arg3[%dma_start3A_308, %dma_start3A_309] : memref<100000x1024xf32, #tpu.memory_space<hbm>> -> memref<100000x1024xf32, #tpu.memory_space<hbm>>
        tpu.enqueue_indirect_dma source(%dma_start3A_310 : memref<100000x1024xf32, #tpu.memory_space<hbm>>) target(%dma_start3A_306 : memref<32x1024xf32, #tpu.memory_space<vmem>>) offsets(%dma_start3A_307 : memref<32xi32, #tpu.memory_space<vmem>>) semaphore(%arg8 : memref<!tpu.dma_semaphore, #tpu.memory_space<semaphore_mem>>)
      } else {
      }
    }
    %scan3A_67 = arith.constant 5 : i32
    %dma_wait3A = arith.constant 0 : i32
    %dma_wait3A_68 = arith.constant 0 : i32
    %dma_wait3A_69 = arith.constant 0 : i32
    %dma_wait3A_70 = tpu.memref_slice %arg6[%dma_wait3A, %dma_wait3A_68, %dma_wait3A_69] : memref<3x32x1024xf32, #tpu.memory_space<vmem>> -> memref<1x32x1024xf32, #tpu.memory_space<vmem>>
    %dma_wait3A_71 = tpu.memref_squeeze %dma_wait3A_70 : memref<1x32x1024xf32, #tpu.memory_space<vmem>> -> memref<32x1024xf32, #tpu.memory_space<vmem>>
    %dma_wait3A_72 = arith.constant 480 : i32
    %dma_wait3A_73 = tpu.memref_slice %arg5[%dma_wait3A_72] : memref<512xi32, #tpu.memory_space<vmem>> -> memref<32xi32, #tpu.memory_space<vmem>>
    %dma_wait3A_74 = arith.constant 0 : i32
    %dma_wait3A_75 = arith.constant 0 : i32
    %dma_wait3A_76 = tpu.memref_slice %arg3[%dma_wait3A_74, %dma_wait3A_75] : memref<100000x1024xf32, #tpu.memory_space<hbm>> -> memref<100000x1024xf32, #tpu.memory_space<hbm>>
    tpu.wait_indirect_dma semaphore(%arg7 : memref<!tpu.dma_semaphore, #tpu.memory_space<semaphore_mem>>) src(%dma_wait3A_76 : memref<100000x1024xf32, #tpu.memory_space<hbm>>) dst(%dma_wait3A_71 : memref<32x1024xf32, #tpu.memory_space<vmem>>)
    %scan3A_77 = arith.constant 0 : i32
    %scan3A_78 = arith.constant 32 : i32
    %scan3A_79 = arith.addi %scan3A_77, %scan3A_78 : i32
    %scan3A_80 = arith.constant 1 : i32
    scf.for %scan3A_127 = %scan3A_77 to %scan3A_79 step %scan3A_80  : i32 {
      %mul3A_128 = arith.constant 1 : i32
      %mul3A_129 = arith.muli %scan3A_127, %mul3A_128 : i32
      %add3A_130 = arith.constant 0 : i32
      %add3A_131 = arith.addi %add3A_130, %mul3A_129 : i32
      %get3A = arith.constant 0 : i32
      %get3A_132 = arith.index_cast %get3A : i32 to index
      %get3A_133 = arith.index_cast %add3A_131 : i32 to index
      %get3A_134 = arith.constant 0 : index
      %get3A_135 = tpu.vector_load %arg6[%get3A_132, %get3A_133, %get3A_134] {strides = array<i32>} : memref<3x32x1024xf32, #tpu.memory_space<vmem>>, vector<1x1x16xf32>,
      %get3A_136 = vector.shape_cast %get3A_135 : vector<1x1x16xf32> to vector<16xf32>
      %mul3A_137 = arith.constant 3.200000e+01 : f32
      %mul3A_138 = vector.broadcast %mul3A_137 : f32 to vector<16xf32>
      %mul3A_139 = arith.mulf %get3A_136, %mul3A_138 : vector<16xf32>
      %swap3A = arith.constant 0 : i32
      %swap3A_140 = arith.index_cast %swap3A : i32 to index
      %swap3A_141 = arith.index_cast %add3A_131 : i32 to index
      %swap3A_142 = arith.constant 0 : index
      %swap3A_143 = tpu.vector_load %arg6[%swap3A_140, %swap3A_141, %swap3A_142] {strides = array<i32>} : memref<3x32x1024xf32, #tpu.memory_space<vmem>>, vector<1x1x16xf32>,
      %swap3A_144 = vector.shape_cast %swap3A_143 : vector<1x1x16xf32> to vector<16xf32>
      %swap3A_145 = vector.shape_cast %mul3A_139 : vector<16xf32> to vector<1x1x16xf32>
      tpu.vector_store %arg6[%swap3A_140, %swap3A_141, %swap3A_142], %swap3A_145 {strides = array<i32>} : memref<3x32x1024xf32, #tpu.memory_space<vmem>>, vector<1x1x16xf32>,
      %get3A_146 = arith.constant 0 : i32
      %get3A_147 = arith.index_cast %get3A_146 : i32 to index
      %get3A_148 = arith.index_cast %add3A_131 : i32 to index
      %get3A_149 = arith.constant 16 : index
      %get3A_150 = tpu.vector_load %arg6[%get3A_147, %get3A_148, %get3A_149] {strides = array<i32>} : memref<3x32x1024xf32, #tpu.memory_space<vmem>>, vector<1x1x16xf32>,
      %get3A_151 = vector.shape_cast %get3A_150 : vector<1x1x16xf32> to vector<16xf32>
      %mul3A_152 = arith.constant 3.200000e+01 : f32
      %mul3A_153 = vector.broadcast %mul3A_152 : f32 to vector<16xf32>
      %mul3A_154 = arith.mulf %get3A_151, %mul3A_153 : vector<16xf32>
      %swap3A_155 = arith.constant 0 : i32
      %swap3A_156 = arith.index_cast %swap3A_155 : i32 to index
      %swap3A_157 = arith.index_cast %add3A_131 : i32 to index
      %swap3A_158 = arith.constant 16 : index
      %swap3A_159 = tpu.vector_load %arg6[%swap3A_156, %swap3A_157, %swap3A_158] {strides = array<i32>} : memref<3x32x1024xf32, #tpu.memory_space<vmem>>, vector<1x1x16xf32>,
      %swap3A_160 = vector.shape_cast %swap3A_159 : vector<1x1x16xf32> to vector<16xf32>
      %swap3A_161 = vector.shape_cast %mul3A_154 : vector<16xf32> to vector<1x1x16xf32>
      tpu.vector_store %arg6[%swap3A_156, %swap3A_157, %swap3A_158], %swap3A_161 {strides = array<i32>} : memref<3x32x1024xf32, #tpu.memory_space<vmem>>, vector<1x1x16xf32>,
      %get3A_162 = arith.constant 0 : i32
      %get3A_163 = arith.index_cast %get3A_162 : i32 to index
      %get3A_164 = arith.index_cast %add3A_131 : i32 to index
      %get3A_165 = arith.constant 32 : index
      %get3A_166 = tpu.vector_load %arg6[%get3A_163, %get3A_164, %get3A_165] {strides = array<i32>} : memref<3x32x1024xf32, #tpu.memory_space<vmem>>, vector<1x1x16xf32>,
      %get3A_167 = vector.shape_cast %get3A_166 : vector<1x1x16xf32> to vector<16xf32>
      %mul3A_168 = arith.constant 3.200000e+01 : f32
      %mul3A_169 = vector.broadcast %mul3A_168 : f32 to vector<16xf32>
      %mul3A_170 = arith.mulf %get3A_167, %mul3A_169 : vector<16xf32>
      %swap3A_171 = arith.constant 0 : i32
      %swap3A_172 = arith.index_cast %swap3A_171 : i32 to index
      %swap3A_173 = arith.index_cast %add3A_131 : i32 to index
      %swap3A_174 = arith.constant 32 : index
      %swap3A_175 = tpu.vector_load %arg6[%swap3A_172, %swap3A_173, %swap3A_174] {strides = array<i32>} : memref<3x32x1024xf32, #tpu.memory_space<vmem>>, vector<1x1x16xf32>,
      %swap3A_176 = vector.shape_cast %swap3A_175 : vector<1x1x16xf32> to vector<16xf32>
      %swap3A_177 = vector.shape_cast %mul3A_170 : vector<16xf32> to vector<1x1x16xf32>
      tpu.vector_store %arg6[%swap3A_172, %swap3A_173, %swap3A_174], %swap3A_177 {strides = array<i32>} : memref<3x32x1024xf32, #tpu.memory_space<vmem>>, vector<1x1x16xf32>,
      %get3A_178 = arith.constant 0 : i32
      %get3A_179 = arith.index_cast %get3A_178 : i32 to index
      %get3A_180 = arith.index_cast %add3A_131 : i32 to index
      %get3A_181 = arith.constant 48 : index
      %get3A_182 = tpu.vector_load %arg6[%get3A_179, %get3A_180, %get3A_181] {strides = array<i32>} : memref<3x32x1024xf32, #tpu.memory_space<vmem>>, vector<1x1x16xf32>,
      %get3A_183 = vector.shape_cast %get3A_182 : vector<1x1x16xf32> to vector<16xf32>
      %mul3A_184 = arith.constant 3.200000e+01 : f32
      %mul3A_185 = vector.broadcast %mul3A_184 : f32 to vector<16xf32>
      %mul3A_186 = arith.mulf %get3A_183, %mul3A_185 : vector<16xf32>
      %swap3A_187 = arith.constant 0 : i32
      %swap3A_188 = arith.index_cast %swap3A_187 : i32 to index
      %swap3A_189 = arith.index_cast %add3A_131 : i32 to index
      %swap3A_190 = arith.constant 48 : index
      %swap3A_191 = tpu.vector_load %arg6[%swap3A_188, %swap3A_189, %swap3A_190] {strides = array<i32>} : memref<3x32x1024xf32, #tpu.memory_space<vmem>>, vector<1x1x16xf32>,
      %swap3A_192 = vector.shape_cast %swap3A_191 : vector<1x1x16xf32> to vector<16xf32>
      %swap3A_193 = vector.shape_cast %mul3A_186 : vector<16xf32> to vector<1x1x16xf32>
      tpu.vector_store %arg6[%swap3A_188, %swap3A_189, %swap3A_190], %swap3A_193 {strides = array<i32>} : memref<3x32x1024xf32, #tpu.memory_space<vmem>>, vector<1x1x16xf32>,
      %get3A_194 = arith.constant 0 : i32
      %get3A_195 = arith.index_cast %get3A_194 : i32 to index
      %get3A_196 = arith.index_cast %add3A_131 : i32 to index
      %get3A_197 = arith.constant 64 : index
      %get3A_198 = tpu.vector_load %arg6[%get3A_195, %get3A_196, %get3A_197] {strides = array<i32>} : memref<3x32x1024xf32, #tpu.memory_space<vmem>>, vector<1x1x16xf32>,
      %get3A_199 = vector.shape_cast %get3A_198 : vector<1x1x16xf32> to vector<16xf32>
      %mul3A_200 = arith.constant 3.200000e+01 : f32
      %mul3A_201 = vector.broadcast %mul3A_200 : f32 to vector<16xf32>
      %mul3A_202 = arith.mulf %get3A_199, %mul3A_201 : vector<16xf32>
      %swap3A_203 = arith.constant 0 : i32
      %swap3A_204 = arith.index_cast %swap3A_203 : i32 to index
      %swap3A_205 = arith.index_cast %add3A_131 : i32 to index
      %swap3A_206 = arith.constant 64 : index
      %swap3A_207 = tpu.vector_load %arg6[%swap3A_204, %swap3A_205, %swap3A_206] {strides = array<i32>} : memref<3x32x1024xf32, #tpu.memory_space<vmem>>, vector<1x1x16xf32>,
      %swap3A_208 = vector.shape_cast %swap3A_207 : vector<1x1x16xf32> to vector<16xf32>
      %swap3A_209 = vector.shape_cast %mul3A_202 : vector<16xf32> to vector<1x1x16xf32>
      tpu.vector_store %arg6[%swap3A_204, %swap3A_205, %swap3A_206], %swap3A_209 {strides = array<i32>} : memref<3x32x1024xf32, #tpu.memory_space<vmem>>, vector<1x1x16xf32>,
      %get3A_210 = arith.constant 0 : i32
      %get3A_211 = arith.index_cast %get3A_210 : i32 to index
      %get3A_212 = arith.index_cast %add3A_131 : i32 to index
      %get3A_213 = arith.constant 80 : index
      %get3A_214 = tpu.vector_load %arg6[%get3A_211, %get3A_212, %get3A_213] {strides = array<i32>} : memref<3x32x1024xf32, #tpu.memory_space<vmem>>, vector<1x1x16xf32>,
      %get3A_215 = vector.shape_cast %get3A_214 : vector<1x1x16xf32> to vector<16xf32>
      %mul3A_216 = arith.constant 3.200000e+01 : f32
      %mul3A_217 = vector.broadcast %mul3A_216 : f32 to vector<16xf32>
      %mul3A_218 = arith.mulf %get3A_215, %mul3A_217 : vector<16xf32>
      %swap3A_219 = arith.constant 0 : i32
      %swap3A_220 = arith.index_cast %swap3A_219 : i32 to index
      %swap3A_221 = arith.index_cast %add3A_131 : i32 to index
      %swap3A_222 = arith.constant 80 : index
      %swap3A_223 = tpu.vector_load %arg6[%swap3A_220, %swap3A_221, %swap3A_222] {strides = array<i32>} : memref<3x32x1024xf32, #tpu.memory_space<vmem>>, vector<1x1x16xf32>,
      %swap3A_224 = vector.shape_cast %swap3A_223 : vector<1x1x16xf32> to vector<16xf32>
      %swap3A_225 = vector.shape_cast %mul3A_218 : vector<16xf32> to vector<1x1x16xf32>
      tpu.vector_store %arg6[%swap3A_220, %swap3A_221, %swap3A_222], %swap3A_225 {strides = array<i32>} : memref<3x32x1024xf32, #tpu.memory_space<vmem>>, vector<1x1x16xf32>,
      %get3A_226 = arith.constant 0 : i32
      %get3A_227 = arith.index_cast %get3A_226 : i32 to index
      %get3A_228 = arith.index_cast %add3A_131 : i32 to index
      %get3A_229 = arith.constant 96 : index
      %get3A_230 = tpu.vector_load %arg6[%get3A_227, %get3A_228, %get3A_229] {strides = array<i32>} : memref<3x32x1024xf32, #tpu.memory_space<vmem>>, vector<1x1x16xf32>,
      %get3A_231 = vector.shape_cast %get3A_230 : vector<1x1x16xf32> to vector<16xf32>
      %mul3A_232 = arith.constant 3.200000e+01 : f32
      %mul3A_233 = vector.broadcast %mul3A_232 : f32 to vector<16xf32>
      %mul3A_234 = arith.mulf %get3A_231, %mul3A_233 : vector<16xf32>
      %swap3A_235 = arith.constant 0 : i32
      %swap3A_236 = arith.index_cast %swap3A_235 : i32 to index
      %swap3A_237 = arith.index_cast %add3A_131 : i32 to index
      %swap3A_238 = arith.constant 96 : index
      %swap3A_239 = tpu.vector_load %arg6[%swap3A_236, %swap3A_237, %swap3A_238] {strides = array<i32>} : memref<3x32x1024xf32, #tpu.memory_space<vmem>>, vector<1x1x16xf32>,
      %swap3A_240 = vector.shape_cast %swap3A_239 : vector<1x1x16xf32> to vector<16xf32>
      %swap3A_241 = vector.shape_cast %mul3A_234 : vector<16xf32> to vector<1x1x16xf32>
      tpu.vector_store %arg6[%swap3A_236, %swap3A_237, %swap3A_238], %swap3A_241 {strides = array<i32>} : memref<3x32x1024xf32, #tpu.memory_space<vmem>>, vector<1x1x16xf32>,
      %get3A_242 = arith.constant 0 : i32
      %get3A_243 = arith.index_cast %get3A_242 : i32 to index
      %get3A_244 = arith.index_cast %add3A_131 : i32 to index
      %get3A_245 = arith.constant 112 : index
      %get3A_246 = tpu.vector_load %arg6[%get3A_243, %get3A_244, %get3A_245] {strides = array<i32>} : memref<3x32x1024xf32, #tpu.memory_space<vmem>>, vector<1x1x16xf32>,
      %get3A_247 = vector.shape_cast %get3A_246 : vector<1x1x16xf32> to vector<16xf32>
      %mul3A_248 = arith.constant 3.200000e+01 : f32
      %mul3A_249 = vector.broadcast %mul3A_248 : f32 to vector<16xf32>
      %mul3A_250 = arith.mulf %get3A_247, %mul3A_249 : vector<16xf32>
      %swap3A_251 = arith.constant 0 : i32
      %swap3A_252 = arith.index_cast %swap3A_251 : i32 to index
      %swap3A_253 = arith.index_cast %add3A_131 : i32 to index
      %swap3A_254 = arith.constant 112 : index
      %swap3A_255 = tpu.vector_load %arg6[%swap3A_252, %swap3A_253, %swap3A_254] {strides = array<i32>} : memref<3x32x1024xf32, #tpu.memory_space<vmem>>, vector<1x1x16xf32>,
      %swap3A_256 = vector.shape_cast %swap3A_255 : vector<1x1x16xf32> to vector<16xf32>
      %swap3A_257 = vector.shape_cast %mul3A_250 : vector<16xf32> to vector<1x1x16xf32>
      tpu.vector_store %arg6[%swap3A_252, %swap3A_253, %swap3A_254], %swap3A_257 {strides = array<i32>} : memref<3x32x1024xf32, #tpu.memory_space<vmem>>, vector<1x1x16xf32>,
      %get3A_258 = arith.constant 0 : i32
      %get3A_259 = arith.index_cast %get3A_258 : i32 to index
      %get3A_260 = arith.index_cast %add3A_131 : i32 to index
      %get3A_261 = arith.constant 128 : index
      %get3A_262 = tpu.vector_load %arg6[%get3A_259, %get3A_260, %get3A_261] {strides = array<i32>} : memref<3x32x1024xf32, #tpu.memory_space<vmem>>, vector<1x1x16xf32>,
      %get3A_263 = vector.shape_cast %get3A_262 : vector<1x1x16xf32> to vector<16xf32>
      %mul3A_264 = arith.constant 3.200000e+01 : f32
      %mul3A_265 = vector.broadcast %mul3A_264 : f32 to vector<16xf32>
      %mul3A_266 = arith.mulf %get3A_263, %mul3A_265 : vector<16xf32>
      %swap3A_267 = arith.constant 0 : i32
      %swap3A_268 = arith.index_cast %swap3A_267 : i32 to index
      %swap3A_269 = arith.index_cast %add3A_131 : i32 to index
      %swap3A_270 = arith.constant 128 : index
      %swap3A_271 = tpu.vector_load %arg6[%swap3A_268, %swap3A_269, %swap3A_270] {strides = array<i32>} : memref<3x32x1024xf32, #tpu.memory_space<vmem>>, vector<1x1x16xf32>,
      %swap3A_272 = vector.shape_cast %swap3A_271 : vector<1x1x16xf32> to vector<16xf32>
      %swap3A_273 = vector.shape_cast %mul3A_266 : vector<16xf32> to vector<1x1x16xf32>
      tpu.vector_store %arg6[%swap3A_268, %swap3A_269, %swap3A_270], %swap3A_273 {strides = array<i32>} : memref<3x32x1024xf32, #tpu.memory_space<vmem>>, vector<1x1x16xf32>,
      %get3A_274 = arith.constant 0 : i32
      %get3A_275 = arith.index_cast %get3A_274 : i32 to index
      %get3A_276 = arith.index_cast %add3A_131 : i32 to index
      %get3A_277 = arith.constant 144 : index
      %get3A_278 = tpu.vector_load %arg6[%get3A_275, %get3A_276, %get3A_277] {strides = array<i32>} : memref<3x32x1024xf32, #tpu.memory_space<vmem>>, vector<1x1x16xf32>,
      %get3A_279 = vector.shape_cast %get3A_278 : vector<1x1x16xf32> to vector<16xf32>
      %mul3A_280 = arith.constant 3.200000e+01 : f32
      %mul3A_281 = vector.broadcast %mul3A_280 : f32 to vector<16xf32>
      %mul3A_282 = arith.mulf %get3A_279, %mul3A_281 : vector<16xf32>
      %swap3A_283 = arith.constant 0 : i32
      %swap3A_284 = arith.index_cast %swap3A_283 : i32 to index
      %swap3A_285 = arith.index_cast %add3A_131 : i32 to index
      %swap3A_286 = arith.constant 144 : index
      %swap3A_287 = tpu.vector_load %arg6[%swap3A_284, %swap3A_285, %swap3A_286] {strides = array<i32>} : memref<3x32x1024xf32, #tpu.memory_space<vmem>>, vector<1x1x16xf32>,
      %swap3A_288 = vector.shape_cast %swap3A_287 : vector<1x1x16xf32> to vector<16xf32>
      %swap3A_289 = vector.shape_cast %mul3A_282 : vector<16xf32> to vector<1x1x16xf32>
      tpu.vector_store %arg6[%swap3A_284, %swap3A_285, %swap3A_286], %swap3A_289 {strides = array<i32>} : memref<3x32x1024xf32, #tpu.memory_space<vmem>>, vector<1x1x16xf32>,
      %get3A_290 = arith.constant 0 : i32
      %get3A_291 = arith.index_cast %get3A_290 : i32 to index
      %get3A_292 = arith.index_cast %add3A_131 : i32 to index
      %get3A_293 = arith.constant 160 : index
      %get3A_294 = tpu.vector_load %arg6[%get3A_291, %get3A_292, %get3A_293] {strides = array<i32>} : memref<3x32x1024xf32, #tpu.memory_space<vmem>>, vector<1x1x16xf32>,
      %get3A_295 = vector.shape_cast %get3A_294 : vector<1x1x16xf32> to vector<16xf32>
      %mul3A_296 = arith.constant 3.200000e+01 : f32
      %mul3A_297 = vector.broadcast %mul3A_296 : f32 to vector<16xf32>
      %mul3A_298 = arith.mulf %get3A_295, %mul3A_297 : vector<16xf32>
      %swap3A_299 = arith.constant 0 : i32
      %swap3A_300 = arith.index_cast %swap3A_299 : i32 to index
      %swap3A_301 = arith.index_cast %add3A_131 : i32 to index
      %swap3A_302 = arith.constant 160 : index
      %swap3A_303 = tpu.vector_load %arg6[%swap3A_300, %swap3A_301, %swap3A_302] {strides = array<i32>} : memref<3x32x1024xf32, #tpu.memory_space<vmem>>, vector<1x1x16xf32>,
      %swap3A_304 = vector.shape_cast %swap3A_303 : vector<1x1x16xf32> to vector<16xf32>
      %swap3A_305 = vector.shape_cast %mul3A_298 : vector<16xf32> to vector<1x1x16xf32>
      tpu.vector_store %arg6[%swap3A_300, %swap3A_301, %swap3A_302], %swap3A_305 {strides = array<i32>} : memref<3x32x1024xf32, #tpu.memory_space<vmem>>, vector<1x1x16xf32>,
      %get3A_306 = arith.constant 0 : i32
      %get3A_307 = arith.index_cast %get3A_306 : i32 to index
      %get3A_308 = arith.index_cast %add3A_131 : i32 to index
      %get3A_309 = arith.constant 176 : index
      %get3A_310 = tpu.vector_load %arg6[%get3A_307, %get3A_308, %get3A_309] {strides = array<i32>} : memref<3x32x1024xf32, #tpu.memory_space<vmem>>, vector<1x1x16xf32>,
      %get3A_311 = vector.shape_cast %get3A_310 : vector<1x1x16xf32> to vector<16xf32>
      %mul3A_312 = arith.constant 3.200000e+01 : f32
      %mul3A_313 = vector.broadcast %mul3A_312 : f32 to vector<16xf32>
      %mul3A_314 = arith.mulf %get3A_311, %mul3A_313 : vector<16xf32>
      %swap3A_315 = arith.constant 0 : i32
      %swap3A_316 = arith.index_cast %swap3A_315 : i32 to index
      %swap3A_317 = arith.index_cast %add3A_131 : i32 to index
      %swap3A_318 = arith.constant 176 : index
      %swap3A_319 = tpu.vector_load %arg6[%swap3A_316, %swap3A_317, %swap3A_318] {strides = array<i32>} : memref<3x32x1024xf32, #tpu.memory_space<vmem>>, vector<1x1x16xf32>,
      %swap3A_320 = vector.shape_cast %swap3A_319 : vector<1x1x16xf32> to vector<16xf32>
      %swap3A_321 = vector.shape_cast %mul3A_314 : vector<16xf32> to vector<1x1x16xf32>
      tpu.vector_store %arg6[%swap3A_316, %swap3A_317, %swap3A_318], %swap3A_321 {strides = array<i32>} : memref<3x32x1024xf32, #tpu.memory_space<vmem>>, vector<1x1x16xf32>,
      %get3A_322 = arith.constant 0 : i32
      %get3A_323 = arith.index_cast %get3A_322 : i32 to index
      %get3A_324 = arith.index_cast %add3A_131 : i32 to index
      %get3A_325 = arith.constant 192 : index
      %get3A_326 = tpu.vector_load %arg6[%get3A_323, %get3A_324, %get3A_325] {strides = array<i32>} : memref<3x32x1024xf32, #tpu.memory_space<vmem>>, vector<1x1x16xf32>,
      %get3A_327 = vector.shape_cast %get3A_326 : vector<1x1x16xf32> to vector<16xf32>
      %mul3A_328 = arith.constant 3.200000e+01 : f32
      %mul3A_329 = vector.broadcast %mul3A_328 : f32 to vector<16xf32>
      %mul3A_330 = arith.mulf %get3A_327, %mul3A_329 : vector<16xf32>
      %swap3A_331 = arith.constant 0 : i32
      %swap3A_332 = arith.index_cast %swap3A_331 : i32 to index
      %swap3A_333 = arith.index_cast %add3A_131 : i32 to index
      %swap3A_334 = arith.constant 192 : index
      %swap3A_335 = tpu.vector_load %arg6[%swap3A_332, %swap3A_333, %swap3A_334] {strides = array<i32>} : memref<3x32x1024xf32, #tpu.memory_space<vmem>>, vector<1x1x16xf32>,
      %swap3A_336 = vector.shape_cast %swap3A_335 : vector<1x1x16xf32> to vector<16xf32>
      %swap3A_337 = vector.shape_cast %mul3A_330 : vector<16xf32> to vector<1x1x16xf32>
      tpu.vector_store %arg6[%swap3A_332, %swap3A_333, %swap3A_334], %swap3A_337 {strides = array<i32>} : memref<3x32x1024xf32, #tpu.memory_space<vmem>>, vector<1x1x16xf32>,
      %get3A_338 = arith.constant 0 : i32
      %get3A_339 = arith.index_cast %get3A_338 : i32 to index
      %get3A_340 = arith.index_cast %add3A_131 : i32 to index
      %get3A_341 = arith.constant 208 : index
      %get3A_342 = tpu.vector_load %arg6[%get3A_339, %get3A_340, %get3A_341] {strides = array<i32>} : memref<3x32x1024xf32, #tpu.memory_space<vmem>>, vector<1x1x16xf32>,
      %get3A_343 = vector.shape_cast %get3A_342 : vector<1x1x16xf32> to vector<16xf32>
      %mul3A_344 = arith.constant 3.200000e+01 : f32
      %mul3A_345 = vector.broadcast %mul3A_344 : f32 to vector<16xf32>
      %mul3A_346 = arith.mulf %get3A_343, %mul3A_345 : vector<16xf32>
      %swap3A_347 = arith.constant 0 : i32
      %swap3A_348 = arith.index_cast %swap3A_347 : i32 to index
      %swap3A_349 = arith.index_cast %add3A_131 : i32 to index
      %swap3A_350 = arith.constant 208 : index
      %swap3A_351 = tpu.vector_load %arg6[%swap3A_348, %swap3A_349, %swap3A_350] {strides = array<i32>} : memref<3x32x1024xf32, #tpu.memory_space<vmem>>, vector<1x1x16xf32>,
      %swap3A_352 = vector.shape_cast %swap3A_351 : vector<1x1x16xf32> to vector<16xf32>
      %swap3A_353 = vector.shape_cast %mul3A_346 : vector<16xf32> to vector<1x1x16xf32>
      tpu.vector_store %arg6[%swap3A_348, %swap3A_349, %swap3A_350], %swap3A_353 {strides = array<i32>} : memref<3x32x1024xf32, #tpu.memory_space<vmem>>, vector<1x1x16xf32>,
      %get3A_354 = arith.constant 0 : i32
      %get3A_355 = arith.index_cast %get3A_354 : i32 to index
      %get3A_356 = arith.index_cast %add3A_131 : i32 to index
      %get3A_357 = arith.constant 224 : index
      %get3A_358 = tpu.vector_load %arg6[%get3A_355, %get3A_356, %get3A_357] {strides = array<i32>} : memref<3x32x1024xf32, #tpu.memory_space<vmem>>, vector<1x1x16xf32>,
      %get3A_359 = vector.shape_cast %get3A_358 : vector<1x1x16xf32> to vector<16xf32>
      %mul3A_360 = arith.constant 3.200000e+01 : f32
      %mul3A_361 = vector.broadcast %mul3A_360 : f32 to vector<16xf32>
      %mul3A_362 = arith.mulf %get3A_359, %mul3A_361 : vector<16xf32>
      %swap3A_363 = arith.constant 0 : i32
      %swap3A_364 = arith.index_cast %swap3A_363 : i32 to index
      %swap3A_365 = arith.index_cast %add3A_131 : i32 to index
      %swap3A_366 = arith.constant 224 : index
      %swap3A_367 = tpu.vector_load %arg6[%swap3A_364, %swap3A_365, %swap3A_366] {strides = array<i32>} : memref<3x32x1024xf32, #tpu.memory_space<vmem>>, vector<1x1x16xf32>,
      %swap3A_368 = vector.shape_cast %swap3A_367 : vector<1x1x16xf32> to vector<16xf32>
      %swap3A_369 = vector.shape_cast %mul3A_362 : vector<16xf32> to vector<1x1x16xf32>
      tpu.vector_store %arg6[%swap3A_364, %swap3A_365, %swap3A_366], %swap3A_369 {strides = array<i32>} : memref<3x32x1024xf32, #tpu.memory_space<vmem>>, vector<1x1x16xf32>,
      %get3A_370 = arith.constant 0 : i32
      %get3A_371 = arith.index_cast %get3A_370 : i32 to index
      %get3A_372 = arith.index_cast %add3A_131 : i32 to index
      %get3A_373 = arith.constant 240 : index
      %get3A_374 = tpu.vector_load %arg6[%get3A_371, %get3A_372, %get3A_373] {strides = array<i32>} : memref<3x32x1024xf32, #tpu.memory_space<vmem>>, vector<1x1x16xf32>,
      %get3A_375 = vector.shape_cast %get3A_374 : vector<1x1x16xf32> to vector<16xf32>
      %mul3A_376 = arith.constant 3.200000e+01 : f32
      %mul3A_377 = vector.broadcast %mul3A_376 : f32 to vector<16xf32>
      %mul3A_378 = arith.mulf %get3A_375, %mul3A_377 : vector<16xf32>
      %swap3A_379 = arith.constant 0 : i32
      %swap3A_380 = arith.index_cast %swap3A_379 : i32 to index
      %swap3A_381 = arith.index_cast %add3A_131 : i32 to index
      %swap3A_382 = arith.constant 240 : index
      %swap3A_383 = tpu.vector_load %arg6[%swap3A_380, %swap3A_381, %swap3A_382] {strides = array<i32>} : memref<3x32x1024xf32, #tpu.memory_space<vmem>>, vector<1x1x16xf32>,
      %swap3A_384 = vector.shape_cast %swap3A_383 : vector<1x1x16xf32> to vector<16xf32>
      %swap3A_385 = vector.shape_cast %mul3A_378 : vector<16xf32> to vector<1x1x16xf32>
      tpu.vector_store %arg6[%swap3A_380, %swap3A_381, %swap3A_382], %swap3A_385 {strides = array<i32>} : memref<3x32x1024xf32, #tpu.memory_space<vmem>>, vector<1x1x16xf32>,
      %get3A_386 = arith.constant 0 : i32
      %get3A_387 = arith.index_cast %get3A_386 : i32 to index
      %get3A_388 = arith.index_cast %add3A_131 : i32 to index
      %get3A_389 = arith.constant 256 : index
      %get3A_390 = tpu.vector_load %arg6[%get3A_387, %get3A_388, %get3A_389] {strides = array<i32>} : memref<3x32x1024xf32, #tpu.memory_space<vmem>>, vector<1x1x16xf32>,
      %get3A_391 = vector.shape_cast %get3A_390 : vector<1x1x16xf32> to vector<16xf32>
      %mul3A_392 = arith.constant 3.200000e+01 : f32
      %mul3A_393 = vector.broadcast %mul3A_392 : f32 to vector<16xf32>
      %mul3A_394 = arith.mulf %get3A_391, %mul3A_393 : vector<16xf32>
      %swap3A_395 = arith.constant 0 : i32
      %swap3A_396 = arith.index_cast %swap3A_395 : i32 to index
      %swap3A_397 = arith.index_cast %add3A_131 : i32 to index
      %swap3A_398 = arith.constant 256 : index
      %swap3A_399 = tpu.vector_load %arg6[%swap3A_396, %swap3A_397, %swap3A_398] {strides = array<i32>} : memref<3x32x1024xf32, #tpu.memory_space<vmem>>, vector<1x1x16xf32>,
      %swap3A_400 = vector.shape_cast %swap3A_399 : vector<1x1x16xf32> to vector<16xf32>
      %swap3A_401 = vector.shape_cast %mul3A_394 : vector<16xf32> to vector<1x1x16xf32>
      tpu.vector_store %arg6[%swap3A_396, %swap3A_397, %swap3A_398], %swap3A_401 {strides = array<i32>} : memref<3x32x1024xf32, #tpu.memory_space<vmem>>, vector<1x1x16xf32>,
      %get3A_402 = arith.constant 0 : i32
      %get3A_403 = arith.index_cast %get3A_402 : i32 to index
      %get3A_404 = arith.index_cast %add3A_131 : i32 to index
      %get3A_405 = arith.constant 272 : index
      %get3A_406 = tpu.vector_load %arg6[%get3A_403, %get3A_404, %get3A_405] {strides = array<i32>} : memref<3x32x1024xf32, #tpu.memory_space<vmem>>, vector<1x1x16xf32>,
      %get3A_407 = vector.shape_cast %get3A_406 : vector<1x1x16xf32> to vector<16xf32>
      %mul3A_408 = arith.constant 3.200000e+01 : f32
      %mul3A_409 = vector.broadcast %mul3A_408 : f32 to vector<16xf32>
      %mul3A_410 = arith.mulf %get3A_407, %mul3A_409 : vector<16xf32>
      %swap3A_411 = arith.constant 0 : i32
      %swap3A_412 = arith.index_cast %swap3A_411 : i32 to index
      %swap3A_413 = arith.index_cast %add3A_131 : i32 to index
      %swap3A_414 = arith.constant 272 : index
      %swap3A_415 = tpu.vector_load %arg6[%swap3A_412, %swap3A_413, %swap3A_414] {strides = array<i32>} : memref<3x32x1024xf32, #tpu.memory_space<vmem>>, vector<1x1x16xf32>,
      %swap3A_416 = vector.shape_cast %swap3A_415 : vector<1x1x16xf32> to vector<16xf32>
      %swap3A_417 = vector.shape_cast %mul3A_410 : vector<16xf32> to vector<1x1x16xf32>
      tpu.vector_store %arg6[%swap3A_412, %swap3A_413, %swap3A_414], %swap3A_417 {strides = array<i32>} : memref<3x32x1024xf32, #tpu.memory_space<vmem>>, vector<1x1x16xf32>,
      %get3A_418 = arith.constant 0 : i32
      %get3A_419 = arith.index_cast %get3A_418 : i32 to index
      %get3A_420 = arith.index_cast %add3A_131 : i32 to index
      %get3A_421 = arith.constant 288 : index
      %get3A_422 = tpu.vector_load %arg6[%get3A_419, %get3A_420, %get3A_421] {strides = array<i32>} : memref<3x32x1024xf32, #tpu.memory_space<vmem>>, vector<1x1x16xf32>,
      %get3A_423 = vector.shape_cast %get3A_422 : vector<1x1x16xf32> to vector<16xf32>
      %mul3A_424 = arith.constant 3.200000e+01 : f32
      %mul3A_425 = vector.broadcast %mul3A_424 : f32 to vector<16xf32>
      %mul3A_426 = arith.mulf %get3A_423, %mul3A_425 : vector<16xf32>
      %swap3A_427 = arith.constant 0 : i32
      %swap3A_428 = arith.index_cast %swap3A_427 : i32 to index
      %swap3A_429 = arith.index_cast %add3A_131 : i32 to index
      %swap3A_430 = arith.constant 288 : index
      %swap3A_431 = tpu.vector_load %arg6[%swap3A_428, %swap3A_429, %swap3A_430] {strides = array<i32>} : memref<3x32x1024xf32, #tpu.memory_space<vmem>>, vector<1x1x16xf32>,
      %swap3A_432 = vector.shape_cast %swap3A_431 : vector<1x1x16xf32> to vector<16xf32>
      %swap3A_433 = vector.shape_cast %mul3A_426 : vector<16xf32> to vector<1x1x16xf32>
      tpu.vector_store %arg6[%swap3A_428, %swap3A_429, %swap3A_430], %swap3A_433 {strides = array<i32>} : memref<3x32x1024xf32, #tpu.memory_space<vmem>>, vector<1x1x16xf32>,
      %get3A_434 = arith.constant 0 : i32
      %get3A_435 = arith.index_cast %get3A_434 : i32 to index
      %get3A_436 = arith.index_cast %add3A_131 : i32 to index
      %get3A_437 = arith.constant 304 : index
      %get3A_438 = tpu.vector_load %arg6[%get3A_435, %get3A_436, %get3A_437] {strides = array<i32>} : memref<3x32x1024xf32, #tpu.memory_space<vmem>>, vector<1x1x16xf32>,
      %get3A_439 = vector.shape_cast %get3A_438 : vector<1x1x16xf32> to vector<16xf32>
      %mul3A_440 = arith.constant 3.200000e+01 : f32
      %mul3A_441 = vector.broadcast %mul3A_440 : f32 to vector<16xf32>
      %mul3A_442 = arith.mulf %get3A_439, %mul3A_441 : vector<16xf32>
      %swap3A_443 = arith.constant 0 : i32
      %swap3A_444 = arith.index_cast %swap3A_443 : i32 to index
      %swap3A_445 = arith.index_cast %add3A_131 : i32 to index
      %swap3A_446 = arith.constant 304 : index
      %swap3A_447 = tpu.vector_load %arg6[%swap3A_444, %swap3A_445, %swap3A_446] {strides = array<i32>} : memref<3x32x1024xf32, #tpu.memory_space<vmem>>, vector<1x1x16xf32>,
      %swap3A_448 = vector.shape_cast %swap3A_447 : vector<1x1x16xf32> to vector<16xf32>
      %swap3A_449 = vector.shape_cast %mul3A_442 : vector<16xf32> to vector<1x1x16xf32>
      tpu.vector_store %arg6[%swap3A_444, %swap3A_445, %swap3A_446], %swap3A_449 {strides = array<i32>} : memref<3x32x1024xf32, #tpu.memory_space<vmem>>, vector<1x1x16xf32>,
      %get3A_450 = arith.constant 0 : i32
      %get3A_451 = arith.index_cast %get3A_450 : i32 to index
      %get3A_452 = arith.index_cast %add3A_131 : i32 to index
      %get3A_453 = arith.constant 320 : index
      %get3A_454 = tpu.vector_load %arg6[%get3A_451, %get3A_452, %get3A_453] {strides = array<i32>} : memref<3x32x1024xf32, #tpu.memory_space<vmem>>, vector<1x1x16xf32>,
      %get3A_455 = vector.shape_cast %get3A_454 : vector<1x1x16xf32> to vector<16xf32>
      %mul3A_456 = arith.constant 3.200000e+01 : f32
      %mul3A_457 = vector.broadcast %mul3A_456 : f32 to vector<16xf32>
      %mul3A_458 = arith.mulf %get3A_455, %mul3A_457 : vector<16xf32>
      %swap3A_459 = arith.constant 0 : i32
      %swap3A_460 = arith.index_cast %swap3A_459 : i32 to index
      %swap3A_461 = arith.index_cast %add3A_131 : i32 to index
      %swap3A_462 = arith.constant 320 : index
      %swap3A_463 = tpu.vector_load %arg6[%swap3A_460, %swap3A_461, %swap3A_462] {strides = array<i32>} : memref<3x32x1024xf32, #tpu.memory_space<vmem>>, vector<1x1x16xf32>,
      %swap3A_464 = vector.shape_cast %swap3A_463 : vector<1x1x16xf32> to vector<16xf32>
      %swap3A_465 = vector.shape_cast %mul3A_458 : vector<16xf32> to vector<1x1x16xf32>
      tpu.vector_store %arg6[%swap3A_460, %swap3A_461, %swap3A_462], %swap3A_465 {strides = array<i32>} : memref<3x32x1024xf32, #tpu.memory_space<vmem>>, vector<1x1x16xf32>,
      %get3A_466 = arith.constant 0 : i32
      %get3A_467 = arith.index_cast %get3A_466 : i32 to index
      %get3A_468 = arith.index_cast %add3A_131 : i32 to index
      %get3A_469 = arith.constant 336 : index
      %get3A_470 = tpu.vector_load %arg6[%get3A_467, %get3A_468, %get3A_469] {strides = array<i32>} : memref<3x32x1024xf32, #tpu.memory_space<vmem>>, vector<1x1x16xf32>,
      %get3A_471 = vector.shape_cast %get3A_470 : vector<1x1x16xf32> to vector<16xf32>
      %mul3A_472 = arith.constant 3.200000e+01 : f32
      %mul3A_473 = vector.broadcast %mul3A_472 : f32 to vector<16xf32>
      %mul3A_474 = arith.mulf %get3A_471, %mul3A_473 : vector<16xf32>
      %swap3A_475 = arith.constant 0 : i32
      %swap3A_476 = arith.index_cast %swap3A_475 : i32 to index
      %swap3A_477 = arith.index_cast %add3A_131 : i32 to index
      %swap3A_478 = arith.constant 336 : index
      %swap3A_479 = tpu.vector_load %arg6[%swap3A_476, %swap3A_477, %swap3A_478] {strides = array<i32>} : memref<3x32x1024xf32, #tpu.memory_space<vmem>>, vector<1x1x16xf32>,
      %swap3A_480 = vector.shape_cast %swap3A_479 : vector<1x1x16xf32> to vector<16xf32>
      %swap3A_481 = vector.shape_cast %mul3A_474 : vector<16xf32> to vector<1x1x16xf32>
      tpu.vector_store %arg6[%swap3A_476, %swap3A_477, %swap3A_478], %swap3A_481 {strides = array<i32>} : memref<3x32x1024xf32, #tpu.memory_space<vmem>>, vector<1x1x16xf32>,
      %get3A_482 = arith.constant 0 : i32
      %get3A_483 = arith.index_cast %get3A_482 : i32 to index
      %get3A_484 = arith.index_cast %add3A_131 : i32 to index
      %get3A_485 = arith.constant 352 : index
      %get3A_486 = tpu.vector_load %arg6[%get3A_483, %get3A_484, %get3A_485] {strides = array<i32>} : memref<3x32x1024xf32, #tpu.memory_space<vmem>>, vector<1x1x16xf32>,
      %get3A_487 = vector.shape_cast %get3A_486 : vector<1x1x16xf32> to vector<16xf32>
      %mul3A_488 = arith.constant 3.200000e+01 : f32
      %mul3A_489 = vector.broadcast %mul3A_488 : f32 to vector<16xf32>
      %mul3A_490 = arith.mulf %get3A_487, %mul3A_489 : vector<16xf32>
      %swap3A_491 = arith.constant 0 : i32
      %swap3A_492 = arith.index_cast %swap3A_491 : i32 to index
      %swap3A_493 = arith.index_cast %add3A_131 : i32 to index
      %swap3A_494 = arith.constant 352 : index
      %swap3A_495 = tpu.vector_load %arg6[%swap3A_492, %swap3A_493, %swap3A_494] {strides = array<i32>} : memref<3x32x1024xf32, #tpu.memory_space<vmem>>, vector<1x1x16xf32>,
      %swap3A_496 = vector.shape_cast %swap3A_495 : vector<1x1x16xf32> to vector<16xf32>
      %swap3A_497 = vector.shape_cast %mul3A_490 : vector<16xf32> to vector<1x1x16xf32>
      tpu.vector_store %arg6[%swap3A_492, %swap3A_493, %swap3A_494], %swap3A_497 {strides = array<i32>} : memref<3x32x1024xf32, #tpu.memory_space<vmem>>, vector<1x1x16xf32>,
      %get3A_498 = arith.constant 0 : i32
      %get3A_499 = arith.index_cast %get3A_498 : i32 to index
      %get3A_500 = arith.index_cast %add3A_131 : i32 to index
      %get3A_501 = arith.constant 368 : index
      %get3A_502 = tpu.vector_load %arg6[%get3A_499, %get3A_500, %get3A_501] {strides = array<i32>} : memref<3x32x1024xf32, #tpu.memory_space<vmem>>, vector<1x1x16xf32>,
      %get3A_503 = vector.shape_cast %get3A_502 : vector<1x1x16xf32> to vector<16xf32>
      %mul3A_504 = arith.constant 3.200000e+01 : f32
      %mul3A_505 = vector.broadcast %mul3A_504 : f32 to vector<16xf32>
      %mul3A_506 = arith.mulf %get3A_503, %mul3A_505 : vector<16xf32>
      %swap3A_507 = arith.constant 0 : i32
      %swap3A_508 = arith.index_cast %swap3A_507 : i32 to index
      %swap3A_509 = arith.index_cast %add3A_131 : i32 to index
      %swap3A_510 = arith.constant 368 : index
      %swap3A_511 = tpu.vector_load %arg6[%swap3A_508, %swap3A_509, %swap3A_510] {strides = array<i32>} : memref<3x32x1024xf32, #tpu.memory_space<vmem>>, vector<1x1x16xf32>,
      %swap3A_512 = vector.shape_cast %swap3A_511 : vector<1x1x16xf32> to vector<16xf32>
      %swap3A_513 = vector.shape_cast %mul3A_506 : vector<16xf32> to vector<1x1x16xf32>
      tpu.vector_store %arg6[%swap3A_508, %swap3A_509, %swap3A_510], %swap3A_513 {strides = array<i32>} : memref<3x32x1024xf32, #tpu.memory_space<vmem>>, vector<1x1x16xf32>,
      %get3A_514 = arith.constant 0 : i32
      %get3A_515 = arith.index_cast %get3A_514 : i32 to index
      %get3A_516 = arith.index_cast %add3A_131 : i32 to index
      %get3A_517 = arith.constant 384 : index
      %get3A_518 = tpu.vector_load %arg6[%get3A_515, %get3A_516, %get3A_517] {strides = array<i32>} : memref<3x32x1024xf32, #tpu.memory_space<vmem>>, vector<1x1x16xf32>,
      %get3A_519 = vector.shape_cast %get3A_518 : vector<1x1x16xf32> to vector<16xf32>
      %mul3A_520 = arith.constant 3.200000e+01 : f32
      %mul3A_521 = vector.broadcast %mul3A_520 : f32 to vector<16xf32>
      %mul3A_522 = arith.mulf %get3A_519, %mul3A_521 : vector<16xf32>
      %swap3A_523 = arith.constant 0 : i32
      %swap3A_524 = arith.index_cast %swap3A_523 : i32 to index
      %swap3A_525 = arith.index_cast %add3A_131 : i32 to index
      %swap3A_526 = arith.constant 384 : index
      %swap3A_527 = tpu.vector_load %arg6[%swap3A_524, %swap3A_525, %swap3A_526] {strides = array<i32>} : memref<3x32x1024xf32, #tpu.memory_space<vmem>>, vector<1x1x16xf32>,
      %swap3A_528 = vector.shape_cast %swap3A_527 : vector<1x1x16xf32> to vector<16xf32>
      %swap3A_529 = vector.shape_cast %mul3A_522 : vector<16xf32> to vector<1x1x16xf32>
      tpu.vector_store %arg6[%swap3A_524, %swap3A_525, %swap3A_526], %swap3A_529 {strides = array<i32>} : memref<3x32x1024xf32, #tpu.memory_space<vmem>>, vector<1x1x16xf32>,
      %get3A_530 = arith.constant 0 : i32
      %get3A_531 = arith.index_cast %get3A_530 : i32 to index
      %get3A_532 = arith.index_cast %add3A_131 : i32 to index
      %get3A_533 = arith.constant 400 : index
      %get3A_534 = tpu.vector_load %arg6[%get3A_531, %get3A_532, %get3A_533] {strides = array<i32>} : memref<3x32x1024xf32, #tpu.memory_space<vmem>>, vector<1x1x16xf32>,
      %get3A_535 = vector.shape_cast %get3A_534 : vector<1x1x16xf32> to vector<16xf32>
      %mul3A_536 = arith.constant 3.200000e+01 : f32
      %mul3A_537 = vector.broadcast %mul3A_536 : f32 to vector<16xf32>
      %mul3A_538 = arith.mulf %get3A_535, %mul3A_537 : vector<16xf32>
      %swap3A_539 = arith.constant 0 : i32
      %swap3A_540 = arith.index_cast %swap3A_539 : i32 to index
      %swap3A_541 = arith.index_cast %add3A_131 : i32 to index
      %swap3A_542 = arith.constant 400 : index
      %swap3A_543 = tpu.vector_load %arg6[%swap3A_540, %swap3A_541, %swap3A_542] {strides = array<i32>} : memref<3x32x1024xf32, #tpu.memory_space<vmem>>, vector<1x1x16xf32>,
      %swap3A_544 = vector.shape_cast %swap3A_543 : vector<1x1x16xf32> to vector<16xf32>
      %swap3A_545 = vector.shape_cast %mul3A_538 : vector<16xf32> to vector<1x1x16xf32>
      tpu.vector_store %arg6[%swap3A_540, %swap3A_541, %swap3A_542], %swap3A_545 {strides = array<i32>} : memref<3x32x1024xf32, #tpu.memory_space<vmem>>, vector<1x1x16xf32>,
      %get3A_546 = arith.constant 0 : i32
      %get3A_547 = arith.index_cast %get3A_546 : i32 to index
      %get3A_548 = arith.index_cast %add3A_131 : i32 to index
      %get3A_549 = arith.constant 416 : index
      %get3A_550 = tpu.vector_load %arg6[%get3A_547, %get3A_548, %get3A_549] {strides = array<i32>} : memref<3x32x1024xf32, #tpu.memory_space<vmem>>, vector<1x1x16xf32>,
      %get3A_551 = vector.shape_cast %get3A_550 : vector<1x1x16xf32> to vector<16xf32>
      %mul3A_552 = arith.constant 3.200000e+01 : f32
      %mul3A_553 = vector.broadcast %mul3A_552 : f32 to vector<16xf32>
      %mul3A_554 = arith.mulf %get3A_551, %mul3A_553 : vector<16xf32>
      %swap3A_555 = arith.constant 0 : i32
      %swap3A_556 = arith.index_cast %swap3A_555 : i32 to index
      %swap3A_557 = arith.index_cast %add3A_131 : i32 to index
      %swap3A_558 = arith.constant 416 : index
      %swap3A_559 = tpu.vector_load %arg6[%swap3A_556, %swap3A_557, %swap3A_558] {strides = array<i32>} : memref<3x32x1024xf32, #tpu.memory_space<vmem>>, vector<1x1x16xf32>,
      %swap3A_560 = vector.shape_cast %swap3A_559 : vector<1x1x16xf32> to vector<16xf32>
      %swap3A_561 = vector.shape_cast %mul3A_554 : vector<16xf32> to vector<1x1x16xf32>
      tpu.vector_store %arg6[%swap3A_556, %swap3A_557, %swap3A_558], %swap3A_561 {strides = array<i32>} : memref<3x32x1024xf32, #tpu.memory_space<vmem>>, vector<1x1x16xf32>,
      %get3A_562 = arith.constant 0 : i32
      %get3A_563 = arith.index_cast %get3A_562 : i32 to index
      %get3A_564 = arith.index_cast %add3A_131 : i32 to index
      %get3A_565 = arith.constant 432 : index
      %get3A_566 = tpu.vector_load %arg6[%get3A_563, %get3A_564, %get3A_565] {strides = array<i32>} : memref<3x32x1024xf32, #tpu.memory_space<vmem>>, vector<1x1x16xf32>,
      %get3A_567 = vector.shape_cast %get3A_566 : vector<1x1x16xf32> to vector<16xf32>
      %mul3A_568 = arith.constant 3.200000e+01 : f32
      %mul3A_569 = vector.broadcast %mul3A_568 : f32 to vector<16xf32>
      %mul3A_570 = arith.mulf %get3A_567, %mul3A_569 : vector<16xf32>
      %swap3A_571 = arith.constant 0 : i32
      %swap3A_572 = arith.index_cast %swap3A_571 : i32 to index
      %swap3A_573 = arith.index_cast %add3A_131 : i32 to index
      %swap3A_574 = arith.constant 432 : index
      %swap3A_575 = tpu.vector_load %arg6[%swap3A_572, %swap3A_573, %swap3A_574] {strides = array<i32>} : memref<3x32x1024xf32, #tpu.memory_space<vmem>>, vector<1x1x16xf32>,
      %swap3A_576 = vector.shape_cast %swap3A_575 : vector<1x1x16xf32> to vector<16xf32>
      %swap3A_577 = vector.shape_cast %mul3A_570 : vector<16xf32> to vector<1x1x16xf32>
      tpu.vector_store %arg6[%swap3A_572, %swap3A_573, %swap3A_574], %swap3A_577 {strides = array<i32>} : memref<3x32x1024xf32, #tpu.memory_space<vmem>>, vector<1x1x16xf32>,
      %get3A_578 = arith.constant 0 : i32
      %get3A_579 = arith.index_cast %get3A_578 : i32 to index
      %get3A_580 = arith.index_cast %add3A_131 : i32 to index
      %get3A_581 = arith.constant 448 : index
      %get3A_582 = tpu.vector_load %arg6[%get3A_579, %get3A_580, %get3A_581] {strides = array<i32>} : memref<3x32x1024xf32, #tpu.memory_space<vmem>>, vector<1x1x16xf32>,
      %get3A_583 = vector.shape_cast %get3A_582 : vector<1x1x16xf32> to vector<16xf32>
      %mul3A_584 = arith.constant 3.200000e+01 : f32
      %mul3A_585 = vector.broadcast %mul3A_584 : f32 to vector<16xf32>
      %mul3A_586 = arith.mulf %get3A_583, %mul3A_585 : vector<16xf32>
      %swap3A_587 = arith.constant 0 : i32
      %swap3A_588 = arith.index_cast %swap3A_587 : i32 to index
      %swap3A_589 = arith.index_cast %add3A_131 : i32 to index
      %swap3A_590 = arith.constant 448 : index
      %swap3A_591 = tpu.vector_load %arg6[%swap3A_588, %swap3A_589, %swap3A_590] {strides = array<i32>} : memref<3x32x1024xf32, #tpu.memory_space<vmem>>, vector<1x1x16xf32>,
      %swap3A_592 = vector.shape_cast %swap3A_591 : vector<1x1x16xf32> to vector<16xf32>
      %swap3A_593 = vector.shape_cast %mul3A_586 : vector<16xf32> to vector<1x1x16xf32>
      tpu.vector_store %arg6[%swap3A_588, %swap3A_589, %swap3A_590], %swap3A_593 {strides = array<i32>} : memref<3x32x1024xf32, #tpu.memory_space<vmem>>, vector<1x1x16xf32>,
      %get3A_594 = arith.constant 0 : i32
      %get3A_595 = arith.index_cast %get3A_594 : i32 to index
      %get3A_596 = arith.index_cast %add3A_131 : i32 to index
      %get3A_597 = arith.constant 464 : index
      %get3A_598 = tpu.vector_load %arg6[%get3A_595, %get3A_596, %get3A_597] {strides = array<i32>} : memref<3x32x1024xf32, #tpu.memory_space<vmem>>, vector<1x1x16xf32>,
      %get3A_599 = vector.shape_cast %get3A_598 : vector<1x1x16xf32> to vector<16xf32>
      %mul3A_600 = arith.constant 3.200000e+01 : f32
      %mul3A_601 = vector.broadcast %mul3A_600 : f32 to vector<16xf32>
      %mul3A_602 = arith.mulf %get3A_599, %mul3A_601 : vector<16xf32>
      %swap3A_603 = arith.constant 0 : i32
      %swap3A_604 = arith.index_cast %swap3A_603 : i32 to index
      %swap3A_605 = arith.index_cast %add3A_131 : i32 to index
      %swap3A_606 = arith.constant 464 : index
      %swap3A_607 = tpu.vector_load %arg6[%swap3A_604, %swap3A_605, %swap3A_606] {strides = array<i32>} : memref<3x32x1024xf32, #tpu.memory_space<vmem>>, vector<1x1x16xf32>,
      %swap3A_608 = vector.shape_cast %swap3A_607 : vector<1x1x16xf32> to vector<16xf32>
      %swap3A_609 = vector.shape_cast %mul3A_602 : vector<16xf32> to vector<1x1x16xf32>
      tpu.vector_store %arg6[%swap3A_604, %swap3A_605, %swap3A_606], %swap3A_609 {strides = array<i32>} : memref<3x32x1024xf32, #tpu.memory_space<vmem>>, vector<1x1x16xf32>,
      %get3A_610 = arith.constant 0 : i32
      %get3A_611 = arith.index_cast %get3A_610 : i32 to index
      %get3A_612 = arith.index_cast %add3A_131 : i32 to index
      %get3A_613 = arith.constant 480 : index
      %get3A_614 = tpu.vector_load %arg6[%get3A_611, %get3A_612, %get3A_613] {strides = array<i32>} : memref<3x32x1024xf32, #tpu.memory_space<vmem>>, vector<1x1x16xf32>,
      %get3A_615 = vector.shape_cast %get3A_614 : vector<1x1x16xf32> to vector<16xf32>
      %mul3A_616 = arith.constant 3.200000e+01 : f32
      %mul3A_617 = vector.broadcast %mul3A_616 : f32 to vector<16xf32>
      %mul3A_618 = arith.mulf %get3A_615, %mul3A_617 : vector<16xf32>
      %swap3A_619 = arith.constant 0 : i32
      %swap3A_620 = arith.index_cast %swap3A_619 : i32 to index
      %swap3A_621 = arith.index_cast %add3A_131 : i32 to index
      %swap3A_622 = arith.constant 480 : index
      %swap3A_623 = tpu.vector_load %arg6[%swap3A_620, %swap3A_621, %swap3A_622] {strides = array<i32>} : memref<3x32x1024xf32, #tpu.memory_space<vmem>>, vector<1x1x16xf32>,
      %swap3A_624 = vector.shape_cast %swap3A_623 : vector<1x1x16xf32> to vector<16xf32>
      %swap3A_625 = vector.shape_cast %mul3A_618 : vector<16xf32> to vector<1x1x16xf32>
      tpu.vector_store %arg6[%swap3A_620, %swap3A_621, %swap3A_622], %swap3A_625 {strides = array<i32>} : memref<3x32x1024xf32, #tpu.memory_space<vmem>>, vector<1x1x16xf32>,
      %get3A_626 = arith.constant 0 : i32
      %get3A_627 = arith.index_cast %get3A_626 : i32 to index
      %get3A_628 = arith.index_cast %add3A_131 : i32 to index
      %get3A_629 = arith.constant 496 : index
      %get3A_630 = tpu.vector_load %arg6[%get3A_627, %get3A_628, %get3A_629] {strides = array<i32>} : memref<3x32x1024xf32, #tpu.memory_space<vmem>>, vector<1x1x16xf32>,
      %get3A_631 = vector.shape_cast %get3A_630 : vector<1x1x16xf32> to vector<16xf32>
      %mul3A_632 = arith.constant 3.200000e+01 : f32
      %mul3A_633 = vector.broadcast %mul3A_632 : f32 to vector<16xf32>
      %mul3A_634 = arith.mulf %get3A_631, %mul3A_633 : vector<16xf32>
      %swap3A_635 = arith.constant 0 : i32
      %swap3A_636 = arith.index_cast %swap3A_635 : i32 to index
      %swap3A_637 = arith.index_cast %add3A_131 : i32 to index
      %swap3A_638 = arith.constant 496 : index
      %swap3A_639 = tpu.vector_load %arg6[%swap3A_636, %swap3A_637, %swap3A_638] {strides = array<i32>} : memref<3x32x1024xf32, #tpu.memory_space<vmem>>, vector<1x1x16xf32>,
      %swap3A_640 = vector.shape_cast %swap3A_639 : vector<1x1x16xf32> to vector<16xf32>
      %swap3A_641 = vector.shape_cast %mul3A_634 : vector<16xf32> to vector<1x1x16xf32>
      tpu.vector_store %arg6[%swap3A_636, %swap3A_637, %swap3A_638], %swap3A_641 {strides = array<i32>} : memref<3x32x1024xf32, #tpu.memory_space<vmem>>, vector<1x1x16xf32>,
      %get3A_642 = arith.constant 0 : i32
      %get3A_643 = arith.index_cast %get3A_642 : i32 to index
      %get3A_644 = arith.index_cast %add3A_131 : i32 to index
      %get3A_645 = arith.constant 512 : index
      %get3A_646 = tpu.vector_load %arg6[%get3A_643, %get3A_644, %get3A_645] {strides = array<i32>} : memref<3x32x1024xf32, #tpu.memory_space<vmem>>, vector<1x1x16xf32>,
      %get3A_647 = vector.shape_cast %get3A_646 : vector<1x1x16xf32> to vector<16xf32>
      %mul3A_648 = arith.constant 3.200000e+01 : f32
      %mul3A_649 = vector.broadcast %mul3A_648 : f32 to vector<16xf32>
      %mul3A_650 = arith.mulf %get3A_647, %mul3A_649 : vector<16xf32>
      %swap3A_651 = arith.constant 0 : i32
      %swap3A_652 = arith.index_cast %swap3A_651 : i32 to index
      %swap3A_653 = arith.index_cast %add3A_131 : i32 to index
      %swap3A_654 = arith.constant 512 : index
      %swap3A_655 = tpu.vector_load %arg6[%swap3A_652, %swap3A_653, %swap3A_654] {strides = array<i32>} : memref<3x32x1024xf32, #tpu.memory_space<vmem>>, vector<1x1x16xf32>,
      %swap3A_656 = vector.shape_cast %swap3A_655 : vector<1x1x16xf32> to vector<16xf32>
      %swap3A_657 = vector.shape_cast %mul3A_650 : vector<16xf32> to vector<1x1x16xf32>
      tpu.vector_store %arg6[%swap3A_652, %swap3A_653, %swap3A_654], %swap3A_657 {strides = array<i32>} : memref<3x32x1024xf32, #tpu.memory_space<vmem>>, vector<1x1x16xf32>,
      %get3A_658 = arith.constant 0 : i32
      %get3A_659 = arith.index_cast %get3A_658 : i32 to index
      %get3A_660 = arith.index_cast %add3A_131 : i32 to index
      %get3A_661 = arith.constant 528 : index
      %get3A_662 = tpu.vector_load %arg6[%get3A_659, %get3A_660, %get3A_661] {strides = array<i32>} : memref<3x32x1024xf32, #tpu.memory_space<vmem>>, vector<1x1x16xf32>,
      %get3A_663 = vector.shape_cast %get3A_662 : vector<1x1x16xf32> to vector<16xf32>
      %mul3A_664 = arith.constant 3.200000e+01 : f32
      %mul3A_665 = vector.broadcast %mul3A_664 : f32 to vector<16xf32>
      %mul3A_666 = arith.mulf %get3A_663, %mul3A_665 : vector<16xf32>
      %swap3A_667 = arith.constant 0 : i32
      %swap3A_668 = arith.index_cast %swap3A_667 : i32 to index
      %swap3A_669 = arith.index_cast %add3A_131 : i32 to index
      %swap3A_670 = arith.constant 528 : index
      %swap3A_671 = tpu.vector_load %arg6[%swap3A_668, %swap3A_669, %swap3A_670] {strides = array<i32>} : memref<3x32x1024xf32, #tpu.memory_space<vmem>>, vector<1x1x16xf32>,
      %swap3A_672 = vector.shape_cast %swap3A_671 : vector<1x1x16xf32> to vector<16xf32>
      %swap3A_673 = vector.shape_cast %mul3A_666 : vector<16xf32> to vector<1x1x16xf32>
      tpu.vector_store %arg6[%swap3A_668, %swap3A_669, %swap3A_670], %swap3A_673 {strides = array<i32>} : memref<3x32x1024xf32, #tpu.memory_space<vmem>>, vector<1x1x16xf32>,
      %get3A_674 = arith.constant 0 : i32
      %get3A_675 = arith.index_cast %get3A_674 : i32 to index
      %get3A_676 = arith.index_cast %add3A_131 : i32 to index
      %get3A_677 = arith.constant 544 : index
      %get3A_678 = tpu.vector_load %arg6[%get3A_675, %get3A_676, %get3A_677] {strides = array<i32>} : memref<3x32x1024xf32, #tpu.memory_space<vmem>>, vector<1x1x16xf32>,
      %get3A_679 = vector.shape_cast %get3A_678 : vector<1x1x16xf32> to vector<16xf32>
      %mul3A_680 = arith.constant 3.200000e+01 : f32
      %mul3A_681 = vector.broadcast %mul3A_680 : f32 to vector<16xf32>
      %mul3A_682 = arith.mulf %get3A_679, %mul3A_681 : vector<16xf32>
      %swap3A_683 = arith.constant 0 : i32
      %swap3A_684 = arith.index_cast %swap3A_683 : i32 to index
      %swap3A_685 = arith.index_cast %add3A_131 : i32 to index
      %swap3A_686 = arith.constant 544 : index
      %swap3A_687 = tpu.vector_load %arg6[%swap3A_684, %swap3A_685, %swap3A_686] {strides = array<i32>} : memref<3x32x1024xf32, #tpu.memory_space<vmem>>, vector<1x1x16xf32>,
      %swap3A_688 = vector.shape_cast %swap3A_687 : vector<1x1x16xf32> to vector<16xf32>
      %swap3A_689 = vector.shape_cast %mul3A_682 : vector<16xf32> to vector<1x1x16xf32>
      tpu.vector_store %arg6[%swap3A_684, %swap3A_685, %swap3A_686], %swap3A_689 {strides = array<i32>} : memref<3x32x1024xf32, #tpu.memory_space<vmem>>, vector<1x1x16xf32>,
      %get3A_690 = arith.constant 0 : i32
      %get3A_691 = arith.index_cast %get3A_690 : i32 to index
      %get3A_692 = arith.index_cast %add3A_131 : i32 to index
      %get3A_693 = arith.constant 560 : index
      %get3A_694 = tpu.vector_load %arg6[%get3A_691, %get3A_692, %get3A_693] {strides = array<i32>} : memref<3x32x1024xf32, #tpu.memory_space<vmem>>, vector<1x1x16xf32>,
      %get3A_695 = vector.shape_cast %get3A_694 : vector<1x1x16xf32> to vector<16xf32>
      %mul3A_696 = arith.constant 3.200000e+01 : f32
      %mul3A_697 = vector.broadcast %mul3A_696 : f32 to vector<16xf32>
      %mul3A_698 = arith.mulf %get3A_695, %mul3A_697 : vector<16xf32>
      %swap3A_699 = arith.constant 0 : i32
      %swap3A_700 = arith.index_cast %swap3A_699 : i32 to index
      %swap3A_701 = arith.index_cast %add3A_131 : i32 to index
      %swap3A_702 = arith.constant 560 : index
      %swap3A_703 = tpu.vector_load %arg6[%swap3A_700, %swap3A_701, %swap3A_702] {strides = array<i32>} : memref<3x32x1024xf32, #tpu.memory_space<vmem>>, vector<1x1x16xf32>,
      %swap3A_704 = vector.shape_cast %swap3A_703 : vector<1x1x16xf32> to vector<16xf32>
      %swap3A_705 = vector.shape_cast %mul3A_698 : vector<16xf32> to vector<1x1x16xf32>
      tpu.vector_store %arg6[%swap3A_700, %swap3A_701, %swap3A_702], %swap3A_705 {strides = array<i32>} : memref<3x32x1024xf32, #tpu.memory_space<vmem>>, vector<1x1x16xf32>,
      %get3A_706 = arith.constant 0 : i32
      %get3A_707 = arith.index_cast %get3A_706 : i32 to index
      %get3A_708 = arith.index_cast %add3A_131 : i32 to index
      %get3A_709 = arith.constant 576 : index
      %get3A_710 = tpu.vector_load %arg6[%get3A_707, %get3A_708, %get3A_709] {strides = array<i32>} : memref<3x32x1024xf32, #tpu.memory_space<vmem>>, vector<1x1x16xf32>,
      %get3A_711 = vector.shape_cast %get3A_710 : vector<1x1x16xf32> to vector<16xf32>
      %mul3A_712 = arith.constant 3.200000e+01 : f32
      %mul3A_713 = vector.broadcast %mul3A_712 : f32 to vector<16xf32>
      %mul3A_714 = arith.mulf %get3A_711, %mul3A_713 : vector<16xf32>
      %swap3A_715 = arith.constant 0 : i32
      %swap3A_716 = arith.index_cast %swap3A_715 : i32 to index
      %swap3A_717 = arith.index_cast %add3A_131 : i32 to index
      %swap3A_718 = arith.constant 576 : index
      %swap3A_719 = tpu.vector_load %arg6[%swap3A_716, %swap3A_717, %swap3A_718] {strides = array<i32>} : memref<3x32x1024xf32, #tpu.memory_space<vmem>>, vector<1x1x16xf32>,
      %swap3A_720 = vector.shape_cast %swap3A_719 : vector<1x1x16xf32> to vector<16xf32>
      %swap3A_721 = vector.shape_cast %mul3A_714 : vector<16xf32> to vector<1x1x16xf32>
      tpu.vector_store %arg6[%swap3A_716, %swap3A_717, %swap3A_718], %swap3A_721 {strides = array<i32>} : memref<3x32x1024xf32, #tpu.memory_space<vmem>>, vector<1x1x16xf32>,
      %get3A_722 = arith.constant 0 : i32
      %get3A_723 = arith.index_cast %get3A_722 : i32 to index
      %get3A_724 = arith.index_cast %add3A_131 : i32 to index
      %get3A_725 = arith.constant 592 : index
      %get3A_726 = tpu.vector_load %arg6[%get3A_723, %get3A_724, %get3A_725] {strides = array<i32>} : memref<3x32x1024xf32, #tpu.memory_space<vmem>>, vector<1x1x16xf32>,
      %get3A_727 = vector.shape_cast %get3A_726 : vector<1x1x16xf32> to vector<16xf32>
      %mul3A_728 = arith.constant 3.200000e+01 : f32
      %mul3A_729 = vector.broadcast %mul3A_728 : f32 to vector<16xf32>
      %mul3A_730 = arith.mulf %get3A_727, %mul3A_729 : vector<16xf32>
      %swap3A_731 = arith.constant 0 : i32
      %swap3A_732 = arith.index_cast %swap3A_731 : i32 to index
      %swap3A_733 = arith.index_cast %add3A_131 : i32 to index
      %swap3A_734 = arith.constant 592 : index
      %swap3A_735 = tpu.vector_load %arg6[%swap3A_732, %swap3A_733, %swap3A_734] {strides = array<i32>} : memref<3x32x1024xf32, #tpu.memory_space<vmem>>, vector<1x1x16xf32>,
      %swap3A_736 = vector.shape_cast %swap3A_735 : vector<1x1x16xf32> to vector<16xf32>
      %swap3A_737 = vector.shape_cast %mul3A_730 : vector<16xf32> to vector<1x1x16xf32>
      tpu.vector_store %arg6[%swap3A_732, %swap3A_733, %swap3A_734], %swap3A_737 {strides = array<i32>} : memref<3x32x1024xf32, #tpu.memory_space<vmem>>, vector<1x1x16xf32>,
      %get3A_738 = arith.constant 0 : i32
      %get3A_739 = arith.index_cast %get3A_738 : i32 to index
      %get3A_740 = arith.index_cast %add3A_131 : i32 to index
      %get3A_741 = arith.constant 608 : index
      %get3A_742 = tpu.vector_load %arg6[%get3A_739, %get3A_740, %get3A_741] {strides = array<i32>} : memref<3x32x1024xf32, #tpu.memory_space<vmem>>, vector<1x1x16xf32>,
      %get3A_743 = vector.shape_cast %get3A_742 : vector<1x1x16xf32> to vector<16xf32>
      %mul3A_744 = arith.constant 3.200000e+01 : f32
      %mul3A_745 = vector.broadcast %mul3A_744 : f32 to vector<16xf32>
      %mul3A_746 = arith.mulf %get3A_743, %mul3A_745 : vector<16xf32>
      %swap3A_747 = arith.constant 0 : i32
      %swap3A_748 = arith.index_cast %swap3A_747 : i32 to index
      %swap3A_749 = arith.index_cast %add3A_131 : i32 to index
      %swap3A_750 = arith.constant 608 : index
      %swap3A_751 = tpu.vector_load %arg6[%swap3A_748, %swap3A_749, %swap3A_750] {strides = array<i32>} : memref<3x32x1024xf32, #tpu.memory_space<vmem>>, vector<1x1x16xf32>,
      %swap3A_752 = vector.shape_cast %swap3A_751 : vector<1x1x16xf32> to vector<16xf32>
      %swap3A_753 = vector.shape_cast %mul3A_746 : vector<16xf32> to vector<1x1x16xf32>
      tpu.vector_store %arg6[%swap3A_748, %swap3A_749, %swap3A_750], %swap3A_753 {strides = array<i32>} : memref<3x32x1024xf32, #tpu.memory_space<vmem>>, vector<1x1x16xf32>,
      %get3A_754 = arith.constant 0 : i32
      %get3A_755 = arith.index_cast %get3A_754 : i32 to index
      %get3A_756 = arith.index_cast %add3A_131 : i32 to index
      %get3A_757 = arith.constant 624 : index
      %get3A_758 = tpu.vector_load %arg6[%get3A_755, %get3A_756, %get3A_757] {strides = array<i32>} : memref<3x32x1024xf32, #tpu.memory_space<vmem>>, vector<1x1x16xf32>,
      %get3A_759 = vector.shape_cast %get3A_758 : vector<1x1x16xf32> to vector<16xf32>
      %mul3A_760 = arith.constant 3.200000e+01 : f32
      %mul3A_761 = vector.broadcast %mul3A_760 : f32 to vector<16xf32>
      %mul3A_762 = arith.mulf %get3A_759, %mul3A_761 : vector<16xf32>
      %swap3A_763 = arith.constant 0 : i32
      %swap3A_764 = arith.index_cast %swap3A_763 : i32 to index
      %swap3A_765 = arith.index_cast %add3A_131 : i32 to index
      %swap3A_766 = arith.constant 624 : index
      %swap3A_767 = tpu.vector_load %arg6[%swap3A_764, %swap3A_765, %swap3A_766] {strides = array<i32>} : memref<3x32x1024xf32, #tpu.memory_space<vmem>>, vector<1x1x16xf32>,
      %swap3A_768 = vector.shape_cast %swap3A_767 : vector<1x1x16xf32> to vector<16xf32>
      %swap3A_769 = vector.shape_cast %mul3A_762 : vector<16xf32> to vector<1x1x16xf32>
      tpu.vector_store %arg6[%swap3A_764, %swap3A_765, %swap3A_766], %swap3A_769 {strides = array<i32>} : memref<3x32x1024xf32, #tpu.memory_space<vmem>>, vector<1x1x16xf32>,
      %get3A_770 = arith.constant 0 : i32
      %get3A_771 = arith.index_cast %get3A_770 : i32 to index
      %get3A_772 = arith.index_cast %add3A_131 : i32 to index
      %get3A_773 = arith.constant 640 : index
      %get3A_774 = tpu.vector_load %arg6[%get3A_771, %get3A_772, %get3A_773] {strides = array<i32>} : memref<3x32x1024xf32, #tpu.memory_space<vmem>>, vector<1x1x16xf32>,
      %get3A_775 = vector.shape_cast %get3A_774 : vector<1x1x16xf32> to vector<16xf32>
      %mul3A_776 = arith.constant 3.200000e+01 : f32
      %mul3A_777 = vector.broadcast %mul3A_776 : f32 to vector<16xf32>
      %mul3A_778 = arith.mulf %get3A_775, %mul3A_777 : vector<16xf32>
      %swap3A_779 = arith.constant 0 : i32
      %swap3A_780 = arith.index_cast %swap3A_779 : i32 to index
      %swap3A_781 = arith.index_cast %add3A_131 : i32 to index
      %swap3A_782 = arith.constant 640 : index
      %swap3A_783 = tpu.vector_load %arg6[%swap3A_780, %swap3A_781, %swap3A_782] {strides = array<i32>} : memref<3x32x1024xf32, #tpu.memory_space<vmem>>, vector<1x1x16xf32>,
      %swap3A_784 = vector.shape_cast %swap3A_783 : vector<1x1x16xf32> to vector<16xf32>
      %swap3A_785 = vector.shape_cast %mul3A_778 : vector<16xf32> to vector<1x1x16xf32>
      tpu.vector_store %arg6[%swap3A_780, %swap3A_781, %swap3A_782], %swap3A_785 {strides = array<i32>} : memref<3x32x1024xf32, #tpu.memory_space<vmem>>, vector<1x1x16xf32>,
      %get3A_786 = arith.constant 0 : i32
      %get3A_787 = arith.index_cast %get3A_786 : i32 to index
      %get3A_788 = arith.index_cast %add3A_131 : i32 to index
      %get3A_789 = arith.constant 656 : index
      %get3A_790 = tpu.vector_load %arg6[%get3A_787, %get3A_788, %get3A_789] {strides = array<i32>} : memref<3x32x1024xf32, #tpu.memory_space<vmem>>, vector<1x1x16xf32>,
      %get3A_791 = vector.shape_cast %get3A_790 : vector<1x1x16xf32> to vector<16xf32>
      %mul3A_792 = arith.constant 3.200000e+01 : f32
      %mul3A_793 = vector.broadcast %mul3A_792 : f32 to vector<16xf32>
      %mul3A_794 = arith.mulf %get3A_791, %mul3A_793 : vector<16xf32>
      %swap3A_795 = arith.constant 0 : i32
      %swap3A_796 = arith.index_cast %swap3A_795 : i32 to index
      %swap3A_797 = arith.index_cast %add3A_131 : i32 to index
      %swap3A_798 = arith.constant 656 : index
      %swap3A_799 = tpu.vector_load %arg6[%swap3A_796, %swap3A_797, %swap3A_798] {strides = array<i32>} : memref<3x32x1024xf32, #tpu.memory_space<vmem>>, vector<1x1x16xf32>,
      %swap3A_800 = vector.shape_cast %swap3A_799 : vector<1x1x16xf32> to vector<16xf32>
      %swap3A_801 = vector.shape_cast %mul3A_794 : vector<16xf32> to vector<1x1x16xf32>
      tpu.vector_store %arg6[%swap3A_796, %swap3A_797, %swap3A_798], %swap3A_801 {strides = array<i32>} : memref<3x32x1024xf32, #tpu.memory_space<vmem>>, vector<1x1x16xf32>,
      %get3A_802 = arith.constant 0 : i32
      %get3A_803 = arith.index_cast %get3A_802 : i32 to index
      %get3A_804 = arith.index_cast %add3A_131 : i32 to index
      %get3A_805 = arith.constant 672 : index
      %get3A_806 = tpu.vector_load %arg6[%get3A_803, %get3A_804, %get3A_805] {strides = array<i32>} : memref<3x32x1024xf32, #tpu.memory_space<vmem>>, vector<1x1x16xf32>,
      %get3A_807 = vector.shape_cast %get3A_806 : vector<1x1x16xf32> to vector<16xf32>
      %mul3A_808 = arith.constant 3.200000e+01 : f32
      %mul3A_809 = vector.broadcast %mul3A_808 : f32 to vector<16xf32>
      %mul3A_810 = arith.mulf %get3A_807, %mul3A_809 : vector<16xf32>
      %swap3A_811 = arith.constant 0 : i32
      %swap3A_812 = arith.index_cast %swap3A_811 : i32 to index
      %swap3A_813 = arith.index_cast %add3A_131 : i32 to index
      %swap3A_814 = arith.constant 672 : index
      %swap3A_815 = tpu.vector_load %arg6[%swap3A_812, %swap3A_813, %swap3A_814] {strides = array<i32>} : memref<3x32x1024xf32, #tpu.memory_space<vmem>>, vector<1x1x16xf32>,
      %swap3A_816 = vector.shape_cast %swap3A_815 : vector<1x1x16xf32> to vector<16xf32>
      %swap3A_817 = vector.shape_cast %mul3A_810 : vector<16xf32> to vector<1x1x16xf32>
      tpu.vector_store %arg6[%swap3A_812, %swap3A_813, %swap3A_814], %swap3A_817 {strides = array<i32>} : memref<3x32x1024xf32, #tpu.memory_space<vmem>>, vector<1x1x16xf32>,
      %get3A_818 = arith.constant 0 : i32
      %get3A_819 = arith.index_cast %get3A_818 : i32 to index
      %get3A_820 = arith.index_cast %add3A_131 : i32 to index
      %get3A_821 = arith.constant 688 : index
      %get3A_822 = tpu.vector_load %arg6[%get3A_819, %get3A_820, %get3A_821] {strides = array<i32>} : memref<3x32x1024xf32, #tpu.memory_space<vmem>>, vector<1x1x16xf32>,
      %get3A_823 = vector.shape_cast %get3A_822 : vector<1x1x16xf32> to vector<16xf32>
      %mul3A_824 = arith.constant 3.200000e+01 : f32
      %mul3A_825 = vector.broadcast %mul3A_824 : f32 to vector<16xf32>
      %mul3A_826 = arith.mulf %get3A_823, %mul3A_825 : vector<16xf32>
      %swap3A_827 = arith.constant 0 : i32
      %swap3A_828 = arith.index_cast %swap3A_827 : i32 to index
      %swap3A_829 = arith.index_cast %add3A_131 : i32 to index
      %swap3A_830 = arith.constant 688 : index
      %swap3A_831 = tpu.vector_load %arg6[%swap3A_828, %swap3A_829, %swap3A_830] {strides = array<i32>} : memref<3x32x1024xf32, #tpu.memory_space<vmem>>, vector<1x1x16xf32>,
      %swap3A_832 = vector.shape_cast %swap3A_831 : vector<1x1x16xf32> to vector<16xf32>
      %swap3A_833 = vector.shape_cast %mul3A_826 : vector<16xf32> to vector<1x1x16xf32>
      tpu.vector_store %arg6[%swap3A_828, %swap3A_829, %swap3A_830], %swap3A_833 {strides = array<i32>} : memref<3x32x1024xf32, #tpu.memory_space<vmem>>, vector<1x1x16xf32>,
      %get3A_834 = arith.constant 0 : i32
      %get3A_835 = arith.index_cast %get3A_834 : i32 to index
      %get3A_836 = arith.index_cast %add3A_131 : i32 to index
      %get3A_837 = arith.constant 704 : index
      %get3A_838 = tpu.vector_load %arg6[%get3A_835, %get3A_836, %get3A_837] {strides = array<i32>} : memref<3x32x1024xf32, #tpu.memory_space<vmem>>, vector<1x1x16xf32>,
      %get3A_839 = vector.shape_cast %get3A_838 : vector<1x1x16xf32> to vector<16xf32>
      %mul3A_840 = arith.constant 3.200000e+01 : f32
      %mul3A_841 = vector.broadcast %mul3A_840 : f32 to vector<16xf32>
      %mul3A_842 = arith.mulf %get3A_839, %mul3A_841 : vector<16xf32>
      %swap3A_843 = arith.constant 0 : i32
      %swap3A_844 = arith.index_cast %swap3A_843 : i32 to index
      %swap3A_845 = arith.index_cast %add3A_131 : i32 to index
      %swap3A_846 = arith.constant 704 : index
      %swap3A_847 = tpu.vector_load %arg6[%swap3A_844, %swap3A_845, %swap3A_846] {strides = array<i32>} : memref<3x32x1024xf32, #tpu.memory_space<vmem>>, vector<1x1x16xf32>,
      %swap3A_848 = vector.shape_cast %swap3A_847 : vector<1x1x16xf32> to vector<16xf32>
      %swap3A_849 = vector.shape_cast %mul3A_842 : vector<16xf32> to vector<1x1x16xf32>
      tpu.vector_store %arg6[%swap3A_844, %swap3A_845, %swap3A_846], %swap3A_849 {strides = array<i32>} : memref<3x32x1024xf32, #tpu.memory_space<vmem>>, vector<1x1x16xf32>,
      %get3A_850 = arith.constant 0 : i32
      %get3A_851 = arith.index_cast %get3A_850 : i32 to index
      %get3A_852 = arith.index_cast %add3A_131 : i32 to index
      %get3A_853 = arith.constant 720 : index
      %get3A_854 = tpu.vector_load %arg6[%get3A_851, %get3A_852, %get3A_853] {strides = array<i32>} : memref<3x32x1024xf32, #tpu.memory_space<vmem>>, vector<1x1x16xf32>,
      %get3A_855 = vector.shape_cast %get3A_854 : vector<1x1x16xf32> to vector<16xf32>
      %mul3A_856 = arith.constant 3.200000e+01 : f32
      %mul3A_857 = vector.broadcast %mul3A_856 : f32 to vector<16xf32>
      %mul3A_858 = arith.mulf %get3A_855, %mul3A_857 : vector<16xf32>
      %swap3A_859 = arith.constant 0 : i32
      %swap3A_860 = arith.index_cast %swap3A_859 : i32 to index
      %swap3A_861 = arith.index_cast %add3A_131 : i32 to index
      %swap3A_862 = arith.constant 720 : index
      %swap3A_863 = tpu.vector_load %arg6[%swap3A_860, %swap3A_861, %swap3A_862] {strides = array<i32>} : memref<3x32x1024xf32, #tpu.memory_space<vmem>>, vector<1x1x16xf32>,
      %swap3A_864 = vector.shape_cast %swap3A_863 : vector<1x1x16xf32> to vector<16xf32>
      %swap3A_865 = vector.shape_cast %mul3A_858 : vector<16xf32> to vector<1x1x16xf32>
      tpu.vector_store %arg6[%swap3A_860, %swap3A_861, %swap3A_862], %swap3A_865 {strides = array<i32>} : memref<3x32x1024xf32, #tpu.memory_space<vmem>>, vector<1x1x16xf32>,
      %get3A_866 = arith.constant 0 : i32
      %get3A_867 = arith.index_cast %get3A_866 : i32 to index
      %get3A_868 = arith.index_cast %add3A_131 : i32 to index
      %get3A_869 = arith.constant 736 : index
      %get3A_870 = tpu.vector_load %arg6[%get3A_867, %get3A_868, %get3A_869] {strides = array<i32>} : memref<3x32x1024xf32, #tpu.memory_space<vmem>>, vector<1x1x16xf32>,
      %get3A_871 = vector.shape_cast %get3A_870 : vector<1x1x16xf32> to vector<16xf32>
      %mul3A_872 = arith.constant 3.200000e+01 : f32
      %mul3A_873 = vector.broadcast %mul3A_872 : f32 to vector<16xf32>
      %mul3A_874 = arith.mulf %get3A_871, %mul3A_873 : vector<16xf32>
      %swap3A_875 = arith.constant 0 : i32
      %swap3A_876 = arith.index_cast %swap3A_875 : i32 to index
      %swap3A_877 = arith.index_cast %add3A_131 : i32 to index
      %swap3A_878 = arith.constant 736 : index
      %swap3A_879 = tpu.vector_load %arg6[%swap3A_876, %swap3A_877, %swap3A_878] {strides = array<i32>} : memref<3x32x1024xf32, #tpu.memory_space<vmem>>, vector<1x1x16xf32>,
      %swap3A_880 = vector.shape_cast %swap3A_879 : vector<1x1x16xf32> to vector<16xf32>
      %swap3A_881 = vector.shape_cast %mul3A_874 : vector<16xf32> to vector<1x1x16xf32>
      tpu.vector_store %arg6[%swap3A_876, %swap3A_877, %swap3A_878], %swap3A_881 {strides = array<i32>} : memref<3x32x1024xf32, #tpu.memory_space<vmem>>, vector<1x1x16xf32>,
      %get3A_882 = arith.constant 0 : i32
      %get3A_883 = arith.index_cast %get3A_882 : i32 to index
      %get3A_884 = arith.index_cast %add3A_131 : i32 to index
      %get3A_885 = arith.constant 752 : index
      %get3A_886 = tpu.vector_load %arg6[%get3A_883, %get3A_884, %get3A_885] {strides = array<i32>} : memref<3x32x1024xf32, #tpu.memory_space<vmem>>, vector<1x1x16xf32>,
      %get3A_887 = vector.shape_cast %get3A_886 : vector<1x1x16xf32> to vector<16xf32>
      %mul3A_888 = arith.constant 3.200000e+01 : f32
      %mul3A_889 = vector.broadcast %mul3A_888 : f32 to vector<16xf32>
      %mul3A_890 = arith.mulf %get3A_887, %mul3A_889 : vector<16xf32>
      %swap3A_891 = arith.constant 0 : i32
      %swap3A_892 = arith.index_cast %swap3A_891 : i32 to index
      %swap3A_893 = arith.index_cast %add3A_131 : i32 to index
      %swap3A_894 = arith.constant 752 : index
      %swap3A_895 = tpu.vector_load %arg6[%swap3A_892, %swap3A_893, %swap3A_894] {strides = array<i32>} : memref<3x32x1024xf32, #tpu.memory_space<vmem>>, vector<1x1x16xf32>,
      %swap3A_896 = vector.shape_cast %swap3A_895 : vector<1x1x16xf32> to vector<16xf32>
      %swap3A_897 = vector.shape_cast %mul3A_890 : vector<16xf32> to vector<1x1x16xf32>
      tpu.vector_store %arg6[%swap3A_892, %swap3A_893, %swap3A_894], %swap3A_897 {strides = array<i32>} : memref<3x32x1024xf32, #tpu.memory_space<vmem>>, vector<1x1x16xf32>,
      %get3A_898 = arith.constant 0 : i32
      %get3A_899 = arith.index_cast %get3A_898 : i32 to index
      %get3A_900 = arith.index_cast %add3A_131 : i32 to index
      %get3A_901 = arith.constant 768 : index
      %get3A_902 = tpu.vector_load %arg6[%get3A_899, %get3A_900, %get3A_901] {strides = array<i32>} : memref<3x32x1024xf32, #tpu.memory_space<vmem>>, vector<1x1x16xf32>,
      %get3A_903 = vector.shape_cast %get3A_902 : vector<1x1x16xf32> to vector<16xf32>
      %mul3A_904 = arith.constant 3.200000e+01 : f32
      %mul3A_905 = vector.broadcast %mul3A_904 : f32 to vector<16xf32>
      %mul3A_906 = arith.mulf %get3A_903, %mul3A_905 : vector<16xf32>
      %swap3A_907 = arith.constant 0 : i32
      %swap3A_908 = arith.index_cast %swap3A_907 : i32 to index
      %swap3A_909 = arith.index_cast %add3A_131 : i32 to index
      %swap3A_910 = arith.constant 768 : index
      %swap3A_911 = tpu.vector_load %arg6[%swap3A_908, %swap3A_909, %swap3A_910] {strides = array<i32>} : memref<3x32x1024xf32, #tpu.memory_space<vmem>>, vector<1x1x16xf32>,
      %swap3A_912 = vector.shape_cast %swap3A_911 : vector<1x1x16xf32> to vector<16xf32>
      %swap3A_913 = vector.shape_cast %mul3A_906 : vector<16xf32> to vector<1x1x16xf32>
      tpu.vector_store %arg6[%swap3A_908, %swap3A_909, %swap3A_910], %swap3A_913 {strides = array<i32>} : memref<3x32x1024xf32, #tpu.memory_space<vmem>>, vector<1x1x16xf32>,
      %get3A_914 = arith.constant 0 : i32
      %get3A_915 = arith.index_cast %get3A_914 : i32 to index
      %get3A_916 = arith.index_cast %add3A_131 : i32 to index
      %get3A_917 = arith.constant 784 : index
      %get3A_918 = tpu.vector_load %arg6[%get3A_915, %get3A_916, %get3A_917] {strides = array<i32>} : memref<3x32x1024xf32, #tpu.memory_space<vmem>>, vector<1x1x16xf32>,
      %get3A_919 = vector.shape_cast %get3A_918 : vector<1x1x16xf32> to vector<16xf32>
      %mul3A_920 = arith.constant 3.200000e+01 : f32
      %mul3A_921 = vector.broadcast %mul3A_920 : f32 to vector<16xf32>
      %mul3A_922 = arith.mulf %get3A_919, %mul3A_921 : vector<16xf32>
      %swap3A_923 = arith.constant 0 : i32
      %swap3A_924 = arith.index_cast %swap3A_923 : i32 to index
      %swap3A_925 = arith.index_cast %add3A_131 : i32 to index
      %swap3A_926 = arith.constant 784 : index
      %swap3A_927 = tpu.vector_load %arg6[%swap3A_924, %swap3A_925, %swap3A_926] {strides = array<i32>} : memref<3x32x1024xf32, #tpu.memory_space<vmem>>, vector<1x1x16xf32>,
      %swap3A_928 = vector.shape_cast %swap3A_927 : vector<1x1x16xf32> to vector<16xf32>
      %swap3A_929 = vector.shape_cast %mul3A_922 : vector<16xf32> to vector<1x1x16xf32>
      tpu.vector_store %arg6[%swap3A_924, %swap3A_925, %swap3A_926], %swap3A_929 {strides = array<i32>} : memref<3x32x1024xf32, #tpu.memory_space<vmem>>, vector<1x1x16xf32>,
      %get3A_930 = arith.constant 0 : i32
      %get3A_931 = arith.index_cast %get3A_930 : i32 to index
      %get3A_932 = arith.index_cast %add3A_131 : i32 to index
      %get3A_933 = arith.constant 800 : index
      %get3A_934 = tpu.vector_load %arg6[%get3A_931, %get3A_932, %get3A_933] {strides = array<i32>} : memref<3x32x1024xf32, #tpu.memory_space<vmem>>, vector<1x1x16xf32>,
      %get3A_935 = vector.shape_cast %get3A_934 : vector<1x1x16xf32> to vector<16xf32>
      %mul3A_936 = arith.constant 3.200000e+01 : f32
      %mul3A_937 = vector.broadcast %mul3A_936 : f32 to vector<16xf32>
      %mul3A_938 = arith.mulf %get3A_935, %mul3A_937 : vector<16xf32>
      %swap3A_939 = arith.constant 0 : i32
      %swap3A_940 = arith.index_cast %swap3A_939 : i32 to index
      %swap3A_941 = arith.index_cast %add3A_131 : i32 to index
      %swap3A_942 = arith.constant 800 : index
      %swap3A_943 = tpu.vector_load %arg6[%swap3A_940, %swap3A_941, %swap3A_942] {strides = array<i32>} : memref<3x32x1024xf32, #tpu.memory_space<vmem>>, vector<1x1x16xf32>,
      %swap3A_944 = vector.shape_cast %swap3A_943 : vector<1x1x16xf32> to vector<16xf32>
      %swap3A_945 = vector.shape_cast %mul3A_938 : vector<16xf32> to vector<1x1x16xf32>
      tpu.vector_store %arg6[%swap3A_940, %swap3A_941, %swap3A_942], %swap3A_945 {strides = array<i32>} : memref<3x32x1024xf32, #tpu.memory_space<vmem>>, vector<1x1x16xf32>,
      %get3A_946 = arith.constant 0 : i32
      %get3A_947 = arith.index_cast %get3A_946 : i32 to index
      %get3A_948 = arith.index_cast %add3A_131 : i32 to index
      %get3A_949 = arith.constant 816 : index
      %get3A_950 = tpu.vector_load %arg6[%get3A_947, %get3A_948, %get3A_949] {strides = array<i32>} : memref<3x32x1024xf32, #tpu.memory_space<vmem>>, vector<1x1x16xf32>,
      %get3A_951 = vector.shape_cast %get3A_950 : vector<1x1x16xf32> to vector<16xf32>
      %mul3A_952 = arith.constant 3.200000e+01 : f32
      %mul3A_953 = vector.broadcast %mul3A_952 : f32 to vector<16xf32>
      %mul3A_954 = arith.mulf %get3A_951, %mul3A_953 : vector<16xf32>
      %swap3A_955 = arith.constant 0 : i32
      %swap3A_956 = arith.index_cast %swap3A_955 : i32 to index
      %swap3A_957 = arith.index_cast %add3A_131 : i32 to index
      %swap3A_958 = arith.constant 816 : index
      %swap3A_959 = tpu.vector_load %arg6[%swap3A_956, %swap3A_957, %swap3A_958] {strides = array<i32>} : memref<3x32x1024xf32, #tpu.memory_space<vmem>>, vector<1x1x16xf32>,
      %swap3A_960 = vector.shape_cast %swap3A_959 : vector<1x1x16xf32> to vector<16xf32>
      %swap3A_961 = vector.shape_cast %mul3A_954 : vector<16xf32> to vector<1x1x16xf32>
      tpu.vector_store %arg6[%swap3A_956, %swap3A_957, %swap3A_958], %swap3A_961 {strides = array<i32>} : memref<3x32x1024xf32, #tpu.memory_space<vmem>>, vector<1x1x16xf32>,
      %get3A_962 = arith.constant 0 : i32
      %get3A_963 = arith.index_cast %get3A_962 : i32 to index
      %get3A_964 = arith.index_cast %add3A_131 : i32 to index
      %get3A_965 = arith.constant 832 : index
      %get3A_966 = tpu.vector_load %arg6[%get3A_963, %get3A_964, %get3A_965] {strides = array<i32>} : memref<3x32x1024xf32, #tpu.memory_space<vmem>>, vector<1x1x16xf32>,
      %get3A_967 = vector.shape_cast %get3A_966 : vector<1x1x16xf32> to vector<16xf32>
      %mul3A_968 = arith.constant 3.200000e+01 : f32
      %mul3A_969 = vector.broadcast %mul3A_968 : f32 to vector<16xf32>
      %mul3A_970 = arith.mulf %get3A_967, %mul3A_969 : vector<16xf32>
      %swap3A_971 = arith.constant 0 : i32
      %swap3A_972 = arith.index_cast %swap3A_971 : i32 to index
      %swap3A_973 = arith.index_cast %add3A_131 : i32 to index
      %swap3A_974 = arith.constant 832 : index
      %swap3A_975 = tpu.vector_load %arg6[%swap3A_972, %swap3A_973, %swap3A_974] {strides = array<i32>} : memref<3x32x1024xf32, #tpu.memory_space<vmem>>, vector<1x1x16xf32>,
      %swap3A_976 = vector.shape_cast %swap3A_975 : vector<1x1x16xf32> to vector<16xf32>
      %swap3A_977 = vector.shape_cast %mul3A_970 : vector<16xf32> to vector<1x1x16xf32>
      tpu.vector_store %arg6[%swap3A_972, %swap3A_973, %swap3A_974], %swap3A_977 {strides = array<i32>} : memref<3x32x1024xf32, #tpu.memory_space<vmem>>, vector<1x1x16xf32>,
      %get3A_978 = arith.constant 0 : i32
      %get3A_979 = arith.index_cast %get3A_978 : i32 to index
      %get3A_980 = arith.index_cast %add3A_131 : i32 to index
      %get3A_981 = arith.constant 848 : index
      %get3A_982 = tpu.vector_load %arg6[%get3A_979, %get3A_980, %get3A_981] {strides = array<i32>} : memref<3x32x1024xf32, #tpu.memory_space<vmem>>, vector<1x1x16xf32>,
      %get3A_983 = vector.shape_cast %get3A_982 : vector<1x1x16xf32> to vector<16xf32>
      %mul3A_984 = arith.constant 3.200000e+01 : f32
      %mul3A_985 = vector.broadcast %mul3A_984 : f32 to vector<16xf32>
      %mul3A_986 = arith.mulf %get3A_983, %mul3A_985 : vector<16xf32>
      %swap3A_987 = arith.constant 0 : i32
      %swap3A_988 = arith.index_cast %swap3A_987 : i32 to index
      %swap3A_989 = arith.index_cast %add3A_131 : i32 to index
      %swap3A_990 = arith.constant 848 : index
      %swap3A_991 = tpu.vector_load %arg6[%swap3A_988, %swap3A_989, %swap3A_990] {strides = array<i32>} : memref<3x32x1024xf32, #tpu.memory_space<vmem>>, vector<1x1x16xf32>,
      %swap3A_992 = vector.shape_cast %swap3A_991 : vector<1x1x16xf32> to vector<16xf32>
      %swap3A_993 = vector.shape_cast %mul3A_986 : vector<16xf32> to vector<1x1x16xf32>
      tpu.vector_store %arg6[%swap3A_988, %swap3A_989, %swap3A_990], %swap3A_993 {strides = array<i32>} : memref<3x32x1024xf32, #tpu.memory_space<vmem>>, vector<1x1x16xf32>,
      %get3A_994 = arith.constant 0 : i32
      %get3A_995 = arith.index_cast %get3A_994 : i32 to index
      %get3A_996 = arith.index_cast %add3A_131 : i32 to index
      %get3A_997 = arith.constant 864 : index
      %get3A_998 = tpu.vector_load %arg6[%get3A_995, %get3A_996, %get3A_997] {strides = array<i32>} : memref<3x32x1024xf32, #tpu.memory_space<vmem>>, vector<1x1x16xf32>,
      %get3A_999 = vector.shape_cast %get3A_998 : vector<1x1x16xf32> to vector<16xf32>
      %mul3A_1000 = arith.constant 3.200000e+01 : f32
      %mul3A_1001 = vector.broadcast %mul3A_1000 : f32 to vector<16xf32>
      %mul3A_1002 = arith.mulf %get3A_999, %mul3A_1001 : vector<16xf32>
      %swap3A_1003 = arith.constant 0 : i32
      %swap3A_1004 = arith.index_cast %swap3A_1003 : i32 to index
      %swap3A_1005 = arith.index_cast %add3A_131 : i32 to index
      %swap3A_1006 = arith.constant 864 : index
      %swap3A_1007 = tpu.vector_load %arg6[%swap3A_1004, %swap3A_1005, %swap3A_1006] {strides = array<i32>} : memref<3x32x1024xf32, #tpu.memory_space<vmem>>, vector<1x1x16xf32>,
      %swap3A_1008 = vector.shape_cast %swap3A_1007 : vector<1x1x16xf32> to vector<16xf32>
      %swap3A_1009 = vector.shape_cast %mul3A_1002 : vector<16xf32> to vector<1x1x16xf32>
      tpu.vector_store %arg6[%swap3A_1004, %swap3A_1005, %swap3A_1006], %swap3A_1009 {strides = array<i32>} : memref<3x32x1024xf32, #tpu.memory_space<vmem>>, vector<1x1x16xf32>,
      %get3A_1010 = arith.constant 0 : i32
      %get3A_1011 = arith.index_cast %get3A_1010 : i32 to index
      %get3A_1012 = arith.index_cast %add3A_131 : i32 to index
      %get3A_1013 = arith.constant 880 : index
      %get3A_1014 = tpu.vector_load %arg6[%get3A_1011, %get3A_1012, %get3A_1013] {strides = array<i32>} : memref<3x32x1024xf32, #tpu.memory_space<vmem>>, vector<1x1x16xf32>,
      %get3A_1015 = vector.shape_cast %get3A_1014 : vector<1x1x16xf32> to vector<16xf32>
      %mul3A_1016 = arith.constant 3.200000e+01 : f32
      %mul3A_1017 = vector.broadcast %mul3A_1016 : f32 to vector<16xf32>
      %mul3A_1018 = arith.mulf %get3A_1015, %mul3A_1017 : vector<16xf32>
      %swap3A_1019 = arith.constant 0 : i32
      %swap3A_1020 = arith.index_cast %swap3A_1019 : i32 to index
      %swap3A_1021 = arith.index_cast %add3A_131 : i32 to index
      %swap3A_1022 = arith.constant 880 : index
      %swap3A_1023 = tpu.vector_load %arg6[%swap3A_1020, %swap3A_1021, %swap3A_1022] {strides = array<i32>} : memref<3x32x1024xf32, #tpu.memory_space<vmem>>, vector<1x1x16xf32>,
      %swap3A_1024 = vector.shape_cast %swap3A_1023 : vector<1x1x16xf32> to vector<16xf32>
      %swap3A_1025 = vector.shape_cast %mul3A_1018 : vector<16xf32> to vector<1x1x16xf32>
      tpu.vector_store %arg6[%swap3A_1020, %swap3A_1021, %swap3A_1022], %swap3A_1025 {strides = array<i32>} : memref<3x32x1024xf32, #tpu.memory_space<vmem>>, vector<1x1x16xf32>,
      %get3A_1026 = arith.constant 0 : i32
      %get3A_1027 = arith.index_cast %get3A_1026 : i32 to index
      %get3A_1028 = arith.index_cast %add3A_131 : i32 to index
      %get3A_1029 = arith.constant 896 : index
      %get3A_1030 = tpu.vector_load %arg6[%get3A_1027, %get3A_1028, %get3A_1029] {strides = array<i32>} : memref<3x32x1024xf32, #tpu.memory_space<vmem>>, vector<1x1x16xf32>,
      %get3A_1031 = vector.shape_cast %get3A_1030 : vector<1x1x16xf32> to vector<16xf32>
      %mul3A_1032 = arith.constant 3.200000e+01 : f32
      %mul3A_1033 = vector.broadcast %mul3A_1032 : f32 to vector<16xf32>
      %mul3A_1034 = arith.mulf %get3A_1031, %mul3A_1033 : vector<16xf32>
      %swap3A_1035 = arith.constant 0 : i32
      %swap3A_1036 = arith.index_cast %swap3A_1035 : i32 to index
      %swap3A_1037 = arith.index_cast %add3A_131 : i32 to index
      %swap3A_1038 = arith.constant 896 : index
      %swap3A_1039 = tpu.vector_load %arg6[%swap3A_1036, %swap3A_1037, %swap3A_1038] {strides = array<i32>} : memref<3x32x1024xf32, #tpu.memory_space<vmem>>, vector<1x1x16xf32>,
      %swap3A_1040 = vector.shape_cast %swap3A_1039 : vector<1x1x16xf32> to vector<16xf32>
      %swap3A_1041 = vector.shape_cast %mul3A_1034 : vector<16xf32> to vector<1x1x16xf32>
      tpu.vector_store %arg6[%swap3A_1036, %swap3A_1037, %swap3A_1038], %swap3A_1041 {strides = array<i32>} : memref<3x32x1024xf32, #tpu.memory_space<vmem>>, vector<1x1x16xf32>,
      %get3A_1042 = arith.constant 0 : i32
      %get3A_1043 = arith.index_cast %get3A_1042 : i32 to index
      %get3A_1044 = arith.index_cast %add3A_131 : i32 to index
      %get3A_1045 = arith.constant 912 : index
      %get3A_1046 = tpu.vector_load %arg6[%get3A_1043, %get3A_1044, %get3A_1045] {strides = array<i32>} : memref<3x32x1024xf32, #tpu.memory_space<vmem>>, vector<1x1x16xf32>,
      %get3A_1047 = vector.shape_cast %get3A_1046 : vector<1x1x16xf32> to vector<16xf32>
      %mul3A_1048 = arith.constant 3.200000e+01 : f32
      %mul3A_1049 = vector.broadcast %mul3A_1048 : f32 to vector<16xf32>
      %mul3A_1050 = arith.mulf %get3A_1047, %mul3A_1049 : vector<16xf32>
      %swap3A_1051 = arith.constant 0 : i32
      %swap3A_1052 = arith.index_cast %swap3A_1051 : i32 to index
      %swap3A_1053 = arith.index_cast %add3A_131 : i32 to index
      %swap3A_1054 = arith.constant 912 : index
      %swap3A_1055 = tpu.vector_load %arg6[%swap3A_1052, %swap3A_1053, %swap3A_1054] {strides = array<i32>} : memref<3x32x1024xf32, #tpu.memory_space<vmem>>, vector<1x1x16xf32>,
      %swap3A_1056 = vector.shape_cast %swap3A_1055 : vector<1x1x16xf32> to vector<16xf32>
      %swap3A_1057 = vector.shape_cast %mul3A_1050 : vector<16xf32> to vector<1x1x16xf32>
      tpu.vector_store %arg6[%swap3A_1052, %swap3A_1053, %swap3A_1054], %swap3A_1057 {strides = array<i32>} : memref<3x32x1024xf32, #tpu.memory_space<vmem>>, vector<1x1x16xf32>,
      %get3A_1058 = arith.constant 0 : i32
      %get3A_1059 = arith.index_cast %get3A_1058 : i32 to index
      %get3A_1060 = arith.index_cast %add3A_131 : i32 to index
      %get3A_1061 = arith.constant 928 : index
      %get3A_1062 = tpu.vector_load %arg6[%get3A_1059, %get3A_1060, %get3A_1061] {strides = array<i32>} : memref<3x32x1024xf32, #tpu.memory_space<vmem>>, vector<1x1x16xf32>,
      %get3A_1063 = vector.shape_cast %get3A_1062 : vector<1x1x16xf32> to vector<16xf32>
      %mul3A_1064 = arith.constant 3.200000e+01 : f32
      %mul3A_1065 = vector.broadcast %mul3A_1064 : f32 to vector<16xf32>
      %mul3A_1066 = arith.mulf %get3A_1063, %mul3A_1065 : vector<16xf32>
      %swap3A_1067 = arith.constant 0 : i32
      %swap3A_1068 = arith.index_cast %swap3A_1067 : i32 to index
      %swap3A_1069 = arith.index_cast %add3A_131 : i32 to index
      %swap3A_1070 = arith.constant 928 : index
      %swap3A_1071 = tpu.vector_load %arg6[%swap3A_1068, %swap3A_1069, %swap3A_1070] {strides = array<i32>} : memref<3x32x1024xf32, #tpu.memory_space<vmem>>, vector<1x1x16xf32>,
      %swap3A_1072 = vector.shape_cast %swap3A_1071 : vector<1x1x16xf32> to vector<16xf32>
      %swap3A_1073 = vector.shape_cast %mul3A_1066 : vector<16xf32> to vector<1x1x16xf32>
      tpu.vector_store %arg6[%swap3A_1068, %swap3A_1069, %swap3A_1070], %swap3A_1073 {strides = array<i32>} : memref<3x32x1024xf32, #tpu.memory_space<vmem>>, vector<1x1x16xf32>,
      %get3A_1074 = arith.constant 0 : i32
      %get3A_1075 = arith.index_cast %get3A_1074 : i32 to index
      %get3A_1076 = arith.index_cast %add3A_131 : i32 to index
      %get3A_1077 = arith.constant 944 : index
      %get3A_1078 = tpu.vector_load %arg6[%get3A_1075, %get3A_1076, %get3A_1077] {strides = array<i32>} : memref<3x32x1024xf32, #tpu.memory_space<vmem>>, vector<1x1x16xf32>,
      %get3A_1079 = vector.shape_cast %get3A_1078 : vector<1x1x16xf32> to vector<16xf32>
      %mul3A_1080 = arith.constant 3.200000e+01 : f32
      %mul3A_1081 = vector.broadcast %mul3A_1080 : f32 to vector<16xf32>
      %mul3A_1082 = arith.mulf %get3A_1079, %mul3A_1081 : vector<16xf32>
      %swap3A_1083 = arith.constant 0 : i32
      %swap3A_1084 = arith.index_cast %swap3A_1083 : i32 to index
      %swap3A_1085 = arith.index_cast %add3A_131 : i32 to index
      %swap3A_1086 = arith.constant 944 : index
      %swap3A_1087 = tpu.vector_load %arg6[%swap3A_1084, %swap3A_1085, %swap3A_1086] {strides = array<i32>} : memref<3x32x1024xf32, #tpu.memory_space<vmem>>, vector<1x1x16xf32>,
      %swap3A_1088 = vector.shape_cast %swap3A_1087 : vector<1x1x16xf32> to vector<16xf32>
      %swap3A_1089 = vector.shape_cast %mul3A_1082 : vector<16xf32> to vector<1x1x16xf32>
      tpu.vector_store %arg6[%swap3A_1084, %swap3A_1085, %swap3A_1086], %swap3A_1089 {strides = array<i32>} : memref<3x32x1024xf32, #tpu.memory_space<vmem>>, vector<1x1x16xf32>,
      %get3A_1090 = arith.constant 0 : i32
      %get3A_1091 = arith.index_cast %get3A_1090 : i32 to index
      %get3A_1092 = arith.index_cast %add3A_131 : i32 to index
      %get3A_1093 = arith.constant 960 : index
      %get3A_1094 = tpu.vector_load %arg6[%get3A_1091, %get3A_1092, %get3A_1093] {strides = array<i32>} : memref<3x32x1024xf32, #tpu.memory_space<vmem>>, vector<1x1x16xf32>,
      %get3A_1095 = vector.shape_cast %get3A_1094 : vector<1x1x16xf32> to vector<16xf32>
      %mul3A_1096 = arith.constant 3.200000e+01 : f32
      %mul3A_1097 = vector.broadcast %mul3A_1096 : f32 to vector<16xf32>
      %mul3A_1098 = arith.mulf %get3A_1095, %mul3A_1097 : vector<16xf32>
      %swap3A_1099 = arith.constant 0 : i32
      %swap3A_1100 = arith.index_cast %swap3A_1099 : i32 to index
      %swap3A_1101 = arith.index_cast %add3A_131 : i32 to index
      %swap3A_1102 = arith.constant 960 : index
      %swap3A_1103 = tpu.vector_load %arg6[%swap3A_1100, %swap3A_1101, %swap3A_1102] {strides = array<i32>} : memref<3x32x1024xf32, #tpu.memory_space<vmem>>, vector<1x1x16xf32>,
      %swap3A_1104 = vector.shape_cast %swap3A_1103 : vector<1x1x16xf32> to vector<16xf32>
      %swap3A_1105 = vector.shape_cast %mul3A_1098 : vector<16xf32> to vector<1x1x16xf32>
      tpu.vector_store %arg6[%swap3A_1100, %swap3A_1101, %swap3A_1102], %swap3A_1105 {strides = array<i32>} : memref<3x32x1024xf32, #tpu.memory_space<vmem>>, vector<1x1x16xf32>,
      %get3A_1106 = arith.constant 0 : i32
      %get3A_1107 = arith.index_cast %get3A_1106 : i32 to index
      %get3A_1108 = arith.index_cast %add3A_131 : i32 to index
      %get3A_1109 = arith.constant 976 : index
      %get3A_1110 = tpu.vector_load %arg6[%get3A_1107, %get3A_1108, %get3A_1109] {strides = array<i32>} : memref<3x32x1024xf32, #tpu.memory_space<vmem>>, vector<1x1x16xf32>,
      %get3A_1111 = vector.shape_cast %get3A_1110 : vector<1x1x16xf32> to vector<16xf32>
      %mul3A_1112 = arith.constant 3.200000e+01 : f32
      %mul3A_1113 = vector.broadcast %mul3A_1112 : f32 to vector<16xf32>
      %mul3A_1114 = arith.mulf %get3A_1111, %mul3A_1113 : vector<16xf32>
      %swap3A_1115 = arith.constant 0 : i32
      %swap3A_1116 = arith.index_cast %swap3A_1115 : i32 to index
      %swap3A_1117 = arith.index_cast %add3A_131 : i32 to index
      %swap3A_1118 = arith.constant 976 : index
      %swap3A_1119 = tpu.vector_load %arg6[%swap3A_1116, %swap3A_1117, %swap3A_1118] {strides = array<i32>} : memref<3x32x1024xf32, #tpu.memory_space<vmem>>, vector<1x1x16xf32>,
      %swap3A_1120 = vector.shape_cast %swap3A_1119 : vector<1x1x16xf32> to vector<16xf32>
      %swap3A_1121 = vector.shape_cast %mul3A_1114 : vector<16xf32> to vector<1x1x16xf32>
      tpu.vector_store %arg6[%swap3A_1116, %swap3A_1117, %swap3A_1118], %swap3A_1121 {strides = array<i32>} : memref<3x32x1024xf32, #tpu.memory_space<vmem>>, vector<1x1x16xf32>,
      %get3A_1122 = arith.constant 0 : i32
      %get3A_1123 = arith.index_cast %get3A_1122 : i32 to index
      %get3A_1124 = arith.index_cast %add3A_131 : i32 to index
      %get3A_1125 = arith.constant 992 : index
      %get3A_1126 = tpu.vector_load %arg6[%get3A_1123, %get3A_1124, %get3A_1125] {strides = array<i32>} : memref<3x32x1024xf32, #tpu.memory_space<vmem>>, vector<1x1x16xf32>,
      %get3A_1127 = vector.shape_cast %get3A_1126 : vector<1x1x16xf32> to vector<16xf32>
      %mul3A_1128 = arith.constant 3.200000e+01 : f32
      %mul3A_1129 = vector.broadcast %mul3A_1128 : f32 to vector<16xf32>
      %mul3A_1130 = arith.mulf %get3A_1127, %mul3A_1129 : vector<16xf32>
      %swap3A_1131 = arith.constant 0 : i32
      %swap3A_1132 = arith.index_cast %swap3A_1131 : i32 to index
      %swap3A_1133 = arith.index_cast %add3A_131 : i32 to index
      %swap3A_1134 = arith.constant 992 : index
      %swap3A_1135 = tpu.vector_load %arg6[%swap3A_1132, %swap3A_1133, %swap3A_1134] {strides = array<i32>} : memref<3x32x1024xf32, #tpu.memory_space<vmem>>, vector<1x1x16xf32>,
      %swap3A_1136 = vector.shape_cast %swap3A_1135 : vector<1x1x16xf32> to vector<16xf32>
      %swap3A_1137 = vector.shape_cast %mul3A_1130 : vector<16xf32> to vector<1x1x16xf32>
      tpu.vector_store %arg6[%swap3A_1132, %swap3A_1133, %swap3A_1134], %swap3A_1137 {strides = array<i32>} : memref<3x32x1024xf32, #tpu.memory_space<vmem>>, vector<1x1x16xf32>,
      %get3A_1138 = arith.constant 0 : i32
      %get3A_1139 = arith.index_cast %get3A_1138 : i32 to index
      %get3A_1140 = arith.index_cast %add3A_131 : i32 to index
      %get3A_1141 = arith.constant 1008 : index
      %get3A_1142 = tpu.vector_load %arg6[%get3A_1139, %get3A_1140, %get3A_1141] {strides = array<i32>} : memref<3x32x1024xf32, #tpu.memory_space<vmem>>, vector<1x1x16xf32>,
      %get3A_1143 = vector.shape_cast %get3A_1142 : vector<1x1x16xf32> to vector<16xf32>
      %mul3A_1144 = arith.constant 3.200000e+01 : f32
      %mul3A_1145 = vector.broadcast %mul3A_1144 : f32 to vector<16xf32>
      %mul3A_1146 = arith.mulf %get3A_1143, %mul3A_1145 : vector<16xf32>
      %swap3A_1147 = arith.constant 0 : i32
      %swap3A_1148 = arith.index_cast %swap3A_1147 : i32 to index
      %swap3A_1149 = arith.index_cast %add3A_131 : i32 to index
      %swap3A_1150 = arith.constant 1008 : index
      %swap3A_1151 = tpu.vector_load %arg6[%swap3A_1148, %swap3A_1149, %swap3A_1150] {strides = array<i32>} : memref<3x32x1024xf32, #tpu.memory_space<vmem>>, vector<1x1x16xf32>,
      %swap3A_1152 = vector.shape_cast %swap3A_1151 : vector<1x1x16xf32> to vector<16xf32>
      %swap3A_1153 = vector.shape_cast %mul3A_1146 : vector<16xf32> to vector<1x1x16xf32>
      tpu.vector_store %arg6[%swap3A_1148, %swap3A_1149, %swap3A_1150], %swap3A_1153 {strides = array<i32>} : memref<3x32x1024xf32, #tpu.memory_space<vmem>>, vector<1x1x16xf32>,
    }
    %scan3A_81 = arith.constant 32 : i32
    %add3A_82 = arith.constant 480 : i32
    %add3A_83 = arith.addi %mul3A_2, %add3A_82 : i32
    %dma_start3A_84 = arith.constant 0 : i32
    %dma_start3A_85 = arith.constant 0 : i32
    %dma_start3A_86 = arith.constant 0 : i32
    %dma_start3A_87 = tpu.memref_slice %arg6[%dma_start3A_84, %dma_start3A_85, %dma_start3A_86] : memref<3x32x1024xf32, #tpu.memory_space<vmem>> -> memref<1x32x1024xf32, #tpu.memory_space<vmem>>
    %dma_start3A_88 = tpu.memref_squeeze %dma_start3A_87 : memref<1x32x1024xf32, #tpu.memory_space<vmem>> -> memref<32x1024xf32, #tpu.memory_space<vmem>>
    %dma_start3A_89 = arith.constant 0 : i32
    %dma_start3A_90 = tpu.memref_slice %arg4[%add3A_83, %dma_start3A_89] : memref<16384x1024xf32, #tpu.memory_space<hbm>> -> memref<32x1024xf32, #tpu.memory_space<hbm>>
    %dma_start3A_91 = arith.constant 0 : i32
    %dma_start3A_92 = tpu.memref_slice %arg4[%add3A_83, %dma_start3A_91] : memref<16384x1024xf32, #tpu.memory_space<hbm>> -> memref<32x1024xf32, #tpu.memory_space<hbm>>
    %dma_start3A_93 = arith.constant 0 : i32
    %dma_start3A_94 = arith.constant 0 : i32
    %dma_start3A_95 = tpu.memref_slice %arg6[%dma_start3A_84, %dma_start3A_93, %dma_start3A_94] : memref<3x32x1024xf32, #tpu.memory_space<vmem>> -> memref<1x32x1024xf32, #tpu.memory_space<vmem>>
    %dma_start3A_96 = tpu.memref_squeeze %dma_start3A_95 : memref<1x32x1024xf32, #tpu.memory_space<vmem>> -> memref<32x1024xf32, #tpu.memory_space<vmem>>
    tpu.enqueue_dma source(%dma_start3A_96 : memref<32x1024xf32, #tpu.memory_space<vmem>>) target(%dma_start3A_92 : memref<32x1024xf32, #tpu.memory_space<hbm>>) target_semaphore(%arg10 : memref<!tpu.dma_semaphore, #tpu.memory_space<semaphore_mem>>)
    %add3A_97 = arith.constant 448 : i32
    %add3A_98 = arith.addi %mul3A_2, %add3A_97 : i32
    %dma_wait3A_99 = arith.constant 2 : i32
    %dma_wait3A_100 = arith.constant 0 : i32
    %dma_wait3A_101 = arith.constant 0 : i32
    %dma_wait3A_102 = tpu.memref_slice %arg6[%dma_wait3A_99, %dma_wait3A_100, %dma_wait3A_101] : memref<3x32x1024xf32, #tpu.memory_space<vmem>> -> memref<1x32x1024xf32, #tpu.memory_space<vmem>>
    %dma_wait3A_103 = tpu.memref_squeeze %dma_wait3A_102 : memref<1x32x1024xf32, #tpu.memory_space<vmem>> -> memref<32x1024xf32, #tpu.memory_space<vmem>>
    %dma_wait3A_104 = arith.constant 0 : i32
    %dma_wait3A_105 = tpu.memref_slice %arg4[%add3A_98, %dma_wait3A_104] : memref<16384x1024xf32, #tpu.memory_space<hbm>> -> memref<32x1024xf32, #tpu.memory_space<hbm>>
    %dma_wait3A_106 = arith.constant 0 : i32
    %dma_wait3A_107 = tpu.memref_slice %arg4[%add3A_98, %dma_wait3A_106] : memref<16384x1024xf32, #tpu.memory_space<hbm>> -> memref<32x1024xf32, #tpu.memory_space<hbm>>
    %dma_wait3A_108 = arith.constant 0 : i32
    %dma_wait3A_109 = arith.constant 0 : i32
    %dma_wait3A_110 = tpu.memref_slice %arg6[%dma_wait3A_99, %dma_wait3A_108, %dma_wait3A_109] : memref<3x32x1024xf32, #tpu.memory_space<vmem>> -> memref<1x32x1024xf32, #tpu.memory_space<vmem>>
    %dma_wait3A_111 = tpu.memref_squeeze %dma_wait3A_110 : memref<1x32x1024xf32, #tpu.memory_space<vmem>> -> memref<32x1024xf32, #tpu.memory_space<vmem>>
    tpu.wait_dma2 semaphore(%arg12 : memref<!tpu.dma_semaphore, #tpu.memory_space<semaphore_mem>>) src(%dma_wait3A_111 : memref<32x1024xf32, #tpu.memory_space<vmem>>) dst(%dma_wait3A_107 : memref<32x1024xf32, #tpu.memory_space<hbm>>)
    %add3A_112 = arith.constant 480 : i32
    %add3A_113 = arith.addi %mul3A_2, %add3A_112 : i32
    %dma_wait3A_114 = arith.constant 0 : i32
    %dma_wait3A_115 = arith.constant 0 : i32
    %dma_wait3A_116 = arith.constant 0 : i32
    %dma_wait3A_117 = tpu.memref_slice %arg6[%dma_wait3A_114, %dma_wait3A_115, %dma_wait3A_116] : memref<3x32x1024xf32, #tpu.memory_space<vmem>> -> memref<1x32x1024xf32, #tpu.memory_space<vmem>>
    %dma_wait3A_118 = tpu.memref_squeeze %dma_wait3A_117 : memref<1x32x1024xf32, #tpu.memory_space<vmem>> -> memref<32x1024xf32, #tpu.memory_space<vmem>>
    %dma_wait3A_119 = arith.constant 0 : i32
    %dma_wait3A_120 = tpu.memref_slice %arg4[%add3A_113, %dma_wait3A_119] : memref<16384x1024xf32, #tpu.memory_space<hbm>> -> memref<32x1024xf32, #tpu.memory_space<hbm>>
    %dma_wait3A_121 = arith.constant 0 : i32
    %dma_wait3A_122 = tpu.memref_slice %arg4[%add3A_113, %dma_wait3A_121] : memref<16384x1024xf32, #tpu.memory_space<hbm>> -> memref<32x1024xf32, #tpu.memory_space<hbm>>
    %dma_wait3A_123 = arith.constant 0 : i32
    %dma_wait3A_124 = arith.constant 0 : i32
    %dma_wait3A_125 = tpu.memref_slice %arg6[%dma_wait3A_114, %dma_wait3A_123, %dma_wait3A_124] : memref<3x32x1024xf32, #tpu.memory_space<vmem>> -> memref<1x32x1024xf32, #tpu.memory_space<vmem>>
    %dma_wait3A_126 = tpu.memref_squeeze %dma_wait3A_125 : memref<1x32x1024xf32, #tpu.memory_space<vmem>> -> memref<32x1024xf32, #tpu.memory_space<vmem>>
    tpu.wait_dma2 semaphore(%arg10 : memref<!tpu.dma_semaphore, #tpu.memory_space<semaphore_mem>>) src(%dma_wait3A_126 : memref<32x1024xf32, #tpu.memory_space<vmem>>) dst(%dma_wait3A_122 : memref<32x1024xf32, #tpu.memory_space<hbm>>)
    return
  }
}

</mosaic_0001>

<sc_bundles>
// kernel: kernel.3.cloned.1.call-start
scs
__scs_entry_jumppad:
0x0: {  	(pc) =	sbr.rel $0x88, $3  }
0x1: {  	(tag) =	ssettag $0x0;
	lr =	simm.s32 $0x1  }
0x2: {  	[smem:$0x3F9F] =	sst lr;
	_ =	strace $0xD0000000  }
0x3: {  	_ = 	snop  }
0x4: {  	_ = 	snop  }
0x5: {  	_ = 	snop  }
0x6: {  	_ = 	snop  }
0x7: {  	_ = 	snop  }
__scs_overlays_trampoline_lowered:
0x8: {  	[smem:$0x3FAE] =	sst s0  }
0x9: {  	[smem:$0x3FAF] =	sst s1  }
0xa: {  	[smem:$0x3FB0] =	sst s2  }
0xb: {  	[smem:$0x3FB1] =	sst s3  }
0xc: {  	[smem:$0x3FB2] =	sst s4  }
0xd: {  	[smem:$0x3FB3] =	sst s5  }
0xe: {  	[smem:$0x3FB4] =	sst s6  }
0xf: {  	[smem:$0x3FB5] =	sst s7  }
0x10: {  	[smem:$0x3FB6] =	sst s8  }
0x11: {  	[smem:$0x3FB7] =	sst s9;
	s0 =	simm.s32 @!p0 $0x0  }
0x12: {  	s1 =	sld [smem:$0x3F9D];
	s0 =	simm.s32 @p0 $0x1  }
0x13: {  	[smem:$0x3FB8] =	sst s0;
	s0 =	simm.s32 @!p1 $0x0  }
0x14: {  	s2 =	sld [smem:$0x3F9C];
	s0 =	simm.s32 @p1 $0x1  }
0x15: {  	[smem:$0x3FB9] =	sst s0;
	s0 =	simm.s32 @!p2 $0x0  }
0x16: {  	s3 =	sld [smem:$0x3FDB];
	s0 =	simm.s32 @p2 $0x1  }
0x17: {  	s4 =	simm.s32 $0x1BF5;
	[smem:$0x3FBB] =	sst s0  }
0x18: {  	s0 =	sld [smem:$0x3F9E];
	_ =	swait.ge [sflag:s4], $0x0  }
0x19: {  	s7 =	sld [smem:$0x3F9F]  }
0x1a: {  	s8 =	sadd.s32 $0xFFFFE003, lr  }
0x1b: {  	s9 =	sadd.s32 $0xFFFFFEF7, lr;
	s5 =	simm.s32 $0xFFFFFFFF;
	p2 =	slt.u32 s8, $0xFFFFF086  }
0x1c: {  	p1 =	slt.u32 s9, $0xF7A;
	s5 =	simm.s32 @!p2 $0x0  }
0x1d: {  	s5 =	simm.s32 @p1 $0x1;
	p0 =	seq.s32 s7, s2  }
0x1e: {  	s7 =	smul.u32 @!p0 $0xF7A, s2;
	p2 =	seq.s32 @!p0 s5, $0x0  }
0x1f: {  	s9 =	smul.u32 $0xF7A, s1;
	s8 =	simm.s32 @!p0 $0x1BF5;
	p2 =	por !p2, p0  }
0x20: {  	[sflag:s8] =	ssyncset.s32 @!p0 $0xFFFFF086;
	s6 =	sadd.s32 @!p0 s3, s7;
	s7 =	simm.s32 @!p0 $0x108  }
0x21: {  	s3 =	sadd.s32 s3, s9;
	s6 =	sadd.s32 @!p0 $0x88, s6;
	s7 =	simm.s32 @p2 $0x1082  }
0x22: {  	[simem:s7], [sflag:s8] =	dma.local @!p0 [hbm:s6], $0xF7A  }
0x23: {  	s9 =	sor.u32 $0xD0000000, s2;
	s6 =	simm.s32 $0x108;
	_ =	swait.ge @!p0 [sflag:s8], $0x0  }
0x24: {  	s3 =	sadd.s32 $0x88, s3;
	s6 =	simm.s32 @!p1 $0x1082;
	[sflag:s4] =	ssyncset.s32 $0xFFFFF086  }
0x25: {  	[simem:s6], [sflag:s4] =	dma.local [hbm:s3], $0xF7A  }
0x26: {  	[smem:$0x3F9F] =	sst s1;
	(tag) =	ssettag s2;
	_ =	strace s9  }
0x27: {  	s1 =	sld [smem:$0x3FAF]  }
0x28: {  	s2 =	sld [smem:$0x3FB0]  }
0x29: {  	s4 =	sld [smem:$0x3FB2]  }
0x2a: {  	p0 =	seq.s32 s5, $0x0;
	s5 =	sld [smem:$0x3FB3]  }
0x2b: {  	s6 =	sld [smem:$0x3FB4]  }
0x2c: {  	s7 =	sld [smem:$0x3FB5]  }
0x2d: {  	s3 =	simm.s32 $0x108;
	s8 =	sld [smem:$0x3FB6]  }
0x2e: {  	s3 =	simm.s32 @!p0 $0x1082;
	s9 =	sld [smem:$0x3FB7]  }
0x2f: {  	lr =	sadd.s32 s0, s3;
	s0 =	sld [smem:$0x3FAE]  }
0x30: {  	s3 =	sld [smem:$0x3FB1]  }
0x31: {  	[smem:$0x3FBA] =	sst s10  }
0x32: {  	s10 =	sld [smem:$0x3FB8];
	_ =	sdelay $0x3  }
0x33: {  	p0 =	seq.s32 s10, $0x1;
	s10 =	sld [smem:$0x3FBA];
	_ =	sdelay $0x3  }
0x34: {  	[smem:$0x3FBA] =	sst s10  }
0x35: {  	s10 =	sld [smem:$0x3FB9];
	_ =	sdelay $0x3  }
0x36: {  	p1 =	seq.s32 s10, $0x1;
	s10 =	sld [smem:$0x3FBA];
	_ =	sdelay $0x3  }
0x37: {  	[smem:$0x3FBA] =	sst s10  }
0x38: {  	s10 =	sld [smem:$0x3FBB]  }
0x39: {  	_ = 	snop;
	(pc) =	sbr.ind lr, $3  }
0x3a: {  	_ = 	snop  }
0x3b: {  	_ = 	snop  }
0x3c: {  	p2 =	seq.s32 s10, $0x1;
	s10 =	sld [smem:$0x3FBA]  }
0x3d: {  	_ =	shalt  }
0x3e: {  	_ =	shalt  }
0x3f: {  	_ =	shalt  }
0x40: {  	_ =	shalt  }
0x41: {  	_ =	shalt  }
0x42: {  	_ =	shalt  }
0x43: {  	_ =	shalt  }
0x44: {  	_ =	shalt  }
0x45: {  	_ =	shalt  }
0x46: {  	_ =	shalt  }
0x47: {  	_ =	shalt  }
0x48: {  	_ =	shalt  }
0x49: {  	_ =	shalt  }
0x4a: {  	_ =	shalt  }
0x4b: {  	_ =	shalt  }
0x4c: {  	_ =	shalt  }
0x4d: {  	_ =	shalt  }
0x4e: {  	_ =	shalt  }
0x4f: {  	_ =	shalt  }
0x50: {  	_ =	shalt  }
0x51: {  	_ =	shalt  }
0x52: {  	_ =	shalt  }
0x53: {  	_ =	shalt  }
0x54: {  	_ =	shalt  }
0x55: {  	_ =	shalt  }
0x56: {  	_ =	shalt  }
0x57: {  	_ =	shalt  }
0x58: {  	_ =	shalt  }
0x59: {  	_ =	shalt  }
0x5a: {  	_ =	shalt  }
0x5b: {  	_ =	shalt  }
0x5c: {  	_ =	shalt  }
0x5d: {  	_ =	shalt  }
0x5e: {  	_ =	shalt  }
0x5f: {  	_ =	shalt  }
0x60: {  	_ =	shalt  }
0x61: {  	_ =	shalt  }
0x62: {  	_ =	shalt  }
0x63: {  	_ =	shalt  }
0x64: {  	_ =	shalt  }
0x65: {  	_ =	shalt  }
0x66: {  	_ =	shalt  }
0x67: {  	_ =	shalt  }
0x68: {  	_ =	shalt  }
0x69: {  	_ =	shalt  }
0x6a: {  	_ =	shalt  }
0x6b: {  	_ =	shalt  }
0x6c: {  	_ =	shalt  }
0x6d: {  	_ =	shalt  }
0x6e: {  	_ =	shalt  }
0x6f: {  	_ =	shalt  }
0x70: {  	_ =	shalt  }
0x71: {  	_ =	shalt  }
0x72: {  	_ =	shalt  }
0x73: {  	_ =	shalt  }
0x74: {  	_ =	shalt  }
0x75: {  	_ =	shalt  }
0x76: {  	_ =	shalt  }
0x77: {  	_ =	shalt  }
0x78: {  	_ =	shalt  }
0x79: {  	_ =	shalt  }
0x7a: {  	_ =	shalt  }
0x7b: {  	_ =	shalt  }
0x7c: {  	_ =	shalt  }
0x7d: {  	_ =	shalt  }
0x7e: {  	_ =	shalt  }
0x7f: {  	_ =	shalt  }
0x80: {  	_ =	shalt  }
0x81: {  	_ =	shalt  }
0x82: {  	_ =	shalt  }
0x83: {  	_ =	shalt  }
0x84: {  	_ =	shalt  }
0x85: {  	_ =	shalt  }
0x86: {  	_ =	shalt  }
0x87: {  	_ =	shalt  }
.Lfunc_end0:
.L_simem_size_0:
called_computation_lowered:
.L_overlay_start_0:
0x88: {  	s2 =	sld [smem:$0x3FD9]  }
0x89: {  	s3 =	sld [smem:$0x3FFE];
	_ =	sdelay $0x1  }
0x8a: {  	s1 =	srdreg.scid  }
0x8b: {  	s0 =	sand.u32 $0x1, s1  }
0x8c: {  	s18 =	sshll.u32 s0, $0xA;
	s2 =	sadd.s32 s3, s2  }
0x8d: {  	s2 =	sadd.s32 s2, s18  }
0x8e: {  	[smem:$0x3FC6] =	sst s2  }
0x8f: {  	_ = 	snop  }
0x90: {  	s2 =	sld [smem:$0x3FC9]  }
0x91: {  	s19 =	sld [smem:$0x3FC8]  }
0x92: {  	s4 =	sld [smem:$0x3FD0];
	(tm) =	ssettm $0x1  }
0x93: {  	s5 =	sld [smem:$0x3FFB];
	_ =	sdelay $0x3  }
0x94: {  	_ =	strace s5  }
0x95: {  	s5 =	sld [smem:$0x3FFC];
	_ =	sdelay $0x3  }
0x96: {  	_ =	strace s5  }
0x97: {  	s5 =	sld [smem:$0x3FFD];
	_ =	sdelay $0x3  }
0x98: {  	_ =	strace s5  }
0x99: {  	_ =	strace $0x8FFFFFFF  }
0x9a: {  	s20 =	sld [smem:$0x3FDB];
	_ =	sdelay $0x1  }
0x9b: {  	s6 =	simm.s32 $_scs_section_size  }
0x9c: {  	s7 =	simm.s32 $_size__tile_overlayer_lowered;
	s8 =	simm.s32 $_tile_overlayer_lowered  }
0x9d: {  	s23 =	simm.s32 $0x1BFF;
	s22 =	sshll.u32 s8, $0x1;
	s5 =	sadd.s32 s6, s20  }
0x9e: {  	s9 =	simm.s32 $0x0;
	s21 =	sshll.u32 s7, $0x1;
	s7 =	sadd.s32 s22, s5  }
0x9f: {  	[timem:s9], [sflag:s23] =	dma.local [hbm:s7], s21  }
0xa0: {  	_ =	swait.ge [sflag:s23], s21  }
0xa1: {  	s6 =	ssub.s32 $0x0, s21;
	[sflag:s23] =	ssyncset.done $0x0  }
0xa2: {  	[sflag:s23] =	ssyncadd.s32 s6;
	_ =	sdelay $0x1  }
0xa3: {  	s24 =	simm.s32 $0x1B8B  }
0xa4: {  	_ =	swait.ge [sflag:s24], $0x1  }
0xa5: {  	[sflag:s24] =	ssyncset.done $0x0  }
0xa6: {  	s25 =	simm.s32 $0x1B8E;
	[sflag:s24] =	ssyncadd.s32 $0xFFFFFFFF  }
0xa7: {  	s26 =	simm.s32 $execute0_lowered;
	[smem:$0x3FD2] =	sst s25  }
0xa8: {  	s6 =	sshll.u32 s26, $0x1;
	_ =	strace $0x80000046;
	[dreg:$0x1] =	wrdreg $0xFFFFFFFF  }
0xa9: {  	s28 =	simm.s32 $_size_execute0_lowered;
	s5 =	sadd.s32 s5, s6;
	[dreg:$0x0] =	wrdreg $0x0  }
0xaa: {  	s6 =	sshll.u32 s28, $0x1;
	[dreg:$0x2] =	wrdreg s5  }
0xab: {  	[dreg:$0x3] =	wrdreg s6  }
0xac: {  	[dreg:$0x4] =	wrdreg $0xC0  }
0xad: {  	_ =	task [dreg:s9], $0x5FFFF  }
0xae: {  	[dreg:$0x1] =	wrdreg $0xFFFFFFFF  }
0xaf: {  	[dreg:$0x0] =	wrdreg $0x60  }
0xb0: {  	[dreg:$0x2] =	wrdreg s2  }
0xb1: {  	[dreg:$0x3] =	wrdreg s19  }
0xb2: {  	[dreg:$0x4] =	wrdreg s4  }
0xb3: {  	[dreg:$0x5] =	wrdreg $0x9  }
0xb4: {  	_ =	task.clear_ibuf [dreg:s9], $0x6FFFF;
	_ =	strace $0x90000046  }
0xb5: {  	s29 =	simm.s32 $0x9;
	_ =	strace $0x80000048  }
0xb6: {  	_ =	swait.ge [sflag:s29], $0x1  }
0xb7: {  	[sflag:s29] =	ssyncadd.s32 $0xFFFFFFFF  }
0xb8: {  	_ =	strace $0x90000048  }
0xb9: {  	_ =	sfence  }
0xba: {  	s30 =	sld [smem:$0x0];
	_ =	sdelay $0x2  }
0xbb: {  	s31 =	sshll.u32 s1, $0xD;
	s1 =	sshrl.u32 s1, $0x2  }
0xbc: {  	s3 =	sand.u32 $0x4000, s31;
	s1 =	sadd.s32 s1, s30  }
0xbd: {  	s0 =	sor.u32 s3, s0;
	s1 =	sshll.u32 s1, $0x11  }
0xbe: {  	s0 =	sor.u32 s1, s0  }
0xbf: {  	s0 =	sadd.s32 $0x8F2B, s0  }
0xc0: {  	[sflag:s0] =	ssyncadd.remote.s32 $0x1  }
0xc1: {  	_ =	sfence.sel $0xFFFF  }
0xc2: {  	[dreg:$0x0] =	wrdreg $0xFFFFFFFF;
	(pc) =	sbr.abs _section_cstart, $3  }
0xc3: {  	[dreg:$0x1] =	wrdreg $0xFFFFFFFF  }
0xc4: {  	_ =	task.clear_ibuf [dreg:s9], $0x2FFFF;
	_ =	strace $0x9FFFFFFF  }
0xc5: {  	(tm) =	ssettm $0x7FFFFFFF  }
tec
execute0_lowered:
.L_overlay_start_1:
0x0: {  	(tag) =	ssettag $0x1  }
0x1: {  	s0 =	rddreg [dreg:$0x0]  }
0x2: {  	s1 =	rddreg [dreg:$0x1]  }
0x3: {  	s3 =	rddreg [dreg:$0x2]  }
0x4: {  	s4 =	simm.s32 $0x0;
	s2 =	srdreg.scid;
	s7 =	stileid.u32  }
0x5: {  	s15 =	simm.s32 $0x200;
	s28 =	simm.s32 $0x5A00;
	s29 =	simm.s32 $0x6200  }
0x6: {  	s30 =	simm.s32 $0x6A00;
	s31 =	simm.s32 $0x7200;
	s14 =	simm.s32 $0x10200  }
0x7: {  	s12 =	simm.s32 $0x2;
	s13 =	simm.s32 $0x4;
	s16 =	simm.s32 $0x3  }
0x8: {  	s17 =	simm.s32 $0x5;
	s19 =	simm.s32 $0x0;
	[smem:$0x7FF] =	sst s4  }
0x9: {  	s2 =	sand.u32 $0x1, s2;
	s5 =	sshll.u32 s7, $0x1;
	s23 =	sshll.u32 s7, $0x2  }
0xa: {  	s9 =	sadd.s32 $0x300, s1;
	_ =	strace $0x80000047;
	s6 =	sor.u32 s2, s5  }
0xb: {  	s2 =	ssub.s32 $0x2, s2;
	s5 =	sand.u32 $0x30, s23;
	s24 =	sshll.u32 s6, $0x8  }
0xc: {  	s8 =	sshrl.u32 s2, $0x1;
	s0 =	sadd.s32 s0, s5;
	s5 =	sshll.u32 s6, $0x9  }
0xd: {  	s25 =	sshll.u32 s6, $0x10;
	s6 =	simm.s32 $0x1;
	s7 =	sand.u32 $0x700, s24  }
0xe: {  	s2 =	ssub.s32 s2, s8;
	s8 =	sadd.s32 $0x200, s1;
	s10 =	sor.u32 $0x20, s5  }
0xf: {  	s11 =	sor.u32 $0x40, s5;
	s0 =	sadd.s32 s7, s0;
	s7 =	sadd.s32 $0x100, s1  }
0x10: {  	v2 =	vlaneseq.u32;
	s26 =	smax.u32 s2, $0x1;
	[dreg:$0x4] =	wrdreg s0;
	s0 =	sadd.s32 s25, s3  }
0x11: {  	vm0 =	vmmov $0xffff;
	v1 =	vshrl.u32 v2, $0x3;
	s2 =	simm.s32 $0x8200;
	[dreg:$0x6] =	wrdreg s26;
	s0 =	sadd.s32 $0xF000, s0  }
0x12: {  	v0 =	vand.u32 $0x7, v2;
	v2 =	vor.u32 $0x8, v2;
	v1 =	vmul.u32 $0x8, v1;
	s26 =	simm.s32 $0x5200;
	[dreg:$0x5] =	wrdreg s0;
	s0 =	simm.s32 $0x7A00  }
.LBB2_1:
0x13: {  	[dreg:$0x7] =	wrdreg s19  }
0x14: {  	s18 =	rddreg [dreg:$0x4];
	s20 =	simm.s32 $0x80;
	s21 =	simm.s32 $0x7  }
0x15: {  	[tilespmem:s4], [sflag:$0x7] =	stream.strided.gather [hbm4b:s18+s20], $0x200, s15, s20, $0x38;
	[tilespmem:$0x18200] =	vst v63  }
0x16: {  	_ =	swait.ge [sflag:s21], $0x200  }
0x17: {  	[sflag:s21] =	ssyncset.done $0x0  }
0x18: {  	[sflag:s21] =	ssyncadd.s32 $0xFFFFFE00  }
0x19: {  	v3 =	vld [tilespmem:$0x0];
	_ =	sdelay $0x4  }
0x1a: {  	v4 =	vshll.u32 v3, $0x3  }
0x1b: {  	v3 =	vand.u32 $0x7, v3;
	v4 =	vand.u32 $0xFFFFFFC0, v4  }
0x1c: {  	v3 =	vor.u32 v3, v4  }
0x1d: {  	v4 =	vperm.xlane v3, v0;
	_ =	sdelay $0x1  }
0x1e: {  	v4 =	vadd.s32 v1, v4;
	_ =	sdelay $0x4  }
0x1f: {  	[tilespmem:s15], [sflag:$0x1] =	stream.indirect_vreg.gather [hbm4b:s1+s4], $0x80, v4, vm0, $0xb8;
	[tilespmem:$0x18200] =	vst v63  }
0x20: {  	s22 =	simm.s32 $0xA00;
	v3 =	vperm.xlane v3, v2  }
0x21: {  	[tilespmem:s22], [sflag:$0x1] =	stream.indirect_vreg.gather [hbm4b:s7+s4], $0x80, v4, vm0, $0xb8;
	[tilespmem:$0x18200] =	vst v63  }
0x22: {  	s23 =	simm.s32 $0x1200;
	v3 =	vadd.s32 v1, v3  }
0x23: {  	[tilespmem:s23], [sflag:$0x1] =	stream.indirect_vreg.gather [hbm4b:s8+s4], $0x80, v4, vm0, $0xb8;
	[tilespmem:$0x18200] =	vst v63  }
0x24: {  	s24 =	simm.s32 $0x1A00  }
0x25: {  	[tilespmem:s24], [sflag:$0x1] =	stream.indirect_vreg.gather [hbm4b:s9+s4], $0x80, v4, vm0, $0xb8;
	[tilespmem:$0x18200] =	vst v63  }
0x26: {  	s25 =	simm.s32 $0x2200  }
0x27: {  	[tilespmem:s25], [sflag:$0x1] =	stream.indirect_vreg.gather [hbm4b:s1+s4], $0x80, v3, vm0, $0xb8;
	[tilespmem:$0x18200] =	vst v63  }
0x28: {  	s19 =	simm.s32 $0x2A00  }
0x29: {  	[tilespmem:s19], [sflag:$0x1] =	stream.indirect_vreg.gather [hbm4b:s7+s4], $0x80, v3, vm0, $0xb8;
	[tilespmem:$0x18200] =	vst v63  }
0x2a: {  	s20 =	simm.s32 $0x3200  }
0x2b: {  	[tilespmem:s20], [sflag:$0x1] =	stream.indirect_vreg.gather [hbm4b:s8+s4], $0x80, v3, vm0, $0xb8;
	[tilespmem:$0x18200] =	vst v63  }
0x2c: {  	s21 =	simm.s32 $0x3A00  }
0x2d: {  	[tilespmem:s21], [sflag:$0x1] =	stream.indirect_vreg.gather [hbm4b:s9+s4], $0x80, v3, vm0, $0xb8;
	[tilespmem:$0x18200] =	vst v63  }
0x2e: {  	v3 =	vld [tilespmem:$0x10];
	_ =	sdelay $0x4  }
0x2f: {  	v59 =	vshll.u32 v3, $0x3  }
0x30: {  	v3 =	vand.u32 $0x7, v3;
	v4 =	vand.u32 $0xFFFFFFC0, v59  }
0x31: {  	v3 =	vor.u32 v3, v4  }
0x32: {  	v4 =	vperm.xlane v3, v0;
	_ =	sdelay $0x1  }
0x33: {  	v4 =	vadd.s32 v1, v4;
	_ =	sdelay $0x3  }
0x34: {  	s22 =	simm.s32 $0x4200  }
0x35: {  	[tilespmem:s22], [sflag:$0x1] =	stream.indirect_vreg.gather [hbm4b:s1+s4], $0x80, v4, vm0, $0xb8;
	[tilespmem:$0x18200] =	vst v63  }
0x36: {  	s23 =	simm.s32 $0x4A00;
	v3 =	vperm.xlane v3, v2  }
0x37: {  	[tilespmem:s23], [sflag:$0x1] =	stream.indirect_vreg.gather [hbm4b:s7+s4], $0x80, v4, vm0, $0xb8;
	[tilespmem:$0x18200] =	vst v63  }
0x38: {  	v3 =	vadd.s32 v1, v3  }
0x39: {  	[tilespmem:s26], [sflag:$0x1] =	stream.indirect_vreg.gather [hbm4b:s8+s4], $0x80, v4, vm0, $0xb8;
	[tilespmem:$0x18200] =	vst v63  }
0x3a: {  	_ = 	snop  }
0x3b: {  	[tilespmem:s28], [sflag:$0x1] =	stream.indirect_vreg.gather [hbm4b:s9+s4], $0x80, v4, vm0, $0xb8;
	[tilespmem:$0x18200] =	vst v63  }
0x3c: {  	_ = 	snop  }
0x3d: {  	[tilespmem:s29], [sflag:$0x1] =	stream.indirect_vreg.gather [hbm4b:s1+s4], $0x80, v3, vm0, $0xb8;
	[tilespmem:$0x18200] =	vst v63  }
0x3e: {  	_ = 	snop  }
0x3f: {  	[tilespmem:s30], [sflag:$0x1] =	stream.indirect_vreg.gather [hbm4b:s7+s4], $0x80, v3, vm0, $0xb8;
	[tilespmem:$0x18200] =	vst v63  }
0x40: {  	_ = 	snop  }
0x41: {  	[tilespmem:s31], [sflag:$0x1] =	stream.indirect_vreg.gather [hbm4b:s8+s4], $0x80, v3, vm0, $0xb8;
	[tilespmem:$0x18200] =	vst v63  }
0x42: {  	_ = 	snop  }
0x43: {  	[tilespmem:s0], [sflag:$0x1] =	stream.indirect_vreg.gather [hbm4b:s9+s4], $0x80, v3, vm0, $0xb8;
	[tilespmem:$0x18200] =	vst v63  }
0x44: {  	v3 =	vld [tilespmem:$0x20];
	_ =	sdelay $0x4  }
0x45: {  	v60 =	vshll.u32 v3, $0x3  }
0x46: {  	v3 =	vand.u32 $0x7, v3;
	v4 =	vand.u32 $0xFFFFFFC0, v60  }
0x47: {  	v3 =	vor.u32 v3, v4  }
0x48: {  	v4 =	vperm.xlane v3, v0;
	_ =	sdelay $0x1  }
0x49: {  	v4 =	vadd.s32 v1, v4;
	_ =	sdelay $0x4  }
0x4a: {  	[tilespmem:s2], [sflag:$0x2] =	stream.indirect_vreg.gather [hbm4b:s1+s4], $0x80, v4, vm0, $0xb8;
	[tilespmem:$0x18200] =	vst v63  }
0x4b: {  	s24 =	simm.s32 $0x8A00;
	v3 =	vperm.xlane v3, v2  }
0x4c: {  	[tilespmem:s24], [sflag:$0x2] =	stream.indirect_vreg.gather [hbm4b:s7+s4], $0x80, v4, vm0, $0xb8;
	[tilespmem:$0x18200] =	vst v63  }
0x4d: {  	s25 =	simm.s32 $0x9200;
	v3 =	vadd.s32 v1, v3  }
0x4e: {  	[tilespmem:s25], [sflag:$0x2] =	stream.indirect_vreg.gather [hbm4b:s8+s4], $0x80, v4, vm0, $0xb8;
	[tilespmem:$0x18200] =	vst v63  }
0x4f: {  	s19 =	simm.s32 $0x9A00  }
0x50: {  	[tilespmem:s19], [sflag:$0x2] =	stream.indirect_vreg.gather [hbm4b:s9+s4], $0x80, v4, vm0, $0xb8;
	[tilespmem:$0x18200] =	vst v63  }
0x51: {  	s20 =	simm.s32 $0xA200  }
0x52: {  	[tilespmem:s20], [sflag:$0x2] =	stream.indirect_vreg.gather [hbm4b:s1+s4], $0x80, v3, vm0, $0xb8;
	[tilespmem:$0x18200] =	vst v63  }
0x53: {  	s21 =	simm.s32 $0xAA00  }
0x54: {  	[tilespmem:s21], [sflag:$0x2] =	stream.indirect_vreg.gather [hbm4b:s7+s4], $0x80, v3, vm0, $0xb8;
	[tilespmem:$0x18200] =	vst v63  }
0x55: {  	s22 =	simm.s32 $0xB200  }
0x56: {  	[tilespmem:s22], [sflag:$0x2] =	stream.indirect_vreg.gather [hbm4b:s8+s4], $0x80, v3, vm0, $0xb8;
	[tilespmem:$0x18200] =	vst v63  }
0x57: {  	s23 =	simm.s32 $0xBA00  }
0x58: {  	[tilespmem:s23], [sflag:$0x2] =	stream.indirect_vreg.gather [hbm4b:s9+s4], $0x80, v3, vm0, $0xb8;
	[tilespmem:$0x18200] =	vst v63  }
0x59: {  	v3 =	vld [tilespmem:$0x30];
	_ =	sdelay $0x4  }
0x5a: {  	v61 =	vshll.u32 v3, $0x3  }
0x5b: {  	v3 =	vand.u32 $0x7, v3;
	v4 =	vand.u32 $0xFFFFFFC0, v61  }
0x5c: {  	v3 =	vor.u32 v3, v4  }
0x5d: {  	v4 =	vperm.xlane v3, v0;
	_ =	sdelay $0x1  }
0x5e: {  	v4 =	vadd.s32 v1, v4;
	_ =	sdelay $0x3  }
0x5f: {  	s24 =	simm.s32 $0xC200  }
0x60: {  	[tilespmem:s24], [sflag:$0x2] =	stream.indirect_vreg.gather [hbm4b:s1+s4], $0x80, v4, vm0, $0xb8;
	[tilespmem:$0x18200] =	vst v63  }
0x61: {  	s25 =	simm.s32 $0xCA00;
	v3 =	vperm.xlane v3, v2  }
0x62: {  	[tilespmem:s25], [sflag:$0x2] =	stream.indirect_vreg.gather [hbm4b:s7+s4], $0x80, v4, vm0, $0xb8;
	[tilespmem:$0x18200] =	vst v63  }
0x63: {  	s19 =	simm.s32 $0xD200;
	v3 =	vadd.s32 v1, v3  }
0x64: {  	[tilespmem:s19], [sflag:$0x2] =	stream.indirect_vreg.gather [hbm4b:s8+s4], $0x80, v4, vm0, $0xb8;
	[tilespmem:$0x18200] =	vst v63  }
0x65: {  	s20 =	simm.s32 $0xDA00  }
0x66: {  	[tilespmem:s20], [sflag:$0x2] =	stream.indirect_vreg.gather [hbm4b:s9+s4], $0x80, v4, vm0, $0xb8;
	[tilespmem:$0x18200] =	vst v63  }
0x67: {  	s21 =	simm.s32 $0xE200  }
0x68: {  	[tilespmem:s21], [sflag:$0x2] =	stream.indirect_vreg.gather [hbm4b:s1+s4], $0x80, v3, vm0, $0xb8;
	[tilespmem:$0x18200] =	vst v63  }
0x69: {  	s22 =	simm.s32 $0xEA00  }
0x6a: {  	[tilespmem:s22], [sflag:$0x2] =	stream.indirect_vreg.gather [hbm4b:s7+s4], $0x80, v3, vm0, $0xb8;
	[tilespmem:$0x18200] =	vst v63  }
0x6b: {  	s23 =	simm.s32 $0xF200  }
0x6c: {  	[tilespmem:s23], [sflag:$0x2] =	stream.indirect_vreg.gather [hbm4b:s8+s4], $0x80, v3, vm0, $0xb8;
	[tilespmem:$0x18200] =	vst v63  }
0x6d: {  	s24 =	simm.s32 $0xFA00  }
0x6e: {  	[tilespmem:s24], [sflag:$0x2] =	stream.indirect_vreg.gather [hbm4b:s9+s4], $0x80, v3, vm0, $0xb8;
	[tilespmem:$0x18200] =	vst v63  }
0x6f: {  	v3 =	vld [tilespmem:$0x40];
	_ =	sdelay $0x4  }
0x70: {  	v62 =	vshll.u32 v3, $0x3  }
0x71: {  	v3 =	vand.u32 $0x7, v3;
	v4 =	vand.u32 $0xFFFFFFC0, v62  }
0x72: {  	v3 =	vor.u32 v3, v4  }
0x73: {  	v4 =	vperm.xlane v3, v0;
	_ =	sdelay $0x1  }
0x74: {  	v4 =	vadd.s32 v1, v4;
	_ =	sdelay $0x4  }
0x75: {  	[tilespmem:s14], [sflag:$0x3] =	stream.indirect_vreg.gather [hbm4b:s1+s4], $0x80, v4, vm0, $0xb8;
	[tilespmem:$0x18200] =	vst v63  }
0x76: {  	s25 =	simm.s32 $0x10A00;
	v3 =	vperm.xlane v3, v2  }
0x77: {  	[tilespmem:s25], [sflag:$0x3] =	stream.indirect_vreg.gather [hbm4b:s7+s4], $0x80, v4, vm0, $0xb8;
	[tilespmem:$0x18200] =	vst v63  }
0x78: {  	s19 =	simm.s32 $0x11200;
	v3 =	vadd.s32 v1, v3  }
0x79: {  	[tilespmem:s19], [sflag:$0x3] =	stream.indirect_vreg.gather [hbm4b:s8+s4], $0x80, v4, vm0, $0xb8;
	[tilespmem:$0x18200] =	vst v63  }
0x7a: {  	s20 =	simm.s32 $0x11A00  }
0x7b: {  	[tilespmem:s20], [sflag:$0x3] =	stream.indirect_vreg.gather [hbm4b:s9+s4], $0x80, v4, vm0, $0xb8;
	[tilespmem:$0x18200] =	vst v63  }
0x7c: {  	s21 =	simm.s32 $0x12200  }
0x7d: {  	[tilespmem:s21], [sflag:$0x3] =	stream.indirect_vreg.gather [hbm4b:s1+s4], $0x80, v3, vm0, $0xb8;
	[tilespmem:$0x18200] =	vst v63  }
0x7e: {  	s22 =	simm.s32 $0x12A00  }
0x7f: {  	[tilespmem:s22], [sflag:$0x3] =	stream.indirect_vreg.gather [hbm4b:s7+s4], $0x80, v3, vm0, $0xb8;
	[tilespmem:$0x18200] =	vst v63  }
0x80: {  	s23 =	simm.s32 $0x13200  }
0x81: {  	[tilespmem:s23], [sflag:$0x3] =	stream.indirect_vreg.gather [hbm4b:s8+s4], $0x80, v3, vm0, $0xb8;
	[tilespmem:$0x18200] =	vst v63  }
0x82: {  	s24 =	simm.s32 $0x13A00  }
0x83: {  	[tilespmem:s24], [sflag:$0x3] =	stream.indirect_vreg.gather [hbm4b:s9+s4], $0x80, v3, vm0, $0xb8;
	[tilespmem:$0x18200] =	vst v63  }
0x84: {  	v3 =	vld [tilespmem:$0x50];
	_ =	sdelay $0x4  }
0x85: {  	v63 =	vshll.u32 v3, $0x3  }
0x86: {  	v3 =	vand.u32 $0x7, v3;
	v4 =	vand.u32 $0xFFFFFFC0, v63  }
0x87: {  	v3 =	vor.u32 v3, v4  }
0x88: {  	v4 =	vperm.xlane v3, v0;
	_ =	sdelay $0x1  }
0x89: {  	v4 =	vadd.s32 v1, v4;
	_ =	sdelay $0x3  }
0x8a: {  	s25 =	simm.s32 $0x14200  }
0x8b: {  	[tilespmem:s25], [sflag:$0x3] =	stream.indirect_vreg.gather [hbm4b:s1+s4], $0x80, v4, vm0, $0xb8;
	[tilespmem:$0x18200] =	vst v63  }
0x8c: {  	s19 =	simm.s32 $0x14A00;
	v3 =	vperm.xlane v3, v2  }
0x8d: {  	[tilespmem:s19], [sflag:$0x3] =	stream.indirect_vreg.gather [hbm4b:s7+s4], $0x80, v4, vm0, $0xb8;
	[tilespmem:$0x18200] =	vst v63  }
0x8e: {  	s20 =	simm.s32 $0x15200;
	v3 =	vadd.s32 v1, v3  }
0x8f: {  	[tilespmem:s20], [sflag:$0x3] =	stream.indirect_vreg.gather [hbm4b:s8+s4], $0x80, v4, vm0, $0xb8;
	[tilespmem:$0x18200] =	vst v63  }
0x90: {  	s21 =	simm.s32 $0x15A00  }
0x91: {  	[tilespmem:s21], [sflag:$0x3] =	stream.indirect_vreg.gather [hbm4b:s9+s4], $0x80, v4, vm0, $0xb8;
	[tilespmem:$0x18200] =	vst v63  }
0x92: {  	s22 =	simm.s32 $0x16200  }
0x93: {  	[tilespmem:s22], [sflag:$0x3] =	stream.indirect_vreg.gather [hbm4b:s1+s4], $0x80, v3, vm0, $0xb8;
	[tilespmem:$0x18200] =	vst v63  }
0x94: {  	s23 =	simm.s32 $0x16A00  }
0x95: {  	[tilespmem:s23], [sflag:$0x3] =	stream.indirect_vreg.gather [hbm4b:s7+s4], $0x80, v3, vm0, $0xb8;
	[tilespmem:$0x18200] =	vst v63  }
0x96: {  	s24 =	simm.s32 $0x17200  }
0x97: {  	[tilespmem:s24], [sflag:$0x3] =	stream.indirect_vreg.gather [hbm4b:s8+s4], $0x80, v3, vm0, $0xb8;
	[tilespmem:$0x18200] =	vst v63  }
0x98: {  	s18 =	simm.s32 $0x0;
	s25 =	simm.s32 $0x17A00  }
0x99: {  	[tilespmem:s25], [sflag:$0x3] =	stream.indirect_vreg.gather [hbm4b:s9+s4], $0x80, v3, vm0, $0xb8;
	[tilespmem:$0x18200] =	vst v63  }
.LBB2_2:
0x9a: {  	_ =	swait.ge [sflag:s6], $0x8000  }
0x9b: {  	s19 =	simm.s32 $0x0;
	s20 =	simm.s32 $0xFFFF8000;
	[sflag:s6] =	ssyncset.done $0x0  }
0x9c: {  	s21 =	simm.s32 $0x0;
	s22 =	simm.s32 $0x0;
	[sflag:s6] =	ssyncadd.s32 $0xFFFF8000  }
.LBB2_3:
0x9d: {  	s23 =	sadd.s32 $0x8000, s20  }
0x9e: {  	s24 =	sand.u32 $0x380, s22;
	s23 =	sand.u32 $0x6000, s23  }
0x9f: {  	s23 =	sor.u32 s24, s23  }
0xa0: {  	v3 =	vld [tilespmem:s23+$0x200]  }
0xa1: {  	v4 =	vld [tilespmem:s23+$0x210]  }
0xa2: {  	v6 =	vld [tilespmem:s23+$0x230]  }
0xa3: {  	v8 =	vld [tilespmem:s23+$0x260]  }
0xa4: {  	v5 =	vld [tilespmem:s23+$0x220]  }
0xa5: {  	v43 =	vld [tilespmem:s23+$0x600];
	v3 =	vmul.f32 $3.200000000e+01, v3  }
0xa6: {  	v7 =	vld [tilespmem:s23+$0x250];
	v4 =	vmul.f32 $3.200000000e+01, v4  }
0xa7: {  	v46 =	vld [tilespmem:s23+$0x620];
	v44 =	vmul.f32 $3.200000000e+01, v6;
	[tilespmem:s23+$0x200] =	vst v3  }
0xa8: {  	v9 =	vld [tilespmem:s23+$0x270];
	v47 =	vmul.f32 $3.200000000e+01, v8;
	[tilespmem:s23+$0x210] =	vst v4  }
0xa9: {  	v49 =	vld [tilespmem:s23+$0x650];
	v3 =	vmul.f32 $3.200000000e+01, v5;
	[tilespmem:s23+$0x230] =	vst v44  }
0xaa: {  	v45 =	vld [tilespmem:s23+$0x610];
	v50 =	vmul.f32 $3.200000000e+01, v43;
	[tilespmem:s23+$0x260] =	vst v47  }
0xab: {  	v52 =	vld [tilespmem:s23+$0x670];
	[tilespmem:s23+$0x220] =	vst v3;
	v3 =	vmul.f32 $3.200000000e+01, v7  }
0xac: {  	v48 =	vld [tilespmem:s23+$0x630];
	v53 =	vmul.f32 $3.200000000e+01, v46;
	[tilespmem:s23+$0x600] =	vst v50  }
0xad: {  	v55 =	vld [tilespmem:s23+$0xA10];
	[tilespmem:s23+$0x250] =	vst v3;
	v3 =	vmul.f32 $3.200000000e+01, v9  }
0xae: {  	v51 =	vld [tilespmem:s23+$0x660];
	v56 =	vmul.f32 $3.200000000e+01, v49;
	[tilespmem:s23+$0x620] =	vst v53  }
0xaf: {  	v58 =	vld [tilespmem:s23+$0xA30];
	[tilespmem:s23+$0x270] =	vst v3;
	v3 =	vmul.f32 $3.200000000e+01, v45  }
0xb0: {  	v54 =	vld [tilespmem:s23+$0xA00];
	v59 =	vmul.f32 $3.200000000e+01, v52;
	[tilespmem:s23+$0x650] =	vst v56  }
0xb1: {  	v61 =	vld [tilespmem:s23+$0xA60];
	[tilespmem:s23+$0x610] =	vst v3;
	v3 =	vmul.f32 $3.200000000e+01, v48  }
0xb2: {  	v57 =	vld [tilespmem:s23+$0xA20];
	v62 =	vmul.f32 $3.200000000e+01, v55;
	[tilespmem:s23+$0x670] =	vst v59  }
0xb3: {  	v12 =	vld [tilespmem:s23+$0xE00];
	[tilespmem:s23+$0x630] =	vst v3;
	v3 =	vmul.f32 $3.200000000e+01, v51  }
0xb4: {  	v60 =	vld [tilespmem:s23+$0xA50];
	v13 =	vmul.f32 $3.200000000e+01, v58;
	[tilespmem:s23+$0xA10] =	vst v62  }
0xb5: {  	v15 =	vld [tilespmem:s23+$0xE20];
	[tilespmem:s23+$0x660] =	vst v3;
	v3 =	vmul.f32 $3.200000000e+01, v54  }
0xb6: {  	v63 =	vld [tilespmem:s23+$0xA70];
	v16 =	vmul.f32 $3.200000000e+01, v61;
	[tilespmem:s23+$0xA30] =	vst v13  }
0xb7: {  	v18 =	vld [tilespmem:s23+$0xE50];
	[tilespmem:s23+$0xA00] =	vst v3;
	v3 =	vmul.f32 $3.200000000e+01, v57  }
0xb8: {  	v14 =	vld [tilespmem:s23+$0xE10];
	v19 =	vmul.f32 $3.200000000e+01, v12;
	[tilespmem:s23+$0xA60] =	vst v16  }
0xb9: {  	v21 =	vld [tilespmem:s23+$0xE70];
	[tilespmem:s23+$0xA20] =	vst v3;
	v3 =	vmul.f32 $3.200000000e+01, v60  }
0xba: {  	v17 =	vld [tilespmem:s23+$0xE30];
	v22 =	vmul.f32 $3.200000000e+01, v15;
	[tilespmem:s23+$0xE00] =	vst v19  }
0xbb: {  	v24 =	vld [tilespmem:s23+$0x1210];
	[tilespmem:s23+$0xA50] =	vst v3;
	v3 =	vmul.f32 $3.200000000e+01, v63  }
0xbc: {  	v20 =	vld [tilespmem:s23+$0xE60];
	v25 =	vmul.f32 $3.200000000e+01, v18;
	[tilespmem:s23+$0xE20] =	vst v22  }
0xbd: {  	v27 =	vld [tilespmem:s23+$0x1230];
	[tilespmem:s23+$0xA70] =	vst v3;
	v3 =	vmul.f32 $3.200000000e+01, v14  }
0xbe: {  	v23 =	vld [tilespmem:s23+$0x1200];
	v28 =	vmul.f32 $3.200000000e+01, v21;
	[tilespmem:s23+$0xE50] =	vst v25  }
0xbf: {  	v30 =	vld [tilespmem:s23+$0x1260];
	[tilespmem:s23+$0xE10] =	vst v3;
	v3 =	vmul.f32 $3.200000000e+01, v17  }
0xc0: {  	v26 =	vld [tilespmem:s23+$0x1220];
	v31 =	vmul.f32 $3.200000000e+01, v24;
	[tilespmem:s23+$0xE70] =	vst v28  }
0xc1: {  	v33 =	vld [tilespmem:s23+$0x1600];
	[tilespmem:s23+$0xE30] =	vst v3;
	v3 =	vmul.f32 $3.200000000e+01, v20  }
0xc2: {  	v29 =	vld [tilespmem:s23+$0x1250];
	v34 =	vmul.f32 $3.200000000e+01, v27;
	[tilespmem:s23+$0x1210] =	vst v31  }
0xc3: {  	v36 =	vld [tilespmem:s23+$0x1620];
	[tilespmem:s23+$0xE60] =	vst v3;
	v3 =	vmul.f32 $3.200000000e+01, v23  }
0xc4: {  	v32 =	vld [tilespmem:s23+$0x1270];
	v37 =	vmul.f32 $3.200000000e+01, v30;
	[tilespmem:s23+$0x1230] =	vst v34  }
0xc5: {  	v39 =	vld [tilespmem:s23+$0x1650];
	[tilespmem:s23+$0x1200] =	vst v3;
	v3 =	vmul.f32 $3.200000000e+01, v26  }
0xc6: {  	v35 =	vld [tilespmem:s23+$0x1610];
	v40 =	vmul.f32 $3.200000000e+01, v33;
	[tilespmem:s23+$0x1260] =	vst v37  }
0xc7: {  	v42 =	vld [tilespmem:s23+$0x1670];
	[tilespmem:s23+$0x1220] =	vst v3;
	v3 =	vmul.f32 $3.200000000e+01, v29  }
0xc8: {  	v38 =	vld [tilespmem:s23+$0x1630];
	v43 =	vmul.f32 $3.200000000e+01, v36;
	[tilespmem:s23+$0x1600] =	vst v40  }
0xc9: {  	v47 =	vld [tilespmem:s23+$0x1A20];
	[tilespmem:s23+$0x1250] =	vst v3;
	v3 =	vmul.f32 $3.200000000e+01, v32  }
0xca: {  	v41 =	vld [tilespmem:s23+$0x1660];
	v46 =	vmul.f32 $3.200000000e+01, v39;
	[tilespmem:s23+$0x1620] =	vst v43  }
0xcb: {  	v50 =	vld [tilespmem:s23+$0x1A50];
	[tilespmem:s23+$0x1270] =	vst v3;
	v3 =	vmul.f32 $3.200000000e+01, v35  }
0xcc: {  	v49 =	vmul.f32 $3.200000000e+01, v42;
	v44 =	vld [tilespmem:s23+$0x1A00];
	[tilespmem:s23+$0x1650] =	vst v46  }
0xcd: {  	v53 =	vld [tilespmem:s23+$0x1A70];
	[tilespmem:s23+$0x1610] =	vst v3;
	v3 =	vmul.f32 $3.200000000e+01, v38  }
0xce: {  	[tilespmem:s23+$0x1670] =	vst v49;
	v7 =	vmul.f32 $3.200000000e+01, v47;
	v45 =	vld [tilespmem:s23+$0x1A10]  }
0xcf: {  	v48 =	vld [tilespmem:s23+$0x1A30];
	[tilespmem:s23+$0x1630] =	vst v3;
	v3 =	vmul.f32 $3.200000000e+01, v41  }
0xd0: {  	v9 =	vmul.f32 $3.200000000e+01, v50;
	[tilespmem:s23+$0x1A20] =	vst v7;
	v51 =	vld [tilespmem:s23+$0x1A60]  }
0xd1: {  	[tilespmem:s23+$0x1660] =	vst v3;
	v3 =	vmul.f32 $3.200000000e+01, v44  }
0xd2: {  	v58 =	vld [tilespmem:s23+$0x1640];
	v6 =	vmul.f32 $3.200000000e+01, v53;
	[tilespmem:s23+$0x1A50] =	vst v9  }
0xd3: {  	v52 =	vmul.f32 $3.200000000e+01, v45;
	[tilespmem:s23+$0x1A00] =	vst v3;
	v3 =	vld [tilespmem:s23+$0x240]  }
0xd4: {  	s25 =	sand.u32 $0x7, s19;
	v56 =	vld [tilespmem:s23+$0xE40];
	[tilespmem:s23+$0x1A70] =	vst v6;
	v8 =	vmul.f32 $3.200000000e+01, v48  }
0xd5: {  	s24 =	sshll.u32 s25, $0x7;
	v55 =	vld [tilespmem:s23+$0xA40];
	[tilespmem:s23+$0x1A10] =	vst v52;
	v5 =	vmul.f32 $3.200000000e+01, v51  }
0xd6: {  	s24 =	sadd.s32 s24, s21;
	v54 =	vld [tilespmem:s23+$0x640];
	[tilespmem:s23+$0x1A30] =	vst v8  }
0xd7: {  	s25 =	sor.u32 $0x1C00, s24;
	v62 =	vmul.f32 $3.200000000e+01, v58;
	v57 =	vld [tilespmem:s23+$0x1240];
	[tilespmem:s23+$0x1A60] =	vst v5  }
0xd8: {  	v60 =	vld [tilespmem:s25+$0x200];
	v3 =	vmul.f32 $3.200000000e+01, v3  }
0xd9: {  	v59 =	vld [tilespmem:s23+$0x1A40];
	v61 =	vmul.f32 $3.200000000e+01, v56;
	[tilespmem:s23+$0x1640] =	vst v62  }
0xda: {  	[tilespmem:s23+$0x240] =	vst v3;
	v3 =	vmul.f32 $3.200000000e+01, v55  }
0xdb: {  	[tilespmem:s23+$0xE40] =	vst v61;
	v4 =	vmul.f32 $3.200000000e+01, v54  }
0xdc: {  	[tilespmem:s23+$0xA40] =	vst v3;
	v3 =	vmul.f32 $3.200000000e+01, v57  }
0xdd: {  	[tilespmem:s23+$0x640] =	vst v4;
	v63 =	vmul.f32 $3.200000000e+01, v60  }
0xde: {  	[tilespmem:s23+$0x1240] =	vst v3;
	v3 =	vmul.f32 $3.200000000e+01, v59  }
0xdf: {  	[tilespmem:s25+$0x200] =	vst v63  }
0xe0: {  	s25 =	sor.u32 $0x1C10, s24;
	[tilespmem:s23+$0x1A40] =	vst v3  }
0xe1: {  	v3 =	vld [tilespmem:s25+$0x200];
	_ =	sdelay $0x4  }
0xe2: {  	v3 =	vmul.f32 $3.200000000e+01, v3;
	_ =	sdelay $0x1  }
0xe3: {  	[tilespmem:s25+$0x200] =	vst v3;
	s25 =	sor.u32 $0x1C20, s24  }
0xe4: {  	v3 =	vld [tilespmem:s25+$0x200];
	_ =	sdelay $0x4  }
0xe5: {  	v3 =	vmul.f32 $3.200000000e+01, v3;
	_ =	sdelay $0x1  }
0xe6: {  	[tilespmem:s25+$0x200] =	vst v3;
	s25 =	sor.u32 $0x1C30, s24  }
0xe7: {  	v3 =	vld [tilespmem:s25+$0x200];
	_ =	sdelay $0x4  }
0xe8: {  	v3 =	vmul.f32 $3.200000000e+01, v3;
	_ =	sdelay $0x1  }
0xe9: {  	[tilespmem:s25+$0x200] =	vst v3;
	s25 =	sor.u32 $0x1C40, s24  }
0xea: {  	v3 =	vld [tilespmem:s25+$0x200];
	_ =	sdelay $0x4  }
0xeb: {  	v3 =	vmul.f32 $3.200000000e+01, v3;
	_ =	sdelay $0x1  }
0xec: {  	[tilespmem:s25+$0x200] =	vst v3;
	s25 =	sor.u32 $0x1C50, s24  }
0xed: {  	v3 =	vld [tilespmem:s25+$0x200];
	_ =	sdelay $0x4  }
0xee: {  	v3 =	vmul.f32 $3.200000000e+01, v3;
	_ =	sdelay $0x1  }
0xef: {  	[tilespmem:s25+$0x200] =	vst v3;
	s25 =	sor.u32 $0x1C60, s24  }
0xf0: {  	v3 =	vld [tilespmem:s25+$0x200];
	_ =	sdelay $0x4  }
0xf1: {  	v3 =	vmul.f32 $3.200000000e+01, v3;
	_ =	sdelay $0x1  }
0xf2: {  	[tilespmem:s25+$0x200] =	vst v3;
	s25 =	sor.u32 $0x1C70, s24  }
0xf3: {  	v3 =	vld [tilespmem:s25+$0x200];
	_ =	sdelay $0x1  }
0xf4: {  	p0 =	sne.s32 s22, $0xF80  }
.Ltmp0:
0xf5: {  	_ = 	snop;
	(pc) =	sbr.rel @p0 .LBB2_3-.Ltmp0, $4  }
0xf6: {  	_ = 	snop  }
0xf7: {  	v3 =	vmul.f32 $3.200000000e+01, v3  }
0xf8: {  	s19 =	sadd.s32 $0x1, s19  }
0xf9: {  	s20 =	sadd.s32 $0x400, s20;
	s22 =	sadd.s32 $0x80, s22;
	s21 =	sadd.s32 $0x400, s21;
	[tilespmem:s25+$0x200] =	vst v3  }
0xfa: {  	s19 =	smul.u32 $0x60, s18;
	_ =	sdelay $0x1  }
0xfb: {  	s20 =	sadd.s32 s5, s19  }
0xfc: {  	s20 =	sshll.u32 s20, $0x7  }
0xfd: {  	p0 =	seq.s32 s18, $0x0;
	s20 =	sadd.s32 s3, s20  }
0xfe: {  	[hbm4b:s20+s4] =	stream.linear.scatter [tilespmem:s15], [sflag:$0x4], $0x8000, $0x38;
	[tilespmem:$0x18200] =	vst v63  }
0xff: {  	s20 =	simm.s32 @!p0 $0x6  }
0x100: {  	s21 =	smul.u32 @!p0 $0x180, s18;
	_ =	swait.ge @!p0 [sflag:s20], $0x8000  }
0x101: {  	[sflag:s20] =	ssyncset.done @!p0 $0x0  }
0x102: {  	[sflag:s20] =	ssyncadd.s32 @!p0 $0xFFFF8000;
	s20 =	sshra.s32 @!p0 s21, $0x2  }
0x103: {  	v3 =	vld @!p0 [tilespmem:s20+$0x40];
	_ =	sdelay $0x4  }
0x104: {  	v4 =	vshll.u32 @!p0 v3, $0x3  }
0x105: {  	v5 =	vlaneseq.u32 @!p0;
	v3 =	vand.u32 @!p0 $0x7, v3;
	v4 =	vand.u32 @!p0 $0xFFFFFFC0, v4  }
0x106: {  	v6 =	vshrl.u32 @!p0 v5, $0x3;
	v3 =	vor.u32 @!p0 v3, v4;
	v4 =	vand.u32 @!p0 $0x7, v5  }
0x107: {  	v6 =	vmul.u32 @!p0 $0x8, v6;
	v7 =	vperm.xlane @!p0 v3, v4;
	_ =	sdelay $0x1  }
0x108: {  	v7 =	vadd.s32 @!p0 v6, v7;
	_ =	sdelay $0x3  }
0x109: {  	vm1 =	vmmov @!p0 $0xffff;
	s22 =	simm.s32 @!p0 $0x10200;
	s21 =	simm.s32 @!p0 $0x0  }
0x10a: {  	v5 =	vor.u32 @!p0 $0x8, v5;
	[tilespmem:s22], [sflag:$0x3] =	stream.indirect_vreg.gather @!p0 [hbm4b:s1+s21], $0x80, v7, vm1, $0xb8;
	[tilespmem:$0x18200] =	vst v63  }
0x10b: {  	v3 =	vperm.xlane @!p0 v3, v5;
	s22 =	simm.s32 @!p0 $0x10A00  }
0x10c: {  	[tilespmem:s22], [sflag:$0x3] =	stream.indirect_vreg.gather @!p0 [hbm4b:s7+s21], $0x80, v7, vm1, $0xb8;
	[tilespmem:$0x18200] =	vst v63  }
0x10d: {  	v3 =	vadd.s32 @!p0 v6, v3;
	s22 =	simm.s32 @!p0 $0x11200  }
0x10e: {  	[tilespmem:s22], [sflag:$0x3] =	stream.indirect_vreg.gather @!p0 [hbm4b:s8+s21], $0x80, v7, vm1, $0xb8;
	[tilespmem:$0x18200] =	vst v63  }
0x10f: {  	s22 =	simm.s32 @!p0 $0x11A00  }
0x110: {  	[tilespmem:s22], [sflag:$0x3] =	stream.indirect_vreg.gather @!p0 [hbm4b:s9+s21], $0x80, v7, vm1, $0xb8;
	[tilespmem:$0x18200] =	vst v63  }
0x111: {  	s22 =	simm.s32 @!p0 $0x12200  }
0x112: {  	[tilespmem:s22], [sflag:$0x3] =	stream.indirect_vreg.gather @!p0 [hbm4b:s1+s21], $0x80, v3, vm1, $0xb8;
	[tilespmem:$0x18200] =	vst v63  }
0x113: {  	s22 =	simm.s32 @!p0 $0x12A00  }
0x114: {  	[tilespmem:s22], [sflag:$0x3] =	stream.indirect_vreg.gather @!p0 [hbm4b:s7+s21], $0x80, v3, vm1, $0xb8;
	[tilespmem:$0x18200] =	vst v63  }
0x115: {  	s22 =	simm.s32 @!p0 $0x13200  }
0x116: {  	[tilespmem:s22], [sflag:$0x3] =	stream.indirect_vreg.gather @!p0 [hbm4b:s8+s21], $0x80, v3, vm1, $0xb8;
	[tilespmem:$0x18200] =	vst v63  }
0x117: {  	s22 =	simm.s32 @!p0 $0x13A00  }
0x118: {  	[tilespmem:s22], [sflag:$0x3] =	stream.indirect_vreg.gather @!p0 [hbm4b:s9+s21], $0x80, v3, vm1, $0xb8;
	[tilespmem:$0x18200] =	vst v63  }
0x119: {  	v3 =	vld @!p0 [tilespmem:s20+$0x50];
	_ =	sdelay $0x4  }
0x11a: {  	v7 =	vshll.u32 @!p0 v3, $0x3  }
0x11b: {  	v3 =	vand.u32 @!p0 $0x7, v3;
	v7 =	vand.u32 @!p0 $0xFFFFFFC0, v7  }
0x11c: {  	v3 =	vor.u32 @!p0 v3, v7  }
0x11d: {  	v4 =	vperm.xlane @!p0 v3, v4;
	_ =	sdelay $0x1  }
0x11e: {  	v4 =	vadd.s32 @!p0 v6, v4;
	_ =	sdelay $0x3  }
0x11f: {  	s20 =	simm.s32 @!p0 $0x14200  }
0x120: {  	[tilespmem:s20], [sflag:$0x3] =	stream.indirect_vreg.gather @!p0 [hbm4b:s1+s21], $0x80, v4, vm1, $0xb8;
	[tilespmem:$0x18200] =	vst v63  }
0x121: {  	v3 =	vperm.xlane @!p0 v3, v5;
	s20 =	simm.s32 @!p0 $0x14A00  }
0x122: {  	[tilespmem:s20], [sflag:$0x3] =	stream.indirect_vreg.gather @!p0 [hbm4b:s7+s21], $0x80, v4, vm1, $0xb8;
	[tilespmem:$0x18200] =	vst v63  }
0x123: {  	v3 =	vadd.s32 @!p0 v6, v3;
	s20 =	simm.s32 @!p0 $0x15200  }
0x124: {  	[tilespmem:s20], [sflag:$0x3] =	stream.indirect_vreg.gather @!p0 [hbm4b:s8+s21], $0x80, v4, vm1, $0xb8;
	[tilespmem:$0x18200] =	vst v63  }
0x125: {  	s20 =	simm.s32 @!p0 $0x15A00  }
0x126: {  	[tilespmem:s20], [sflag:$0x3] =	stream.indirect_vreg.gather @!p0 [hbm4b:s9+s21], $0x80, v4, vm1, $0xb8;
	[tilespmem:$0x18200] =	vst v63  }
0x127: {  	s20 =	simm.s32 @!p0 $0x16200  }
0x128: {  	[tilespmem:s20], [sflag:$0x3] =	stream.indirect_vreg.gather @!p0 [hbm4b:s1+s21], $0x80, v3, vm1, $0xb8;
	[tilespmem:$0x18200] =	vst v63  }
0x129: {  	s20 =	simm.s32 @!p0 $0x16A00  }
0x12a: {  	[tilespmem:s20], [sflag:$0x3] =	stream.indirect_vreg.gather @!p0 [hbm4b:s7+s21], $0x80, v3, vm1, $0xb8;
	[tilespmem:$0x18200] =	vst v63  }
0x12b: {  	s20 =	simm.s32 @!p0 $0x17200  }
0x12c: {  	[tilespmem:s20], [sflag:$0x3] =	stream.indirect_vreg.gather @!p0 [hbm4b:s8+s21], $0x80, v3, vm1, $0xb8;
	[tilespmem:$0x18200] =	vst v63  }
0x12d: {  	s20 =	simm.s32 @!p0 $0x17A00  }
0x12e: {  	[tilespmem:s20], [sflag:$0x3] =	stream.indirect_vreg.gather @!p0 [hbm4b:s9+s21], $0x80, v3, vm1, $0xb8;
	[tilespmem:$0x18200] =	vst v63  }
0x12f: {  	_ =	swait.ge [sflag:s12], $0x8000  }
0x130: {  	[sflag:s12] =	ssyncset.done $0x0  }
0x131: {  	s20 =	simm.s32 $0x0;
	s21 =	simm.s32 $0x0;
	[sflag:s12] =	ssyncadd.s32 $0xFFFF8000  }
.LBB2_5:
0x132: {  	s23 =	sand.u32 $0x6000, s21;
	s22 =	sand.u32 $0x380, s20  }
0x133: {  	s22 =	sor.u32 s22, s23  }
0x134: {  	v3 =	vld [tilespmem:s22+$0x8200]  }
0x135: {  	v4 =	vld [tilespmem:s22+$0x8210]  }
0x136: {  	v5 =	vld [tilespmem:s22+$0x8220]  }
0x137: {  	v6 =	vld [tilespmem:s22+$0x8230]  }
0x138: {  	v7 =	vld [tilespmem:s22+$0x8240]  }
0x139: {  	v8 =	vld [tilespmem:s22+$0x8250];
	v3 =	vmul.f32 $3.200000000e+01, v3  }
0x13a: {  	v9 =	vld [tilespmem:s22+$0x8260];
	v4 =	vmul.f32 $3.200000000e+01, v4  }
0x13b: {  	v41 =	vld [tilespmem:s22+$0x8270];
	[tilespmem:s22+$0x8200] =	vst v3;
	v3 =	vmul.f32 $3.200000000e+01, v5  }
0x13c: {  	v43 =	vld [tilespmem:s22+$0x8600];
	v42 =	vmul.f32 $3.200000000e+01, v6;
	[tilespmem:s22+$0x8210] =	vst v4  }
0x13d: {  	v44 =	vld [tilespmem:s22+$0x8610];
	[tilespmem:s22+$0x8220] =	vst v3;
	v3 =	vmul.f32 $3.200000000e+01, v7  }
0x13e: {  	v46 =	vld [tilespmem:s22+$0x8620];
	v45 =	vmul.f32 $3.200000000e+01, v8;
	[tilespmem:s22+$0x8230] =	vst v42  }
0x13f: {  	v47 =	vld [tilespmem:s22+$0x8630];
	[tilespmem:s22+$0x8240] =	vst v3;
	v3 =	vmul.f32 $3.200000000e+01, v9  }
0x140: {  	v49 =	vld [tilespmem:s22+$0x8640];
	v48 =	vmul.f32 $3.200000000e+01, v41;
	[tilespmem:s22+$0x8250] =	vst v45  }
0x141: {  	v50 =	vld [tilespmem:s22+$0x8650];
	[tilespmem:s22+$0x8260] =	vst v3;
	v3 =	vmul.f32 $3.200000000e+01, v43  }
0x142: {  	v52 =	vld [tilespmem:s22+$0x8660];
	v51 =	vmul.f32 $3.200000000e+01, v44;
	[tilespmem:s22+$0x8270] =	vst v48  }
0x143: {  	v53 =	vld [tilespmem:s22+$0x8670];
	[tilespmem:s22+$0x8600] =	vst v3;
	v3 =	vmul.f32 $3.200000000e+01, v46  }
0x144: {  	v55 =	vld [tilespmem:s22+$0x8A00];
	v54 =	vmul.f32 $3.200000000e+01, v47;
	[tilespmem:s22+$0x8610] =	vst v51  }
0x145: {  	v56 =	vld [tilespmem:s22+$0x8A10];
	[tilespmem:s22+$0x8620] =	vst v3;
	v3 =	vmul.f32 $3.200000000e+01, v49  }
0x146: {  	v58 =	vld [tilespmem:s22+$0x8A20];
	v57 =	vmul.f32 $3.200000000e+01, v50;
	[tilespmem:s22+$0x8630] =	vst v54  }
0x147: {  	v59 =	vld [tilespmem:s22+$0x8A30];
	[tilespmem:s22+$0x8640] =	vst v3;
	v3 =	vmul.f32 $3.200000000e+01, v52  }
0x148: {  	v61 =	vld [tilespmem:s22+$0x8A50];
	v60 =	vmul.f32 $3.200000000e+01, v53;
	[tilespmem:s22+$0x8650] =	vst v57  }
0x149: {  	v62 =	vld [tilespmem:s22+$0x8A60];
	[tilespmem:s22+$0x8660] =	vst v3;
	v3 =	vmul.f32 $3.200000000e+01, v55  }
0x14a: {  	v10 =	vld [tilespmem:s22+$0x8A70];
	v63 =	vmul.f32 $3.200000000e+01, v56;
	[tilespmem:s22+$0x8670] =	vst v60  }
0x14b: {  	v11 =	vld [tilespmem:s22+$0x8A40];
	[tilespmem:s22+$0x8A00] =	vst v3;
	v3 =	vmul.f32 $3.200000000e+01, v58  }
0x14c: {  	v12 =	vmul.f32 $3.200000000e+01, v59;
	[tilespmem:s22+$0x8A10] =	vst v63  }
0x14d: {  	[tilespmem:s22+$0x8A20] =	vst v3;
	v3 =	vmul.f32 $3.200000000e+01, v61  }
0x14e: {  	v13 =	vmul.f32 $3.200000000e+01, v62;
	[tilespmem:s22+$0x8A30] =	vst v12  }
0x14f: {  	[tilespmem:s22+$0x8A50] =	vst v3;
	v3 =	vmul.f32 $3.200000000e+01, v10  }
0x150: {  	s23 =	sor.u32 s23, s20;
	v14 =	vmul.f32 $3.200000000e+01, v11;
	[tilespmem:s22+$0x8A60] =	vst v13  }
0x151: {  	s23 =	sor.u32 $0x8C00, s23;
	[tilespmem:s22+$0x8A70] =	vst v3  }
0x152: {  	[tilespmem:s22+$0x8A40] =	vst v14;
	v3 =	vld [tilespmem:s23+$0x200]  }
0x153: {  	v4 =	vld [tilespmem:s23+$0x210]  }
0x154: {  	v15 =	vld [tilespmem:s23+$0x230]  }
0x155: {  	v5 =	vld [tilespmem:s23+$0x220]  }
0x156: {  	v17 =	vld [tilespmem:s23+$0x250]  }
0x157: {  	v16 =	vld [tilespmem:s23+$0x240];
	v3 =	vmul.f32 $3.200000000e+01, v3  }
0x158: {  	v19 =	vld [tilespmem:s23+$0x270];
	v4 =	vmul.f32 $3.200000000e+01, v4  }
0x159: {  	v18 =	vld [tilespmem:s23+$0x260];
	v20 =	vmul.f32 $3.200000000e+01, v15;
	[tilespmem:s23+$0x200] =	vst v3  }
0x15a: {  	v3 =	vmul.f32 $3.200000000e+01, v5;
	[tilespmem:s23+$0x210] =	vst v4  }
0x15b: {  	v21 =	vmul.f32 $3.200000000e+01, v17;
	[tilespmem:s23+$0x230] =	vst v20  }
0x15c: {  	[tilespmem:s23+$0x220] =	vst v3;
	v3 =	vmul.f32 $3.200000000e+01, v16  }
0x15d: {  	v22 =	vmul.f32 $3.200000000e+01, v19;
	[tilespmem:s23+$0x250] =	vst v21  }
0x15e: {  	[tilespmem:s23+$0x240] =	vst v3;
	v3 =	vmul.f32 $3.200000000e+01, v18  }
0x15f: {  	[tilespmem:s23+$0x270] =	vst v22  }
0x160: {  	[tilespmem:s23+$0x260] =	vst v3  }
0x161: {  	v3 =	vld [tilespmem:s22+$0x9200]  }
0x162: {  	v4 =	vld [tilespmem:s22+$0x9210]  }
0x163: {  	v23 =	vld [tilespmem:s22+$0x9220]  }
0x164: {  	v24 =	vld [tilespmem:s22+$0x9230]  }
0x165: {  	v25 =	vld [tilespmem:s22+$0x9240]  }
0x166: {  	v26 =	vld [tilespmem:s22+$0x9250];
	v3 =	vmul.f32 $3.200000000e+01, v3  }
0x167: {  	v27 =	vld [tilespmem:s22+$0x9260];
	v4 =	vmul.f32 $3.200000000e+01, v4  }
0x168: {  	v28 =	vld [tilespmem:s22+$0x9270];
	[tilespmem:s22+$0x9200] =	vst v3;
	v3 =	vmul.f32 $3.200000000e+01, v23  }
0x169: {  	v30 =	vld [tilespmem:s22+$0x9600];
	v29 =	vmul.f32 $3.200000000e+01, v24;
	[tilespmem:s22+$0x9210] =	vst v4  }
0x16a: {  	v31 =	vld [tilespmem:s22+$0x9610];
	[tilespmem:s22+$0x9220] =	vst v3;
	v3 =	vmul.f32 $3.200000000e+01, v25  }
0x16b: {  	v33 =	vld [tilespmem:s22+$0x9620];
	v32 =	vmul.f32 $3.200000000e+01, v26;
	[tilespmem:s22+$0x9230] =	vst v29  }
0x16c: {  	v34 =	vld [tilespmem:s22+$0x9630];
	[tilespmem:s22+$0x9240] =	vst v3;
	v3 =	vmul.f32 $3.200000000e+01, v27  }
0x16d: {  	v36 =	vld [tilespmem:s22+$0x9640];
	v35 =	vmul.f32 $3.200000000e+01, v28;
	[tilespmem:s22+$0x9250] =	vst v32  }
0x16e: {  	v37 =	vld [tilespmem:s22+$0x9650];
	[tilespmem:s22+$0x9260] =	vst v3;
	v3 =	vmul.f32 $3.200000000e+01, v30  }
0x16f: {  	v39 =	vld [tilespmem:s22+$0x9660];
	v38 =	vmul.f32 $3.200000000e+01, v31;
	[tilespmem:s22+$0x9270] =	vst v35  }
0x170: {  	v40 =	vld [tilespmem:s22+$0x9670];
	[tilespmem:s22+$0x9600] =	vst v3;
	v3 =	vmul.f32 $3.200000000e+01, v33  }
0x171: {  	v42 =	vld [tilespmem:s22+$0x9A00];
	v41 =	vmul.f32 $3.200000000e+01, v34;
	[tilespmem:s22+$0x9610] =	vst v38  }
0x172: {  	v43 =	vld [tilespmem:s22+$0x9A10];
	[tilespmem:s22+$0x9620] =	vst v3;
	v3 =	vmul.f32 $3.200000000e+01, v36  }
0x173: {  	v45 =	vld [tilespmem:s22+$0x9A20];
	v44 =	vmul.f32 $3.200000000e+01, v37;
	[tilespmem:s22+$0x9630] =	vst v41  }
0x174: {  	v46 =	vld [tilespmem:s22+$0x9A30];
	[tilespmem:s22+$0x9640] =	vst v3;
	v3 =	vmul.f32 $3.200000000e+01, v39  }
0x175: {  	v48 =	vld [tilespmem:s22+$0x9A50];
	v47 =	vmul.f32 $3.200000000e+01, v40;
	[tilespmem:s22+$0x9650] =	vst v44  }
0x176: {  	v49 =	vld [tilespmem:s22+$0x9A60];
	[tilespmem:s22+$0x9660] =	vst v3;
	v3 =	vmul.f32 $3.200000000e+01, v42  }
0x177: {  	v51 =	vld [tilespmem:s22+$0x9A70];
	v50 =	vmul.f32 $3.200000000e+01, v43;
	[tilespmem:s22+$0x9670] =	vst v47  }
0x178: {  	v52 =	vld [tilespmem:s22+$0x9A40];
	[tilespmem:s22+$0x9A00] =	vst v3;
	v3 =	vmul.f32 $3.200000000e+01, v45  }
0x179: {  	v53 =	vmul.f32 $3.200000000e+01, v46;
	[tilespmem:s22+$0x9A10] =	vst v50  }
0x17a: {  	[tilespmem:s22+$0x9A20] =	vst v3;
	v3 =	vmul.f32 $3.200000000e+01, v48  }
0x17b: {  	v54 =	vmul.f32 $3.200000000e+01, v49;
	[tilespmem:s22+$0x9A30] =	vst v53  }
0x17c: {  	[tilespmem:s22+$0x9A50] =	vst v3;
	v3 =	vmul.f32 $3.200000000e+01, v51  }
0x17d: {  	s25 =	sor.u32 s21, s20;
	v55 =	vmul.f32 $3.200000000e+01, v52;
	[tilespmem:s22+$0x9A60] =	vst v54  }
0x17e: {  	s23 =	sor.u32 $0x9C00, s25;
	[tilespmem:s22+$0x9A70] =	vst v3  }
0x17f: {  	[tilespmem:s22+$0x9A40] =	vst v55;
	v3 =	vld [tilespmem:s23+$0x200]  }
0x180: {  	v4 =	vld [tilespmem:s23+$0x210]  }
0x181: {  	v56 =	vld [tilespmem:s23+$0x230]  }
0x182: {  	v5 =	vld [tilespmem:s23+$0x220]  }
0x183: {  	v58 =	vld [tilespmem:s23+$0x250]  }
0x184: {  	v57 =	vld [tilespmem:s23+$0x240];
	v3 =	vmul.f32 $3.200000000e+01, v3  }
0x185: {  	v60 =	vld [tilespmem:s23+$0x270];
	v4 =	vmul.f32 $3.200000000e+01, v4  }
0x186: {  	v59 =	vld [tilespmem:s23+$0x260];
	v61 =	vmul.f32 $3.200000000e+01, v56;
	[tilespmem:s23+$0x200] =	vst v3  }
0x187: {  	v3 =	vmul.f32 $3.200000000e+01, v5;
	[tilespmem:s23+$0x210] =	vst v4  }
0x188: {  	p0 =	sne.s32 s21, $0x7C00;
	v62 =	vmul.f32 $3.200000000e+01, v58;
	[tilespmem:s23+$0x230] =	vst v61  }
.Ltmp1:
0x189: {  	[tilespmem:s23+$0x220] =	vst v3;
	v3 =	vmul.f32 $3.200000000e+01, v57;
	(pc) =	sbr.rel @p0 .LBB2_5-.Ltmp1, $4  }
0x18a: {  	v63 =	vmul.f32 $3.200000000e+01, v60;
	[tilespmem:s23+$0x250] =	vst v62  }
0x18b: {  	[tilespmem:s23+$0x240] =	vst v3;
	v3 =	vmul.f32 $3.200000000e+01, v59  }
0x18c: {  	[tilespmem:s23+$0x270] =	vst v63  }
0x18d: {  	s21 =	sadd.s32 $0x400, s21;
	s20 =	sadd.s32 $0x80, s20;
	[tilespmem:s23+$0x260] =	vst v3  }
0x18e: {  	s20 =	sadd.s32 s19, s10  }
0x18f: {  	s20 =	sshll.u32 s20, $0x7  }
0x190: {  	s21 =	simm.s32 $0x0;
	s20 =	sadd.s32 s3, s20  }
0x191: {  	[hbm4b:s20+s21] =	stream.linear.scatter [tilespmem:s2], [sflag:$0x5], $0x8000, $0x38;
	[tilespmem:$0x18200] =	vst v63  }
0x192: {  	s23 =	smul.u32 $0x180, s18;
	_ =	swait.ge [sflag:s13], $0x8000  }
0x193: {  	[sflag:s13] =	ssyncset.done $0x0  }
0x194: {  	s20 =	sshra.s32 s23, $0x2;
	[sflag:s13] =	ssyncadd.s32 $0xFFFF8000  }
0x195: {  	v3 =	vld [tilespmem:s20+$0x60];
	_ =	sdelay $0x4  }
0x196: {  	v4 =	vshll.u32 v3, $0x3  }
0x197: {  	v3 =	vand.u32 $0x7, v3;
	v4 =	vand.u32 $0xFFFFFFC0, v4  }
0x198: {  	v3 =	vor.u32 v3, v4  }
0x199: {  	v4 =	vperm.xlane v3, v0;
	_ =	sdelay $0x1  }
0x19a: {  	v4 =	vadd.s32 v1, v4;
	_ =	sdelay $0x4  }
0x19b: {  	[tilespmem:s15], [sflag:$0x1] =	stream.indirect_vreg.gather [hbm4b:s1+s21], $0x80, v4, vm0, $0xb8;
	[tilespmem:$0x18200] =	vst v63  }
0x19c: {  	s22 =	simm.s32 $0xA00;
	v3 =	vperm.xlane v3, v2  }
0x19d: {  	[tilespmem:s22], [sflag:$0x1] =	stream.indirect_vreg.gather [hbm4b:s7+s21], $0x80, v4, vm0, $0xb8;
	[tilespmem:$0x18200] =	vst v63  }
0x19e: {  	s24 =	simm.s32 $0x1200;
	v3 =	vadd.s32 v1, v3  }
0x19f: {  	[tilespmem:s24], [sflag:$0x1] =	stream.indirect_vreg.gather [hbm4b:s8+s21], $0x80, v4, vm0, $0xb8;
	[tilespmem:$0x18200] =	vst v63  }
0x1a0: {  	s25 =	simm.s32 $0x1A00  }
0x1a1: {  	[tilespmem:s25], [sflag:$0x1] =	stream.indirect_vreg.gather [hbm4b:s9+s21], $0x80, v4, vm0, $0xb8;
	[tilespmem:$0x18200] =	vst v63  }
0x1a2: {  	s23 =	simm.s32 $0x2200  }
0x1a3: {  	[tilespmem:s23], [sflag:$0x1] =	stream.indirect_vreg.gather [hbm4b:s1+s21], $0x80, v3, vm0, $0xb8;
	[tilespmem:$0x18200] =	vst v63  }
0x1a4: {  	s24 =	simm.s32 $0x2A00  }
0x1a5: {  	[tilespmem:s24], [sflag:$0x1] =	stream.indirect_vreg.gather [hbm4b:s7+s21], $0x80, v3, vm0, $0xb8;
	[tilespmem:$0x18200] =	vst v63  }
0x1a6: {  	s25 =	simm.s32 $0x3200  }
0x1a7: {  	[tilespmem:s25], [sflag:$0x1] =	stream.indirect_vreg.gather [hbm4b:s8+s21], $0x80, v3, vm0, $0xb8;
	[tilespmem:$0x18200] =	vst v63  }
0x1a8: {  	s23 =	simm.s32 $0x3A00  }
0x1a9: {  	[tilespmem:s23], [sflag:$0x1] =	stream.indirect_vreg.gather [hbm4b:s9+s21], $0x80, v3, vm0, $0xb8;
	[tilespmem:$0x18200] =	vst v63  }
0x1aa: {  	v3 =	vld [tilespmem:s20+$0x70];
	_ =	sdelay $0x4  }
0x1ab: {  	v63 =	vshll.u32 v3, $0x3  }
0x1ac: {  	v3 =	vand.u32 $0x7, v3;
	v4 =	vand.u32 $0xFFFFFFC0, v63  }
0x1ad: {  	v3 =	vor.u32 v3, v4  }
0x1ae: {  	v4 =	vperm.xlane v3, v0;
	_ =	sdelay $0x1  }
0x1af: {  	v4 =	vadd.s32 v1, v4;
	_ =	sdelay $0x3  }
0x1b0: {  	s24 =	simm.s32 $0x4200  }
0x1b1: {  	[tilespmem:s24], [sflag:$0x1] =	stream.indirect_vreg.gather [hbm4b:s1+s21], $0x80, v4, vm0, $0xb8;
	[tilespmem:$0x18200] =	vst v63  }
0x1b2: {  	s25 =	simm.s32 $0x4A00;
	v3 =	vperm.xlane v3, v2  }
0x1b3: {  	[tilespmem:s25], [sflag:$0x1] =	stream.indirect_vreg.gather [hbm4b:s7+s21], $0x80, v4, vm0, $0xb8;
	[tilespmem:$0x18200] =	vst v63  }
0x1b4: {  	v3 =	vadd.s32 v1, v3  }
0x1b5: {  	[tilespmem:s26], [sflag:$0x1] =	stream.indirect_vreg.gather [hbm4b:s8+s21], $0x80, v4, vm0, $0xb8;
	[tilespmem:$0x18200] =	vst v63  }
0x1b6: {  	_ = 	snop  }
0x1b7: {  	[tilespmem:s28], [sflag:$0x1] =	stream.indirect_vreg.gather [hbm4b:s9+s21], $0x80, v4, vm0, $0xb8;
	[tilespmem:$0x18200] =	vst v63  }
0x1b8: {  	_ = 	snop  }
0x1b9: {  	[tilespmem:s29], [sflag:$0x1] =	stream.indirect_vreg.gather [hbm4b:s1+s21], $0x80, v3, vm0, $0xb8;
	[tilespmem:$0x18200] =	vst v63  }
0x1ba: {  	_ = 	snop  }
0x1bb: {  	[tilespmem:s30], [sflag:$0x1] =	stream.indirect_vreg.gather [hbm4b:s7+s21], $0x80, v3, vm0, $0xb8;
	[tilespmem:$0x18200] =	vst v63  }
0x1bc: {  	_ = 	snop  }
0x1bd: {  	[tilespmem:s31], [sflag:$0x1] =	stream.indirect_vreg.gather [hbm4b:s8+s21], $0x80, v3, vm0, $0xb8;
	[tilespmem:$0x18200] =	vst v63  }
0x1be: {  	_ = 	snop  }
0x1bf: {  	[tilespmem:s0], [sflag:$0x1] =	stream.indirect_vreg.gather [hbm4b:s9+s21], $0x80, v3, vm0, $0xb8;
	[tilespmem:$0x18200] =	vst v63  }
0x1c0: {  	_ =	swait.ge [sflag:s16], $0x8000  }
0x1c1: {  	[sflag:s16] =	ssyncset.done $0x0  }
0x1c2: {  	s22 =	simm.s32 $0x0;
	[sflag:s16] =	ssyncadd.s32 $0xFFFF8000  }
.LBB2_7:
0x1c3: {  	s24 =	sand.u32 $0x6000, s22;
	s23 =	sand.u32 $0x380, s21  }
0x1c4: {  	s23 =	sor.u32 s23, s24  }
0x1c5: {  	v3 =	vld [tilespmem:s23+$0x10200]  }
0x1c6: {  	v4 =	vld [tilespmem:s23+$0x10210]  }
0x1c7: {  	v5 =	vld [tilespmem:s23+$0x10220]  }
0x1c8: {  	v6 =	vld [tilespmem:s23+$0x10230]  }
0x1c9: {  	v7 =	vld [tilespmem:s23+$0x10240]  }
0x1ca: {  	v8 =	vld [tilespmem:s23+$0x10250];
	v3 =	vmul.f32 $3.200000000e+01, v3  }
0x1cb: {  	v9 =	vld [tilespmem:s23+$0x10260];
	v4 =	vmul.f32 $3.200000000e+01, v4  }
0x1cc: {  	v41 =	vld [tilespmem:s23+$0x10270];
	[tilespmem:s23+$0x10200] =	vst v3;
	v3 =	vmul.f32 $3.200000000e+01, v5  }
0x1cd: {  	v43 =	vld [tilespmem:s23+$0x10600];
	v42 =	vmul.f32 $3.200000000e+01, v6;
	[tilespmem:s23+$0x10210] =	vst v4  }
0x1ce: {  	v44 =	vld [tilespmem:s23+$0x10610];
	[tilespmem:s23+$0x10220] =	vst v3;
	v3 =	vmul.f32 $3.200000000e+01, v7  }
0x1cf: {  	v46 =	vld [tilespmem:s23+$0x10620];
	v45 =	vmul.f32 $3.200000000e+01, v8;
	[tilespmem:s23+$0x10230] =	vst v42  }
0x1d0: {  	v47 =	vld [tilespmem:s23+$0x10630];
	[tilespmem:s23+$0x10240] =	vst v3;
	v3 =	vmul.f32 $3.200000000e+01, v9  }
0x1d1: {  	v49 =	vld [tilespmem:s23+$0x10640];
	v48 =	vmul.f32 $3.200000000e+01, v41;
	[tilespmem:s23+$0x10250] =	vst v45  }
0x1d2: {  	v50 =	vld [tilespmem:s23+$0x10650];
	[tilespmem:s23+$0x10260] =	vst v3;
	v3 =	vmul.f32 $3.200000000e+01, v43  }
0x1d3: {  	v52 =	vld [tilespmem:s23+$0x10660];
	v51 =	vmul.f32 $3.200000000e+01, v44;
	[tilespmem:s23+$0x10270] =	vst v48  }
0x1d4: {  	v53 =	vld [tilespmem:s23+$0x10670];
	[tilespmem:s23+$0x10600] =	vst v3;
	v3 =	vmul.f32 $3.200000000e+01, v46  }
0x1d5: {  	v55 =	vld [tilespmem:s23+$0x10A00];
	v54 =	vmul.f32 $3.200000000e+01, v47;
	[tilespmem:s23+$0x10610] =	vst v51  }
0x1d6: {  	v56 =	vld [tilespmem:s23+$0x10A10];
	[tilespmem:s23+$0x10620] =	vst v3;
	v3 =	vmul.f32 $3.200000000e+01, v49  }
0x1d7: {  	v58 =	vld [tilespmem:s23+$0x10A20];
	v57 =	vmul.f32 $3.200000000e+01, v50;
	[tilespmem:s23+$0x10630] =	vst v54  }
0x1d8: {  	v59 =	vld [tilespmem:s23+$0x10A30];
	[tilespmem:s23+$0x10640] =	vst v3;
	v3 =	vmul.f32 $3.200000000e+01, v52  }
0x1d9: {  	v61 =	vld [tilespmem:s23+$0x10A50];
	v60 =	vmul.f32 $3.200000000e+01, v53;
	[tilespmem:s23+$0x10650] =	vst v57  }
0x1da: {  	v62 =	vld [tilespmem:s23+$0x10A60];
	[tilespmem:s23+$0x10660] =	vst v3;
	v3 =	vmul.f32 $3.200000000e+01, v55  }
0x1db: {  	v10 =	vld [tilespmem:s23+$0x10A70];
	v63 =	vmul.f32 $3.200000000e+01, v56;
	[tilespmem:s23+$0x10670] =	vst v60  }
0x1dc: {  	v11 =	vld [tilespmem:s23+$0x10A40];
	[tilespmem:s23+$0x10A00] =	vst v3;
	v3 =	vmul.f32 $3.200000000e+01, v58  }
0x1dd: {  	v12 =	vmul.f32 $3.200000000e+01, v59;
	[tilespmem:s23+$0x10A10] =	vst v63  }
0x1de: {  	[tilespmem:s23+$0x10A20] =	vst v3;
	v3 =	vmul.f32 $3.200000000e+01, v61  }
0x1df: {  	v13 =	vmul.f32 $3.200000000e+01, v62;
	[tilespmem:s23+$0x10A30] =	vst v12  }
0x1e0: {  	[tilespmem:s23+$0x10A50] =	vst v3;
	v3 =	vmul.f32 $3.200000000e+01, v10  }
0x1e1: {  	s24 =	sor.u32 s24, s21;
	v14 =	vmul.f32 $3.200000000e+01, v11;
	[tilespmem:s23+$0x10A60] =	vst v13  }
0x1e2: {  	s24 =	sor.u32 $0x10C00, s24;
	[tilespmem:s23+$0x10A70] =	vst v3  }
0x1e3: {  	[tilespmem:s23+$0x10A40] =	vst v14;
	v3 =	vld [tilespmem:s24+$0x200]  }
0x1e4: {  	v4 =	vld [tilespmem:s24+$0x210]  }
0x1e5: {  	v15 =	vld [tilespmem:s24+$0x230]  }
0x1e6: {  	v5 =	vld [tilespmem:s24+$0x220]  }
0x1e7: {  	v17 =	vld [tilespmem:s24+$0x250]  }
0x1e8: {  	v16 =	vld [tilespmem:s24+$0x240];
	v3 =	vmul.f32 $3.200000000e+01, v3  }
0x1e9: {  	v19 =	vld [tilespmem:s24+$0x270];
	v4 =	vmul.f32 $3.200000000e+01, v4  }
0x1ea: {  	v18 =	vld [tilespmem:s24+$0x260];
	v20 =	vmul.f32 $3.200000000e+01, v15;
	[tilespmem:s24+$0x200] =	vst v3  }
0x1eb: {  	v3 =	vmul.f32 $3.200000000e+01, v5;
	[tilespmem:s24+$0x210] =	vst v4  }
0x1ec: {  	v21 =	vmul.f32 $3.200000000e+01, v17;
	[tilespmem:s24+$0x230] =	vst v20  }
0x1ed: {  	[tilespmem:s24+$0x220] =	vst v3;
	v3 =	vmul.f32 $3.200000000e+01, v16  }
0x1ee: {  	v22 =	vmul.f32 $3.200000000e+01, v19;
	[tilespmem:s24+$0x250] =	vst v21  }
0x1ef: {  	[tilespmem:s24+$0x240] =	vst v3;
	v3 =	vmul.f32 $3.200000000e+01, v18  }
0x1f0: {  	[tilespmem:s24+$0x270] =	vst v22  }
0x1f1: {  	[tilespmem:s24+$0x260] =	vst v3  }
0x1f2: {  	v3 =	vld [tilespmem:s23+$0x11200]  }
0x1f3: {  	v4 =	vld [tilespmem:s23+$0x11210]  }
0x1f4: {  	v23 =	vld [tilespmem:s23+$0x11220]  }
0x1f5: {  	v24 =	vld [tilespmem:s23+$0x11230]  }
0x1f6: {  	v25 =	vld [tilespmem:s23+$0x11240]  }
0x1f7: {  	v26 =	vld [tilespmem:s23+$0x11250];
	v3 =	vmul.f32 $3.200000000e+01, v3  }
0x1f8: {  	v27 =	vld [tilespmem:s23+$0x11260];
	v4 =	vmul.f32 $3.200000000e+01, v4  }
0x1f9: {  	v28 =	vld [tilespmem:s23+$0x11270];
	[tilespmem:s23+$0x11200] =	vst v3;
	v3 =	vmul.f32 $3.200000000e+01, v23  }
0x1fa: {  	v30 =	vld [tilespmem:s23+$0x11600];
	v29 =	vmul.f32 $3.200000000e+01, v24;
	[tilespmem:s23+$0x11210] =	vst v4  }
0x1fb: {  	v31 =	vld [tilespmem:s23+$0x11610];
	[tilespmem:s23+$0x11220] =	vst v3;
	v3 =	vmul.f32 $3.200000000e+01, v25  }
0x1fc: {  	v33 =	vld [tilespmem:s23+$0x11620];
	v32 =	vmul.f32 $3.200000000e+01, v26;
	[tilespmem:s23+$0x11230] =	vst v29  }
0x1fd: {  	v34 =	vld [tilespmem:s23+$0x11630];
	[tilespmem:s23+$0x11240] =	vst v3;
	v3 =	vmul.f32 $3.200000000e+01, v27  }
0x1fe: {  	v36 =	vld [tilespmem:s23+$0x11640];
	v35 =	vmul.f32 $3.200000000e+01, v28;
	[tilespmem:s23+$0x11250] =	vst v32  }
0x1ff: {  	v37 =	vld [tilespmem:s23+$0x11650];
	[tilespmem:s23+$0x11260] =	vst v3;
	v3 =	vmul.f32 $3.200000000e+01, v30  }
0x200: {  	v39 =	vld [tilespmem:s23+$0x11660];
	v38 =	vmul.f32 $3.200000000e+01, v31;
	[tilespmem:s23+$0x11270] =	vst v35  }
0x201: {  	v40 =	vld [tilespmem:s23+$0x11670];
	[tilespmem:s23+$0x11600] =	vst v3;
	v3 =	vmul.f32 $3.200000000e+01, v33  }
0x202: {  	v42 =	vld [tilespmem:s23+$0x11A00];
	v41 =	vmul.f32 $3.200000000e+01, v34;
	[tilespmem:s23+$0x11610] =	vst v38  }
0x203: {  	v43 =	vld [tilespmem:s23+$0x11A10];
	[tilespmem:s23+$0x11620] =	vst v3;
	v3 =	vmul.f32 $3.200000000e+01, v36  }
0x204: {  	v45 =	vld [tilespmem:s23+$0x11A20];
	v44 =	vmul.f32 $3.200000000e+01, v37;
	[tilespmem:s23+$0x11630] =	vst v41  }
0x205: {  	v46 =	vld [tilespmem:s23+$0x11A30];
	[tilespmem:s23+$0x11640] =	vst v3;
	v3 =	vmul.f32 $3.200000000e+01, v39  }
0x206: {  	v48 =	vld [tilespmem:s23+$0x11A50];
	v47 =	vmul.f32 $3.200000000e+01, v40;
	[tilespmem:s23+$0x11650] =	vst v44  }
0x207: {  	v49 =	vld [tilespmem:s23+$0x11A60];
	[tilespmem:s23+$0x11660] =	vst v3;
	v3 =	vmul.f32 $3.200000000e+01, v42  }
0x208: {  	v51 =	vld [tilespmem:s23+$0x11A70];
	v50 =	vmul.f32 $3.200000000e+01, v43;
	[tilespmem:s23+$0x11670] =	vst v47  }
0x209: {  	v52 =	vld [tilespmem:s23+$0x11A40];
	[tilespmem:s23+$0x11A00] =	vst v3;
	v3 =	vmul.f32 $3.200000000e+01, v45  }
0x20a: {  	v53 =	vmul.f32 $3.200000000e+01, v46;
	[tilespmem:s23+$0x11A10] =	vst v50  }
0x20b: {  	[tilespmem:s23+$0x11A20] =	vst v3;
	v3 =	vmul.f32 $3.200000000e+01, v48  }
0x20c: {  	v54 =	vmul.f32 $3.200000000e+01, v49;
	[tilespmem:s23+$0x11A30] =	vst v53  }
0x20d: {  	[tilespmem:s23+$0x11A50] =	vst v3;
	v3 =	vmul.f32 $3.200000000e+01, v51  }
0x20e: {  	s25 =	sor.u32 s22, s21;
	v55 =	vmul.f32 $3.200000000e+01, v52;
	[tilespmem:s23+$0x11A60] =	vst v54  }
0x20f: {  	s24 =	sor.u32 $0x11C00, s25;
	[tilespmem:s23+$0x11A70] =	vst v3  }
0x210: {  	[tilespmem:s23+$0x11A40] =	vst v55;
	v3 =	vld [tilespmem:s24+$0x200]  }
0x211: {  	v4 =	vld [tilespmem:s24+$0x210]  }
0x212: {  	v56 =	vld [tilespmem:s24+$0x230]  }
0x213: {  	v5 =	vld [tilespmem:s24+$0x220]  }
0x214: {  	v58 =	vld [tilespmem:s24+$0x250]  }
0x215: {  	v57 =	vld [tilespmem:s24+$0x240];
	v3 =	vmul.f32 $3.200000000e+01, v3  }
0x216: {  	v60 =	vld [tilespmem:s24+$0x270];
	v4 =	vmul.f32 $3.200000000e+01, v4  }
0x217: {  	v59 =	vld [tilespmem:s24+$0x260];
	v61 =	vmul.f32 $3.200000000e+01, v56;
	[tilespmem:s24+$0x200] =	vst v3  }
0x218: {  	v3 =	vmul.f32 $3.200000000e+01, v5;
	[tilespmem:s24+$0x210] =	vst v4  }
0x219: {  	p0 =	sne.s32 s22, $0x7C00;
	v62 =	vmul.f32 $3.200000000e+01, v58;
	[tilespmem:s24+$0x230] =	vst v61  }
.Ltmp2:
0x21a: {  	[tilespmem:s24+$0x220] =	vst v3;
	v3 =	vmul.f32 $3.200000000e+01, v57;
	(pc) =	sbr.rel @p0 .LBB2_7-.Ltmp2, $4  }
0x21b: {  	v63 =	vmul.f32 $3.200000000e+01, v60;
	[tilespmem:s24+$0x250] =	vst v62  }
0x21c: {  	[tilespmem:s24+$0x240] =	vst v3;
	v3 =	vmul.f32 $3.200000000e+01, v59  }
0x21d: {  	[tilespmem:s24+$0x270] =	vst v63  }
0x21e: {  	s22 =	sadd.s32 $0x400, s22;
	s21 =	sadd.s32 $0x80, s21;
	[tilespmem:s24+$0x260] =	vst v3  }
0x21f: {  	s19 =	sadd.s32 s19, s11  }
0x220: {  	p0 =	seq.s32 s18, $0x4;
	s19 =	sshll.u32 s19, $0x7  }
.Ltmp3:
0x221: {  	s19 =	sadd.s32 s3, s19;
	(pc) =	sbr.rel @p0 .LBB2_10-.Ltmp3, $4  }
0x222: {  	[hbm4b:s19+s4] =	stream.linear.scatter [tilespmem:s14], [sflag:$0x6], $0x8000, $0x38;
	[tilespmem:$0x18200] =	vst v63  }
0x223: {  	_ =	swait.ge [sflag:s17], $0x8000  }
0x224: {  	[sflag:s17] =	ssyncset.done $0x0  }
0x225: {  	[sflag:s17] =	ssyncadd.s32 $0xFFFF8000  }
0x226: {  	v3 =	vld [tilespmem:s20+$0x80];
	_ =	sdelay $0x4  }
0x227: {  	v4 =	vshll.u32 v3, $0x3  }
0x228: {  	v3 =	vand.u32 $0x7, v3;
	v4 =	vand.u32 $0xFFFFFFC0, v4  }
0x229: {  	v3 =	vor.u32 v3, v4  }
0x22a: {  	v4 =	vperm.xlane v3, v0;
	_ =	sdelay $0x1  }
0x22b: {  	v4 =	vadd.s32 v1, v4;
	_ =	sdelay $0x4  }
0x22c: {  	[tilespmem:s2], [sflag:$0x2] =	stream.indirect_vreg.gather [hbm4b:s1+s4], $0x80, v4, vm0, $0xb8;
	[tilespmem:$0x18200] =	vst v63  }
0x22d: {  	s19 =	simm.s32 $0x8A00;
	v3 =	vperm.xlane v3, v2  }
0x22e: {  	[tilespmem:s19], [sflag:$0x2] =	stream.indirect_vreg.gather [hbm4b:s7+s4], $0x80, v4, vm0, $0xb8;
	[tilespmem:$0x18200] =	vst v63  }
0x22f: {  	s23 =	simm.s32 $0x9200;
	v3 =	vadd.s32 v1, v3  }
0x230: {  	[tilespmem:s23], [sflag:$0x2] =	stream.indirect_vreg.gather [hbm4b:s8+s4], $0x80, v4, vm0, $0xb8;
	[tilespmem:$0x18200] =	vst v63  }
0x231: {  	s24 =	simm.s32 $0x9A00  }
0x232: {  	[tilespmem:s24], [sflag:$0x2] =	stream.indirect_vreg.gather [hbm4b:s9+s4], $0x80, v4, vm0, $0xb8;
	[tilespmem:$0x18200] =	vst v63  }
0x233: {  	s25 =	simm.s32 $0xA200  }
0x234: {  	[tilespmem:s25], [sflag:$0x2] =	stream.indirect_vreg.gather [hbm4b:s1+s4], $0x80, v3, vm0, $0xb8;
	[tilespmem:$0x18200] =	vst v63  }
0x235: {  	s21 =	simm.s32 $0xAA00  }
0x236: {  	[tilespmem:s21], [sflag:$0x2] =	stream.indirect_vreg.gather [hbm4b:s7+s4], $0x80, v3, vm0, $0xb8;
	[tilespmem:$0x18200] =	vst v63  }
0x237: {  	s22 =	simm.s32 $0xB200  }
0x238: {  	[tilespmem:s22], [sflag:$0x2] =	stream.indirect_vreg.gather [hbm4b:s8+s4], $0x80, v3, vm0, $0xb8;
	[tilespmem:$0x18200] =	vst v63  }
0x239: {  	s23 =	simm.s32 $0xBA00  }
0x23a: {  	[tilespmem:s23], [sflag:$0x2] =	stream.indirect_vreg.gather [hbm4b:s9+s4], $0x80, v3, vm0, $0xb8;
	[tilespmem:$0x18200] =	vst v63  }
0x23b: {  	v3 =	vld [tilespmem:s20+$0x90];
	_ =	sdelay $0x4  }
0x23c: {  	v63 =	vshll.u32 v3, $0x3  }
0x23d: {  	v3 =	vand.u32 $0x7, v3;
	v4 =	vand.u32 $0xFFFFFFC0, v63  }
0x23e: {  	v3 =	vor.u32 v3, v4  }
0x23f: {  	v4 =	vperm.xlane v3, v0;
	_ =	sdelay $0x1  }
0x240: {  	v4 =	vadd.s32 v1, v4;
	_ =	sdelay $0x3  }
0x241: {  	s24 =	simm.s32 $0xC200  }
0x242: {  	[tilespmem:s24], [sflag:$0x2] =	stream.indirect_vreg.gather [hbm4b:s1+s4], $0x80, v4, vm0, $0xb8;
	[tilespmem:$0x18200] =	vst v63  }
0x243: {  	s25 =	simm.s32 $0xCA00;
	v3 =	vperm.xlane v3, v2  }
0x244: {  	[tilespmem:s25], [sflag:$0x2] =	stream.indirect_vreg.gather [hbm4b:s7+s4], $0x80, v4, vm0, $0xb8;
	[tilespmem:$0x18200] =	vst v63  }
0x245: {  	s20 =	simm.s32 $0xD200;
	v3 =	vadd.s32 v1, v3  }
0x246: {  	[tilespmem:s20], [sflag:$0x2] =	stream.indirect_vreg.gather [hbm4b:s8+s4], $0x80, v4, vm0, $0xb8;
	[tilespmem:$0x18200] =	vst v63  }
0x247: {  	s21 =	simm.s32 $0xDA00  }
0x248: {  	[tilespmem:s21], [sflag:$0x2] =	stream.indirect_vreg.gather [hbm4b:s9+s4], $0x80, v4, vm0, $0xb8;
	[tilespmem:$0x18200] =	vst v63  }
0x249: {  	s22 =	simm.s32 $0xE200  }
0x24a: {  	[tilespmem:s22], [sflag:$0x2] =	stream.indirect_vreg.gather [hbm4b:s1+s4], $0x80, v3, vm0, $0xb8;
	[tilespmem:$0x18200] =	vst v63  }
0x24b: {  	s23 =	simm.s32 $0xEA00  }
0x24c: {  	[tilespmem:s23], [sflag:$0x2] =	stream.indirect_vreg.gather [hbm4b:s7+s4], $0x80, v3, vm0, $0xb8;
	[tilespmem:$0x18200] =	vst v63  }
.Ltmp4:
0x24d: {  	_ = 	snop;
	(pc) =	sbr.rel .LBB2_2-.Ltmp4, $4  }
0x24e: {  	s24 =	simm.s32 $0xF200  }
0x24f: {  	[tilespmem:s24], [sflag:$0x2] =	stream.indirect_vreg.gather [hbm4b:s8+s4], $0x80, v3, vm0, $0xb8;
	[tilespmem:$0x18200] =	vst v63  }
0x250: {  	s18 =	sadd.s32 $0x1, s18;
	s25 =	simm.s32 $0xFA00  }
0x251: {  	[tilespmem:s25], [sflag:$0x2] =	stream.indirect_vreg.gather [hbm4b:s9+s4], $0x80, v3, vm0, $0xb8;
	[tilespmem:$0x18200] =	vst v63  }
.LBB2_10:
0x252: {  	_ =	swait.ge [sflag:s6], $0x8000  }
0x253: {  	s18 =	simm.s32 $0x0;
	s19 =	simm.s32 $0xFFFF8000;
	[sflag:s6] =	ssyncset.done $0x0  }
0x254: {  	s20 =	simm.s32 $0x0;
	s21 =	simm.s32 $0x0;
	[sflag:s6] =	ssyncadd.s32 $0xFFFF8000  }
.LBB2_11:
0x255: {  	s22 =	sadd.s32 $0x8000, s19  }
0x256: {  	s23 =	sand.u32 $0x380, s21;
	s22 =	sand.u32 $0x6000, s22  }
0x257: {  	s22 =	sor.u32 s23, s22  }
0x258: {  	v3 =	vld [tilespmem:s22+$0x200]  }
0x259: {  	v4 =	vld [tilespmem:s22+$0x210]  }
0x25a: {  	v6 =	vld [tilespmem:s22+$0x230]  }
0x25b: {  	v8 =	vld [tilespmem:s22+$0x260]  }
0x25c: {  	v5 =	vld [tilespmem:s22+$0x220]  }
0x25d: {  	v43 =	vld [tilespmem:s22+$0x600];
	v3 =	vmul.f32 $3.200000000e+01, v3  }
0x25e: {  	v7 =	vld [tilespmem:s22+$0x250];
	v4 =	vmul.f32 $3.200000000e+01, v4  }
0x25f: {  	v46 =	vld [tilespmem:s22+$0x620];
	v44 =	vmul.f32 $3.200000000e+01, v6;
	[tilespmem:s22+$0x200] =	vst v3  }
0x260: {  	v9 =	vld [tilespmem:s22+$0x270];
	v47 =	vmul.f32 $3.200000000e+01, v8;
	[tilespmem:s22+$0x210] =	vst v4  }
0x261: {  	v49 =	vld [tilespmem:s22+$0x650];
	v3 =	vmul.f32 $3.200000000e+01, v5;
	[tilespmem:s22+$0x230] =	vst v44  }
0x262: {  	v45 =	vld [tilespmem:s22+$0x610];
	v50 =	vmul.f32 $3.200000000e+01, v43;
	[tilespmem:s22+$0x260] =	vst v47  }
0x263: {  	v52 =	vld [tilespmem:s22+$0x670];
	[tilespmem:s22+$0x220] =	vst v3;
	v3 =	vmul.f32 $3.200000000e+01, v7  }
0x264: {  	v48 =	vld [tilespmem:s22+$0x630];
	v53 =	vmul.f32 $3.200000000e+01, v46;
	[tilespmem:s22+$0x600] =	vst v50  }
0x265: {  	v55 =	vld [tilespmem:s22+$0xA10];
	[tilespmem:s22+$0x250] =	vst v3;
	v3 =	vmul.f32 $3.200000000e+01, v9  }
0x266: {  	v51 =	vld [tilespmem:s22+$0x660];
	v56 =	vmul.f32 $3.200000000e+01, v49;
	[tilespmem:s22+$0x620] =	vst v53  }
0x267: {  	v58 =	vld [tilespmem:s22+$0xA30];
	[tilespmem:s22+$0x270] =	vst v3;
	v3 =	vmul.f32 $3.200000000e+01, v45  }
0x268: {  	v54 =	vld [tilespmem:s22+$0xA00];
	v59 =	vmul.f32 $3.200000000e+01, v52;
	[tilespmem:s22+$0x650] =	vst v56  }
0x269: {  	v61 =	vld [tilespmem:s22+$0xA60];
	[tilespmem:s22+$0x610] =	vst v3;
	v3 =	vmul.f32 $3.200000000e+01, v48  }
0x26a: {  	v57 =	vld [tilespmem:s22+$0xA20];
	v62 =	vmul.f32 $3.200000000e+01, v55;
	[tilespmem:s22+$0x670] =	vst v59  }
0x26b: {  	v12 =	vld [tilespmem:s22+$0xE00];
	[tilespmem:s22+$0x630] =	vst v3;
	v3 =	vmul.f32 $3.200000000e+01, v51  }
0x26c: {  	v60 =	vld [tilespmem:s22+$0xA50];
	v13 =	vmul.f32 $3.200000000e+01, v58;
	[tilespmem:s22+$0xA10] =	vst v62  }
0x26d: {  	v15 =	vld [tilespmem:s22+$0xE20];
	[tilespmem:s22+$0x660] =	vst v3;
	v3 =	vmul.f32 $3.200000000e+01, v54  }
0x26e: {  	v63 =	vld [tilespmem:s22+$0xA70];
	v16 =	vmul.f32 $3.200000000e+01, v61;
	[tilespmem:s22+$0xA30] =	vst v13  }
0x26f: {  	v18 =	vld [tilespmem:s22+$0xE50];
	[tilespmem:s22+$0xA00] =	vst v3;
	v3 =	vmul.f32 $3.200000000e+01, v57  }
0x270: {  	v14 =	vld [tilespmem:s22+$0xE10];
	v19 =	vmul.f32 $3.200000000e+01, v12;
	[tilespmem:s22+$0xA60] =	vst v16  }
0x271: {  	v21 =	vld [tilespmem:s22+$0xE70];
	[tilespmem:s22+$0xA20] =	vst v3;
	v3 =	vmul.f32 $3.200000000e+01, v60  }
0x272: {  	v17 =	vld [tilespmem:s22+$0xE30];
	v22 =	vmul.f32 $3.200000000e+01, v15;
	[tilespmem:s22+$0xE00] =	vst v19  }
0x273: {  	v24 =	vld [tilespmem:s22+$0x1210];
	[tilespmem:s22+$0xA50] =	vst v3;
	v3 =	vmul.f32 $3.200000000e+01, v63  }
0x274: {  	v20 =	vld [tilespmem:s22+$0xE60];
	v25 =	vmul.f32 $3.200000000e+01, v18;
	[tilespmem:s22+$0xE20] =	vst v22  }
0x275: {  	v27 =	vld [tilespmem:s22+$0x1230];
	[tilespmem:s22+$0xA70] =	vst v3;
	v3 =	vmul.f32 $3.200000000e+01, v14  }
0x276: {  	v23 =	vld [tilespmem:s22+$0x1200];
	v28 =	vmul.f32 $3.200000000e+01, v21;
	[tilespmem:s22+$0xE50] =	vst v25  }
0x277: {  	v30 =	vld [tilespmem:s22+$0x1260];
	[tilespmem:s22+$0xE10] =	vst v3;
	v3 =	vmul.f32 $3.200000000e+01, v17  }
0x278: {  	v26 =	vld [tilespmem:s22+$0x1220];
	v31 =	vmul.f32 $3.200000000e+01, v24;
	[tilespmem:s22+$0xE70] =	vst v28  }
0x279: {  	v33 =	vld [tilespmem:s22+$0x1600];
	[tilespmem:s22+$0xE30] =	vst v3;
	v3 =	vmul.f32 $3.200000000e+01, v20  }
0x27a: {  	v29 =	vld [tilespmem:s22+$0x1250];
	v34 =	vmul.f32 $3.200000000e+01, v27;
	[tilespmem:s22+$0x1210] =	vst v31  }
0x27b: {  	v36 =	vld [tilespmem:s22+$0x1620];
	[tilespmem:s22+$0xE60] =	vst v3;
	v3 =	vmul.f32 $3.200000000e+01, v23  }
0x27c: {  	v32 =	vld [tilespmem:s22+$0x1270];
	v37 =	vmul.f32 $3.200000000e+01, v30;
	[tilespmem:s22+$0x1230] =	vst v34  }
0x27d: {  	v39 =	vld [tilespmem:s22+$0x1650];
	[tilespmem:s22+$0x1200] =	vst v3;
	v3 =	vmul.f32 $3.200000000e+01, v26  }
0x27e: {  	v35 =	vld [tilespmem:s22+$0x1610];
	v40 =	vmul.f32 $3.200000000e+01, v33;
	[tilespmem:s22+$0x1260] =	vst v37  }
0x27f: {  	v42 =	vld [tilespmem:s22+$0x1670];
	[tilespmem:s22+$0x1220] =	vst v3;
	v3 =	vmul.f32 $3.200000000e+01, v29  }
0x280: {  	v38 =	vld [tilespmem:s22+$0x1630];
	v43 =	vmul.f32 $3.200000000e+01, v36;
	[tilespmem:s22+$0x1600] =	vst v40  }
0x281: {  	v47 =	vld [tilespmem:s22+$0x1A20];
	[tilespmem:s22+$0x1250] =	vst v3;
	v3 =	vmul.f32 $3.200000000e+01, v32  }
0x282: {  	v41 =	vld [tilespmem:s22+$0x1660];
	v46 =	vmul.f32 $3.200000000e+01, v39;
	[tilespmem:s22+$0x1620] =	vst v43  }
0x283: {  	v50 =	vld [tilespmem:s22+$0x1A50];
	[tilespmem:s22+$0x1270] =	vst v3;
	v3 =	vmul.f32 $3.200000000e+01, v35  }
0x284: {  	v49 =	vmul.f32 $3.200000000e+01, v42;
	v44 =	vld [tilespmem:s22+$0x1A00];
	[tilespmem:s22+$0x1650] =	vst v46  }
0x285: {  	v53 =	vld [tilespmem:s22+$0x1A70];
	[tilespmem:s22+$0x1610] =	vst v3;
	v3 =	vmul.f32 $3.200000000e+01, v38  }
0x286: {  	[tilespmem:s22+$0x1670] =	vst v49;
	v7 =	vmul.f32 $3.200000000e+01, v47;
	v45 =	vld [tilespmem:s22+$0x1A10]  }
0x287: {  	v48 =	vld [tilespmem:s22+$0x1A30];
	[tilespmem:s22+$0x1630] =	vst v3;
	v3 =	vmul.f32 $3.200000000e+01, v41  }
0x288: {  	v9 =	vmul.f32 $3.200000000e+01, v50;
	[tilespmem:s22+$0x1A20] =	vst v7;
	v51 =	vld [tilespmem:s22+$0x1A60]  }
0x289: {  	[tilespmem:s22+$0x1660] =	vst v3;
	v3 =	vmul.f32 $3.200000000e+01, v44  }
0x28a: {  	v58 =	vld [tilespmem:s22+$0x1640];
	v6 =	vmul.f32 $3.200000000e+01, v53;
	[tilespmem:s22+$0x1A50] =	vst v9  }
0x28b: {  	v52 =	vmul.f32 $3.200000000e+01, v45;
	[tilespmem:s22+$0x1A00] =	vst v3;
	v3 =	vld [tilespmem:s22+$0x240]  }
0x28c: {  	s24 =	sand.u32 $0x7, s18;
	v56 =	vld [tilespmem:s22+$0xE40];
	[tilespmem:s22+$0x1A70] =	vst v6;
	v8 =	vmul.f32 $3.200000000e+01, v48  }
0x28d: {  	s23 =	sshll.u32 s24, $0x7;
	v55 =	vld [tilespmem:s22+$0xA40];
	[tilespmem:s22+$0x1A10] =	vst v52;
	v5 =	vmul.f32 $3.200000000e+01, v51  }
0x28e: {  	s23 =	sadd.s32 s23, s20;
	v54 =	vld [tilespmem:s22+$0x640];
	[tilespmem:s22+$0x1A30] =	vst v8  }
0x28f: {  	s24 =	sor.u32 $0x1C00, s23;
	v62 =	vmul.f32 $3.200000000e+01, v58;
	v57 =	vld [tilespmem:s22+$0x1240];
	[tilespmem:s22+$0x1A60] =	vst v5  }
0x290: {  	v60 =	vld [tilespmem:s24+$0x200];
	v3 =	vmul.f32 $3.200000000e+01, v3  }
0x291: {  	v59 =	vld [tilespmem:s22+$0x1A40];
	v61 =	vmul.f32 $3.200000000e+01, v56;
	[tilespmem:s22+$0x1640] =	vst v62  }
0x292: {  	[tilespmem:s22+$0x240] =	vst v3;
	v3 =	vmul.f32 $3.200000000e+01, v55  }
0x293: {  	[tilespmem:s22+$0xE40] =	vst v61;
	v4 =	vmul.f32 $3.200000000e+01, v54  }
0x294: {  	[tilespmem:s22+$0xA40] =	vst v3;
	v3 =	vmul.f32 $3.200000000e+01, v57  }
0x295: {  	[tilespmem:s22+$0x640] =	vst v4;
	v63 =	vmul.f32 $3.200000000e+01, v60  }
0x296: {  	[tilespmem:s22+$0x1240] =	vst v3;
	v3 =	vmul.f32 $3.200000000e+01, v59  }
0x297: {  	[tilespmem:s24+$0x200] =	vst v63  }
0x298: {  	s25 =	sor.u32 $0x1C10, s23;
	[tilespmem:s22+$0x1A40] =	vst v3  }
0x299: {  	v3 =	vld [tilespmem:s25+$0x200];
	_ =	sdelay $0x4  }
0x29a: {  	v3 =	vmul.f32 $3.200000000e+01, v3;
	_ =	sdelay $0x1  }
0x29b: {  	s24 =	sor.u32 $0x1C20, s23;
	[tilespmem:s25+$0x200] =	vst v3  }
0x29c: {  	v3 =	vld [tilespmem:s24+$0x200];
	_ =	sdelay $0x4  }
0x29d: {  	v3 =	vmul.f32 $3.200000000e+01, v3;
	_ =	sdelay $0x1  }
0x29e: {  	s25 =	sor.u32 $0x1C30, s23;
	[tilespmem:s24+$0x200] =	vst v3  }
0x29f: {  	v3 =	vld [tilespmem:s25+$0x200];
	_ =	sdelay $0x4  }
0x2a0: {  	v3 =	vmul.f32 $3.200000000e+01, v3;
	_ =	sdelay $0x1  }
0x2a1: {  	s24 =	sor.u32 $0x1C40, s23;
	[tilespmem:s25+$0x200] =	vst v3  }
0x2a2: {  	v3 =	vld [tilespmem:s24+$0x200];
	_ =	sdelay $0x4  }
0x2a3: {  	v3 =	vmul.f32 $3.200000000e+01, v3;
	_ =	sdelay $0x1  }
0x2a4: {  	s25 =	sor.u32 $0x1C50, s23;
	[tilespmem:s24+$0x200] =	vst v3  }
0x2a5: {  	v3 =	vld [tilespmem:s25+$0x200];
	_ =	sdelay $0x4  }
0x2a6: {  	v3 =	vmul.f32 $3.200000000e+01, v3;
	_ =	sdelay $0x1  }
0x2a7: {  	s24 =	sor.u32 $0x1C60, s23;
	[tilespmem:s25+$0x200] =	vst v3  }
0x2a8: {  	v3 =	vld [tilespmem:s24+$0x200];
	_ =	sdelay $0x4  }
0x2a9: {  	v3 =	vmul.f32 $3.200000000e+01, v3;
	_ =	sdelay $0x1  }
0x2aa: {  	s25 =	sor.u32 $0x1C70, s23;
	[tilespmem:s24+$0x200] =	vst v3  }
0x2ab: {  	v3 =	vld [tilespmem:s25+$0x200];
	_ =	sdelay $0x1  }
0x2ac: {  	p0 =	sne.s32 s21, $0xF80  }
.Ltmp5:
0x2ad: {  	_ = 	snop;
	(pc) =	sbr.rel @p0 .LBB2_11-.Ltmp5, $4  }
0x2ae: {  	_ = 	snop  }
0x2af: {  	v3 =	vmul.f32 $3.200000000e+01, v3  }
0x2b0: {  	s18 =	sadd.s32 $0x1, s18  }
0x2b1: {  	s19 =	sadd.s32 $0x400, s19;
	s21 =	sadd.s32 $0x80, s21;
	s20 =	sadd.s32 $0x400, s20;
	[tilespmem:s25+$0x200] =	vst v3  }
0x2b2: {  	s18 =	rddreg [dreg:$0x5];
	s24 =	simm.s32 $0x6  }
0x2b3: {  	[hbm4b:s18+s4] =	stream.linear.scatter [tilespmem:s15], [sflag:$0x4], $0x8000, $0x38;
	[tilespmem:$0x18200] =	vst v63  }
0x2b4: {  	_ =	swait.ge [sflag:s24], $0x8000  }
0x2b5: {  	[sflag:s24] =	ssyncset.done $0x0  }
0x2b6: {  	[sflag:s24] =	ssyncadd.s32 $0xFFFF8000  }
0x2b7: {  	_ =	swait.ge [sflag:s13], $0x8000  }
0x2b8: {  	s19 =	rddreg [dreg:$0x7]  }
0x2b9: {  	s25 =	rddreg [dreg:$0x6];
	s19 =	sadd.s32 $0x1, s19  }
0x2ba: {  	p0 =	sne.s32 s19, s25  }
.Ltmp6:
0x2bb: {  	_ = 	snop;
	(pc) =	sbr.rel @p0 .LBB2_1-.Ltmp6, $3  }
0x2bc: {  	_ =	sdelay $0x1  }
0x2bd: {  	[sflag:s13] =	ssyncset.done $0x0  }
0x2be: {  	[sflag:s13] =	ssyncadd.s32 $0xFFFF8000  }
0x2bf: {  	_ =	sfence.sel $0x180000  }
0x2c0: {  	[bflag:$0x0] =	sbarrier.arrive $0xFFFF  }
0x2c1: {  	_ =	strace $0x90000047  }
0x2c2: {  	s0 =	stileid.u32;
	[bflag:$0x2] =	sbarrier.arrive $0xFFFF  }
0x2c3: {  	p0 =	sne.s32 s0, $0x0;
	s0 =	rddreg [dreg:$0x3]  }
0x2c4: {  	s0 =	sadd.s32 @!p0 $0x100000, s0  }
0x2c5: {  	[sflag:s0] =	ssyncadd.tile.s32 @!p0 $0x1;
	_ =	shalt  }
.Lfunc_end2:
_tile_overlayer_lowered:
.L_overlay_start_2:
0x2c6: {  	(tag) =	ssettag $0x2  }
0x2c7: {  	s0 =	rddreg [dreg:$0x0];
	s2 =	stileid.u32  }
0x2c8: {  	s1 =	rddreg [dreg:$0x1];
	p0 =	sne.s32 s2, $0x0  }
0x2c9: {  	s3 =	rddreg [dreg:$0x2];
	[bflag:$0x3] =	sbarrier.arrive $0xFFFF;
	s2 =	simm.s32 @!p0 $0x1C07  }
0x2ca: {  	[timem:s3], [sflag:s2] =	dma.local @!p0 [hbm:s0], s1  }
0x2cb: {  	s0 =	simm.s32 @!p0 $0x7  }
0x2cc: {  	_ =	swait.ge @!p0 [sflag:s0], s1  }
0x2cd: {  	s1 =	ssub.s32 @!p0 $0x0, s1;
	[sflag:s0] =	ssyncset.done @!p0 $0x0  }
0x2ce: {  	[sflag:s0] =	ssyncadd.s32 @!p0 s1  }
0x2cf: {  	[bflag:$0x3] =	sbarrier.arrive $0xFFFF  }
0x2d0: {  	_ =	shalt  }

</sc_bundles>
